<compile_context>
chip_gen: v7x
topology: tpu7x:2x2x1
jax: 0.10.2.dev20260603
libtpu: 0.0.44.dev20260713+nightly
codegen_flags: <defaults>
</compile_context>

<pallas_src>
import functools

import jax
import jax.numpy as jnp
from jax import lax
from jax.experimental import pallas as pl
from jax.experimental.pallas import tpu as pltpu
from jax.experimental.pallas import tpu_sc as plsc

_N = 10000
_F = 128
_NPAD = 10240
_E = 320000
_NW = 32
_CHUNK = 128
_CHUNKS = 80
_EW = _CHUNK * _CHUNKS
_EPAD = _NW * _EW
_RPT = _NPAD // 16
_IB = 16
_IBS = _CHUNKS // _IB

_mesh = plsc.VectorSubcoreMesh(core_axis_name="c", subcore_axis_name="s")



@functools.partial(
    pl.kernel,
    out_type=jax.ShapeDtypeStruct((2, _NPAD, _F), jnp.float32),
    mesh=_mesh,
    scratch_types=[
        pltpu.VMEM((2, _IB, _CHUNK), jnp.int32),
        pltpu.VMEM((2, _IB, _CHUNK), jnp.int32),
        pltpu.VMEM((2, _CHUNK, _F), jnp.float32),
        pltpu.VMEM_SHARED((_NPAD, _F), jnp.float32),
        pltpu.SemaphoreType.DMA,
        pltpu.SemaphoreType.DMA,
    ],
)
def _sc_msgpass(g_hbm, src_hbm, dst_hbm, zeros_hbm, out_hbm,
                src_v, dst_v, rows_v, acc_sh, gsem, ssem):
    c = lax.axis_index("c")
    s = lax.axis_index("s")
    wid = s * 2 + c
    base = s * _RPT
    pltpu.sync_copy(zeros_hbm.at[pl.ds(base, _RPT)],
                    acc_sh.at[pl.ds(base, _RPT)])
    plsc.subcore_barrier()

    def gather(nib, njj, buf):
        return pltpu.async_copy(g_hbm.at[src_v.at[nib, njj]], rows_v.at[buf],
                                gsem)

    pltpu.sync_copy(src_hbm.at[wid, pl.ds(0, _IB)], src_v.at[0])
    pltpu.sync_copy(dst_hbm.at[wid, pl.ds(0, _IB)], dst_v.at[0])
    gather(0, 0, 0)

    def outer(bi, _):
        ib = lax.rem(bi, 2)

        @pl.when(bi + 1 < _IBS)
        def _():
            nxt = lax.rem(bi + 1, 2)
            pltpu.sync_copy(src_hbm.at[wid, pl.ds((bi + 1) * _IB, _IB)],
                            src_v.at[nxt])
            pltpu.sync_copy(dst_hbm.at[wid, pl.ds((bi + 1) * _IB, _IB)],
                            dst_v.at[nxt])

        def step(t, j, buf):
            pltpu.make_async_copy(g_hbm.at[src_v.at[ib, j]], rows_v.at[buf],
                                  gsem).wait()
            sdesc = pltpu.async_copy(rows_v.at[buf],
                                     acc_sh.at[dst_v.at[ib, j]], ssem,
                                     add=True)

            @pl.when(t + 1 < _CHUNKS)
            def _():
                nib = lax.select(j + 1 < _IB, ib, lax.rem(bi + 1, 2))
                njj = lax.rem(j + 1, _IB)
                gather(nib, njj, 1 - buf)

            sdesc.wait()

        def body(jj, _):
            j0 = 2 * jj
            t0 = bi * _IB + j0
            step(t0, j0, 0)
            step(t0 + 1, j0 + 1, 1)
            return 0

        lax.fori_loop(0, _IB // 2, body, 0)
        return 0

    lax.fori_loop(0, _IBS, outer, 0)
    plsc.subcore_barrier()
    pltpu.sync_copy(acc_sh.at[pl.ds(base, _RPT)],
                    out_hbm.at[c, pl.ds(base, _RPT)])


@functools.partial(
    pl.kernel,
    out_type=jax.ShapeDtypeStruct((2, _NPAD, _F), jnp.float32),
    mesh=_mesh,
    scratch_types=[
        pltpu.VMEM((_IB, _CHUNK), jnp.int32),
        pltpu.VMEM((_CHUNK, _F), jnp.float32),
        pltpu.VMEM_SHARED((_NPAD, _F), jnp.float32),
    ],
)
def _sc_deg(dst_hbm, ones_hbm, zeros_hbm, out_hbm, dst_v, ones_v, acc_sh):
    c = lax.axis_index("c")
    s = lax.axis_index("s")
    wid = s * 2 + c
    pltpu.sync_copy(ones_hbm, ones_v)
    base = s * _RPT
    pltpu.sync_copy(zeros_hbm.at[pl.ds(base, _RPT)],
                    acc_sh.at[pl.ds(base, _RPT)])
    plsc.subcore_barrier()

    def outer(bi, _):
        pltpu.sync_copy(dst_hbm.at[wid, pl.ds(bi * _IB, _IB)], dst_v)

        def body(j, _):
            pltpu.sync_copy(ones_v, acc_sh.at[dst_v.at[j]], add=True)
            return 0

        lax.fori_loop(0, _IB, body, 0)
        return 0

    lax.fori_loop(0, _IBS, outer, 0)
    plsc.subcore_barrier()
    pltpu.sync_copy(acc_sh.at[pl.ds(base, _RPT)],
                    out_hbm.at[c, pl.ds(base, _RPT)])



_BR = 512


def _tc_pre_body(degp_ref, x_ref, w_ref, dinv_ref, g_ref):
    d = degp_ref[0, :, 0:1] + degp_ref[1, :, 0:1] + 1.0
    rows = (lax.broadcasted_iota(jnp.int32, (_BR, 1), 0)
            + pl.program_id(0) * _BR)
    dinv = jnp.where(rows < _N, lax.rsqrt(d), 0.0)
    dinv_ref[...] = dinv
    g_ref[...] = jnp.dot(x_ref[...], w_ref[...],
                         preferred_element_type=jnp.float32) * dinv


_tc_pre = pl.pallas_call(
    _tc_pre_body,
    grid=(_NPAD // _BR,),
    in_specs=[pl.BlockSpec((2, _BR, _F), lambda i: (0, i, 0)),
              pl.BlockSpec((_BR, _F), lambda i: (i, 0)),
              pl.BlockSpec((_F, _F), lambda i: (0, 0))],
    out_specs=[pl.BlockSpec((_BR, 1), lambda i: (i, 0)),
               pl.BlockSpec((_BR, _F), lambda i: (i, 0))],
    out_shape=[jax.ShapeDtypeStruct((_NPAD, 1), jnp.float32),
               jax.ShapeDtypeStruct((_NPAD, _F), jnp.float32)],
)


def _post_ln(p_ref, g_ref, dinv_ref, b_ref, lw_ref, lb_ref):
    t = (p_ref[0] + p_ref[1] + g_ref[...]) * dinv_ref[...] + b_ref[...]
    mu = jnp.mean(t, axis=-1, keepdims=True)
    var = jnp.mean((t - mu) ** 2, axis=-1, keepdims=True)
    return (t - mu) * lax.rsqrt(var + 1e-5) * lw_ref[...] + lb_ref[...]


def _tc_mid_body(p_ref, g_ref, dinv_ref, b_ref, lw_ref, lb_ref, w_ref, out_ref):
    h = _post_ln(p_ref, g_ref, dinv_ref, b_ref, lw_ref, lb_ref)
    a = 0.5 * h * (1.0 + lax.erf(h * 0.7071067811865476))
    out_ref[...] = jnp.dot(a, w_ref[...],
                           preferred_element_type=jnp.float32) * dinv_ref[...]


_tc_mid = pl.pallas_call(
    _tc_mid_body,
    grid=(_NPAD // _BR,),
    in_specs=[pl.BlockSpec((2, _BR, _F), lambda i: (0, i, 0)),
              pl.BlockSpec((_BR, _F), lambda i: (i, 0)),
              pl.BlockSpec((_BR, 1), lambda i: (i, 0)),
              pl.BlockSpec((1, _F), lambda i: (0, 0)),
              pl.BlockSpec((1, _F), lambda i: (0, 0)),
              pl.BlockSpec((1, _F), lambda i: (0, 0)),
              pl.BlockSpec((_F, _F), lambda i: (0, 0))],
    out_specs=pl.BlockSpec((_BR, _F), lambda i: (i, 0)),
    out_shape=jax.ShapeDtypeStruct((_NPAD, _F), jnp.float32),
)


def _tc_fin_body(p_ref, g_ref, dinv_ref, b_ref, lw_ref, lb_ref, hw_ref, hb_ref,
                 h_ref, s_ref):
    h = _post_ln(p_ref, g_ref, dinv_ref, b_ref, lw_ref, lb_ref)
    h_ref[...] = h
    s_ref[...] = jnp.dot(h, hw_ref[...],
                         preferred_element_type=jnp.float32) + hb_ref[0, 0]


_tc_fin = pl.pallas_call(
    _tc_fin_body,
    grid=(_NPAD // _BR,),
    in_specs=[pl.BlockSpec((2, _BR, _F), lambda i: (0, i, 0)),
              pl.BlockSpec((_BR, _F), lambda i: (i, 0)),
              pl.BlockSpec((_BR, 1), lambda i: (i, 0)),
              pl.BlockSpec((1, _F), lambda i: (0, 0)),
              pl.BlockSpec((1, _F), lambda i: (0, 0)),
              pl.BlockSpec((1, _F), lambda i: (0, 0)),
              pl.BlockSpec((_F, 1), lambda i: (0, 0)),
              pl.BlockSpec((1, 1), lambda i: (0, 0))],
    out_specs=[pl.BlockSpec((_BR, _F), lambda i: (i, 0)),
               pl.BlockSpec((_BR, 1), lambda i: (i, 0))],
    out_shape=[jax.ShapeDtypeStruct((_NPAD, _F), jnp.float32),
               jax.ShapeDtypeStruct((_NPAD, 1), jnp.float32)],
)



def kernel(x, edge_index, conv_W, conv_b, ln_w, ln_b, head_w, head_b):
    f32 = jnp.float32
    src = edge_index[0]
    dst = edge_index[1]
    ew = _E // _NW
    padw = _EW - ew
    fill_src = jnp.broadcast_to(
        (jnp.arange(padw, dtype=jnp.int32) * 41) % _N, (_NW, padw))
    fill_dst = jnp.full((_NW, padw), _N, jnp.int32)
    src_p = jnp.concatenate(
        [src.astype(jnp.int32).reshape(_NW, ew), fill_src],
        axis=1).reshape(_NW, _CHUNKS, _CHUNK)
    dst_p = jnp.concatenate(
        [dst.astype(jnp.int32).reshape(_NW, ew), fill_dst],
        axis=1).reshape(_NW, _CHUNKS, _CHUNK)
    xp = jnp.pad(x, ((0, _NPAD - _N), (0, 0)))
    zeros = jnp.zeros((_NPAD, _F), f32)
    onesr = jnp.ones((_CHUNK, _F), f32)

    degp = _sc_deg(dst_p, onesr, zeros)
    dinv, g = _tc_pre(degp, xp, conv_W[0])
    h = s = None
    for i in range(4):
        p = _sc_msgpass(g, src_p, dst_p, zeros)
        bi = conv_b[i].reshape(1, _F)
        lwi = ln_w[i].reshape(1, _F)
        lbi = ln_b[i].reshape(1, _F)
        if i < 3:
            g = _tc_mid(p, g, dinv, bi, lwi, lbi, conv_W[i + 1])
        else:
            h, s = _tc_fin(p, g, dinv, bi, lwi, lbi, head_w, head_b.reshape(1, 1))
    return (s[:_N, 0], h[:_N])

# --- scband reference (transcript-rebuilt; emitter-appended) ---
"""Pipeline reference for scband-gcnstep-predictor-19121194402500 (READ-ONLY COPY).

The authoritative reference and input builder live on the scoring server;
editing this copy changes nothing except your own understanding.
"""

import jax, jax.numpy as jnp
import numpy as np

N = 10000
E = 320000
IN_FEATS = 128
HIDDEN = 128
NUM_LAYERS = 4


def setup_inputs(seed: int = 0) -> dict:
    key = jax.random.key(seed)
    ks = jax.random.split(key, 4 + 6 * NUM_LAYERS)
    x = jax.random.normal(ks[0], (N, IN_FEATS), dtype=jnp.float32)
    # indices kept int32 in jax (x64 disabled by default); semantics identical to int64
    edge_index = jax.random.randint(ks[1], (2, E), 0, N, dtype=jnp.int32)
    conv_W, conv_b, ln_w, ln_b = [], [], [], []
    for i in range(NUM_LAYERS):
        fan_in = IN_FEATS if i == 0 else HIDDEN
        scale = 1.0 / np.sqrt(fan_in)
        conv_W.append(jax.random.uniform(ks[2 + 4 * i], (fan_in, HIDDEN), jnp.float32, -scale, scale))
        conv_b.append(jnp.zeros((HIDDEN,), jnp.float32))
        ln_w.append(jnp.ones((HIDDEN,), jnp.float32))
        ln_b.append(jnp.zeros((HIDDEN,), jnp.float32))
    head_scale = 1.0 / np.sqrt(HIDDEN)
    head_w = jax.random.uniform(ks[2], (HIDDEN, 1), jnp.float32, -head_scale, head_scale)
    head_b = jnp.zeros((1,), jnp.float32)
    return {"x": x, "edge_index": edge_index, "conv_W": conv_W, "conv_b": conv_b,
            "ln_w": ln_w, "ln_b": ln_b, "head_w": head_w, "head_b": head_b}


def _layer_norm(h, w, b, eps=1e-5):
    mu = jnp.mean(h, axis=-1, keepdims=True)
    var = jnp.mean((h - mu) ** 2, axis=-1, keepdims=True)
    return (h - mu) * jax.lax.rsqrt(var + eps) * w + b


def _gcn_conv(x, W, b, src, dst, n):
    # PyG GCNConv: h = x @ W; symmetric normalization with self-loops; scatter-add by dst; + bias
    h = x @ W
    ones = jnp.ones(src.shape[0], dtype=x.dtype)
    deg = jax.ops.segment_sum(ones, dst, num_segments=n)
    dinv = jnp.where(deg > 0, jax.lax.rsqrt(deg), 0.0)
    norm = dinv[src] * dinv[dst]
    msgs = h[src] * norm[:, None]
    out = jax.ops.segment_sum(msgs, dst, num_segments=n)
    return out + b


def reference(x, edge_index, conv_W, conv_b, ln_w, ln_b, head_w, head_b):
    n = x.shape[0]
    loops = jnp.arange(n, dtype=edge_index.dtype)
    src = jnp.concatenate([edge_index[0], loops])
    dst = jnp.concatenate([edge_index[1], loops])
    h = x
    for i in range(NUM_LAYERS):
        h = _gcn_conv(h, conv_W[i], conv_b[i], src, dst, n)
        h = _layer_norm(h, ln_w[i], ln_b[i])
        if i != NUM_LAYERS - 1:
            h = jax.nn.gelu(h, approximate=False)
            # dropout is identity in eval mode
    scores = (h @ head_w + head_b)[:, 0]
    return (scores, h)

if __name__ == "__main__":
    import jax
    _d = setup_inputs()
    print(jax.jit(kernel)(*tuple(_d.values())))

</pallas_src>

<mosaic_0001>
#map = affine_map<(d0, d1) -> (0, 0, 0)>
#map1 = affine_map<(d0, d1) -> (0, 0)>
module attributes {stable_mosaic.version = 14 : i64} {
  func.func @_sc_deg(%arg0: i32, %arg1: i32, %arg2: memref<32x80x128xi32, #tpu.memory_space<hbm>>, %arg3: memref<128x128xf32, #tpu.memory_space<hbm>>, %arg4: memref<10240x128xf32, #tpu.memory_space<hbm>>, %arg5: memref<2x10240x128xf32, #tpu.memory_space<hbm>>, %arg6: memref<16x128xi32, #tpu.memory_space<vmem>>, %arg7: memref<128x128xf32, #tpu.memory_space<vmem>>, %arg8: memref<10240x128xf32, #tpu.memory_space<vmem_shared>>) attributes {dimension_semantics = [#tpu.dimension_semantics<core_parallel>, #tpu.dimension_semantics<subcore_parallel>], iteration_bounds = array<i64: 2, 16>, scalar_prefetch = 0 : i64, scratch_operands = 3 : i64, tpu.core_type = #tpu.core_type<sc_vector_subcore>, window_params = [{transform_indices = #map}, {transform_indices = #map1}, {transform_indices = #map1}, {transform_indices = #map}]} {
    %mul3A = arith.constant 2 : i32
    %mul3A_0 = arith.muli %arg1, %mul3A : i32
    %add3A = arith.addi %mul3A_0, %arg0 : i32
    "tpu.region"() ({
      %run_scoped3A = tpu.sem_alloc : memref<!tpu.dma_semaphore, #tpu.memory_space<semaphore_mem>>
      tpu.enqueue_dma source(%arg3 : memref<128x128xf32, #tpu.memory_space<hbm>>) target(%arg7 : memref<128x128xf32, #tpu.memory_space<vmem>>) target_semaphore(%run_scoped3A : memref<!tpu.dma_semaphore, #tpu.memory_space<semaphore_mem>>)
      tpu.wait_dma2 semaphore(%run_scoped3A : memref<!tpu.dma_semaphore, #tpu.memory_space<semaphore_mem>>) src(%arg3 : memref<128x128xf32, #tpu.memory_space<hbm>>) dst(%arg7 : memref<128x128xf32, #tpu.memory_space<vmem>>)
      tpu.yield
    }) : () -> ()
    %mul3A_1 = arith.constant 640 : i32
    %mul3A_2 = arith.muli %arg1, %mul3A_1 : i32
    "tpu.region"() ({
      %run_scoped3A = tpu.sem_alloc : memref<!tpu.dma_semaphore, #tpu.memory_space<semaphore_mem>>
      %dma_start3A = arith.constant 0 : i32
      %dma_start3A_10 = tpu.memref_slice %arg8[%mul3A_2, %dma_start3A] : memref<10240x128xf32, #tpu.memory_space<vmem_shared>> -> memref<640x128xf32, #tpu.memory_space<vmem_shared>>
      %dma_start3A_11 = arith.constant 0 : i32
      %dma_start3A_12 = tpu.memref_slice %arg4[%mul3A_2, %dma_start3A_11] : memref<10240x128xf32, #tpu.memory_space<hbm>> -> memref<640x128xf32, #tpu.memory_space<hbm>>
      tpu.enqueue_dma source(%dma_start3A_12 : memref<640x128xf32, #tpu.memory_space<hbm>>) target(%dma_start3A_10 : memref<640x128xf32, #tpu.memory_space<vmem_shared>>) target_semaphore(%run_scoped3A : memref<!tpu.dma_semaphore, #tpu.memory_space<semaphore_mem>>)
      %dma_wait3A = arith.constant 0 : i32
      %dma_wait3A_13 = tpu.memref_slice %arg8[%mul3A_2, %dma_wait3A] : memref<10240x128xf32, #tpu.memory_space<vmem_shared>> -> memref<640x128xf32, #tpu.memory_space<vmem_shared>>
      %dma_wait3A_14 = arith.constant 0 : i32
      %dma_wait3A_15 = tpu.memref_slice %arg4[%mul3A_2, %dma_wait3A_14] : memref<10240x128xf32, #tpu.memory_space<hbm>> -> memref<640x128xf32, #tpu.memory_space<hbm>>
      tpu.wait_dma2 semaphore(%run_scoped3A : memref<!tpu.dma_semaphore, #tpu.memory_space<semaphore_mem>>) src(%dma_wait3A_15 : memref<640x128xf32, #tpu.memory_space<hbm>>) dst(%dma_wait3A_13 : memref<640x128xf32, #tpu.memory_space<vmem_shared>>)
      tpu.yield
    }) : () -> ()
    %barrier3A = arith.constant 0 : index
    tpu.barrier barrier_id(%barrier3A)
    %scan3A = arith.constant 0 : i32
    %scan3A_3 = arith.constant 0 : i32
    %scan3A_4 = arith.constant 5 : i32
    %scan3A_5 = arith.addi %scan3A_3, %scan3A_4 : i32
    %scan3A_6 = arith.constant 1 : i32
    %scan3A_7 = scf.for %scan3A_10 = %scan3A_3 to %scan3A_5 step %scan3A_6 iter_args(%scan3A_11 = %scan3A) -> (i32)  : i32 {
      %mul3A_12 = arith.constant 16 : i32
      %mul3A_13 = arith.muli %scan3A_10, %mul3A_12 : i32
      "tpu.region"() ({
        %run_scoped3A = tpu.sem_alloc : memref<!tpu.dma_semaphore, #tpu.memory_space<semaphore_mem>>
        %dma_start3A = arith.constant 0 : i32
        %dma_start3A_22 = tpu.memref_slice %arg2[%add3A, %mul3A_13, %dma_start3A] : memref<32x80x128xi32, #tpu.memory_space<hbm>> -> memref<1x16x128xi32, #tpu.memory_space<hbm>>
        %dma_start3A_23 = tpu.memref_squeeze %dma_start3A_22 : memref<1x16x128xi32, #tpu.memory_space<hbm>> -> memref<16x128xi32, #tpu.memory_space<hbm>>
        %dma_start3A_24 = arith.constant 0 : i32
        %dma_start3A_25 = tpu.memref_slice %arg2[%add3A, %mul3A_13, %dma_start3A_24] : memref<32x80x128xi32, #tpu.memory_space<hbm>> -> memref<1x16x128xi32, #tpu.memory_space<hbm>>
        %dma_start3A_26 = tpu.memref_squeeze %dma_start3A_25 : memref<1x16x128xi32, #tpu.memory_space<hbm>> -> memref<16x128xi32, #tpu.memory_space<hbm>>
        tpu.enqueue_dma source(%dma_start3A_26 : memref<16x128xi32, #tpu.memory_space<hbm>>) target(%arg6 : memref<16x128xi32, #tpu.memory_space<vmem>>) target_semaphore(%run_scoped3A : memref<!tpu.dma_semaphore, #tpu.memory_space<semaphore_mem>>)
        %dma_wait3A = arith.constant 0 : i32
        %dma_wait3A_27 = tpu.memref_slice %arg2[%add3A, %mul3A_13, %dma_wait3A] : memref<32x80x128xi32, #tpu.memory_space<hbm>> -> memref<1x16x128xi32, #tpu.memory_space<hbm>>
        %dma_wait3A_28 = tpu.memref_squeeze %dma_wait3A_27 : memref<1x16x128xi32, #tpu.memory_space<hbm>> -> memref<16x128xi32, #tpu.memory_space<hbm>>
        %dma_wait3A_29 = arith.constant 0 : i32
        %dma_wait3A_30 = tpu.memref_slice %arg2[%add3A, %mul3A_13, %dma_wait3A_29] : memref<32x80x128xi32, #tpu.memory_space<hbm>> -> memref<1x16x128xi32, #tpu.memory_space<hbm>>
        %dma_wait3A_31 = tpu.memref_squeeze %dma_wait3A_30 : memref<1x16x128xi32, #tpu.memory_space<hbm>> -> memref<16x128xi32, #tpu.memory_space<hbm>>
        tpu.wait_dma2 semaphore(%run_scoped3A : memref<!tpu.dma_semaphore, #tpu.memory_space<semaphore_mem>>) src(%dma_wait3A_31 : memref<16x128xi32, #tpu.memory_space<hbm>>) dst(%arg6 : memref<16x128xi32, #tpu.memory_space<vmem>>)
        tpu.yield
      }) : () -> ()
      %scan3A_14 = arith.constant 0 : i32
      %scan3A_15 = arith.constant 0 : i32
      %scan3A_16 = arith.constant 16 : i32
      %scan3A_17 = arith.addi %scan3A_15, %scan3A_16 : i32
      %scan3A_18 = arith.constant 1 : i32
      %scan3A_19 = scf.for %scan3A_22 = %scan3A_15 to %scan3A_17 step %scan3A_18 iter_args(%scan3A_23 = %scan3A_14) -> (i32)  : i32 {
        "tpu.region"() ({
          %run_scoped3A = tpu.sem_alloc : memref<!tpu.dma_semaphore, #tpu.memory_space<semaphore_mem>>
          %dma_start3A = arith.constant 0 : i32
          %dma_start3A_25 = tpu.memref_slice %arg6[%scan3A_22, %dma_start3A] : memref<16x128xi32, #tpu.memory_space<vmem>> -> memref<1x128xi32, #tpu.memory_space<vmem>>
          %dma_start3A_26 = tpu.memref_squeeze %dma_start3A_25 : memref<1x128xi32, #tpu.memory_space<vmem>> -> memref<128xi32, #tpu.memory_space<vmem>>
          %dma_start3A_27 = arith.constant 0 : i32
          %dma_start3A_28 = arith.constant 0 : i32
          %dma_start3A_29 = tpu.memref_slice %arg8[%dma_start3A_27, %dma_start3A_28] : memref<10240x128xf32, #tpu.memory_space<vmem_shared>> -> memref<10240x128xf32, #tpu.memory_space<vmem_shared>>
          tpu.enqueue_indirect_dma source(%arg7 : memref<128x128xf32, #tpu.memory_space<vmem>>) target(%dma_start3A_29 : memref<10240x128xf32, #tpu.memory_space<vmem_shared>>) offsets(%dma_start3A_26 : memref<128xi32, #tpu.memory_space<vmem>>) semaphore(%run_scoped3A : memref<!tpu.dma_semaphore, #tpu.memory_space<semaphore_mem>>) {add = true}
          %dma_wait3A = arith.constant 0 : i32
          %dma_wait3A_30 = tpu.memref_slice %arg6[%scan3A_22, %dma_wait3A] : memref<16x128xi32, #tpu.memory_space<vmem>> -> memref<1x128xi32, #tpu.memory_space<vmem>>
          %dma_wait3A_31 = tpu.memref_squeeze %dma_wait3A_30 : memref<1x128xi32, #tpu.memory_space<vmem>> -> memref<128xi32, #tpu.memory_space<vmem>>
          %dma_wait3A_32 = arith.constant 0 : i32
          %dma_wait3A_33 = arith.constant 0 : i32
          %dma_wait3A_34 = tpu.memref_slice %arg8[%dma_wait3A_32, %dma_wait3A_33] : memref<10240x128xf32, #tpu.memory_space<vmem_shared>> -> memref<10240x128xf32, #tpu.memory_space<vmem_shared>>
          tpu.wait_indirect_dma semaphore(%run_scoped3A : memref<!tpu.dma_semaphore, #tpu.memory_space<semaphore_mem>>) src(%arg7 : memref<128x128xf32, #tpu.memory_space<vmem>>) dst(%dma_wait3A_34 : memref<10240x128xf32, #tpu.memory_space<vmem_shared>>)
          tpu.yield
        }) : () -> ()
        %scan3A_24 = arith.constant 0 : i32
        scf.yield %scan3A_24 : i32
      }
      %scan3A_20 = arith.constant 16 : i32
      %scan3A_21 = arith.constant 0 : i32
      scf.yield %scan3A_21 : i32
    }
    %scan3A_8 = arith.constant 5 : i32
    %barrier3A_9 = arith.constant 0 : index
    tpu.barrier barrier_id(%barrier3A_9)
    "tpu.region"() ({
      %run_scoped3A = tpu.sem_alloc : memref<!tpu.dma_semaphore, #tpu.memory_space<semaphore_mem>>
      %dma_start3A = arith.constant 0 : i32
      %dma_start3A_10 = tpu.memref_slice %arg5[%arg0, %mul3A_2, %dma_start3A] : memref<2x10240x128xf32, #tpu.memory_space<hbm>> -> memref<1x640x128xf32, #tpu.memory_space<hbm>>
      %dma_start3A_11 = tpu.memref_squeeze %dma_start3A_10 : memref<1x640x128xf32, #tpu.memory_space<hbm>> -> memref<640x128xf32, #tpu.memory_space<hbm>>
      %dma_start3A_12 = arith.constant 0 : i32
      %dma_start3A_13 = tpu.memref_slice %arg8[%mul3A_2, %dma_start3A_12] : memref<10240x128xf32, #tpu.memory_space<vmem_shared>> -> memref<640x128xf32, #tpu.memory_space<vmem_shared>>
      tpu.enqueue_dma source(%dma_start3A_13 : memref<640x128xf32, #tpu.memory_space<vmem_shared>>) target(%dma_start3A_11 : memref<640x128xf32, #tpu.memory_space<hbm>>) target_semaphore(%run_scoped3A : memref<!tpu.dma_semaphore, #tpu.memory_space<semaphore_mem>>)
      %dma_wait3A = arith.constant 0 : i32
      %dma_wait3A_14 = tpu.memref_slice %arg5[%arg0, %mul3A_2, %dma_wait3A] : memref<2x10240x128xf32, #tpu.memory_space<hbm>> -> memref<1x640x128xf32, #tpu.memory_space<hbm>>
      %dma_wait3A_15 = tpu.memref_squeeze %dma_wait3A_14 : memref<1x640x128xf32, #tpu.memory_space<hbm>> -> memref<640x128xf32, #tpu.memory_space<hbm>>
      %dma_wait3A_16 = arith.constant 0 : i32
      %dma_wait3A_17 = tpu.memref_slice %arg8[%mul3A_2, %dma_wait3A_16] : memref<10240x128xf32, #tpu.memory_space<vmem_shared>> -> memref<640x128xf32, #tpu.memory_space<vmem_shared>>
      tpu.wait_dma2 semaphore(%run_scoped3A : memref<!tpu.dma_semaphore, #tpu.memory_space<semaphore_mem>>) src(%dma_wait3A_17 : memref<640x128xf32, #tpu.memory_space<vmem_shared>>) dst(%dma_wait3A_15 : memref<640x128xf32, #tpu.memory_space<hbm>>)
      tpu.yield
    }) : () -> ()
    return
  }
}

#map = affine_map<(d0, d1) -> (0, 0)>
#map1 = affine_map<(d0, d1) -> (0, 0, 0)>
module attributes {stable_mosaic.version = 14 : i64} {
  func.func @_sc_msgpass(%arg0: i32, %arg1: i32, %arg2: memref<10240x128xf32, #tpu.memory_space<hbm>>, %arg3: memref<32x80x128xi32, #tpu.memory_space<hbm>>, %arg4: memref<32x80x128xi32, #tpu.memory_space<hbm>>, %arg5: memref<10240x128xf32, #tpu.memory_space<hbm>>, %arg6: memref<2x10240x128xf32, #tpu.memory_space<hbm>>, %arg7: memref<2x16x128xi32, #tpu.memory_space<vmem>>, %arg8: memref<2x16x128xi32, #tpu.memory_space<vmem>>, %arg9: memref<2x128x128xf32, #tpu.memory_space<vmem>>, %arg10: memref<10240x128xf32, #tpu.memory_space<vmem_shared>>, %arg11: memref<!tpu.dma_semaphore, #tpu.memory_space<semaphore_mem>>, %arg12: memref<!tpu.dma_semaphore, #tpu.memory_space<semaphore_mem>>) attributes {dimension_semantics = [#tpu.dimension_semantics<core_parallel>, #tpu.dimension_semantics<subcore_parallel>], iteration_bounds = array<i64: 2, 16>, scalar_prefetch = 0 : i64, scratch_operands = 6 : i64, tpu.core_type = #tpu.core_type<sc_vector_subcore>, window_params = [{transform_indices = #map}, {transform_indices = #map1}, {transform_indices = #map1}, {transform_indices = #map}, {transform_indices = #map1}]} {
    %mul3A = arith.constant 2 : i32
    %mul3A_0 = arith.muli %arg1, %mul3A : i32
    %add3A = arith.addi %mul3A_0, %arg0 : i32
    %mul3A_1 = arith.constant 640 : i32
    %mul3A_2 = arith.muli %arg1, %mul3A_1 : i32
    "tpu.region"() ({
      %run_scoped3A_23 = tpu.sem_alloc : memref<!tpu.dma_semaphore, #tpu.memory_space<semaphore_mem>>
      %dma_start3A_24 = arith.constant 0 : i32
      %dma_start3A_25 = tpu.memref_slice %arg10[%mul3A_2, %dma_start3A_24] : memref<10240x128xf32, #tpu.memory_space<vmem_shared>> -> memref<640x128xf32, #tpu.memory_space<vmem_shared>>
      %dma_start3A_26 = arith.constant 0 : i32
      %dma_start3A_27 = tpu.memref_slice %arg5[%mul3A_2, %dma_start3A_26] : memref<10240x128xf32, #tpu.memory_space<hbm>> -> memref<640x128xf32, #tpu.memory_space<hbm>>
      tpu.enqueue_dma source(%dma_start3A_27 : memref<640x128xf32, #tpu.memory_space<hbm>>) target(%dma_start3A_25 : memref<640x128xf32, #tpu.memory_space<vmem_shared>>) target_semaphore(%run_scoped3A_23 : memref<!tpu.dma_semaphore, #tpu.memory_space<semaphore_mem>>)
      %dma_wait3A = arith.constant 0 : i32
      %dma_wait3A_28 = tpu.memref_slice %arg10[%mul3A_2, %dma_wait3A] : memref<10240x128xf32, #tpu.memory_space<vmem_shared>> -> memref<640x128xf32, #tpu.memory_space<vmem_shared>>
      %dma_wait3A_29 = arith.constant 0 : i32
      %dma_wait3A_30 = tpu.memref_slice %arg5[%mul3A_2, %dma_wait3A_29] : memref<10240x128xf32, #tpu.memory_space<hbm>> -> memref<640x128xf32, #tpu.memory_space<hbm>>
      tpu.wait_dma2 semaphore(%run_scoped3A_23 : memref<!tpu.dma_semaphore, #tpu.memory_space<semaphore_mem>>) src(%dma_wait3A_30 : memref<640x128xf32, #tpu.memory_space<hbm>>) dst(%dma_wait3A_28 : memref<640x128xf32, #tpu.memory_space<vmem_shared>>)
      tpu.yield
    }) : () -> ()
    %barrier3A = arith.constant 0 : index
    tpu.barrier barrier_id(%barrier3A)
    %run_scoped3A = arith.constant 0 : i32
    "tpu.region"() ({
      %run_scoped3A_23 = tpu.sem_alloc : memref<!tpu.dma_semaphore, #tpu.memory_space<semaphore_mem>>
      %dma_start3A_24 = arith.constant 0 : i32
      %dma_start3A_25 = arith.constant 0 : i32
      %dma_start3A_26 = tpu.memref_slice %arg7[%run_scoped3A, %dma_start3A_24, %dma_start3A_25] : memref<2x16x128xi32, #tpu.memory_space<vmem>> -> memref<1x16x128xi32, #tpu.memory_space<vmem>>
      %dma_start3A_27 = tpu.memref_squeeze %dma_start3A_26 : memref<1x16x128xi32, #tpu.memory_space<vmem>> -> memref<16x128xi32, #tpu.memory_space<vmem>>
      %dma_start3A_28 = arith.constant 0 : i32
      %dma_start3A_29 = arith.constant 0 : i32
      %dma_start3A_30 = tpu.memref_slice %arg3[%add3A, %dma_start3A_28, %dma_start3A_29] : memref<32x80x128xi32, #tpu.memory_space<hbm>> -> memref<1x16x128xi32, #tpu.memory_space<hbm>>
      %dma_start3A_31 = tpu.memref_squeeze %dma_start3A_30 : memref<1x16x128xi32, #tpu.memory_space<hbm>> -> memref<16x128xi32, #tpu.memory_space<hbm>>
      %dma_start3A_32 = arith.constant 0 : i32
      %dma_start3A_33 = arith.constant 0 : i32
      %dma_start3A_34 = tpu.memref_slice %arg7[%run_scoped3A, %dma_start3A_32, %dma_start3A_33] : memref<2x16x128xi32, #tpu.memory_space<vmem>> -> memref<1x16x128xi32, #tpu.memory_space<vmem>>
      %dma_start3A_35 = tpu.memref_squeeze %dma_start3A_34 : memref<1x16x128xi32, #tpu.memory_space<vmem>> -> memref<16x128xi32, #tpu.memory_space<vmem>>
      %dma_start3A_36 = arith.constant 0 : i32
      %dma_start3A_37 = arith.constant 0 : i32
      %dma_start3A_38 = tpu.memref_slice %arg3[%add3A, %dma_start3A_36, %dma_start3A_37] : memref<32x80x128xi32, #tpu.memory_space<hbm>> -> memref<1x16x128xi32, #tpu.memory_space<hbm>>
      %dma_start3A_39 = tpu.memref_squeeze %dma_start3A_38 : memref<1x16x128xi32, #tpu.memory_space<hbm>> -> memref<16x128xi32, #tpu.memory_space<hbm>>
      tpu.enqueue_dma source(%dma_start3A_39 : memref<16x128xi32, #tpu.memory_space<hbm>>) target(%dma_start3A_35 : memref<16x128xi32, #tpu.memory_space<vmem>>) target_semaphore(%run_scoped3A_23 : memref<!tpu.dma_semaphore, #tpu.memory_space<semaphore_mem>>)
      %dma_wait3A = arith.constant 0 : i32
      %dma_wait3A_40 = arith.constant 0 : i32
      %dma_wait3A_41 = tpu.memref_slice %arg7[%run_scoped3A, %dma_wait3A, %dma_wait3A_40] : memref<2x16x128xi32, #tpu.memory_space<vmem>> -> memref<1x16x128xi32, #tpu.memory_space<vmem>>
      %dma_wait3A_42 = tpu.memref_squeeze %dma_wait3A_41 : memref<1x16x128xi32, #tpu.memory_space<vmem>> -> memref<16x128xi32, #tpu.memory_space<vmem>>
      %dma_wait3A_43 = arith.constant 0 : i32
      %dma_wait3A_44 = arith.constant 0 : i32
      %dma_wait3A_45 = tpu.memref_slice %arg3[%add3A, %dma_wait3A_43, %dma_wait3A_44] : memref<32x80x128xi32, #tpu.memory_space<hbm>> -> memref<1x16x128xi32, #tpu.memory_space<hbm>>
      %dma_wait3A_46 = tpu.memref_squeeze %dma_wait3A_45 : memref<1x16x128xi32, #tpu.memory_space<hbm>> -> memref<16x128xi32, #tpu.memory_space<hbm>>
      %dma_wait3A_47 = arith.constant 0 : i32
      %dma_wait3A_48 = arith.constant 0 : i32
      %dma_wait3A_49 = tpu.memref_slice %arg7[%run_scoped3A, %dma_wait3A_47, %dma_wait3A_48] : memref<2x16x128xi32, #tpu.memory_space<vmem>> -> memref<1x16x128xi32, #tpu.memory_space<vmem>>
      %dma_wait3A_50 = tpu.memref_squeeze %dma_wait3A_49 : memref<1x16x128xi32, #tpu.memory_space<vmem>> -> memref<16x128xi32, #tpu.memory_space<vmem>>
      %dma_wait3A_51 = arith.constant 0 : i32
      %dma_wait3A_52 = arith.constant 0 : i32
      %dma_wait3A_53 = tpu.memref_slice %arg3[%add3A, %dma_wait3A_51, %dma_wait3A_52] : memref<32x80x128xi32, #tpu.memory_space<hbm>> -> memref<1x16x128xi32, #tpu.memory_space<hbm>>
      %dma_wait3A_54 = tpu.memref_squeeze %dma_wait3A_53 : memref<1x16x128xi32, #tpu.memory_space<hbm>> -> memref<16x128xi32, #tpu.memory_space<hbm>>
      tpu.wait_dma2 semaphore(%run_scoped3A_23 : memref<!tpu.dma_semaphore, #tpu.memory_space<semaphore_mem>>) src(%dma_wait3A_54 : memref<16x128xi32, #tpu.memory_space<hbm>>) dst(%dma_wait3A_50 : memref<16x128xi32, #tpu.memory_space<vmem>>)
      tpu.yield
    }) : () -> ()
    %run_scoped3A_3 = arith.constant 0 : i32
    "tpu.region"() ({
      %run_scoped3A_23 = tpu.sem_alloc : memref<!tpu.dma_semaphore, #tpu.memory_space<semaphore_mem>>
      %dma_start3A_24 = arith.constant 0 : i32
      %dma_start3A_25 = arith.constant 0 : i32
      %dma_start3A_26 = tpu.memref_slice %arg8[%run_scoped3A_3, %dma_start3A_24, %dma_start3A_25] : memref<2x16x128xi32, #tpu.memory_space<vmem>> -> memref<1x16x128xi32, #tpu.memory_space<vmem>>
      %dma_start3A_27 = tpu.memref_squeeze %dma_start3A_26 : memref<1x16x128xi32, #tpu.memory_space<vmem>> -> memref<16x128xi32, #tpu.memory_space<vmem>>
      %dma_start3A_28 = arith.constant 0 : i32
      %dma_start3A_29 = arith.constant 0 : i32
      %dma_start3A_30 = tpu.memref_slice %arg4[%add3A, %dma_start3A_28, %dma_start3A_29] : memref<32x80x128xi32, #tpu.memory_space<hbm>> -> memref<1x16x128xi32, #tpu.memory_space<hbm>>
      %dma_start3A_31 = tpu.memref_squeeze %dma_start3A_30 : memref<1x16x128xi32, #tpu.memory_space<hbm>> -> memref<16x128xi32, #tpu.memory_space<hbm>>
      %dma_start3A_32 = arith.constant 0 : i32
      %dma_start3A_33 = arith.constant 0 : i32
      %dma_start3A_34 = tpu.memref_slice %arg8[%run_scoped3A_3, %dma_start3A_32, %dma_start3A_33] : memref<2x16x128xi32, #tpu.memory_space<vmem>> -> memref<1x16x128xi32, #tpu.memory_space<vmem>>
      %dma_start3A_35 = tpu.memref_squeeze %dma_start3A_34 : memref<1x16x128xi32, #tpu.memory_space<vmem>> -> memref<16x128xi32, #tpu.memory_space<vmem>>
      %dma_start3A_36 = arith.constant 0 : i32
      %dma_start3A_37 = arith.constant 0 : i32
      %dma_start3A_38 = tpu.memref_slice %arg4[%add3A, %dma_start3A_36, %dma_start3A_37] : memref<32x80x128xi32, #tpu.memory_space<hbm>> -> memref<1x16x128xi32, #tpu.memory_space<hbm>>
      %dma_start3A_39 = tpu.memref_squeeze %dma_start3A_38 : memref<1x16x128xi32, #tpu.memory_space<hbm>> -> memref<16x128xi32, #tpu.memory_space<hbm>>
      tpu.enqueue_dma source(%dma_start3A_39 : memref<16x128xi32, #tpu.memory_space<hbm>>) target(%dma_start3A_35 : memref<16x128xi32, #tpu.memory_space<vmem>>) target_semaphore(%run_scoped3A_23 : memref<!tpu.dma_semaphore, #tpu.memory_space<semaphore_mem>>)
      %dma_wait3A = arith.constant 0 : i32
      %dma_wait3A_40 = arith.constant 0 : i32
      %dma_wait3A_41 = tpu.memref_slice %arg8[%run_scoped3A_3, %dma_wait3A, %dma_wait3A_40] : memref<2x16x128xi32, #tpu.memory_space<vmem>> -> memref<1x16x128xi32, #tpu.memory_space<vmem>>
      %dma_wait3A_42 = tpu.memref_squeeze %dma_wait3A_41 : memref<1x16x128xi32, #tpu.memory_space<vmem>> -> memref<16x128xi32, #tpu.memory_space<vmem>>
      %dma_wait3A_43 = arith.constant 0 : i32
      %dma_wait3A_44 = arith.constant 0 : i32
      %dma_wait3A_45 = tpu.memref_slice %arg4[%add3A, %dma_wait3A_43, %dma_wait3A_44] : memref<32x80x128xi32, #tpu.memory_space<hbm>> -> memref<1x16x128xi32, #tpu.memory_space<hbm>>
      %dma_wait3A_46 = tpu.memref_squeeze %dma_wait3A_45 : memref<1x16x128xi32, #tpu.memory_space<hbm>> -> memref<16x128xi32, #tpu.memory_space<hbm>>
      %dma_wait3A_47 = arith.constant 0 : i32
      %dma_wait3A_48 = arith.constant 0 : i32
      %dma_wait3A_49 = tpu.memref_slice %arg8[%run_scoped3A_3, %dma_wait3A_47, %dma_wait3A_48] : memref<2x16x128xi32, #tpu.memory_space<vmem>> -> memref<1x16x128xi32, #tpu.memory_space<vmem>>
      %dma_wait3A_50 = tpu.memref_squeeze %dma_wait3A_49 : memref<1x16x128xi32, #tpu.memory_space<vmem>> -> memref<16x128xi32, #tpu.memory_space<vmem>>
      %dma_wait3A_51 = arith.constant 0 : i32
      %dma_wait3A_52 = arith.constant 0 : i32
      %dma_wait3A_53 = tpu.memref_slice %arg4[%add3A, %dma_wait3A_51, %dma_wait3A_52] : memref<32x80x128xi32, #tpu.memory_space<hbm>> -> memref<1x16x128xi32, #tpu.memory_space<hbm>>
      %dma_wait3A_54 = tpu.memref_squeeze %dma_wait3A_53 : memref<1x16x128xi32, #tpu.memory_space<hbm>> -> memref<16x128xi32, #tpu.memory_space<hbm>>
      tpu.wait_dma2 semaphore(%run_scoped3A_23 : memref<!tpu.dma_semaphore, #tpu.memory_space<semaphore_mem>>) src(%dma_wait3A_54 : memref<16x128xi32, #tpu.memory_space<hbm>>) dst(%dma_wait3A_50 : memref<16x128xi32, #tpu.memory_space<vmem>>)
      tpu.yield
    }) : () -> ()
    %dma_start3A = arith.constant 0 : i32
    %dma_start3A_4 = arith.constant 0 : i32
    %dma_start3A_5 = arith.constant 0 : i32
    %dma_start3A_6 = arith.constant 0 : i32
    %dma_start3A_7 = arith.constant 0 : i32
    %dma_start3A_8 = tpu.memref_slice %arg9[%dma_start3A_5, %dma_start3A_6, %dma_start3A_7] : memref<2x128x128xf32, #tpu.memory_space<vmem>> -> memref<1x128x128xf32, #tpu.memory_space<vmem>>
    %dma_start3A_9 = tpu.memref_squeeze %dma_start3A_8 : memref<1x128x128xf32, #tpu.memory_space<vmem>> -> memref<128x128xf32, #tpu.memory_space<vmem>>
    %dma_start3A_10 = arith.constant 0 : i32
    %dma_start3A_11 = tpu.memref_slice %arg7[%dma_start3A, %dma_start3A_4, %dma_start3A_10] : memref<2x16x128xi32, #tpu.memory_space<vmem>> -> memref<1x1x128xi32, #tpu.memory_space<vmem>>
    %dma_start3A_12 = tpu.memref_squeeze %dma_start3A_11 : memref<1x1x128xi32, #tpu.memory_space<vmem>> -> memref<128xi32, #tpu.memory_space<vmem>>
    %dma_start3A_13 = arith.constant 0 : i32
    %dma_start3A_14 = arith.constant 0 : i32
    %dma_start3A_15 = tpu.memref_slice %arg2[%dma_start3A_13, %dma_start3A_14] : memref<10240x128xf32, #tpu.memory_space<hbm>> -> memref<10240x128xf32, #tpu.memory_space<hbm>>
    tpu.enqueue_indirect_dma source(%dma_start3A_15 : memref<10240x128xf32, #tpu.memory_space<hbm>>) target(%dma_start3A_9 : memref<128x128xf32, #tpu.memory_space<vmem>>) offsets(%dma_start3A_12 : memref<128xi32, #tpu.memory_space<vmem>>) semaphore(%arg11 : memref<!tpu.dma_semaphore, #tpu.memory_space<semaphore_mem>>)
    %scan3A = arith.constant 0 : i32
    %scan3A_16 = arith.constant 0 : i32
    %scan3A_17 = arith.constant 5 : i32
    %scan3A_18 = arith.addi %scan3A_16, %scan3A_17 : i32
    %scan3A_19 = arith.constant 1 : i32
    %scan3A_20 = scf.for %scan3A_23 = %scan3A_16 to %scan3A_18 step %scan3A_19 iter_args(%scan3A_24 = %scan3A) -> (i32)  : i32 {
      %rem3A = arith.constant 2 : i32
      %rem3A_25 = arith.remsi %scan3A_23, %rem3A : i32
      %add3A_26 = arith.constant 1 : i32
      %add3A_27 = arith.addi %scan3A_23, %add3A_26 : i32
      %lt3A = arith.constant 5 : i32
      %lt3A_28 = arith.cmpi slt, %add3A_27, %lt3A : i32
      %convert_element_type3A = arith.extui %lt3A_28 : i1 to i32
      %cond3A = arith.constant 0 : i32
      %cond3A_29 = arith.cmpi ne, %convert_element_type3A, %cond3A : i32
      scf.if %cond3A_29 {
        %add3A_38 = arith.constant 1 : i32
        %add3A_39 = arith.addi %scan3A_23, %add3A_38 : i32
        %rem3A_40 = arith.constant 2 : i32
        %rem3A_41 = arith.remsi %add3A_39, %rem3A_40 : i32
        %add3A_42 = arith.constant 1 : i32
        %add3A_43 = arith.addi %scan3A_23, %add3A_42 : i32
        %mul3A_44 = arith.constant 16 : i32
        %mul3A_45 = arith.muli %add3A_43, %mul3A_44 : i32
        "tpu.region"() ({
          %run_scoped3A_50 = tpu.sem_alloc : memref<!tpu.dma_semaphore, #tpu.memory_space<semaphore_mem>>
          %dma_start3A_51 = arith.constant 0 : i32
          %dma_start3A_52 = arith.constant 0 : i32
          %dma_start3A_53 = tpu.memref_slice %arg7[%rem3A_41, %dma_start3A_51, %dma_start3A_52] : memref<2x16x128xi32, #tpu.memory_space<vmem>> -> memref<1x16x128xi32, #tpu.memory_space<vmem>>
          %dma_start3A_54 = tpu.memref_squeeze %dma_start3A_53 : memref<1x16x128xi32, #tpu.memory_space<vmem>> -> memref<16x128xi32, #tpu.memory_space<vmem>>
          %dma_start3A_55 = arith.constant 0 : i32
          %dma_start3A_56 = tpu.memref_slice %arg3[%add3A, %mul3A_45, %dma_start3A_55] : memref<32x80x128xi32, #tpu.memory_space<hbm>> -> memref<1x16x128xi32, #tpu.memory_space<hbm>>
          %dma_start3A_57 = tpu.memref_squeeze %dma_start3A_56 : memref<1x16x128xi32, #tpu.memory_space<hbm>> -> memref<16x128xi32, #tpu.memory_space<hbm>>
          %dma_start3A_58 = arith.constant 0 : i32
          %dma_start3A_59 = arith.constant 0 : i32
          %dma_start3A_60 = tpu.memref_slice %arg7[%rem3A_41, %dma_start3A_58, %dma_start3A_59] : memref<2x16x128xi32, #tpu.memory_space<vmem>> -> memref<1x16x128xi32, #tpu.memory_space<vmem>>
          %dma_start3A_61 = tpu.memref_squeeze %dma_start3A_60 : memref<1x16x128xi32, #tpu.memory_space<vmem>> -> memref<16x128xi32, #tpu.memory_space<vmem>>
          %dma_start3A_62 = arith.constant 0 : i32
          %dma_start3A_63 = tpu.memref_slice %arg3[%add3A, %mul3A_45, %dma_start3A_62] : memref<32x80x128xi32, #tpu.memory_space<hbm>> -> memref<1x16x128xi32, #tpu.memory_space<hbm>>
          %dma_start3A_64 = tpu.memref_squeeze %dma_start3A_63 : memref<1x16x128xi32, #tpu.memory_space<hbm>> -> memref<16x128xi32, #tpu.memory_space<hbm>>
          tpu.enqueue_dma source(%dma_start3A_64 : memref<16x128xi32, #tpu.memory_space<hbm>>) target(%dma_start3A_61 : memref<16x128xi32, #tpu.memory_space<vmem>>) target_semaphore(%run_scoped3A_50 : memref<!tpu.dma_semaphore, #tpu.memory_space<semaphore_mem>>)
          %dma_wait3A = arith.constant 0 : i32
          %dma_wait3A_65 = arith.constant 0 : i32
          %dma_wait3A_66 = tpu.memref_slice %arg7[%rem3A_41, %dma_wait3A, %dma_wait3A_65] : memref<2x16x128xi32, #tpu.memory_space<vmem>> -> memref<1x16x128xi32, #tpu.memory_space<vmem>>
          %dma_wait3A_67 = tpu.memref_squeeze %dma_wait3A_66 : memref<1x16x128xi32, #tpu.memory_space<vmem>> -> memref<16x128xi32, #tpu.memory_space<vmem>>
          %dma_wait3A_68 = arith.constant 0 : i32
          %dma_wait3A_69 = tpu.memref_slice %arg3[%add3A, %mul3A_45, %dma_wait3A_68] : memref<32x80x128xi32, #tpu.memory_space<hbm>> -> memref<1x16x128xi32, #tpu.memory_space<hbm>>
          %dma_wait3A_70 = tpu.memref_squeeze %dma_wait3A_69 : memref<1x16x128xi32, #tpu.memory_space<hbm>> -> memref<16x128xi32, #tpu.memory_space<hbm>>
          %dma_wait3A_71 = arith.constant 0 : i32
          %dma_wait3A_72 = arith.constant 0 : i32
          %dma_wait3A_73 = tpu.memref_slice %arg7[%rem3A_41, %dma_wait3A_71, %dma_wait3A_72] : memref<2x16x128xi32, #tpu.memory_space<vmem>> -> memref<1x16x128xi32, #tpu.memory_space<vmem>>
          %dma_wait3A_74 = tpu.memref_squeeze %dma_wait3A_73 : memref<1x16x128xi32, #tpu.memory_space<vmem>> -> memref<16x128xi32, #tpu.memory_space<vmem>>
          %dma_wait3A_75 = arith.constant 0 : i32
          %dma_wait3A_76 = tpu.memref_slice %arg3[%add3A, %mul3A_45, %dma_wait3A_75] : memref<32x80x128xi32, #tpu.memory_space<hbm>> -> memref<1x16x128xi32, #tpu.memory_space<hbm>>
          %dma_wait3A_77 = tpu.memref_squeeze %dma_wait3A_76 : memref<1x16x128xi32, #tpu.memory_space<hbm>> -> memref<16x128xi32, #tpu.memory_space<hbm>>
          tpu.wait_dma2 semaphore(%run_scoped3A_50 : memref<!tpu.dma_semaphore, #tpu.memory_space<semaphore_mem>>) src(%dma_wait3A_77 : memref<16x128xi32, #tpu.memory_space<hbm>>) dst(%dma_wait3A_74 : memref<16x128xi32, #tpu.memory_space<vmem>>)
          tpu.yield
        }) : () -> ()
        %add3A_46 = arith.constant 1 : i32
        %add3A_47 = arith.addi %scan3A_23, %add3A_46 : i32
        %mul3A_48 = arith.constant 16 : i32
        %mul3A_49 = arith.muli %add3A_47, %mul3A_48 : i32
        "tpu.region"() ({
          %run_scoped3A_50 = tpu.sem_alloc : memref<!tpu.dma_semaphore, #tpu.memory_space<semaphore_mem>>
          %dma_start3A_51 = arith.constant 0 : i32
          %dma_start3A_52 = arith.constant 0 : i32
          %dma_start3A_53 = tpu.memref_slice %arg8[%rem3A_41, %dma_start3A_51, %dma_start3A_52] : memref<2x16x128xi32, #tpu.memory_space<vmem>> -> memref<1x16x128xi32, #tpu.memory_space<vmem>>
          %dma_start3A_54 = tpu.memref_squeeze %dma_start3A_53 : memref<1x16x128xi32, #tpu.memory_space<vmem>> -> memref<16x128xi32, #tpu.memory_space<vmem>>
          %dma_start3A_55 = arith.constant 0 : i32
          %dma_start3A_56 = tpu.memref_slice %arg4[%add3A, %mul3A_49, %dma_start3A_55] : memref<32x80x128xi32, #tpu.memory_space<hbm>> -> memref<1x16x128xi32, #tpu.memory_space<hbm>>
          %dma_start3A_57 = tpu.memref_squeeze %dma_start3A_56 : memref<1x16x128xi32, #tpu.memory_space<hbm>> -> memref<16x128xi32, #tpu.memory_space<hbm>>
          %dma_start3A_58 = arith.constant 0 : i32
          %dma_start3A_59 = arith.constant 0 : i32
          %dma_start3A_60 = tpu.memref_slice %arg8[%rem3A_41, %dma_start3A_58, %dma_start3A_59] : memref<2x16x128xi32, #tpu.memory_space<vmem>> -> memref<1x16x128xi32, #tpu.memory_space<vmem>>
          %dma_start3A_61 = tpu.memref_squeeze %dma_start3A_60 : memref<1x16x128xi32, #tpu.memory_space<vmem>> -> memref<16x128xi32, #tpu.memory_space<vmem>>
          %dma_start3A_62 = arith.constant 0 : i32
          %dma_start3A_63 = tpu.memref_slice %arg4[%add3A, %mul3A_49, %dma_start3A_62] : memref<32x80x128xi32, #tpu.memory_space<hbm>> -> memref<1x16x128xi32, #tpu.memory_space<hbm>>
          %dma_start3A_64 = tpu.memref_squeeze %dma_start3A_63 : memref<1x16x128xi32, #tpu.memory_space<hbm>> -> memref<16x128xi32, #tpu.memory_space<hbm>>
          tpu.enqueue_dma source(%dma_start3A_64 : memref<16x128xi32, #tpu.memory_space<hbm>>) target(%dma_start3A_61 : memref<16x128xi32, #tpu.memory_space<vmem>>) target_semaphore(%run_scoped3A_50 : memref<!tpu.dma_semaphore, #tpu.memory_space<semaphore_mem>>)
          %dma_wait3A = arith.constant 0 : i32
          %dma_wait3A_65 = arith.constant 0 : i32
          %dma_wait3A_66 = tpu.memref_slice %arg8[%rem3A_41, %dma_wait3A, %dma_wait3A_65] : memref<2x16x128xi32, #tpu.memory_space<vmem>> -> memref<1x16x128xi32, #tpu.memory_space<vmem>>
          %dma_wait3A_67 = tpu.memref_squeeze %dma_wait3A_66 : memref<1x16x128xi32, #tpu.memory_space<vmem>> -> memref<16x128xi32, #tpu.memory_space<vmem>>
          %dma_wait3A_68 = arith.constant 0 : i32
          %dma_wait3A_69 = tpu.memref_slice %arg4[%add3A, %mul3A_49, %dma_wait3A_68] : memref<32x80x128xi32, #tpu.memory_space<hbm>> -> memref<1x16x128xi32, #tpu.memory_space<hbm>>
          %dma_wait3A_70 = tpu.memref_squeeze %dma_wait3A_69 : memref<1x16x128xi32, #tpu.memory_space<hbm>> -> memref<16x128xi32, #tpu.memory_space<hbm>>
          %dma_wait3A_71 = arith.constant 0 : i32
          %dma_wait3A_72 = arith.constant 0 : i32
          %dma_wait3A_73 = tpu.memref_slice %arg8[%rem3A_41, %dma_wait3A_71, %dma_wait3A_72] : memref<2x16x128xi32, #tpu.memory_space<vmem>> -> memref<1x16x128xi32, #tpu.memory_space<vmem>>
          %dma_wait3A_74 = tpu.memref_squeeze %dma_wait3A_73 : memref<1x16x128xi32, #tpu.memory_space<vmem>> -> memref<16x128xi32, #tpu.memory_space<vmem>>
          %dma_wait3A_75 = arith.constant 0 : i32
          %dma_wait3A_76 = tpu.memref_slice %arg4[%add3A, %mul3A_49, %dma_wait3A_75] : memref<32x80x128xi32, #tpu.memory_space<hbm>> -> memref<1x16x128xi32, #tpu.memory_space<hbm>>
          %dma_wait3A_77 = tpu.memref_squeeze %dma_wait3A_76 : memref<1x16x128xi32, #tpu.memory_space<hbm>> -> memref<16x128xi32, #tpu.memory_space<hbm>>
          tpu.wait_dma2 semaphore(%run_scoped3A_50 : memref<!tpu.dma_semaphore, #tpu.memory_space<semaphore_mem>>) src(%dma_wait3A_77 : memref<16x128xi32, #tpu.memory_space<hbm>>) dst(%dma_wait3A_74 : memref<16x128xi32, #tpu.memory_space<vmem>>)
          tpu.yield
        }) : () -> ()
      } else {
      }
      %scan3A_30 = arith.constant 0 : i32
      %scan3A_31 = arith.constant 0 : i32
      %scan3A_32 = arith.constant 8 : i32
      %scan3A_33 = arith.addi %scan3A_31, %scan3A_32 : i32
      %scan3A_34 = arith.constant 1 : i32
      %scan3A_35 = scf.for %scan3A_38 = %scan3A_31 to %scan3A_33 step %scan3A_34 iter_args(%scan3A_39 = %scan3A_30) -> (i32)  : i32 {
        %mul3A_40 = arith.constant 2 : i32
        %mul3A_41 = arith.muli %mul3A_40, %scan3A_38 : i32
        %mul3A_42 = arith.constant 16 : i32
        %mul3A_43 = arith.muli %scan3A_23, %mul3A_42 : i32
        %add3A_44 = arith.addi %mul3A_43, %mul3A_41 : i32
        %dma_wait3A = arith.constant 0 : i32
        %dma_wait3A_45 = arith.constant 0 : i32
        %dma_wait3A_46 = arith.constant 0 : i32
        %dma_wait3A_47 = tpu.memref_slice %arg9[%dma_wait3A, %dma_wait3A_45, %dma_wait3A_46] : memref<2x128x128xf32, #tpu.memory_space<vmem>> -> memref<1x128x128xf32, #tpu.memory_space<vmem>>
        %dma_wait3A_48 = tpu.memref_squeeze %dma_wait3A_47 : memref<1x128x128xf32, #tpu.memory_space<vmem>> -> memref<128x128xf32, #tpu.memory_space<vmem>>
        %dma_wait3A_49 = arith.constant 0 : i32
        %dma_wait3A_50 = tpu.memref_slice %arg7[%rem3A_25, %mul3A_41, %dma_wait3A_49] : memref<2x16x128xi32, #tpu.memory_space<vmem>> -> memref<1x1x128xi32, #tpu.memory_space<vmem>>
        %dma_wait3A_51 = tpu.memref_squeeze %dma_wait3A_50 : memref<1x1x128xi32, #tpu.memory_space<vmem>> -> memref<128xi32, #tpu.memory_space<vmem>>
        %dma_wait3A_52 = arith.constant 0 : i32
        %dma_wait3A_53 = arith.constant 0 : i32
        %dma_wait3A_54 = tpu.memref_slice %arg2[%dma_wait3A_52, %dma_wait3A_53] : memref<10240x128xf32, #tpu.memory_space<hbm>> -> memref<10240x128xf32, #tpu.memory_space<hbm>>
        tpu.wait_indirect_dma semaphore(%arg11 : memref<!tpu.dma_semaphore, #tpu.memory_space<semaphore_mem>>) src(%dma_wait3A_54 : memref<10240x128xf32, #tpu.memory_space<hbm>>) dst(%dma_wait3A_48 : memref<128x128xf32, #tpu.memory_space<vmem>>)
        %dma_start3A_55 = arith.constant 0 : i32
        %dma_start3A_56 = arith.constant 0 : i32
        %dma_start3A_57 = arith.constant 0 : i32
        %dma_start3A_58 = tpu.memref_slice %arg9[%dma_start3A_55, %dma_start3A_56, %dma_start3A_57] : memref<2x128x128xf32, #tpu.memory_space<vmem>> -> memref<1x128x128xf32, #tpu.memory_space<vmem>>
        %dma_start3A_59 = tpu.memref_squeeze %dma_start3A_58 : memref<1x128x128xf32, #tpu.memory_space<vmem>> -> memref<128x128xf32, #tpu.memory_space<vmem>>
        %dma_start3A_60 = arith.constant 0 : i32
        %dma_start3A_61 = tpu.memref_slice %arg8[%rem3A_25, %mul3A_41, %dma_start3A_60] : memref<2x16x128xi32, #tpu.memory_space<vmem>> -> memref<1x1x128xi32, #tpu.memory_space<vmem>>
        %dma_start3A_62 = tpu.memref_squeeze %dma_start3A_61 : memref<1x1x128xi32, #tpu.memory_space<vmem>> -> memref<128xi32, #tpu.memory_space<vmem>>
        %dma_start3A_63 = arith.constant 0 : i32
        %dma_start3A_64 = arith.constant 0 : i32
        %dma_start3A_65 = tpu.memref_slice %arg10[%dma_start3A_63, %dma_start3A_64] : memref<10240x128xf32, #tpu.memory_space<vmem_shared>> -> memref<10240x128xf32, #tpu.memory_space<vmem_shared>>
        tpu.enqueue_indirect_dma source(%dma_start3A_59 : memref<128x128xf32, #tpu.memory_space<vmem>>) target(%dma_start3A_65 : memref<10240x128xf32, #tpu.memory_space<vmem_shared>>) offsets(%dma_start3A_62 : memref<128xi32, #tpu.memory_space<vmem>>) semaphore(%arg12 : memref<!tpu.dma_semaphore, #tpu.memory_space<semaphore_mem>>) {add = true}
        %add3A_66 = arith.constant 1 : i32
        %add3A_67 = arith.addi %add3A_44, %add3A_66 : i32
        %lt3A_68 = arith.constant 80 : i32
        %lt3A_69 = arith.cmpi slt, %add3A_67, %lt3A_68 : i32
        %convert_element_type3A_70 = arith.extui %lt3A_69 : i1 to i32
        %cond3A_71 = arith.constant 0 : i32
        %cond3A_72 = arith.cmpi ne, %convert_element_type3A_70, %cond3A_71 : i32
        scf.if %cond3A_72 {
          %add3A_129 = arith.constant 1 : i32
          %add3A_130 = arith.addi %mul3A_41, %add3A_129 : i32
          %lt3A_131 = arith.constant 16 : i32
          %lt3A_132 = arith.cmpi slt, %add3A_130, %lt3A_131 : i32
          %add3A_133 = arith.constant 1 : i32
          %add3A_134 = arith.addi %scan3A_23, %add3A_133 : i32
          %rem3A_135 = arith.constant 2 : i32
          %rem3A_136 = arith.remsi %add3A_134, %rem3A_135 : i32
          %select_n3A = arith.select %lt3A_132, %rem3A_25, %rem3A_136 : i32
          %add3A_137 = arith.constant 1 : i32
          %add3A_138 = arith.addi %mul3A_41, %add3A_137 : i32
          %rem3A_139 = arith.constant 16 : i32
          %rem3A_140 = arith.remsi %add3A_138, %rem3A_139 : i32
          %dma_start3A_141 = arith.constant 1 : i32
          %dma_start3A_142 = arith.constant 0 : i32
          %dma_start3A_143 = arith.constant 0 : i32
          %dma_start3A_144 = tpu.memref_slice %arg9[%dma_start3A_141, %dma_start3A_142, %dma_start3A_143] : memref<2x128x128xf32, #tpu.memory_space<vmem>> -> memref<1x128x128xf32, #tpu.memory_space<vmem>>
          %dma_start3A_145 = tpu.memref_squeeze %dma_start3A_144 : memref<1x128x128xf32, #tpu.memory_space<vmem>> -> memref<128x128xf32, #tpu.memory_space<vmem>>
          %dma_start3A_146 = arith.constant 0 : i32
          %dma_start3A_147 = tpu.memref_slice %arg7[%select_n3A, %rem3A_140, %dma_start3A_146] : memref<2x16x128xi32, #tpu.memory_space<vmem>> -> memref<1x1x128xi32, #tpu.memory_space<vmem>>
          %dma_start3A_148 = tpu.memref_squeeze %dma_start3A_147 : memref<1x1x128xi32, #tpu.memory_space<vmem>> -> memref<128xi32, #tpu.memory_space<vmem>>
          %dma_start3A_149 = arith.constant 0 : i32
          %dma_start3A_150 = arith.constant 0 : i32
          %dma_start3A_151 = tpu.memref_slice %arg2[%dma_start3A_149, %dma_start3A_150] : memref<10240x128xf32, #tpu.memory_space<hbm>> -> memref<10240x128xf32, #tpu.memory_space<hbm>>
          tpu.enqueue_indirect_dma source(%dma_start3A_151 : memref<10240x128xf32, #tpu.memory_space<hbm>>) target(%dma_start3A_145 : memref<128x128xf32, #tpu.memory_space<vmem>>) offsets(%dma_start3A_148 : memref<128xi32, #tpu.memory_space<vmem>>) semaphore(%arg11 : memref<!tpu.dma_semaphore, #tpu.memory_space<semaphore_mem>>)
        } else {
        }
        %dma_wait3A_73 = arith.constant 0 : i32
        %dma_wait3A_74 = arith.constant 0 : i32
        %dma_wait3A_75 = arith.constant 0 : i32
        %dma_wait3A_76 = tpu.memref_slice %arg9[%dma_wait3A_73, %dma_wait3A_74, %dma_wait3A_75] : memref<2x128x128xf32, #tpu.memory_space<vmem>> -> memref<1x128x128xf32, #tpu.memory_space<vmem>>
        %dma_wait3A_77 = tpu.memref_squeeze %dma_wait3A_76 : memref<1x128x128xf32, #tpu.memory_space<vmem>> -> memref<128x128xf32, #tpu.memory_space<vmem>>
        %dma_wait3A_78 = arith.constant 0 : i32
        %dma_wait3A_79 = tpu.memref_slice %arg8[%rem3A_25, %mul3A_41, %dma_wait3A_78] : memref<2x16x128xi32, #tpu.memory_space<vmem>> -> memref<1x1x128xi32, #tpu.memory_space<vmem>>
        %dma_wait3A_80 = tpu.memref_squeeze %dma_wait3A_79 : memref<1x1x128xi32, #tpu.memory_space<vmem>> -> memref<128xi32, #tpu.memory_space<vmem>>
        %dma_wait3A_81 = arith.constant 0 : i32
        %dma_wait3A_82 = arith.constant 0 : i32
        %dma_wait3A_83 = tpu.memref_slice %arg10[%dma_wait3A_81, %dma_wait3A_82] : memref<10240x128xf32, #tpu.memory_space<vmem_shared>> -> memref<10240x128xf32, #tpu.memory_space<vmem_shared>>
        tpu.wait_indirect_dma semaphore(%arg12 : memref<!tpu.dma_semaphore, #tpu.memory_space<semaphore_mem>>) src(%dma_wait3A_77 : memref<128x128xf32, #tpu.memory_space<vmem>>) dst(%dma_wait3A_83 : memref<10240x128xf32, #tpu.memory_space<vmem_shared>>)
        %add3A_84 = arith.constant 1 : i32
        %add3A_85 = arith.addi %add3A_44, %add3A_84 : i32
        %add3A_86 = arith.constant 1 : i32
        %add3A_87 = arith.addi %mul3A_41, %add3A_86 : i32
        %dma_wait3A_88 = arith.constant 1 : i32
        %dma_wait3A_89 = arith.constant 0 : i32
        %dma_wait3A_90 = arith.constant 0 : i32
        %dma_wait3A_91 = tpu.memref_slice %arg9[%dma_wait3A_88, %dma_wait3A_89, %dma_wait3A_90] : memref<2x128x128xf32, #tpu.memory_space<vmem>> -> memref<1x128x128xf32, #tpu.memory_space<vmem>>
        %dma_wait3A_92 = tpu.memref_squeeze %dma_wait3A_91 : memref<1x128x128xf32, #tpu.memory_space<vmem>> -> memref<128x128xf32, #tpu.memory_space<vmem>>
        %dma_wait3A_93 = arith.constant 0 : i32
        %dma_wait3A_94 = tpu.memref_slice %arg7[%rem3A_25, %add3A_87, %dma_wait3A_93] : memref<2x16x128xi32, #tpu.memory_space<vmem>> -> memref<1x1x128xi32, #tpu.memory_space<vmem>>
        %dma_wait3A_95 = tpu.memref_squeeze %dma_wait3A_94 : memref<1x1x128xi32, #tpu.memory_space<vmem>> -> memref<128xi32, #tpu.memory_space<vmem>>
        %dma_wait3A_96 = arith.constant 0 : i32
        %dma_wait3A_97 = arith.constant 0 : i32
        %dma_wait3A_98 = tpu.memref_slice %arg2[%dma_wait3A_96, %dma_wait3A_97] : memref<10240x128xf32, #tpu.memory_space<hbm>> -> memref<10240x128xf32, #tpu.memory_space<hbm>>
        tpu.wait_indirect_dma semaphore(%arg11 : memref<!tpu.dma_semaphore, #tpu.memory_space<semaphore_mem>>) src(%dma_wait3A_98 : memref<10240x128xf32, #tpu.memory_space<hbm>>) dst(%dma_wait3A_92 : memref<128x128xf32, #tpu.memory_space<vmem>>)
        %dma_start3A_99 = arith.constant 1 : i32
        %dma_start3A_100 = arith.constant 0 : i32
        %dma_start3A_101 = arith.constant 0 : i32
        %dma_start3A_102 = tpu.memref_slice %arg9[%dma_start3A_99, %dma_start3A_100, %dma_start3A_101] : memref<2x128x128xf32, #tpu.memory_space<vmem>> -> memref<1x128x128xf32, #tpu.memory_space<vmem>>
        %dma_start3A_103 = tpu.memref_squeeze %dma_start3A_102 : memref<1x128x128xf32, #tpu.memory_space<vmem>> -> memref<128x128xf32, #tpu.memory_space<vmem>>
        %dma_start3A_104 = arith.constant 0 : i32
        %dma_start3A_105 = tpu.memref_slice %arg8[%rem3A_25, %add3A_87, %dma_start3A_104] : memref<2x16x128xi32, #tpu.memory_space<vmem>> -> memref<1x1x128xi32, #tpu.memory_space<vmem>>
        %dma_start3A_106 = tpu.memref_squeeze %dma_start3A_105 : memref<1x1x128xi32, #tpu.memory_space<vmem>> -> memref<128xi32, #tpu.memory_space<vmem>>
        %dma_start3A_107 = arith.constant 0 : i32
        %dma_start3A_108 = arith.constant 0 : i32
        %dma_start3A_109 = tpu.memref_slice %arg10[%dma_start3A_107, %dma_start3A_108] : memref<10240x128xf32, #tpu.memory_space<vmem_shared>> -> memref<10240x128xf32, #tpu.memory_space<vmem_shared>>
        tpu.enqueue_indirect_dma source(%dma_start3A_103 : memref<128x128xf32, #tpu.memory_space<vmem>>) target(%dma_start3A_109 : memref<10240x128xf32, #tpu.memory_space<vmem_shared>>) offsets(%dma_start3A_106 : memref<128xi32, #tpu.memory_space<vmem>>) semaphore(%arg12 : memref<!tpu.dma_semaphore, #tpu.memory_space<semaphore_mem>>) {add = true}
        %add3A_110 = arith.constant 1 : i32
        %add3A_111 = arith.addi %add3A_85, %add3A_110 : i32
        %lt3A_112 = arith.constant 80 : i32
        %lt3A_113 = arith.cmpi slt, %add3A_111, %lt3A_112 : i32
        %convert_element_type3A_114 = arith.extui %lt3A_113 : i1 to i32
        %cond3A_115 = arith.constant 0 : i32
        %cond3A_116 = arith.cmpi ne, %convert_element_type3A_114, %cond3A_115 : i32
        scf.if %cond3A_116 {
          %add3A_129 = arith.constant 1 : i32
          %add3A_130 = arith.addi %add3A_87, %add3A_129 : i32
          %lt3A_131 = arith.constant 16 : i32
          %lt3A_132 = arith.cmpi slt, %add3A_130, %lt3A_131 : i32
          %add3A_133 = arith.constant 1 : i32
          %add3A_134 = arith.addi %scan3A_23, %add3A_133 : i32
          %rem3A_135 = arith.constant 2 : i32
          %rem3A_136 = arith.remsi %add3A_134, %rem3A_135 : i32
          %select_n3A = arith.select %lt3A_132, %rem3A_25, %rem3A_136 : i32
          %add3A_137 = arith.constant 1 : i32
          %add3A_138 = arith.addi %add3A_87, %add3A_137 : i32
          %rem3A_139 = arith.constant 16 : i32
          %rem3A_140 = arith.remsi %add3A_138, %rem3A_139 : i32
          %dma_start3A_141 = arith.constant 0 : i32
          %dma_start3A_142 = arith.constant 0 : i32
          %dma_start3A_143 = arith.constant 0 : i32
          %dma_start3A_144 = tpu.memref_slice %arg9[%dma_start3A_141, %dma_start3A_142, %dma_start3A_143] : memref<2x128x128xf32, #tpu.memory_space<vmem>> -> memref<1x128x128xf32, #tpu.memory_space<vmem>>
          %dma_start3A_145 = tpu.memref_squeeze %dma_start3A_144 : memref<1x128x128xf32, #tpu.memory_space<vmem>> -> memref<128x128xf32, #tpu.memory_space<vmem>>
          %dma_start3A_146 = arith.constant 0 : i32
          %dma_start3A_147 = tpu.memref_slice %arg7[%select_n3A, %rem3A_140, %dma_start3A_146] : memref<2x16x128xi32, #tpu.memory_space<vmem>> -> memref<1x1x128xi32, #tpu.memory_space<vmem>>
          %dma_start3A_148 = tpu.memref_squeeze %dma_start3A_147 : memref<1x1x128xi32, #tpu.memory_space<vmem>> -> memref<128xi32, #tpu.memory_space<vmem>>
          %dma_start3A_149 = arith.constant 0 : i32
          %dma_start3A_150 = arith.constant 0 : i32
          %dma_start3A_151 = tpu.memref_slice %arg2[%dma_start3A_149, %dma_start3A_150] : memref<10240x128xf32, #tpu.memory_space<hbm>> -> memref<10240x128xf32, #tpu.memory_space<hbm>>
          tpu.enqueue_indirect_dma source(%dma_start3A_151 : memref<10240x128xf32, #tpu.memory_space<hbm>>) target(%dma_start3A_145 : memref<128x128xf32, #tpu.memory_space<vmem>>) offsets(%dma_start3A_148 : memref<128xi32, #tpu.memory_space<vmem>>) semaphore(%arg11 : memref<!tpu.dma_semaphore, #tpu.memory_space<semaphore_mem>>)
        } else {
        }
        %dma_wait3A_117 = arith.constant 1 : i32
        %dma_wait3A_118 = arith.constant 0 : i32
        %dma_wait3A_119 = arith.constant 0 : i32
        %dma_wait3A_120 = tpu.memref_slice %arg9[%dma_wait3A_117, %dma_wait3A_118, %dma_wait3A_119] : memref<2x128x128xf32, #tpu.memory_space<vmem>> -> memref<1x128x128xf32, #tpu.memory_space<vmem>>
        %dma_wait3A_121 = tpu.memref_squeeze %dma_wait3A_120 : memref<1x128x128xf32, #tpu.memory_space<vmem>> -> memref<128x128xf32, #tpu.memory_space<vmem>>
        %dma_wait3A_122 = arith.constant 0 : i32
        %dma_wait3A_123 = tpu.memref_slice %arg8[%rem3A_25, %add3A_87, %dma_wait3A_122] : memref<2x16x128xi32, #tpu.memory_space<vmem>> -> memref<1x1x128xi32, #tpu.memory_space<vmem>>
        %dma_wait3A_124 = tpu.memref_squeeze %dma_wait3A_123 : memref<1x1x128xi32, #tpu.memory_space<vmem>> -> memref<128xi32, #tpu.memory_space<vmem>>
        %dma_wait3A_125 = arith.constant 0 : i32
        %dma_wait3A_126 = arith.constant 0 : i32
        %dma_wait3A_127 = tpu.memref_slice %arg10[%dma_wait3A_125, %dma_wait3A_126] : memref<10240x128xf32, #tpu.memory_space<vmem_shared>> -> memref<10240x128xf32, #tpu.memory_space<vmem_shared>>
        tpu.wait_indirect_dma semaphore(%arg12 : memref<!tpu.dma_semaphore, #tpu.memory_space<semaphore_mem>>) src(%dma_wait3A_121 : memref<128x128xf32, #tpu.memory_space<vmem>>) dst(%dma_wait3A_127 : memref<10240x128xf32, #tpu.memory_space<vmem_shared>>)
        %scan3A_128 = arith.constant 0 : i32
        scf.yield %scan3A_128 : i32
      }
      %scan3A_36 = arith.constant 8 : i32
      %scan3A_37 = arith.constant 0 : i32
      scf.yield %scan3A_37 : i32
    }
    %scan3A_21 = arith.constant 5 : i32
    %barrier3A_22 = arith.constant 0 : index
    tpu.barrier barrier_id(%barrier3A_22)
    "tpu.region"() ({
      %run_scoped3A_23 = tpu.sem_alloc : memref<!tpu.dma_semaphore, #tpu.memory_space<semaphore_mem>>
      %dma_start3A_24 = arith.constant 0 : i32
      %dma_start3A_25 = tpu.memref_slice %arg6[%arg0, %mul3A_2, %dma_start3A_24] : memref<2x10240x128xf32, #tpu.memory_space<hbm>> -> memref<1x640x128xf32, #tpu.memory_space<hbm>>
      %dma_start3A_26 = tpu.memref_squeeze %dma_start3A_25 : memref<1x640x128xf32, #tpu.memory_space<hbm>> -> memref<640x128xf32, #tpu.memory_space<hbm>>
      %dma_start3A_27 = arith.constant 0 : i32
      %dma_start3A_28 = tpu.memref_slice %arg10[%mul3A_2, %dma_start3A_27] : memref<10240x128xf32, #tpu.memory_space<vmem_shared>> -> memref<640x128xf32, #tpu.memory_space<vmem_shared>>
      tpu.enqueue_dma source(%dma_start3A_28 : memref<640x128xf32, #tpu.memory_space<vmem_shared>>) target(%dma_start3A_26 : memref<640x128xf32, #tpu.memory_space<hbm>>) target_semaphore(%run_scoped3A_23 : memref<!tpu.dma_semaphore, #tpu.memory_space<semaphore_mem>>)
      %dma_wait3A = arith.constant 0 : i32
      %dma_wait3A_29 = tpu.memref_slice %arg6[%arg0, %mul3A_2, %dma_wait3A] : memref<2x10240x128xf32, #tpu.memory_space<hbm>> -> memref<1x640x128xf32, #tpu.memory_space<hbm>>
      %dma_wait3A_30 = tpu.memref_squeeze %dma_wait3A_29 : memref<1x640x128xf32, #tpu.memory_space<hbm>> -> memref<640x128xf32, #tpu.memory_space<hbm>>
      %dma_wait3A_31 = arith.constant 0 : i32
      %dma_wait3A_32 = tpu.memref_slice %arg10[%mul3A_2, %dma_wait3A_31] : memref<10240x128xf32, #tpu.memory_space<vmem_shared>> -> memref<640x128xf32, #tpu.memory_space<vmem_shared>>
      tpu.wait_dma2 semaphore(%run_scoped3A_23 : memref<!tpu.dma_semaphore, #tpu.memory_space<semaphore_mem>>) src(%dma_wait3A_32 : memref<640x128xf32, #tpu.memory_space<vmem_shared>>) dst(%dma_wait3A_30 : memref<640x128xf32, #tpu.memory_space<hbm>>)
      tpu.yield
    }) : () -> ()
    return
  }
}

#map = affine_map<(d0, d1) -> (0, 0)>
#map1 = affine_map<(d0, d1) -> (0, 0, 0)>
module attributes {stable_mosaic.version = 14 : i64} {
  func.func @_sc_msgpass(%arg0: i32, %arg1: i32, %arg2: memref<10240x128xf32, #tpu.memory_space<hbm>>, %arg3: memref<32x80x128xi32, #tpu.memory_space<hbm>>, %arg4: memref<32x80x128xi32, #tpu.memory_space<hbm>>, %arg5: memref<10240x128xf32, #tpu.memory_space<hbm>>, %arg6: memref<2x10240x128xf32, #tpu.memory_space<hbm>>, %arg7: memref<2x16x128xi32, #tpu.memory_space<vmem>>, %arg8: memref<2x16x128xi32, #tpu.memory_space<vmem>>, %arg9: memref<2x128x128xf32, #tpu.memory_space<vmem>>, %arg10: memref<10240x128xf32, #tpu.memory_space<vmem_shared>>, %arg11: memref<!tpu.dma_semaphore, #tpu.memory_space<semaphore_mem>>, %arg12: memref<!tpu.dma_semaphore, #tpu.memory_space<semaphore_mem>>) attributes {dimension_semantics = [#tpu.dimension_semantics<core_parallel>, #tpu.dimension_semantics<subcore_parallel>], iteration_bounds = array<i64: 2, 16>, scalar_prefetch = 0 : i64, scratch_operands = 6 : i64, tpu.core_type = #tpu.core_type<sc_vector_subcore>, window_params = [{transform_indices = #map}, {transform_indices = #map1}, {transform_indices = #map1}, {transform_indices = #map}, {transform_indices = #map1}]} {
    %mul3A = arith.constant 2 : i32
    %mul3A_0 = arith.muli %arg1, %mul3A : i32
    %add3A = arith.addi %mul3A_0, %arg0 : i32
    %mul3A_1 = arith.constant 640 : i32
    %mul3A_2 = arith.muli %arg1, %mul3A_1 : i32
    "tpu.region"() ({
      %run_scoped3A_23 = tpu.sem_alloc : memref<!tpu.dma_semaphore, #tpu.memory_space<semaphore_mem>>
      %dma_start3A_24 = arith.constant 0 : i32
      %dma_start3A_25 = tpu.memref_slice %arg10[%mul3A_2, %dma_start3A_24] : memref<10240x128xf32, #tpu.memory_space<vmem_shared>> -> memref<640x128xf32, #tpu.memory_space<vmem_shared>>
      %dma_start3A_26 = arith.constant 0 : i32
      %dma_start3A_27 = tpu.memref_slice %arg5[%mul3A_2, %dma_start3A_26] : memref<10240x128xf32, #tpu.memory_space<hbm>> -> memref<640x128xf32, #tpu.memory_space<hbm>>
      tpu.enqueue_dma source(%dma_start3A_27 : memref<640x128xf32, #tpu.memory_space<hbm>>) target(%dma_start3A_25 : memref<640x128xf32, #tpu.memory_space<vmem_shared>>) target_semaphore(%run_scoped3A_23 : memref<!tpu.dma_semaphore, #tpu.memory_space<semaphore_mem>>)
      %dma_wait3A = arith.constant 0 : i32
      %dma_wait3A_28 = tpu.memref_slice %arg10[%mul3A_2, %dma_wait3A] : memref<10240x128xf32, #tpu.memory_space<vmem_shared>> -> memref<640x128xf32, #tpu.memory_space<vmem_shared>>
      %dma_wait3A_29 = arith.constant 0 : i32
      %dma_wait3A_30 = tpu.memref_slice %arg5[%mul3A_2, %dma_wait3A_29] : memref<10240x128xf32, #tpu.memory_space<hbm>> -> memref<640x128xf32, #tpu.memory_space<hbm>>
      tpu.wait_dma2 semaphore(%run_scoped3A_23 : memref<!tpu.dma_semaphore, #tpu.memory_space<semaphore_mem>>) src(%dma_wait3A_30 : memref<640x128xf32, #tpu.memory_space<hbm>>) dst(%dma_wait3A_28 : memref<640x128xf32, #tpu.memory_space<vmem_shared>>)
      tpu.yield
    }) : () -> ()
    %barrier3A = arith.constant 0 : index
    tpu.barrier barrier_id(%barrier3A)
    %run_scoped3A = arith.constant 0 : i32
    "tpu.region"() ({
      %run_scoped3A_23 = tpu.sem_alloc : memref<!tpu.dma_semaphore, #tpu.memory_space<semaphore_mem>>
      %dma_start3A_24 = arith.constant 0 : i32
      %dma_start3A_25 = arith.constant 0 : i32
      %dma_start3A_26 = tpu.memref_slice %arg7[%run_scoped3A, %dma_start3A_24, %dma_start3A_25] : memref<2x16x128xi32, #tpu.memory_space<vmem>> -> memref<1x16x128xi32, #tpu.memory_space<vmem>>
      %dma_start3A_27 = tpu.memref_squeeze %dma_start3A_26 : memref<1x16x128xi32, #tpu.memory_space<vmem>> -> memref<16x128xi32, #tpu.memory_space<vmem>>
      %dma_start3A_28 = arith.constant 0 : i32
      %dma_start3A_29 = arith.constant 0 : i32
      %dma_start3A_30 = tpu.memref_slice %arg3[%add3A, %dma_start3A_28, %dma_start3A_29] : memref<32x80x128xi32, #tpu.memory_space<hbm>> -> memref<1x16x128xi32, #tpu.memory_space<hbm>>
      %dma_start3A_31 = tpu.memref_squeeze %dma_start3A_30 : memref<1x16x128xi32, #tpu.memory_space<hbm>> -> memref<16x128xi32, #tpu.memory_space<hbm>>
      %dma_start3A_32 = arith.constant 0 : i32
      %dma_start3A_33 = arith.constant 0 : i32
      %dma_start3A_34 = tpu.memref_slice %arg7[%run_scoped3A, %dma_start3A_32, %dma_start3A_33] : memref<2x16x128xi32, #tpu.memory_space<vmem>> -> memref<1x16x128xi32, #tpu.memory_space<vmem>>
      %dma_start3A_35 = tpu.memref_squeeze %dma_start3A_34 : memref<1x16x128xi32, #tpu.memory_space<vmem>> -> memref<16x128xi32, #tpu.memory_space<vmem>>
      %dma_start3A_36 = arith.constant 0 : i32
      %dma_start3A_37 = arith.constant 0 : i32
      %dma_start3A_38 = tpu.memref_slice %arg3[%add3A, %dma_start3A_36, %dma_start3A_37] : memref<32x80x128xi32, #tpu.memory_space<hbm>> -> memref<1x16x128xi32, #tpu.memory_space<hbm>>
      %dma_start3A_39 = tpu.memref_squeeze %dma_start3A_38 : memref<1x16x128xi32, #tpu.memory_space<hbm>> -> memref<16x128xi32, #tpu.memory_space<hbm>>
      tpu.enqueue_dma source(%dma_start3A_39 : memref<16x128xi32, #tpu.memory_space<hbm>>) target(%dma_start3A_35 : memref<16x128xi32, #tpu.memory_space<vmem>>) target_semaphore(%run_scoped3A_23 : memref<!tpu.dma_semaphore, #tpu.memory_space<semaphore_mem>>)
      %dma_wait3A = arith.constant 0 : i32
      %dma_wait3A_40 = arith.constant 0 : i32
      %dma_wait3A_41 = tpu.memref_slice %arg7[%run_scoped3A, %dma_wait3A, %dma_wait3A_40] : memref<2x16x128xi32, #tpu.memory_space<vmem>> -> memref<1x16x128xi32, #tpu.memory_space<vmem>>
      %dma_wait3A_42 = tpu.memref_squeeze %dma_wait3A_41 : memref<1x16x128xi32, #tpu.memory_space<vmem>> -> memref<16x128xi32, #tpu.memory_space<vmem>>
      %dma_wait3A_43 = arith.constant 0 : i32
      %dma_wait3A_44 = arith.constant 0 : i32
      %dma_wait3A_45 = tpu.memref_slice %arg3[%add3A, %dma_wait3A_43, %dma_wait3A_44] : memref<32x80x128xi32, #tpu.memory_space<hbm>> -> memref<1x16x128xi32, #tpu.memory_space<hbm>>
      %dma_wait3A_46 = tpu.memref_squeeze %dma_wait3A_45 : memref<1x16x128xi32, #tpu.memory_space<hbm>> -> memref<16x128xi32, #tpu.memory_space<hbm>>
      %dma_wait3A_47 = arith.constant 0 : i32
      %dma_wait3A_48 = arith.constant 0 : i32
      %dma_wait3A_49 = tpu.memref_slice %arg7[%run_scoped3A, %dma_wait3A_47, %dma_wait3A_48] : memref<2x16x128xi32, #tpu.memory_space<vmem>> -> memref<1x16x128xi32, #tpu.memory_space<vmem>>
      %dma_wait3A_50 = tpu.memref_squeeze %dma_wait3A_49 : memref<1x16x128xi32, #tpu.memory_space<vmem>> -> memref<16x128xi32, #tpu.memory_space<vmem>>
      %dma_wait3A_51 = arith.constant 0 : i32
      %dma_wait3A_52 = arith.constant 0 : i32
      %dma_wait3A_53 = tpu.memref_slice %arg3[%add3A, %dma_wait3A_51, %dma_wait3A_52] : memref<32x80x128xi32, #tpu.memory_space<hbm>> -> memref<1x16x128xi32, #tpu.memory_space<hbm>>
      %dma_wait3A_54 = tpu.memref_squeeze %dma_wait3A_53 : memref<1x16x128xi32, #tpu.memory_space<hbm>> -> memref<16x128xi32, #tpu.memory_space<hbm>>
      tpu.wait_dma2 semaphore(%run_scoped3A_23 : memref<!tpu.dma_semaphore, #tpu.memory_space<semaphore_mem>>) src(%dma_wait3A_54 : memref<16x128xi32, #tpu.memory_space<hbm>>) dst(%dma_wait3A_50 : memref<16x128xi32, #tpu.memory_space<vmem>>)
      tpu.yield
    }) : () -> ()
    %run_scoped3A_3 = arith.constant 0 : i32
    "tpu.region"() ({
      %run_scoped3A_23 = tpu.sem_alloc : memref<!tpu.dma_semaphore, #tpu.memory_space<semaphore_mem>>
      %dma_start3A_24 = arith.constant 0 : i32
      %dma_start3A_25 = arith.constant 0 : i32
      %dma_start3A_26 = tpu.memref_slice %arg8[%run_scoped3A_3, %dma_start3A_24, %dma_start3A_25] : memref<2x16x128xi32, #tpu.memory_space<vmem>> -> memref<1x16x128xi32, #tpu.memory_space<vmem>>
      %dma_start3A_27 = tpu.memref_squeeze %dma_start3A_26 : memref<1x16x128xi32, #tpu.memory_space<vmem>> -> memref<16x128xi32, #tpu.memory_space<vmem>>
      %dma_start3A_28 = arith.constant 0 : i32
      %dma_start3A_29 = arith.constant 0 : i32
      %dma_start3A_30 = tpu.memref_slice %arg4[%add3A, %dma_start3A_28, %dma_start3A_29] : memref<32x80x128xi32, #tpu.memory_space<hbm>> -> memref<1x16x128xi32, #tpu.memory_space<hbm>>
      %dma_start3A_31 = tpu.memref_squeeze %dma_start3A_30 : memref<1x16x128xi32, #tpu.memory_space<hbm>> -> memref<16x128xi32, #tpu.memory_space<hbm>>
      %dma_start3A_32 = arith.constant 0 : i32
      %dma_start3A_33 = arith.constant 0 : i32
      %dma_start3A_34 = tpu.memref_slice %arg8[%run_scoped3A_3, %dma_start3A_32, %dma_start3A_33] : memref<2x16x128xi32, #tpu.memory_space<vmem>> -> memref<1x16x128xi32, #tpu.memory_space<vmem>>
      %dma_start3A_35 = tpu.memref_squeeze %dma_start3A_34 : memref<1x16x128xi32, #tpu.memory_space<vmem>> -> memref<16x128xi32, #tpu.memory_space<vmem>>
      %dma_start3A_36 = arith.constant 0 : i32
      %dma_start3A_37 = arith.constant 0 : i32
      %dma_start3A_38 = tpu.memref_slice %arg4[%add3A, %dma_start3A_36, %dma_start3A_37] : memref<32x80x128xi32, #tpu.memory_space<hbm>> -> memref<1x16x128xi32, #tpu.memory_space<hbm>>
      %dma_start3A_39 = tpu.memref_squeeze %dma_start3A_38 : memref<1x16x128xi32, #tpu.memory_space<hbm>> -> memref<16x128xi32, #tpu.memory_space<hbm>>
      tpu.enqueue_dma source(%dma_start3A_39 : memref<16x128xi32, #tpu.memory_space<hbm>>) target(%dma_start3A_35 : memref<16x128xi32, #tpu.memory_space<vmem>>) target_semaphore(%run_scoped3A_23 : memref<!tpu.dma_semaphore, #tpu.memory_space<semaphore_mem>>)
      %dma_wait3A = arith.constant 0 : i32
      %dma_wait3A_40 = arith.constant 0 : i32
      %dma_wait3A_41 = tpu.memref_slice %arg8[%run_scoped3A_3, %dma_wait3A, %dma_wait3A_40] : memref<2x16x128xi32, #tpu.memory_space<vmem>> -> memref<1x16x128xi32, #tpu.memory_space<vmem>>
      %dma_wait3A_42 = tpu.memref_squeeze %dma_wait3A_41 : memref<1x16x128xi32, #tpu.memory_space<vmem>> -> memref<16x128xi32, #tpu.memory_space<vmem>>
      %dma_wait3A_43 = arith.constant 0 : i32
      %dma_wait3A_44 = arith.constant 0 : i32
      %dma_wait3A_45 = tpu.memref_slice %arg4[%add3A, %dma_wait3A_43, %dma_wait3A_44] : memref<32x80x128xi32, #tpu.memory_space<hbm>> -> memref<1x16x128xi32, #tpu.memory_space<hbm>>
      %dma_wait3A_46 = tpu.memref_squeeze %dma_wait3A_45 : memref<1x16x128xi32, #tpu.memory_space<hbm>> -> memref<16x128xi32, #tpu.memory_space<hbm>>
      %dma_wait3A_47 = arith.constant 0 : i32
      %dma_wait3A_48 = arith.constant 0 : i32
      %dma_wait3A_49 = tpu.memref_slice %arg8[%run_scoped3A_3, %dma_wait3A_47, %dma_wait3A_48] : memref<2x16x128xi32, #tpu.memory_space<vmem>> -> memref<1x16x128xi32, #tpu.memory_space<vmem>>
      %dma_wait3A_50 = tpu.memref_squeeze %dma_wait3A_49 : memref<1x16x128xi32, #tpu.memory_space<vmem>> -> memref<16x128xi32, #tpu.memory_space<vmem>>
      %dma_wait3A_51 = arith.constant 0 : i32
      %dma_wait3A_52 = arith.constant 0 : i32
      %dma_wait3A_53 = tpu.memref_slice %arg4[%add3A, %dma_wait3A_51, %dma_wait3A_52] : memref<32x80x128xi32, #tpu.memory_space<hbm>> -> memref<1x16x128xi32, #tpu.memory_space<hbm>>
      %dma_wait3A_54 = tpu.memref_squeeze %dma_wait3A_53 : memref<1x16x128xi32, #tpu.memory_space<hbm>> -> memref<16x128xi32, #tpu.memory_space<hbm>>
      tpu.wait_dma2 semaphore(%run_scoped3A_23 : memref<!tpu.dma_semaphore, #tpu.memory_space<semaphore_mem>>) src(%dma_wait3A_54 : memref<16x128xi32, #tpu.memory_space<hbm>>) dst(%dma_wait3A_50 : memref<16x128xi32, #tpu.memory_space<vmem>>)
      tpu.yield
    }) : () -> ()
    %dma_start3A = arith.constant 0 : i32
    %dma_start3A_4 = arith.constant 0 : i32
    %dma_start3A_5 = arith.constant 0 : i32
    %dma_start3A_6 = arith.constant 0 : i32
    %dma_start3A_7 = arith.constant 0 : i32
    %dma_start3A_8 = tpu.memref_slice %arg9[%dma_start3A_5, %dma_start3A_6, %dma_start3A_7] : memref<2x128x128xf32, #tpu.memory_space<vmem>> -> memref<1x128x128xf32, #tpu.memory_space<vmem>>
    %dma_start3A_9 = tpu.memref_squeeze %dma_start3A_8 : memref<1x128x128xf32, #tpu.memory_space<vmem>> -> memref<128x128xf32, #tpu.memory_space<vmem>>
    %dma_start3A_10 = arith.constant 0 : i32
    %dma_start3A_11 = tpu.memref_slice %arg7[%dma_start3A, %dma_start3A_4, %dma_start3A_10] : memref<2x16x128xi32, #tpu.memory_space<vmem>> -> memref<1x1x128xi32, #tpu.memory_space<vmem>>
    %dma_start3A_12 = tpu.memref_squeeze %dma_start3A_11 : memref<1x1x128xi32, #tpu.memory_space<vmem>> -> memref<128xi32, #tpu.memory_space<vmem>>
    %dma_start3A_13 = arith.constant 0 : i32
    %dma_start3A_14 = arith.constant 0 : i32
    %dma_start3A_15 = tpu.memref_slice %arg2[%dma_start3A_13, %dma_start3A_14] : memref<10240x128xf32, #tpu.memory_space<hbm>> -> memref<10240x128xf32, #tpu.memory_space<hbm>>
    tpu.enqueue_indirect_dma source(%dma_start3A_15 : memref<10240x128xf32, #tpu.memory_space<hbm>>) target(%dma_start3A_9 : memref<128x128xf32, #tpu.memory_space<vmem>>) offsets(%dma_start3A_12 : memref<128xi32, #tpu.memory_space<vmem>>) semaphore(%arg11 : memref<!tpu.dma_semaphore, #tpu.memory_space<semaphore_mem>>)
    %scan3A = arith.constant 0 : i32
    %scan3A_16 = arith.constant 0 : i32
    %scan3A_17 = arith.constant 5 : i32
    %scan3A_18 = arith.addi %scan3A_16, %scan3A_17 : i32
    %scan3A_19 = arith.constant 1 : i32
    %scan3A_20 = scf.for %scan3A_23 = %scan3A_16 to %scan3A_18 step %scan3A_19 iter_args(%scan3A_24 = %scan3A) -> (i32)  : i32 {
      %rem3A = arith.constant 2 : i32
      %rem3A_25 = arith.remsi %scan3A_23, %rem3A : i32
      %add3A_26 = arith.constant 1 : i32
      %add3A_27 = arith.addi %scan3A_23, %add3A_26 : i32
      %lt3A = arith.constant 5 : i32
      %lt3A_28 = arith.cmpi slt, %add3A_27, %lt3A : i32
      %convert_element_type3A = arith.extui %lt3A_28 : i1 to i32
      %cond3A = arith.constant 0 : i32
      %cond3A_29 = arith.cmpi ne, %convert_element_type3A, %cond3A : i32
      scf.if %cond3A_29 {
        %add3A_38 = arith.constant 1 : i32
        %add3A_39 = arith.addi %scan3A_23, %add3A_38 : i32
        %rem3A_40 = arith.constant 2 : i32
        %rem3A_41 = arith.remsi %add3A_39, %rem3A_40 : i32
        %add3A_42 = arith.constant 1 : i32
        %add3A_43 = arith.addi %scan3A_23, %add3A_42 : i32
        %mul3A_44 = arith.constant 16 : i32
        %mul3A_45 = arith.muli %add3A_43, %mul3A_44 : i32
        "tpu.region"() ({
          %run_scoped3A_50 = tpu.sem_alloc : memref<!tpu.dma_semaphore, #tpu.memory_space<semaphore_mem>>
          %dma_start3A_51 = arith.constant 0 : i32
          %dma_start3A_52 = arith.constant 0 : i32
          %dma_start3A_53 = tpu.memref_slice %arg7[%rem3A_41, %dma_start3A_51, %dma_start3A_52] : memref<2x16x128xi32, #tpu.memory_space<vmem>> -> memref<1x16x128xi32, #tpu.memory_space<vmem>>
          %dma_start3A_54 = tpu.memref_squeeze %dma_start3A_53 : memref<1x16x128xi32, #tpu.memory_space<vmem>> -> memref<16x128xi32, #tpu.memory_space<vmem>>
          %dma_start3A_55 = arith.constant 0 : i32
          %dma_start3A_56 = tpu.memref_slice %arg3[%add3A, %mul3A_45, %dma_start3A_55] : memref<32x80x128xi32, #tpu.memory_space<hbm>> -> memref<1x16x128xi32, #tpu.memory_space<hbm>>
          %dma_start3A_57 = tpu.memref_squeeze %dma_start3A_56 : memref<1x16x128xi32, #tpu.memory_space<hbm>> -> memref<16x128xi32, #tpu.memory_space<hbm>>
          %dma_start3A_58 = arith.constant 0 : i32
          %dma_start3A_59 = arith.constant 0 : i32
          %dma_start3A_60 = tpu.memref_slice %arg7[%rem3A_41, %dma_start3A_58, %dma_start3A_59] : memref<2x16x128xi32, #tpu.memory_space<vmem>> -> memref<1x16x128xi32, #tpu.memory_space<vmem>>
          %dma_start3A_61 = tpu.memref_squeeze %dma_start3A_60 : memref<1x16x128xi32, #tpu.memory_space<vmem>> -> memref<16x128xi32, #tpu.memory_space<vmem>>
          %dma_start3A_62 = arith.constant 0 : i32
          %dma_start3A_63 = tpu.memref_slice %arg3[%add3A, %mul3A_45, %dma_start3A_62] : memref<32x80x128xi32, #tpu.memory_space<hbm>> -> memref<1x16x128xi32, #tpu.memory_space<hbm>>
          %dma_start3A_64 = tpu.memref_squeeze %dma_start3A_63 : memref<1x16x128xi32, #tpu.memory_space<hbm>> -> memref<16x128xi32, #tpu.memory_space<hbm>>
          tpu.enqueue_dma source(%dma_start3A_64 : memref<16x128xi32, #tpu.memory_space<hbm>>) target(%dma_start3A_61 : memref<16x128xi32, #tpu.memory_space<vmem>>) target_semaphore(%run_scoped3A_50 : memref<!tpu.dma_semaphore, #tpu.memory_space<semaphore_mem>>)
          %dma_wait3A = arith.constant 0 : i32
          %dma_wait3A_65 = arith.constant 0 : i32
          %dma_wait3A_66 = tpu.memref_slice %arg7[%rem3A_41, %dma_wait3A, %dma_wait3A_65] : memref<2x16x128xi32, #tpu.memory_space<vmem>> -> memref<1x16x128xi32, #tpu.memory_space<vmem>>
          %dma_wait3A_67 = tpu.memref_squeeze %dma_wait3A_66 : memref<1x16x128xi32, #tpu.memory_space<vmem>> -> memref<16x128xi32, #tpu.memory_space<vmem>>
          %dma_wait3A_68 = arith.constant 0 : i32
          %dma_wait3A_69 = tpu.memref_slice %arg3[%add3A, %mul3A_45, %dma_wait3A_68] : memref<32x80x128xi32, #tpu.memory_space<hbm>> -> memref<1x16x128xi32, #tpu.memory_space<hbm>>
          %dma_wait3A_70 = tpu.memref_squeeze %dma_wait3A_69 : memref<1x16x128xi32, #tpu.memory_space<hbm>> -> memref<16x128xi32, #tpu.memory_space<hbm>>
          %dma_wait3A_71 = arith.constant 0 : i32
          %dma_wait3A_72 = arith.constant 0 : i32
          %dma_wait3A_73 = tpu.memref_slice %arg7[%rem3A_41, %dma_wait3A_71, %dma_wait3A_72] : memref<2x16x128xi32, #tpu.memory_space<vmem>> -> memref<1x16x128xi32, #tpu.memory_space<vmem>>
          %dma_wait3A_74 = tpu.memref_squeeze %dma_wait3A_73 : memref<1x16x128xi32, #tpu.memory_space<vmem>> -> memref<16x128xi32, #tpu.memory_space<vmem>>
          %dma_wait3A_75 = arith.constant 0 : i32
          %dma_wait3A_76 = tpu.memref_slice %arg3[%add3A, %mul3A_45, %dma_wait3A_75] : memref<32x80x128xi32, #tpu.memory_space<hbm>> -> memref<1x16x128xi32, #tpu.memory_space<hbm>>
          %dma_wait3A_77 = tpu.memref_squeeze %dma_wait3A_76 : memref<1x16x128xi32, #tpu.memory_space<hbm>> -> memref<16x128xi32, #tpu.memory_space<hbm>>
          tpu.wait_dma2 semaphore(%run_scoped3A_50 : memref<!tpu.dma_semaphore, #tpu.memory_space<semaphore_mem>>) src(%dma_wait3A_77 : memref<16x128xi32, #tpu.memory_space<hbm>>) dst(%dma_wait3A_74 : memref<16x128xi32, #tpu.memory_space<vmem>>)
          tpu.yield
        }) : () -> ()
        %add3A_46 = arith.constant 1 : i32
        %add3A_47 = arith.addi %scan3A_23, %add3A_46 : i32
        %mul3A_48 = arith.constant 16 : i32
        %mul3A_49 = arith.muli %add3A_47, %mul3A_48 : i32
        "tpu.region"() ({
          %run_scoped3A_50 = tpu.sem_alloc : memref<!tpu.dma_semaphore, #tpu.memory_space<semaphore_mem>>
          %dma_start3A_51 = arith.constant 0 : i32
          %dma_start3A_52 = arith.constant 0 : i32
          %dma_start3A_53 = tpu.memref_slice %arg8[%rem3A_41, %dma_start3A_51, %dma_start3A_52] : memref<2x16x128xi32, #tpu.memory_space<vmem>> -> memref<1x16x128xi32, #tpu.memory_space<vmem>>
          %dma_start3A_54 = tpu.memref_squeeze %dma_start3A_53 : memref<1x16x128xi32, #tpu.memory_space<vmem>> -> memref<16x128xi32, #tpu.memory_space<vmem>>
          %dma_start3A_55 = arith.constant 0 : i32
          %dma_start3A_56 = tpu.memref_slice %arg4[%add3A, %mul3A_49, %dma_start3A_55] : memref<32x80x128xi32, #tpu.memory_space<hbm>> -> memref<1x16x128xi32, #tpu.memory_space<hbm>>
          %dma_start3A_57 = tpu.memref_squeeze %dma_start3A_56 : memref<1x16x128xi32, #tpu.memory_space<hbm>> -> memref<16x128xi32, #tpu.memory_space<hbm>>
          %dma_start3A_58 = arith.constant 0 : i32
          %dma_start3A_59 = arith.constant 0 : i32
          %dma_start3A_60 = tpu.memref_slice %arg8[%rem3A_41, %dma_start3A_58, %dma_start3A_59] : memref<2x16x128xi32, #tpu.memory_space<vmem>> -> memref<1x16x128xi32, #tpu.memory_space<vmem>>
          %dma_start3A_61 = tpu.memref_squeeze %dma_start3A_60 : memref<1x16x128xi32, #tpu.memory_space<vmem>> -> memref<16x128xi32, #tpu.memory_space<vmem>>
          %dma_start3A_62 = arith.constant 0 : i32
          %dma_start3A_63 = tpu.memref_slice %arg4[%add3A, %mul3A_49, %dma_start3A_62] : memref<32x80x128xi32, #tpu.memory_space<hbm>> -> memref<1x16x128xi32, #tpu.memory_space<hbm>>
          %dma_start3A_64 = tpu.memref_squeeze %dma_start3A_63 : memref<1x16x128xi32, #tpu.memory_space<hbm>> -> memref<16x128xi32, #tpu.memory_space<hbm>>
          tpu.enqueue_dma source(%dma_start3A_64 : memref<16x128xi32, #tpu.memory_space<hbm>>) target(%dma_start3A_61 : memref<16x128xi32, #tpu.memory_space<vmem>>) target_semaphore(%run_scoped3A_50 : memref<!tpu.dma_semaphore, #tpu.memory_space<semaphore_mem>>)
          %dma_wait3A = arith.constant 0 : i32
          %dma_wait3A_65 = arith.constant 0 : i32
          %dma_wait3A_66 = tpu.memref_slice %arg8[%rem3A_41, %dma_wait3A, %dma_wait3A_65] : memref<2x16x128xi32, #tpu.memory_space<vmem>> -> memref<1x16x128xi32, #tpu.memory_space<vmem>>
          %dma_wait3A_67 = tpu.memref_squeeze %dma_wait3A_66 : memref<1x16x128xi32, #tpu.memory_space<vmem>> -> memref<16x128xi32, #tpu.memory_space<vmem>>
          %dma_wait3A_68 = arith.constant 0 : i32
          %dma_wait3A_69 = tpu.memref_slice %arg4[%add3A, %mul3A_49, %dma_wait3A_68] : memref<32x80x128xi32, #tpu.memory_space<hbm>> -> memref<1x16x128xi32, #tpu.memory_space<hbm>>
          %dma_wait3A_70 = tpu.memref_squeeze %dma_wait3A_69 : memref<1x16x128xi32, #tpu.memory_space<hbm>> -> memref<16x128xi32, #tpu.memory_space<hbm>>
          %dma_wait3A_71 = arith.constant 0 : i32
          %dma_wait3A_72 = arith.constant 0 : i32
          %dma_wait3A_73 = tpu.memref_slice %arg8[%rem3A_41, %dma_wait3A_71, %dma_wait3A_72] : memref<2x16x128xi32, #tpu.memory_space<vmem>> -> memref<1x16x128xi32, #tpu.memory_space<vmem>>
          %dma_wait3A_74 = tpu.memref_squeeze %dma_wait3A_73 : memref<1x16x128xi32, #tpu.memory_space<vmem>> -> memref<16x128xi32, #tpu.memory_space<vmem>>
          %dma_wait3A_75 = arith.constant 0 : i32
          %dma_wait3A_76 = tpu.memref_slice %arg4[%add3A, %mul3A_49, %dma_wait3A_75] : memref<32x80x128xi32, #tpu.memory_space<hbm>> -> memref<1x16x128xi32, #tpu.memory_space<hbm>>
          %dma_wait3A_77 = tpu.memref_squeeze %dma_wait3A_76 : memref<1x16x128xi32, #tpu.memory_space<hbm>> -> memref<16x128xi32, #tpu.memory_space<hbm>>
          tpu.wait_dma2 semaphore(%run_scoped3A_50 : memref<!tpu.dma_semaphore, #tpu.memory_space<semaphore_mem>>) src(%dma_wait3A_77 : memref<16x128xi32, #tpu.memory_space<hbm>>) dst(%dma_wait3A_74 : memref<16x128xi32, #tpu.memory_space<vmem>>)
          tpu.yield
        }) : () -> ()
      } else {
      }
      %scan3A_30 = arith.constant 0 : i32
      %scan3A_31 = arith.constant 0 : i32
      %scan3A_32 = arith.constant 8 : i32
      %scan3A_33 = arith.addi %scan3A_31, %scan3A_32 : i32
      %scan3A_34 = arith.constant 1 : i32
      %scan3A_35 = scf.for %scan3A_38 = %scan3A_31 to %scan3A_33 step %scan3A_34 iter_args(%scan3A_39 = %scan3A_30) -> (i32)  : i32 {
        %mul3A_40 = arith.constant 2 : i32
        %mul3A_41 = arith.muli %mul3A_40, %scan3A_38 : i32
        %mul3A_42 = arith.constant 16 : i32
        %mul3A_43 = arith.muli %scan3A_23, %mul3A_42 : i32
        %add3A_44 = arith.addi %mul3A_43, %mul3A_41 : i32
        %dma_wait3A = arith.constant 0 : i32
        %dma_wait3A_45 = arith.constant 0 : i32
        %dma_wait3A_46 = arith.constant 0 : i32
        %dma_wait3A_47 = tpu.memref_slice %arg9[%dma_wait3A, %dma_wait3A_45, %dma_wait3A_46] : memref<2x128x128xf32, #tpu.memory_space<vmem>> -> memref<1x128x128xf32, #tpu.memory_space<vmem>>
        %dma_wait3A_48 = tpu.memref_squeeze %dma_wait3A_47 : memref<1x128x128xf32, #tpu.memory_space<vmem>> -> memref<128x128xf32, #tpu.memory_space<vmem>>
        %dma_wait3A_49 = arith.constant 0 : i32
        %dma_wait3A_50 = tpu.memref_slice %arg7[%rem3A_25, %mul3A_41, %dma_wait3A_49] : memref<2x16x128xi32, #tpu.memory_space<vmem>> -> memref<1x1x128xi32, #tpu.memory_space<vmem>>
        %dma_wait3A_51 = tpu.memref_squeeze %dma_wait3A_50 : memref<1x1x128xi32, #tpu.memory_space<vmem>> -> memref<128xi32, #tpu.memory_space<vmem>>
        %dma_wait3A_52 = arith.constant 0 : i32
        %dma_wait3A_53 = arith.constant 0 : i32
        %dma_wait3A_54 = tpu.memref_slice %arg2[%dma_wait3A_52, %dma_wait3A_53] : memref<10240x128xf32, #tpu.memory_space<hbm>> -> memref<10240x128xf32, #tpu.memory_space<hbm>>
        tpu.wait_indirect_dma semaphore(%arg11 : memref<!tpu.dma_semaphore, #tpu.memory_space<semaphore_mem>>) src(%dma_wait3A_54 : memref<10240x128xf32, #tpu.memory_space<hbm>>) dst(%dma_wait3A_48 : memref<128x128xf32, #tpu.memory_space<vmem>>)
        %dma_start3A_55 = arith.constant 0 : i32
        %dma_start3A_56 = arith.constant 0 : i32
        %dma_start3A_57 = arith.constant 0 : i32
        %dma_start3A_58 = tpu.memref_slice %arg9[%dma_start3A_55, %dma_start3A_56, %dma_start3A_57] : memref<2x128x128xf32, #tpu.memory_space<vmem>> -> memref<1x128x128xf32, #tpu.memory_space<vmem>>
        %dma_start3A_59 = tpu.memref_squeeze %dma_start3A_58 : memref<1x128x128xf32, #tpu.memory_space<vmem>> -> memref<128x128xf32, #tpu.memory_space<vmem>>
        %dma_start3A_60 = arith.constant 0 : i32
        %dma_start3A_61 = tpu.memref_slice %arg8[%rem3A_25, %mul3A_41, %dma_start3A_60] : memref<2x16x128xi32, #tpu.memory_space<vmem>> -> memref<1x1x128xi32, #tpu.memory_space<vmem>>
        %dma_start3A_62 = tpu.memref_squeeze %dma_start3A_61 : memref<1x1x128xi32, #tpu.memory_space<vmem>> -> memref<128xi32, #tpu.memory_space<vmem>>
        %dma_start3A_63 = arith.constant 0 : i32
        %dma_start3A_64 = arith.constant 0 : i32
        %dma_start3A_65 = tpu.memref_slice %arg10[%dma_start3A_63, %dma_start3A_64] : memref<10240x128xf32, #tpu.memory_space<vmem_shared>> -> memref<10240x128xf32, #tpu.memory_space<vmem_shared>>
        tpu.enqueue_indirect_dma source(%dma_start3A_59 : memref<128x128xf32, #tpu.memory_space<vmem>>) target(%dma_start3A_65 : memref<10240x128xf32, #tpu.memory_space<vmem_shared>>) offsets(%dma_start3A_62 : memref<128xi32, #tpu.memory_space<vmem>>) semaphore(%arg12 : memref<!tpu.dma_semaphore, #tpu.memory_space<semaphore_mem>>) {add = true}
        %add3A_66 = arith.constant 1 : i32
        %add3A_67 = arith.addi %add3A_44, %add3A_66 : i32
        %lt3A_68 = arith.constant 80 : i32
        %lt3A_69 = arith.cmpi slt, %add3A_67, %lt3A_68 : i32
        %convert_element_type3A_70 = arith.extui %lt3A_69 : i1 to i32
        %cond3A_71 = arith.constant 0 : i32
        %cond3A_72 = arith.cmpi ne, %convert_element_type3A_70, %cond3A_71 : i32
        scf.if %cond3A_72 {
          %add3A_129 = arith.constant 1 : i32
          %add3A_130 = arith.addi %mul3A_41, %add3A_129 : i32
          %lt3A_131 = arith.constant 16 : i32
          %lt3A_132 = arith.cmpi slt, %add3A_130, %lt3A_131 : i32
          %add3A_133 = arith.constant 1 : i32
          %add3A_134 = arith.addi %scan3A_23, %add3A_133 : i32
          %rem3A_135 = arith.constant 2 : i32
          %rem3A_136 = arith.remsi %add3A_134, %rem3A_135 : i32
          %select_n3A = arith.select %lt3A_132, %rem3A_25, %rem3A_136 : i32
          %add3A_137 = arith.constant 1 : i32
          %add3A_138 = arith.addi %mul3A_41, %add3A_137 : i32
          %rem3A_139 = arith.constant 16 : i32
          %rem3A_140 = arith.remsi %add3A_138, %rem3A_139 : i32
          %dma_start3A_141 = arith.constant 1 : i32
          %dma_start3A_142 = arith.constant 0 : i32
          %dma_start3A_143 = arith.constant 0 : i32
          %dma_start3A_144 = tpu.memref_slice %arg9[%dma_start3A_141, %dma_start3A_142, %dma_start3A_143] : memref<2x128x128xf32, #tpu.memory_space<vmem>> -> memref<1x128x128xf32, #tpu.memory_space<vmem>>
          %dma_start3A_145 = tpu.memref_squeeze %dma_start3A_144 : memref<1x128x128xf32, #tpu.memory_space<vmem>> -> memref<128x128xf32, #tpu.memory_space<vmem>>
          %dma_start3A_146 = arith.constant 0 : i32
          %dma_start3A_147 = tpu.memref_slice %arg7[%select_n3A, %rem3A_140, %dma_start3A_146] : memref<2x16x128xi32, #tpu.memory_space<vmem>> -> memref<1x1x128xi32, #tpu.memory_space<vmem>>
          %dma_start3A_148 = tpu.memref_squeeze %dma_start3A_147 : memref<1x1x128xi32, #tpu.memory_space<vmem>> -> memref<128xi32, #tpu.memory_space<vmem>>
          %dma_start3A_149 = arith.constant 0 : i32
          %dma_start3A_150 = arith.constant 0 : i32
          %dma_start3A_151 = tpu.memref_slice %arg2[%dma_start3A_149, %dma_start3A_150] : memref<10240x128xf32, #tpu.memory_space<hbm>> -> memref<10240x128xf32, #tpu.memory_space<hbm>>
          tpu.enqueue_indirect_dma source(%dma_start3A_151 : memref<10240x128xf32, #tpu.memory_space<hbm>>) target(%dma_start3A_145 : memref<128x128xf32, #tpu.memory_space<vmem>>) offsets(%dma_start3A_148 : memref<128xi32, #tpu.memory_space<vmem>>) semaphore(%arg11 : memref<!tpu.dma_semaphore, #tpu.memory_space<semaphore_mem>>)
        } else {
        }
        %dma_wait3A_73 = arith.constant 0 : i32
        %dma_wait3A_74 = arith.constant 0 : i32
        %dma_wait3A_75 = arith.constant 0 : i32
        %dma_wait3A_76 = tpu.memref_slice %arg9[%dma_wait3A_73, %dma_wait3A_74, %dma_wait3A_75] : memref<2x128x128xf32, #tpu.memory_space<vmem>> -> memref<1x128x128xf32, #tpu.memory_space<vmem>>
        %dma_wait3A_77 = tpu.memref_squeeze %dma_wait3A_76 : memref<1x128x128xf32, #tpu.memory_space<vmem>> -> memref<128x128xf32, #tpu.memory_space<vmem>>
        %dma_wait3A_78 = arith.constant 0 : i32
        %dma_wait3A_79 = tpu.memref_slice %arg8[%rem3A_25, %mul3A_41, %dma_wait3A_78] : memref<2x16x128xi32, #tpu.memory_space<vmem>> -> memref<1x1x128xi32, #tpu.memory_space<vmem>>
        %dma_wait3A_80 = tpu.memref_squeeze %dma_wait3A_79 : memref<1x1x128xi32, #tpu.memory_space<vmem>> -> memref<128xi32, #tpu.memory_space<vmem>>
        %dma_wait3A_81 = arith.constant 0 : i32
        %dma_wait3A_82 = arith.constant 0 : i32
        %dma_wait3A_83 = tpu.memref_slice %arg10[%dma_wait3A_81, %dma_wait3A_82] : memref<10240x128xf32, #tpu.memory_space<vmem_shared>> -> memref<10240x128xf32, #tpu.memory_space<vmem_shared>>
        tpu.wait_indirect_dma semaphore(%arg12 : memref<!tpu.dma_semaphore, #tpu.memory_space<semaphore_mem>>) src(%dma_wait3A_77 : memref<128x128xf32, #tpu.memory_space<vmem>>) dst(%dma_wait3A_83 : memref<10240x128xf32, #tpu.memory_space<vmem_shared>>)
        %add3A_84 = arith.constant 1 : i32
        %add3A_85 = arith.addi %add3A_44, %add3A_84 : i32
        %add3A_86 = arith.constant 1 : i32
        %add3A_87 = arith.addi %mul3A_41, %add3A_86 : i32
        %dma_wait3A_88 = arith.constant 1 : i32
        %dma_wait3A_89 = arith.constant 0 : i32
        %dma_wait3A_90 = arith.constant 0 : i32
        %dma_wait3A_91 = tpu.memref_slice %arg9[%dma_wait3A_88, %dma_wait3A_89, %dma_wait3A_90] : memref<2x128x128xf32, #tpu.memory_space<vmem>> -> memref<1x128x128xf32, #tpu.memory_space<vmem>>
        %dma_wait3A_92 = tpu.memref_squeeze %dma_wait3A_91 : memref<1x128x128xf32, #tpu.memory_space<vmem>> -> memref<128x128xf32, #tpu.memory_space<vmem>>
        %dma_wait3A_93 = arith.constant 0 : i32
        %dma_wait3A_94 = tpu.memref_slice %arg7[%rem3A_25, %add3A_87, %dma_wait3A_93] : memref<2x16x128xi32, #tpu.memory_space<vmem>> -> memref<1x1x128xi32, #tpu.memory_space<vmem>>
        %dma_wait3A_95 = tpu.memref_squeeze %dma_wait3A_94 : memref<1x1x128xi32, #tpu.memory_space<vmem>> -> memref<128xi32, #tpu.memory_space<vmem>>
        %dma_wait3A_96 = arith.constant 0 : i32
        %dma_wait3A_97 = arith.constant 0 : i32
        %dma_wait3A_98 = tpu.memref_slice %arg2[%dma_wait3A_96, %dma_wait3A_97] : memref<10240x128xf32, #tpu.memory_space<hbm>> -> memref<10240x128xf32, #tpu.memory_space<hbm>>
        tpu.wait_indirect_dma semaphore(%arg11 : memref<!tpu.dma_semaphore, #tpu.memory_space<semaphore_mem>>) src(%dma_wait3A_98 : memref<10240x128xf32, #tpu.memory_space<hbm>>) dst(%dma_wait3A_92 : memref<128x128xf32, #tpu.memory_space<vmem>>)
        %dma_start3A_99 = arith.constant 1 : i32
        %dma_start3A_100 = arith.constant 0 : i32
        %dma_start3A_101 = arith.constant 0 : i32
        %dma_start3A_102 = tpu.memref_slice %arg9[%dma_start3A_99, %dma_start3A_100, %dma_start3A_101] : memref<2x128x128xf32, #tpu.memory_space<vmem>> -> memref<1x128x128xf32, #tpu.memory_space<vmem>>
        %dma_start3A_103 = tpu.memref_squeeze %dma_start3A_102 : memref<1x128x128xf32, #tpu.memory_space<vmem>> -> memref<128x128xf32, #tpu.memory_space<vmem>>
        %dma_start3A_104 = arith.constant 0 : i32
        %dma_start3A_105 = tpu.memref_slice %arg8[%rem3A_25, %add3A_87, %dma_start3A_104] : memref<2x16x128xi32, #tpu.memory_space<vmem>> -> memref<1x1x128xi32, #tpu.memory_space<vmem>>
        %dma_start3A_106 = tpu.memref_squeeze %dma_start3A_105 : memref<1x1x128xi32, #tpu.memory_space<vmem>> -> memref<128xi32, #tpu.memory_space<vmem>>
        %dma_start3A_107 = arith.constant 0 : i32
        %dma_start3A_108 = arith.constant 0 : i32
        %dma_start3A_109 = tpu.memref_slice %arg10[%dma_start3A_107, %dma_start3A_108] : memref<10240x128xf32, #tpu.memory_space<vmem_shared>> -> memref<10240x128xf32, #tpu.memory_space<vmem_shared>>
        tpu.enqueue_indirect_dma source(%dma_start3A_103 : memref<128x128xf32, #tpu.memory_space<vmem>>) target(%dma_start3A_109 : memref<10240x128xf32, #tpu.memory_space<vmem_shared>>) offsets(%dma_start3A_106 : memref<128xi32, #tpu.memory_space<vmem>>) semaphore(%arg12 : memref<!tpu.dma_semaphore, #tpu.memory_space<semaphore_mem>>) {add = true}
        %add3A_110 = arith.constant 1 : i32
        %add3A_111 = arith.addi %add3A_85, %add3A_110 : i32
        %lt3A_112 = arith.constant 80 : i32
        %lt3A_113 = arith.cmpi slt, %add3A_111, %lt3A_112 : i32
        %convert_element_type3A_114 = arith.extui %lt3A_113 : i1 to i32
        %cond3A_115 = arith.constant 0 : i32
        %cond3A_116 = arith.cmpi ne, %convert_element_type3A_114, %cond3A_115 : i32
        scf.if %cond3A_116 {
          %add3A_129 = arith.constant 1 : i32
          %add3A_130 = arith.addi %add3A_87, %add3A_129 : i32
          %lt3A_131 = arith.constant 16 : i32
          %lt3A_132 = arith.cmpi slt, %add3A_130, %lt3A_131 : i32
          %add3A_133 = arith.constant 1 : i32
          %add3A_134 = arith.addi %scan3A_23, %add3A_133 : i32
          %rem3A_135 = arith.constant 2 : i32
          %rem3A_136 = arith.remsi %add3A_134, %rem3A_135 : i32
          %select_n3A = arith.select %lt3A_132, %rem3A_25, %rem3A_136 : i32
          %add3A_137 = arith.constant 1 : i32
          %add3A_138 = arith.addi %add3A_87, %add3A_137 : i32
          %rem3A_139 = arith.constant 16 : i32
          %rem3A_140 = arith.remsi %add3A_138, %rem3A_139 : i32
          %dma_start3A_141 = arith.constant 0 : i32
          %dma_start3A_142 = arith.constant 0 : i32
          %dma_start3A_143 = arith.constant 0 : i32
          %dma_start3A_144 = tpu.memref_slice %arg9[%dma_start3A_141, %dma_start3A_142, %dma_start3A_143] : memref<2x128x128xf32, #tpu.memory_space<vmem>> -> memref<1x128x128xf32, #tpu.memory_space<vmem>>
          %dma_start3A_145 = tpu.memref_squeeze %dma_start3A_144 : memref<1x128x128xf32, #tpu.memory_space<vmem>> -> memref<128x128xf32, #tpu.memory_space<vmem>>
          %dma_start3A_146 = arith.constant 0 : i32
          %dma_start3A_147 = tpu.memref_slice %arg7[%select_n3A, %rem3A_140, %dma_start3A_146] : memref<2x16x128xi32, #tpu.memory_space<vmem>> -> memref<1x1x128xi32, #tpu.memory_space<vmem>>
          %dma_start3A_148 = tpu.memref_squeeze %dma_start3A_147 : memref<1x1x128xi32, #tpu.memory_space<vmem>> -> memref<128xi32, #tpu.memory_space<vmem>>
          %dma_start3A_149 = arith.constant 0 : i32
          %dma_start3A_150 = arith.constant 0 : i32
          %dma_start3A_151 = tpu.memref_slice %arg2[%dma_start3A_149, %dma_start3A_150] : memref<10240x128xf32, #tpu.memory_space<hbm>> -> memref<10240x128xf32, #tpu.memory_space<hbm>>
          tpu.enqueue_indirect_dma source(%dma_start3A_151 : memref<10240x128xf32, #tpu.memory_space<hbm>>) target(%dma_start3A_145 : memref<128x128xf32, #tpu.memory_space<vmem>>) offsets(%dma_start3A_148 : memref<128xi32, #tpu.memory_space<vmem>>) semaphore(%arg11 : memref<!tpu.dma_semaphore, #tpu.memory_space<semaphore_mem>>)
        } else {
        }
        %dma_wait3A_117 = arith.constant 1 : i32
        %dma_wait3A_118 = arith.constant 0 : i32
        %dma_wait3A_119 = arith.constant 0 : i32
        %dma_wait3A_120 = tpu.memref_slice %arg9[%dma_wait3A_117, %dma_wait3A_118, %dma_wait3A_119] : memref<2x128x128xf32, #tpu.memory_space<vmem>> -> memref<1x128x128xf32, #tpu.memory_space<vmem>>
        %dma_wait3A_121 = tpu.memref_squeeze %dma_wait3A_120 : memref<1x128x128xf32, #tpu.memory_space<vmem>> -> memref<128x128xf32, #tpu.memory_space<vmem>>
        %dma_wait3A_122 = arith.constant 0 : i32
        %dma_wait3A_123 = tpu.memref_slice %arg8[%rem3A_25, %add3A_87, %dma_wait3A_122] : memref<2x16x128xi32, #tpu.memory_space<vmem>> -> memref<1x1x128xi32, #tpu.memory_space<vmem>>
        %dma_wait3A_124 = tpu.memref_squeeze %dma_wait3A_123 : memref<1x1x128xi32, #tpu.memory_space<vmem>> -> memref<128xi32, #tpu.memory_space<vmem>>
        %dma_wait3A_125 = arith.constant 0 : i32
        %dma_wait3A_126 = arith.constant 0 : i32
        %dma_wait3A_127 = tpu.memref_slice %arg10[%dma_wait3A_125, %dma_wait3A_126] : memref<10240x128xf32, #tpu.memory_space<vmem_shared>> -> memref<10240x128xf32, #tpu.memory_space<vmem_shared>>
        tpu.wait_indirect_dma semaphore(%arg12 : memref<!tpu.dma_semaphore, #tpu.memory_space<semaphore_mem>>) src(%dma_wait3A_121 : memref<128x128xf32, #tpu.memory_space<vmem>>) dst(%dma_wait3A_127 : memref<10240x128xf32, #tpu.memory_space<vmem_shared>>)
        %scan3A_128 = arith.constant 0 : i32
        scf.yield %scan3A_128 : i32
      }
      %scan3A_36 = arith.constant 8 : i32
      %scan3A_37 = arith.constant 0 : i32
      scf.yield %scan3A_37 : i32
    }
    %scan3A_21 = arith.constant 5 : i32
    %barrier3A_22 = arith.constant 0 : index
    tpu.barrier barrier_id(%barrier3A_22)
    "tpu.region"() ({
      %run_scoped3A_23 = tpu.sem_alloc : memref<!tpu.dma_semaphore, #tpu.memory_space<semaphore_mem>>
      %dma_start3A_24 = arith.constant 0 : i32
      %dma_start3A_25 = tpu.memref_slice %arg6[%arg0, %mul3A_2, %dma_start3A_24] : memref<2x10240x128xf32, #tpu.memory_space<hbm>> -> memref<1x640x128xf32, #tpu.memory_space<hbm>>
      %dma_start3A_26 = tpu.memref_squeeze %dma_start3A_25 : memref<1x640x128xf32, #tpu.memory_space<hbm>> -> memref<640x128xf32, #tpu.memory_space<hbm>>
      %dma_start3A_27 = arith.constant 0 : i32
      %dma_start3A_28 = tpu.memref_slice %arg10[%mul3A_2, %dma_start3A_27] : memref<10240x128xf32, #tpu.memory_space<vmem_shared>> -> memref<640x128xf32, #tpu.memory_space<vmem_shared>>
      tpu.enqueue_dma source(%dma_start3A_28 : memref<640x128xf32, #tpu.memory_space<vmem_shared>>) target(%dma_start3A_26 : memref<640x128xf32, #tpu.memory_space<hbm>>) target_semaphore(%run_scoped3A_23 : memref<!tpu.dma_semaphore, #tpu.memory_space<semaphore_mem>>)
      %dma_wait3A = arith.constant 0 : i32
      %dma_wait3A_29 = tpu.memref_slice %arg6[%arg0, %mul3A_2, %dma_wait3A] : memref<2x10240x128xf32, #tpu.memory_space<hbm>> -> memref<1x640x128xf32, #tpu.memory_space<hbm>>
      %dma_wait3A_30 = tpu.memref_squeeze %dma_wait3A_29 : memref<1x640x128xf32, #tpu.memory_space<hbm>> -> memref<640x128xf32, #tpu.memory_space<hbm>>
      %dma_wait3A_31 = arith.constant 0 : i32
      %dma_wait3A_32 = tpu.memref_slice %arg10[%mul3A_2, %dma_wait3A_31] : memref<10240x128xf32, #tpu.memory_space<vmem_shared>> -> memref<640x128xf32, #tpu.memory_space<vmem_shared>>
      tpu.wait_dma2 semaphore(%run_scoped3A_23 : memref<!tpu.dma_semaphore, #tpu.memory_space<semaphore_mem>>) src(%dma_wait3A_32 : memref<640x128xf32, #tpu.memory_space<vmem_shared>>) dst(%dma_wait3A_30 : memref<640x128xf32, #tpu.memory_space<hbm>>)
      tpu.yield
    }) : () -> ()
    return
  }
}

#map = affine_map<(d0, d1) -> (0, 0)>
#map1 = affine_map<(d0, d1) -> (0, 0, 0)>
module attributes {stable_mosaic.version = 14 : i64} {
  func.func @_sc_msgpass(%arg0: i32, %arg1: i32, %arg2: memref<10240x128xf32, #tpu.memory_space<hbm>>, %arg3: memref<32x80x128xi32, #tpu.memory_space<hbm>>, %arg4: memref<32x80x128xi32, #tpu.memory_space<hbm>>, %arg5: memref<10240x128xf32, #tpu.memory_space<hbm>>, %arg6: memref<2x10240x128xf32, #tpu.memory_space<hbm>>, %arg7: memref<2x16x128xi32, #tpu.memory_space<vmem>>, %arg8: memref<2x16x128xi32, #tpu.memory_space<vmem>>, %arg9: memref<2x128x128xf32, #tpu.memory_space<vmem>>, %arg10: memref<10240x128xf32, #tpu.memory_space<vmem_shared>>, %arg11: memref<!tpu.dma_semaphore, #tpu.memory_space<semaphore_mem>>, %arg12: memref<!tpu.dma_semaphore, #tpu.memory_space<semaphore_mem>>) attributes {dimension_semantics = [#tpu.dimension_semantics<core_parallel>, #tpu.dimension_semantics<subcore_parallel>], iteration_bounds = array<i64: 2, 16>, scalar_prefetch = 0 : i64, scratch_operands = 6 : i64, tpu.core_type = #tpu.core_type<sc_vector_subcore>, window_params = [{transform_indices = #map}, {transform_indices = #map1}, {transform_indices = #map1}, {transform_indices = #map}, {transform_indices = #map1}]} {
    %mul3A = arith.constant 2 : i32
    %mul3A_0 = arith.muli %arg1, %mul3A : i32
    %add3A = arith.addi %mul3A_0, %arg0 : i32
    %mul3A_1 = arith.constant 640 : i32
    %mul3A_2 = arith.muli %arg1, %mul3A_1 : i32
    "tpu.region"() ({
      %run_scoped3A_23 = tpu.sem_alloc : memref<!tpu.dma_semaphore, #tpu.memory_space<semaphore_mem>>
      %dma_start3A_24 = arith.constant 0 : i32
      %dma_start3A_25 = tpu.memref_slice %arg10[%mul3A_2, %dma_start3A_24] : memref<10240x128xf32, #tpu.memory_space<vmem_shared>> -> memref<640x128xf32, #tpu.memory_space<vmem_shared>>
      %dma_start3A_26 = arith.constant 0 : i32
      %dma_start3A_27 = tpu.memref_slice %arg5[%mul3A_2, %dma_start3A_26] : memref<10240x128xf32, #tpu.memory_space<hbm>> -> memref<640x128xf32, #tpu.memory_space<hbm>>
      tpu.enqueue_dma source(%dma_start3A_27 : memref<640x128xf32, #tpu.memory_space<hbm>>) target(%dma_start3A_25 : memref<640x128xf32, #tpu.memory_space<vmem_shared>>) target_semaphore(%run_scoped3A_23 : memref<!tpu.dma_semaphore, #tpu.memory_space<semaphore_mem>>)
      %dma_wait3A = arith.constant 0 : i32
      %dma_wait3A_28 = tpu.memref_slice %arg10[%mul3A_2, %dma_wait3A] : memref<10240x128xf32, #tpu.memory_space<vmem_shared>> -> memref<640x128xf32, #tpu.memory_space<vmem_shared>>
      %dma_wait3A_29 = arith.constant 0 : i32
      %dma_wait3A_30 = tpu.memref_slice %arg5[%mul3A_2, %dma_wait3A_29] : memref<10240x128xf32, #tpu.memory_space<hbm>> -> memref<640x128xf32, #tpu.memory_space<hbm>>
      tpu.wait_dma2 semaphore(%run_scoped3A_23 : memref<!tpu.dma_semaphore, #tpu.memory_space<semaphore_mem>>) src(%dma_wait3A_30 : memref<640x128xf32, #tpu.memory_space<hbm>>) dst(%dma_wait3A_28 : memref<640x128xf32, #tpu.memory_space<vmem_shared>>)
      tpu.yield
    }) : () -> ()
    %barrier3A = arith.constant 0 : index
    tpu.barrier barrier_id(%barrier3A)
    %run_scoped3A = arith.constant 0 : i32
    "tpu.region"() ({
      %run_scoped3A_23 = tpu.sem_alloc : memref<!tpu.dma_semaphore, #tpu.memory_space<semaphore_mem>>
      %dma_start3A_24 = arith.constant 0 : i32
      %dma_start3A_25 = arith.constant 0 : i32
      %dma_start3A_26 = tpu.memref_slice %arg7[%run_scoped3A, %dma_start3A_24, %dma_start3A_25] : memref<2x16x128xi32, #tpu.memory_space<vmem>> -> memref<1x16x128xi32, #tpu.memory_space<vmem>>
      %dma_start3A_27 = tpu.memref_squeeze %dma_start3A_26 : memref<1x16x128xi32, #tpu.memory_space<vmem>> -> memref<16x128xi32, #tpu.memory_space<vmem>>
      %dma_start3A_28 = arith.constant 0 : i32
      %dma_start3A_29 = arith.constant 0 : i32
      %dma_start3A_30 = tpu.memref_slice %arg3[%add3A, %dma_start3A_28, %dma_start3A_29] : memref<32x80x128xi32, #tpu.memory_space<hbm>> -> memref<1x16x128xi32, #tpu.memory_space<hbm>>
      %dma_start3A_31 = tpu.memref_squeeze %dma_start3A_30 : memref<1x16x128xi32, #tpu.memory_space<hbm>> -> memref<16x128xi32, #tpu.memory_space<hbm>>
      %dma_start3A_32 = arith.constant 0 : i32
      %dma_start3A_33 = arith.constant 0 : i32
      %dma_start3A_34 = tpu.memref_slice %arg7[%run_scoped3A, %dma_start3A_32, %dma_start3A_33] : memref<2x16x128xi32, #tpu.memory_space<vmem>> -> memref<1x16x128xi32, #tpu.memory_space<vmem>>
      %dma_start3A_35 = tpu.memref_squeeze %dma_start3A_34 : memref<1x16x128xi32, #tpu.memory_space<vmem>> -> memref<16x128xi32, #tpu.memory_space<vmem>>
      %dma_start3A_36 = arith.constant 0 : i32
      %dma_start3A_37 = arith.constant 0 : i32
      %dma_start3A_38 = tpu.memref_slice %arg3[%add3A, %dma_start3A_36, %dma_start3A_37] : memref<32x80x128xi32, #tpu.memory_space<hbm>> -> memref<1x16x128xi32, #tpu.memory_space<hbm>>
      %dma_start3A_39 = tpu.memref_squeeze %dma_start3A_38 : memref<1x16x128xi32, #tpu.memory_space<hbm>> -> memref<16x128xi32, #tpu.memory_space<hbm>>
      tpu.enqueue_dma source(%dma_start3A_39 : memref<16x128xi32, #tpu.memory_space<hbm>>) target(%dma_start3A_35 : memref<16x128xi32, #tpu.memory_space<vmem>>) target_semaphore(%run_scoped3A_23 : memref<!tpu.dma_semaphore, #tpu.memory_space<semaphore_mem>>)
      %dma_wait3A = arith.constant 0 : i32
      %dma_wait3A_40 = arith.constant 0 : i32
      %dma_wait3A_41 = tpu.memref_slice %arg7[%run_scoped3A, %dma_wait3A, %dma_wait3A_40] : memref<2x16x128xi32, #tpu.memory_space<vmem>> -> memref<1x16x128xi32, #tpu.memory_space<vmem>>
      %dma_wait3A_42 = tpu.memref_squeeze %dma_wait3A_41 : memref<1x16x128xi32, #tpu.memory_space<vmem>> -> memref<16x128xi32, #tpu.memory_space<vmem>>
      %dma_wait3A_43 = arith.constant 0 : i32
      %dma_wait3A_44 = arith.constant 0 : i32
      %dma_wait3A_45 = tpu.memref_slice %arg3[%add3A, %dma_wait3A_43, %dma_wait3A_44] : memref<32x80x128xi32, #tpu.memory_space<hbm>> -> memref<1x16x128xi32, #tpu.memory_space<hbm>>
      %dma_wait3A_46 = tpu.memref_squeeze %dma_wait3A_45 : memref<1x16x128xi32, #tpu.memory_space<hbm>> -> memref<16x128xi32, #tpu.memory_space<hbm>>
      %dma_wait3A_47 = arith.constant 0 : i32
      %dma_wait3A_48 = arith.constant 0 : i32
      %dma_wait3A_49 = tpu.memref_slice %arg7[%run_scoped3A, %dma_wait3A_47, %dma_wait3A_48] : memref<2x16x128xi32, #tpu.memory_space<vmem>> -> memref<1x16x128xi32, #tpu.memory_space<vmem>>
      %dma_wait3A_50 = tpu.memref_squeeze %dma_wait3A_49 : memref<1x16x128xi32, #tpu.memory_space<vmem>> -> memref<16x128xi32, #tpu.memory_space<vmem>>
      %dma_wait3A_51 = arith.constant 0 : i32
      %dma_wait3A_52 = arith.constant 0 : i32
      %dma_wait3A_53 = tpu.memref_slice %arg3[%add3A, %dma_wait3A_51, %dma_wait3A_52] : memref<32x80x128xi32, #tpu.memory_space<hbm>> -> memref<1x16x128xi32, #tpu.memory_space<hbm>>
      %dma_wait3A_54 = tpu.memref_squeeze %dma_wait3A_53 : memref<1x16x128xi32, #tpu.memory_space<hbm>> -> memref<16x128xi32, #tpu.memory_space<hbm>>
      tpu.wait_dma2 semaphore(%run_scoped3A_23 : memref<!tpu.dma_semaphore, #tpu.memory_space<semaphore_mem>>) src(%dma_wait3A_54 : memref<16x128xi32, #tpu.memory_space<hbm>>) dst(%dma_wait3A_50 : memref<16x128xi32, #tpu.memory_space<vmem>>)
      tpu.yield
    }) : () -> ()
    %run_scoped3A_3 = arith.constant 0 : i32
    "tpu.region"() ({
      %run_scoped3A_23 = tpu.sem_alloc : memref<!tpu.dma_semaphore, #tpu.memory_space<semaphore_mem>>
      %dma_start3A_24 = arith.constant 0 : i32
      %dma_start3A_25 = arith.constant 0 : i32
      %dma_start3A_26 = tpu.memref_slice %arg8[%run_scoped3A_3, %dma_start3A_24, %dma_start3A_25] : memref<2x16x128xi32, #tpu.memory_space<vmem>> -> memref<1x16x128xi32, #tpu.memory_space<vmem>>
      %dma_start3A_27 = tpu.memref_squeeze %dma_start3A_26 : memref<1x16x128xi32, #tpu.memory_space<vmem>> -> memref<16x128xi32, #tpu.memory_space<vmem>>
      %dma_start3A_28 = arith.constant 0 : i32
      %dma_start3A_29 = arith.constant 0 : i32
      %dma_start3A_30 = tpu.memref_slice %arg4[%add3A, %dma_start3A_28, %dma_start3A_29] : memref<32x80x128xi32, #tpu.memory_space<hbm>> -> memref<1x16x128xi32, #tpu.memory_space<hbm>>
      %dma_start3A_31 = tpu.memref_squeeze %dma_start3A_30 : memref<1x16x128xi32, #tpu.memory_space<hbm>> -> memref<16x128xi32, #tpu.memory_space<hbm>>
      %dma_start3A_32 = arith.constant 0 : i32
      %dma_start3A_33 = arith.constant 0 : i32
      %dma_start3A_34 = tpu.memref_slice %arg8[%run_scoped3A_3, %dma_start3A_32, %dma_start3A_33] : memref<2x16x128xi32, #tpu.memory_space<vmem>> -> memref<1x16x128xi32, #tpu.memory_space<vmem>>
      %dma_start3A_35 = tpu.memref_squeeze %dma_start3A_34 : memref<1x16x128xi32, #tpu.memory_space<vmem>> -> memref<16x128xi32, #tpu.memory_space<vmem>>
      %dma_start3A_36 = arith.constant 0 : i32
      %dma_start3A_37 = arith.constant 0 : i32
      %dma_start3A_38 = tpu.memref_slice %arg4[%add3A, %dma_start3A_36, %dma_start3A_37] : memref<32x80x128xi32, #tpu.memory_space<hbm>> -> memref<1x16x128xi32, #tpu.memory_space<hbm>>
      %dma_start3A_39 = tpu.memref_squeeze %dma_start3A_38 : memref<1x16x128xi32, #tpu.memory_space<hbm>> -> memref<16x128xi32, #tpu.memory_space<hbm>>
      tpu.enqueue_dma source(%dma_start3A_39 : memref<16x128xi32, #tpu.memory_space<hbm>>) target(%dma_start3A_35 : memref<16x128xi32, #tpu.memory_space<vmem>>) target_semaphore(%run_scoped3A_23 : memref<!tpu.dma_semaphore, #tpu.memory_space<semaphore_mem>>)
      %dma_wait3A = arith.constant 0 : i32
      %dma_wait3A_40 = arith.constant 0 : i32
      %dma_wait3A_41 = tpu.memref_slice %arg8[%run_scoped3A_3, %dma_wait3A, %dma_wait3A_40] : memref<2x16x128xi32, #tpu.memory_space<vmem>> -> memref<1x16x128xi32, #tpu.memory_space<vmem>>
      %dma_wait3A_42 = tpu.memref_squeeze %dma_wait3A_41 : memref<1x16x128xi32, #tpu.memory_space<vmem>> -> memref<16x128xi32, #tpu.memory_space<vmem>>
      %dma_wait3A_43 = arith.constant 0 : i32
      %dma_wait3A_44 = arith.constant 0 : i32
      %dma_wait3A_45 = tpu.memref_slice %arg4[%add3A, %dma_wait3A_43, %dma_wait3A_44] : memref<32x80x128xi32, #tpu.memory_space<hbm>> -> memref<1x16x128xi32, #tpu.memory_space<hbm>>
      %dma_wait3A_46 = tpu.memref_squeeze %dma_wait3A_45 : memref<1x16x128xi32, #tpu.memory_space<hbm>> -> memref<16x128xi32, #tpu.memory_space<hbm>>
      %dma_wait3A_47 = arith.constant 0 : i32
      %dma_wait3A_48 = arith.constant 0 : i32
      %dma_wait3A_49 = tpu.memref_slice %arg8[%run_scoped3A_3, %dma_wait3A_47, %dma_wait3A_48] : memref<2x16x128xi32, #tpu.memory_space<vmem>> -> memref<1x16x128xi32, #tpu.memory_space<vmem>>
      %dma_wait3A_50 = tpu.memref_squeeze %dma_wait3A_49 : memref<1x16x128xi32, #tpu.memory_space<vmem>> -> memref<16x128xi32, #tpu.memory_space<vmem>>
      %dma_wait3A_51 = arith.constant 0 : i32
      %dma_wait3A_52 = arith.constant 0 : i32
      %dma_wait3A_53 = tpu.memref_slice %arg4[%add3A, %dma_wait3A_51, %dma_wait3A_52] : memref<32x80x128xi32, #tpu.memory_space<hbm>> -> memref<1x16x128xi32, #tpu.memory_space<hbm>>
      %dma_wait3A_54 = tpu.memref_squeeze %dma_wait3A_53 : memref<1x16x128xi32, #tpu.memory_space<hbm>> -> memref<16x128xi32, #tpu.memory_space<hbm>>
      tpu.wait_dma2 semaphore(%run_scoped3A_23 : memref<!tpu.dma_semaphore, #tpu.memory_space<semaphore_mem>>) src(%dma_wait3A_54 : memref<16x128xi32, #tpu.memory_space<hbm>>) dst(%dma_wait3A_50 : memref<16x128xi32, #tpu.memory_space<vmem>>)
      tpu.yield
    }) : () -> ()
    %dma_start3A = arith.constant 0 : i32
    %dma_start3A_4 = arith.constant 0 : i32
    %dma_start3A_5 = arith.constant 0 : i32
    %dma_start3A_6 = arith.constant 0 : i32
    %dma_start3A_7 = arith.constant 0 : i32
    %dma_start3A_8 = tpu.memref_slice %arg9[%dma_start3A_5, %dma_start3A_6, %dma_start3A_7] : memref<2x128x128xf32, #tpu.memory_space<vmem>> -> memref<1x128x128xf32, #tpu.memory_space<vmem>>
    %dma_start3A_9 = tpu.memref_squeeze %dma_start3A_8 : memref<1x128x128xf32, #tpu.memory_space<vmem>> -> memref<128x128xf32, #tpu.memory_space<vmem>>
    %dma_start3A_10 = arith.constant 0 : i32
    %dma_start3A_11 = tpu.memref_slice %arg7[%dma_start3A, %dma_start3A_4, %dma_start3A_10] : memref<2x16x128xi32, #tpu.memory_space<vmem>> -> memref<1x1x128xi32, #tpu.memory_space<vmem>>
    %dma_start3A_12 = tpu.memref_squeeze %dma_start3A_11 : memref<1x1x128xi32, #tpu.memory_space<vmem>> -> memref<128xi32, #tpu.memory_space<vmem>>
    %dma_start3A_13 = arith.constant 0 : i32
    %dma_start3A_14 = arith.constant 0 : i32
    %dma_start3A_15 = tpu.memref_slice %arg2[%dma_start3A_13, %dma_start3A_14] : memref<10240x128xf32, #tpu.memory_space<hbm>> -> memref<10240x128xf32, #tpu.memory_space<hbm>>
    tpu.enqueue_indirect_dma source(%dma_start3A_15 : memref<10240x128xf32, #tpu.memory_space<hbm>>) target(%dma_start3A_9 : memref<128x128xf32, #tpu.memory_space<vmem>>) offsets(%dma_start3A_12 : memref<128xi32, #tpu.memory_space<vmem>>) semaphore(%arg11 : memref<!tpu.dma_semaphore, #tpu.memory_space<semaphore_mem>>)
    %scan3A = arith.constant 0 : i32
    %scan3A_16 = arith.constant 0 : i32
    %scan3A_17 = arith.constant 5 : i32
    %scan3A_18 = arith.addi %scan3A_16, %scan3A_17 : i32
    %scan3A_19 = arith.constant 1 : i32
    %scan3A_20 = scf.for %scan3A_23 = %scan3A_16 to %scan3A_18 step %scan3A_19 iter_args(%scan3A_24 = %scan3A) -> (i32)  : i32 {
      %rem3A = arith.constant 2 : i32
      %rem3A_25 = arith.remsi %scan3A_23, %rem3A : i32
      %add3A_26 = arith.constant 1 : i32
      %add3A_27 = arith.addi %scan3A_23, %add3A_26 : i32
      %lt3A = arith.constant 5 : i32
      %lt3A_28 = arith.cmpi slt, %add3A_27, %lt3A : i32
      %convert_element_type3A = arith.extui %lt3A_28 : i1 to i32
      %cond3A = arith.constant 0 : i32
      %cond3A_29 = arith.cmpi ne, %convert_element_type3A, %cond3A : i32
      scf.if %cond3A_29 {
        %add3A_38 = arith.constant 1 : i32
        %add3A_39 = arith.addi %scan3A_23, %add3A_38 : i32
        %rem3A_40 = arith.constant 2 : i32
        %rem3A_41 = arith.remsi %add3A_39, %rem3A_40 : i32
        %add3A_42 = arith.constant 1 : i32
        %add3A_43 = arith.addi %scan3A_23, %add3A_42 : i32
        %mul3A_44 = arith.constant 16 : i32
        %mul3A_45 = arith.muli %add3A_43, %mul3A_44 : i32
        "tpu.region"() ({
          %run_scoped3A_50 = tpu.sem_alloc : memref<!tpu.dma_semaphore, #tpu.memory_space<semaphore_mem>>
          %dma_start3A_51 = arith.constant 0 : i32
          %dma_start3A_52 = arith.constant 0 : i32
          %dma_start3A_53 = tpu.memref_slice %arg7[%rem3A_41, %dma_start3A_51, %dma_start3A_52] : memref<2x16x128xi32, #tpu.memory_space<vmem>> -> memref<1x16x128xi32, #tpu.memory_space<vmem>>
          %dma_start3A_54 = tpu.memref_squeeze %dma_start3A_53 : memref<1x16x128xi32, #tpu.memory_space<vmem>> -> memref<16x128xi32, #tpu.memory_space<vmem>>
          %dma_start3A_55 = arith.constant 0 : i32
          %dma_start3A_56 = tpu.memref_slice %arg3[%add3A, %mul3A_45, %dma_start3A_55] : memref<32x80x128xi32, #tpu.memory_space<hbm>> -> memref<1x16x128xi32, #tpu.memory_space<hbm>>
          %dma_start3A_57 = tpu.memref_squeeze %dma_start3A_56 : memref<1x16x128xi32, #tpu.memory_space<hbm>> -> memref<16x128xi32, #tpu.memory_space<hbm>>
          %dma_start3A_58 = arith.constant 0 : i32
          %dma_start3A_59 = arith.constant 0 : i32
          %dma_start3A_60 = tpu.memref_slice %arg7[%rem3A_41, %dma_start3A_58, %dma_start3A_59] : memref<2x16x128xi32, #tpu.memory_space<vmem>> -> memref<1x16x128xi32, #tpu.memory_space<vmem>>
          %dma_start3A_61 = tpu.memref_squeeze %dma_start3A_60 : memref<1x16x128xi32, #tpu.memory_space<vmem>> -> memref<16x128xi32, #tpu.memory_space<vmem>>
          %dma_start3A_62 = arith.constant 0 : i32
          %dma_start3A_63 = tpu.memref_slice %arg3[%add3A, %mul3A_45, %dma_start3A_62] : memref<32x80x128xi32, #tpu.memory_space<hbm>> -> memref<1x16x128xi32, #tpu.memory_space<hbm>>
          %dma_start3A_64 = tpu.memref_squeeze %dma_start3A_63 : memref<1x16x128xi32, #tpu.memory_space<hbm>> -> memref<16x128xi32, #tpu.memory_space<hbm>>
          tpu.enqueue_dma source(%dma_start3A_64 : memref<16x128xi32, #tpu.memory_space<hbm>>) target(%dma_start3A_61 : memref<16x128xi32, #tpu.memory_space<vmem>>) target_semaphore(%run_scoped3A_50 : memref<!tpu.dma_semaphore, #tpu.memory_space<semaphore_mem>>)
          %dma_wait3A = arith.constant 0 : i32
          %dma_wait3A_65 = arith.constant 0 : i32
          %dma_wait3A_66 = tpu.memref_slice %arg7[%rem3A_41, %dma_wait3A, %dma_wait3A_65] : memref<2x16x128xi32, #tpu.memory_space<vmem>> -> memref<1x16x128xi32, #tpu.memory_space<vmem>>
          %dma_wait3A_67 = tpu.memref_squeeze %dma_wait3A_66 : memref<1x16x128xi32, #tpu.memory_space<vmem>> -> memref<16x128xi32, #tpu.memory_space<vmem>>
          %dma_wait3A_68 = arith.constant 0 : i32
          %dma_wait3A_69 = tpu.memref_slice %arg3[%add3A, %mul3A_45, %dma_wait3A_68] : memref<32x80x128xi32, #tpu.memory_space<hbm>> -> memref<1x16x128xi32, #tpu.memory_space<hbm>>
          %dma_wait3A_70 = tpu.memref_squeeze %dma_wait3A_69 : memref<1x16x128xi32, #tpu.memory_space<hbm>> -> memref<16x128xi32, #tpu.memory_space<hbm>>
          %dma_wait3A_71 = arith.constant 0 : i32
          %dma_wait3A_72 = arith.constant 0 : i32
          %dma_wait3A_73 = tpu.memref_slice %arg7[%rem3A_41, %dma_wait3A_71, %dma_wait3A_72] : memref<2x16x128xi32, #tpu.memory_space<vmem>> -> memref<1x16x128xi32, #tpu.memory_space<vmem>>
          %dma_wait3A_74 = tpu.memref_squeeze %dma_wait3A_73 : memref<1x16x128xi32, #tpu.memory_space<vmem>> -> memref<16x128xi32, #tpu.memory_space<vmem>>
          %dma_wait3A_75 = arith.constant 0 : i32
          %dma_wait3A_76 = tpu.memref_slice %arg3[%add3A, %mul3A_45, %dma_wait3A_75] : memref<32x80x128xi32, #tpu.memory_space<hbm>> -> memref<1x16x128xi32, #tpu.memory_space<hbm>>
          %dma_wait3A_77 = tpu.memref_squeeze %dma_wait3A_76 : memref<1x16x128xi32, #tpu.memory_space<hbm>> -> memref<16x128xi32, #tpu.memory_space<hbm>>
          tpu.wait_dma2 semaphore(%run_scoped3A_50 : memref<!tpu.dma_semaphore, #tpu.memory_space<semaphore_mem>>) src(%dma_wait3A_77 : memref<16x128xi32, #tpu.memory_space<hbm>>) dst(%dma_wait3A_74 : memref<16x128xi32, #tpu.memory_space<vmem>>)
          tpu.yield
        }) : () -> ()
        %add3A_46 = arith.constant 1 : i32
        %add3A_47 = arith.addi %scan3A_23, %add3A_46 : i32
        %mul3A_48 = arith.constant 16 : i32
        %mul3A_49 = arith.muli %add3A_47, %mul3A_48 : i32
        "tpu.region"() ({
          %run_scoped3A_50 = tpu.sem_alloc : memref<!tpu.dma_semaphore, #tpu.memory_space<semaphore_mem>>
          %dma_start3A_51 = arith.constant 0 : i32
          %dma_start3A_52 = arith.constant 0 : i32
          %dma_start3A_53 = tpu.memref_slice %arg8[%rem3A_41, %dma_start3A_51, %dma_start3A_52] : memref<2x16x128xi32, #tpu.memory_space<vmem>> -> memref<1x16x128xi32, #tpu.memory_space<vmem>>
          %dma_start3A_54 = tpu.memref_squeeze %dma_start3A_53 : memref<1x16x128xi32, #tpu.memory_space<vmem>> -> memref<16x128xi32, #tpu.memory_space<vmem>>
          %dma_start3A_55 = arith.constant 0 : i32
          %dma_start3A_56 = tpu.memref_slice %arg4[%add3A, %mul3A_49, %dma_start3A_55] : memref<32x80x128xi32, #tpu.memory_space<hbm>> -> memref<1x16x128xi32, #tpu.memory_space<hbm>>
          %dma_start3A_57 = tpu.memref_squeeze %dma_start3A_56 : memref<1x16x128xi32, #tpu.memory_space<hbm>> -> memref<16x128xi32, #tpu.memory_space<hbm>>
          %dma_start3A_58 = arith.constant 0 : i32
          %dma_start3A_59 = arith.constant 0 : i32
          %dma_start3A_60 = tpu.memref_slice %arg8[%rem3A_41, %dma_start3A_58, %dma_start3A_59] : memref<2x16x128xi32, #tpu.memory_space<vmem>> -> memref<1x16x128xi32, #tpu.memory_space<vmem>>
          %dma_start3A_61 = tpu.memref_squeeze %dma_start3A_60 : memref<1x16x128xi32, #tpu.memory_space<vmem>> -> memref<16x128xi32, #tpu.memory_space<vmem>>
          %dma_start3A_62 = arith.constant 0 : i32
          %dma_start3A_63 = tpu.memref_slice %arg4[%add3A, %mul3A_49, %dma_start3A_62] : memref<32x80x128xi32, #tpu.memory_space<hbm>> -> memref<1x16x128xi32, #tpu.memory_space<hbm>>
          %dma_start3A_64 = tpu.memref_squeeze %dma_start3A_63 : memref<1x16x128xi32, #tpu.memory_space<hbm>> -> memref<16x128xi32, #tpu.memory_space<hbm>>
          tpu.enqueue_dma source(%dma_start3A_64 : memref<16x128xi32, #tpu.memory_space<hbm>>) target(%dma_start3A_61 : memref<16x128xi32, #tpu.memory_space<vmem>>) target_semaphore(%run_scoped3A_50 : memref<!tpu.dma_semaphore, #tpu.memory_space<semaphore_mem>>)
          %dma_wait3A = arith.constant 0 : i32
          %dma_wait3A_65 = arith.constant 0 : i32
          %dma_wait3A_66 = tpu.memref_slice %arg8[%rem3A_41, %dma_wait3A, %dma_wait3A_65] : memref<2x16x128xi32, #tpu.memory_space<vmem>> -> memref<1x16x128xi32, #tpu.memory_space<vmem>>
          %dma_wait3A_67 = tpu.memref_squeeze %dma_wait3A_66 : memref<1x16x128xi32, #tpu.memory_space<vmem>> -> memref<16x128xi32, #tpu.memory_space<vmem>>
          %dma_wait3A_68 = arith.constant 0 : i32
          %dma_wait3A_69 = tpu.memref_slice %arg4[%add3A, %mul3A_49, %dma_wait3A_68] : memref<32x80x128xi32, #tpu.memory_space<hbm>> -> memref<1x16x128xi32, #tpu.memory_space<hbm>>
          %dma_wait3A_70 = tpu.memref_squeeze %dma_wait3A_69 : memref<1x16x128xi32, #tpu.memory_space<hbm>> -> memref<16x128xi32, #tpu.memory_space<hbm>>
          %dma_wait3A_71 = arith.constant 0 : i32
          %dma_wait3A_72 = arith.constant 0 : i32
          %dma_wait3A_73 = tpu.memref_slice %arg8[%rem3A_41, %dma_wait3A_71, %dma_wait3A_72] : memref<2x16x128xi32, #tpu.memory_space<vmem>> -> memref<1x16x128xi32, #tpu.memory_space<vmem>>
          %dma_wait3A_74 = tpu.memref_squeeze %dma_wait3A_73 : memref<1x16x128xi32, #tpu.memory_space<vmem>> -> memref<16x128xi32, #tpu.memory_space<vmem>>
          %dma_wait3A_75 = arith.constant 0 : i32
          %dma_wait3A_76 = tpu.memref_slice %arg4[%add3A, %mul3A_49, %dma_wait3A_75] : memref<32x80x128xi32, #tpu.memory_space<hbm>> -> memref<1x16x128xi32, #tpu.memory_space<hbm>>
          %dma_wait3A_77 = tpu.memref_squeeze %dma_wait3A_76 : memref<1x16x128xi32, #tpu.memory_space<hbm>> -> memref<16x128xi32, #tpu.memory_space<hbm>>
          tpu.wait_dma2 semaphore(%run_scoped3A_50 : memref<!tpu.dma_semaphore, #tpu.memory_space<semaphore_mem>>) src(%dma_wait3A_77 : memref<16x128xi32, #tpu.memory_space<hbm>>) dst(%dma_wait3A_74 : memref<16x128xi32, #tpu.memory_space<vmem>>)
          tpu.yield
        }) : () -> ()
      } else {
      }
      %scan3A_30 = arith.constant 0 : i32
      %scan3A_31 = arith.constant 0 : i32
      %scan3A_32 = arith.constant 8 : i32
      %scan3A_33 = arith.addi %scan3A_31, %scan3A_32 : i32
      %scan3A_34 = arith.constant 1 : i32
      %scan3A_35 = scf.for %scan3A_38 = %scan3A_31 to %scan3A_33 step %scan3A_34 iter_args(%scan3A_39 = %scan3A_30) -> (i32)  : i32 {
        %mul3A_40 = arith.constant 2 : i32
        %mul3A_41 = arith.muli %mul3A_40, %scan3A_38 : i32
        %mul3A_42 = arith.constant 16 : i32
        %mul3A_43 = arith.muli %scan3A_23, %mul3A_42 : i32
        %add3A_44 = arith.addi %mul3A_43, %mul3A_41 : i32
        %dma_wait3A = arith.constant 0 : i32
        %dma_wait3A_45 = arith.constant 0 : i32
        %dma_wait3A_46 = arith.constant 0 : i32
        %dma_wait3A_47 = tpu.memref_slice %arg9[%dma_wait3A, %dma_wait3A_45, %dma_wait3A_46] : memref<2x128x128xf32, #tpu.memory_space<vmem>> -> memref<1x128x128xf32, #tpu.memory_space<vmem>>
        %dma_wait3A_48 = tpu.memref_squeeze %dma_wait3A_47 : memref<1x128x128xf32, #tpu.memory_space<vmem>> -> memref<128x128xf32, #tpu.memory_space<vmem>>
        %dma_wait3A_49 = arith.constant 0 : i32
        %dma_wait3A_50 = tpu.memref_slice %arg7[%rem3A_25, %mul3A_41, %dma_wait3A_49] : memref<2x16x128xi32, #tpu.memory_space<vmem>> -> memref<1x1x128xi32, #tpu.memory_space<vmem>>
        %dma_wait3A_51 = tpu.memref_squeeze %dma_wait3A_50 : memref<1x1x128xi32, #tpu.memory_space<vmem>> -> memref<128xi32, #tpu.memory_space<vmem>>
        %dma_wait3A_52 = arith.constant 0 : i32
        %dma_wait3A_53 = arith.constant 0 : i32
        %dma_wait3A_54 = tpu.memref_slice %arg2[%dma_wait3A_52, %dma_wait3A_53] : memref<10240x128xf32, #tpu.memory_space<hbm>> -> memref<10240x128xf32, #tpu.memory_space<hbm>>
        tpu.wait_indirect_dma semaphore(%arg11 : memref<!tpu.dma_semaphore, #tpu.memory_space<semaphore_mem>>) src(%dma_wait3A_54 : memref<10240x128xf32, #tpu.memory_space<hbm>>) dst(%dma_wait3A_48 : memref<128x128xf32, #tpu.memory_space<vmem>>)
        %dma_start3A_55 = arith.constant 0 : i32
        %dma_start3A_56 = arith.constant 0 : i32
        %dma_start3A_57 = arith.constant 0 : i32
        %dma_start3A_58 = tpu.memref_slice %arg9[%dma_start3A_55, %dma_start3A_56, %dma_start3A_57] : memref<2x128x128xf32, #tpu.memory_space<vmem>> -> memref<1x128x128xf32, #tpu.memory_space<vmem>>
        %dma_start3A_59 = tpu.memref_squeeze %dma_start3A_58 : memref<1x128x128xf32, #tpu.memory_space<vmem>> -> memref<128x128xf32, #tpu.memory_space<vmem>>
        %dma_start3A_60 = arith.constant 0 : i32
        %dma_start3A_61 = tpu.memref_slice %arg8[%rem3A_25, %mul3A_41, %dma_start3A_60] : memref<2x16x128xi32, #tpu.memory_space<vmem>> -> memref<1x1x128xi32, #tpu.memory_space<vmem>>
        %dma_start3A_62 = tpu.memref_squeeze %dma_start3A_61 : memref<1x1x128xi32, #tpu.memory_space<vmem>> -> memref<128xi32, #tpu.memory_space<vmem>>
        %dma_start3A_63 = arith.constant 0 : i32
        %dma_start3A_64 = arith.constant 0 : i32
        %dma_start3A_65 = tpu.memref_slice %arg10[%dma_start3A_63, %dma_start3A_64] : memref<10240x128xf32, #tpu.memory_space<vmem_shared>> -> memref<10240x128xf32, #tpu.memory_space<vmem_shared>>
        tpu.enqueue_indirect_dma source(%dma_start3A_59 : memref<128x128xf32, #tpu.memory_space<vmem>>) target(%dma_start3A_65 : memref<10240x128xf32, #tpu.memory_space<vmem_shared>>) offsets(%dma_start3A_62 : memref<128xi32, #tpu.memory_space<vmem>>) semaphore(%arg12 : memref<!tpu.dma_semaphore, #tpu.memory_space<semaphore_mem>>) {add = true}
        %add3A_66 = arith.constant 1 : i32
        %add3A_67 = arith.addi %add3A_44, %add3A_66 : i32
        %lt3A_68 = arith.constant 80 : i32
        %lt3A_69 = arith.cmpi slt, %add3A_67, %lt3A_68 : i32
        %convert_element_type3A_70 = arith.extui %lt3A_69 : i1 to i32
        %cond3A_71 = arith.constant 0 : i32
        %cond3A_72 = arith.cmpi ne, %convert_element_type3A_70, %cond3A_71 : i32
        scf.if %cond3A_72 {
          %add3A_129 = arith.constant 1 : i32
          %add3A_130 = arith.addi %mul3A_41, %add3A_129 : i32
          %lt3A_131 = arith.constant 16 : i32
          %lt3A_132 = arith.cmpi slt, %add3A_130, %lt3A_131 : i32
          %add3A_133 = arith.constant 1 : i32
          %add3A_134 = arith.addi %scan3A_23, %add3A_133 : i32
          %rem3A_135 = arith.constant 2 : i32
          %rem3A_136 = arith.remsi %add3A_134, %rem3A_135 : i32
          %select_n3A = arith.select %lt3A_132, %rem3A_25, %rem3A_136 : i32
          %add3A_137 = arith.constant 1 : i32
          %add3A_138 = arith.addi %mul3A_41, %add3A_137 : i32
          %rem3A_139 = arith.constant 16 : i32
          %rem3A_140 = arith.remsi %add3A_138, %rem3A_139 : i32
          %dma_start3A_141 = arith.constant 1 : i32
          %dma_start3A_142 = arith.constant 0 : i32
          %dma_start3A_143 = arith.constant 0 : i32
          %dma_start3A_144 = tpu.memref_slice %arg9[%dma_start3A_141, %dma_start3A_142, %dma_start3A_143] : memref<2x128x128xf32, #tpu.memory_space<vmem>> -> memref<1x128x128xf32, #tpu.memory_space<vmem>>
          %dma_start3A_145 = tpu.memref_squeeze %dma_start3A_144 : memref<1x128x128xf32, #tpu.memory_space<vmem>> -> memref<128x128xf32, #tpu.memory_space<vmem>>
          %dma_start3A_146 = arith.constant 0 : i32
          %dma_start3A_147 = tpu.memref_slice %arg7[%select_n3A, %rem3A_140, %dma_start3A_146] : memref<2x16x128xi32, #tpu.memory_space<vmem>> -> memref<1x1x128xi32, #tpu.memory_space<vmem>>
          %dma_start3A_148 = tpu.memref_squeeze %dma_start3A_147 : memref<1x1x128xi32, #tpu.memory_space<vmem>> -> memref<128xi32, #tpu.memory_space<vmem>>
          %dma_start3A_149 = arith.constant 0 : i32
          %dma_start3A_150 = arith.constant 0 : i32
          %dma_start3A_151 = tpu.memref_slice %arg2[%dma_start3A_149, %dma_start3A_150] : memref<10240x128xf32, #tpu.memory_space<hbm>> -> memref<10240x128xf32, #tpu.memory_space<hbm>>
          tpu.enqueue_indirect_dma source(%dma_start3A_151 : memref<10240x128xf32, #tpu.memory_space<hbm>>) target(%dma_start3A_145 : memref<128x128xf32, #tpu.memory_space<vmem>>) offsets(%dma_start3A_148 : memref<128xi32, #tpu.memory_space<vmem>>) semaphore(%arg11 : memref<!tpu.dma_semaphore, #tpu.memory_space<semaphore_mem>>)
        } else {
        }
        %dma_wait3A_73 = arith.constant 0 : i32
        %dma_wait3A_74 = arith.constant 0 : i32
        %dma_wait3A_75 = arith.constant 0 : i32
        %dma_wait3A_76 = tpu.memref_slice %arg9[%dma_wait3A_73, %dma_wait3A_74, %dma_wait3A_75] : memref<2x128x128xf32, #tpu.memory_space<vmem>> -> memref<1x128x128xf32, #tpu.memory_space<vmem>>
        %dma_wait3A_77 = tpu.memref_squeeze %dma_wait3A_76 : memref<1x128x128xf32, #tpu.memory_space<vmem>> -> memref<128x128xf32, #tpu.memory_space<vmem>>
        %dma_wait3A_78 = arith.constant 0 : i32
        %dma_wait3A_79 = tpu.memref_slice %arg8[%rem3A_25, %mul3A_41, %dma_wait3A_78] : memref<2x16x128xi32, #tpu.memory_space<vmem>> -> memref<1x1x128xi32, #tpu.memory_space<vmem>>
        %dma_wait3A_80 = tpu.memref_squeeze %dma_wait3A_79 : memref<1x1x128xi32, #tpu.memory_space<vmem>> -> memref<128xi32, #tpu.memory_space<vmem>>
        %dma_wait3A_81 = arith.constant 0 : i32
        %dma_wait3A_82 = arith.constant 0 : i32
        %dma_wait3A_83 = tpu.memref_slice %arg10[%dma_wait3A_81, %dma_wait3A_82] : memref<10240x128xf32, #tpu.memory_space<vmem_shared>> -> memref<10240x128xf32, #tpu.memory_space<vmem_shared>>
        tpu.wait_indirect_dma semaphore(%arg12 : memref<!tpu.dma_semaphore, #tpu.memory_space<semaphore_mem>>) src(%dma_wait3A_77 : memref<128x128xf32, #tpu.memory_space<vmem>>) dst(%dma_wait3A_83 : memref<10240x128xf32, #tpu.memory_space<vmem_shared>>)
        %add3A_84 = arith.constant 1 : i32
        %add3A_85 = arith.addi %add3A_44, %add3A_84 : i32
        %add3A_86 = arith.constant 1 : i32
        %add3A_87 = arith.addi %mul3A_41, %add3A_86 : i32
        %dma_wait3A_88 = arith.constant 1 : i32
        %dma_wait3A_89 = arith.constant 0 : i32
        %dma_wait3A_90 = arith.constant 0 : i32
        %dma_wait3A_91 = tpu.memref_slice %arg9[%dma_wait3A_88, %dma_wait3A_89, %dma_wait3A_90] : memref<2x128x128xf32, #tpu.memory_space<vmem>> -> memref<1x128x128xf32, #tpu.memory_space<vmem>>
        %dma_wait3A_92 = tpu.memref_squeeze %dma_wait3A_91 : memref<1x128x128xf32, #tpu.memory_space<vmem>> -> memref<128x128xf32, #tpu.memory_space<vmem>>
        %dma_wait3A_93 = arith.constant 0 : i32
        %dma_wait3A_94 = tpu.memref_slice %arg7[%rem3A_25, %add3A_87, %dma_wait3A_93] : memref<2x16x128xi32, #tpu.memory_space<vmem>> -> memref<1x1x128xi32, #tpu.memory_space<vmem>>
        %dma_wait3A_95 = tpu.memref_squeeze %dma_wait3A_94 : memref<1x1x128xi32, #tpu.memory_space<vmem>> -> memref<128xi32, #tpu.memory_space<vmem>>
        %dma_wait3A_96 = arith.constant 0 : i32
        %dma_wait3A_97 = arith.constant 0 : i32
        %dma_wait3A_98 = tpu.memref_slice %arg2[%dma_wait3A_96, %dma_wait3A_97] : memref<10240x128xf32, #tpu.memory_space<hbm>> -> memref<10240x128xf32, #tpu.memory_space<hbm>>
        tpu.wait_indirect_dma semaphore(%arg11 : memref<!tpu.dma_semaphore, #tpu.memory_space<semaphore_mem>>) src(%dma_wait3A_98 : memref<10240x128xf32, #tpu.memory_space<hbm>>) dst(%dma_wait3A_92 : memref<128x128xf32, #tpu.memory_space<vmem>>)
        %dma_start3A_99 = arith.constant 1 : i32
        %dma_start3A_100 = arith.constant 0 : i32
        %dma_start3A_101 = arith.constant 0 : i32
        %dma_start3A_102 = tpu.memref_slice %arg9[%dma_start3A_99, %dma_start3A_100, %dma_start3A_101] : memref<2x128x128xf32, #tpu.memory_space<vmem>> -> memref<1x128x128xf32, #tpu.memory_space<vmem>>
        %dma_start3A_103 = tpu.memref_squeeze %dma_start3A_102 : memref<1x128x128xf32, #tpu.memory_space<vmem>> -> memref<128x128xf32, #tpu.memory_space<vmem>>
        %dma_start3A_104 = arith.constant 0 : i32
        %dma_start3A_105 = tpu.memref_slice %arg8[%rem3A_25, %add3A_87, %dma_start3A_104] : memref<2x16x128xi32, #tpu.memory_space<vmem>> -> memref<1x1x128xi32, #tpu.memory_space<vmem>>
        %dma_start3A_106 = tpu.memref_squeeze %dma_start3A_105 : memref<1x1x128xi32, #tpu.memory_space<vmem>> -> memref<128xi32, #tpu.memory_space<vmem>>
        %dma_start3A_107 = arith.constant 0 : i32
        %dma_start3A_108 = arith.constant 0 : i32
        %dma_start3A_109 = tpu.memref_slice %arg10[%dma_start3A_107, %dma_start3A_108] : memref<10240x128xf32, #tpu.memory_space<vmem_shared>> -> memref<10240x128xf32, #tpu.memory_space<vmem_shared>>
        tpu.enqueue_indirect_dma source(%dma_start3A_103 : memref<128x128xf32, #tpu.memory_space<vmem>>) target(%dma_start3A_109 : memref<10240x128xf32, #tpu.memory_space<vmem_shared>>) offsets(%dma_start3A_106 : memref<128xi32, #tpu.memory_space<vmem>>) semaphore(%arg12 : memref<!tpu.dma_semaphore, #tpu.memory_space<semaphore_mem>>) {add = true}
        %add3A_110 = arith.constant 1 : i32
        %add3A_111 = arith.addi %add3A_85, %add3A_110 : i32
        %lt3A_112 = arith.constant 80 : i32
        %lt3A_113 = arith.cmpi slt, %add3A_111, %lt3A_112 : i32
        %convert_element_type3A_114 = arith.extui %lt3A_113 : i1 to i32
        %cond3A_115 = arith.constant 0 : i32
        %cond3A_116 = arith.cmpi ne, %convert_element_type3A_114, %cond3A_115 : i32
        scf.if %cond3A_116 {
          %add3A_129 = arith.constant 1 : i32
          %add3A_130 = arith.addi %add3A_87, %add3A_129 : i32
          %lt3A_131 = arith.constant 16 : i32
          %lt3A_132 = arith.cmpi slt, %add3A_130, %lt3A_131 : i32
          %add3A_133 = arith.constant 1 : i32
          %add3A_134 = arith.addi %scan3A_23, %add3A_133 : i32
          %rem3A_135 = arith.constant 2 : i32
          %rem3A_136 = arith.remsi %add3A_134, %rem3A_135 : i32
          %select_n3A = arith.select %lt3A_132, %rem3A_25, %rem3A_136 : i32
          %add3A_137 = arith.constant 1 : i32
          %add3A_138 = arith.addi %add3A_87, %add3A_137 : i32
          %rem3A_139 = arith.constant 16 : i32
          %rem3A_140 = arith.remsi %add3A_138, %rem3A_139 : i32
          %dma_start3A_141 = arith.constant 0 : i32
          %dma_start3A_142 = arith.constant 0 : i32
          %dma_start3A_143 = arith.constant 0 : i32
          %dma_start3A_144 = tpu.memref_slice %arg9[%dma_start3A_141, %dma_start3A_142, %dma_start3A_143] : memref<2x128x128xf32, #tpu.memory_space<vmem>> -> memref<1x128x128xf32, #tpu.memory_space<vmem>>
          %dma_start3A_145 = tpu.memref_squeeze %dma_start3A_144 : memref<1x128x128xf32, #tpu.memory_space<vmem>> -> memref<128x128xf32, #tpu.memory_space<vmem>>
          %dma_start3A_146 = arith.constant 0 : i32
          %dma_start3A_147 = tpu.memref_slice %arg7[%select_n3A, %rem3A_140, %dma_start3A_146] : memref<2x16x128xi32, #tpu.memory_space<vmem>> -> memref<1x1x128xi32, #tpu.memory_space<vmem>>
          %dma_start3A_148 = tpu.memref_squeeze %dma_start3A_147 : memref<1x1x128xi32, #tpu.memory_space<vmem>> -> memref<128xi32, #tpu.memory_space<vmem>>
          %dma_start3A_149 = arith.constant 0 : i32
          %dma_start3A_150 = arith.constant 0 : i32
          %dma_start3A_151 = tpu.memref_slice %arg2[%dma_start3A_149, %dma_start3A_150] : memref<10240x128xf32, #tpu.memory_space<hbm>> -> memref<10240x128xf32, #tpu.memory_space<hbm>>
          tpu.enqueue_indirect_dma source(%dma_start3A_151 : memref<10240x128xf32, #tpu.memory_space<hbm>>) target(%dma_start3A_145 : memref<128x128xf32, #tpu.memory_space<vmem>>) offsets(%dma_start3A_148 : memref<128xi32, #tpu.memory_space<vmem>>) semaphore(%arg11 : memref<!tpu.dma_semaphore, #tpu.memory_space<semaphore_mem>>)
        } else {
        }
        %dma_wait3A_117 = arith.constant 1 : i32
        %dma_wait3A_118 = arith.constant 0 : i32
        %dma_wait3A_119 = arith.constant 0 : i32
        %dma_wait3A_120 = tpu.memref_slice %arg9[%dma_wait3A_117, %dma_wait3A_118, %dma_wait3A_119] : memref<2x128x128xf32, #tpu.memory_space<vmem>> -> memref<1x128x128xf32, #tpu.memory_space<vmem>>
        %dma_wait3A_121 = tpu.memref_squeeze %dma_wait3A_120 : memref<1x128x128xf32, #tpu.memory_space<vmem>> -> memref<128x128xf32, #tpu.memory_space<vmem>>
        %dma_wait3A_122 = arith.constant 0 : i32
        %dma_wait3A_123 = tpu.memref_slice %arg8[%rem3A_25, %add3A_87, %dma_wait3A_122] : memref<2x16x128xi32, #tpu.memory_space<vmem>> -> memref<1x1x128xi32, #tpu.memory_space<vmem>>
        %dma_wait3A_124 = tpu.memref_squeeze %dma_wait3A_123 : memref<1x1x128xi32, #tpu.memory_space<vmem>> -> memref<128xi32, #tpu.memory_space<vmem>>
        %dma_wait3A_125 = arith.constant 0 : i32
        %dma_wait3A_126 = arith.constant 0 : i32
        %dma_wait3A_127 = tpu.memref_slice %arg10[%dma_wait3A_125, %dma_wait3A_126] : memref<10240x128xf32, #tpu.memory_space<vmem_shared>> -> memref<10240x128xf32, #tpu.memory_space<vmem_shared>>
        tpu.wait_indirect_dma semaphore(%arg12 : memref<!tpu.dma_semaphore, #tpu.memory_space<semaphore_mem>>) src(%dma_wait3A_121 : memref<128x128xf32, #tpu.memory_space<vmem>>) dst(%dma_wait3A_127 : memref<10240x128xf32, #tpu.memory_space<vmem_shared>>)
        %scan3A_128 = arith.constant 0 : i32
        scf.yield %scan3A_128 : i32
      }
      %scan3A_36 = arith.constant 8 : i32
      %scan3A_37 = arith.constant 0 : i32
      scf.yield %scan3A_37 : i32
    }
    %scan3A_21 = arith.constant 5 : i32
    %barrier3A_22 = arith.constant 0 : index
    tpu.barrier barrier_id(%barrier3A_22)
    "tpu.region"() ({
      %run_scoped3A_23 = tpu.sem_alloc : memref<!tpu.dma_semaphore, #tpu.memory_space<semaphore_mem>>
      %dma_start3A_24 = arith.constant 0 : i32
      %dma_start3A_25 = tpu.memref_slice %arg6[%arg0, %mul3A_2, %dma_start3A_24] : memref<2x10240x128xf32, #tpu.memory_space<hbm>> -> memref<1x640x128xf32, #tpu.memory_space<hbm>>
      %dma_start3A_26 = tpu.memref_squeeze %dma_start3A_25 : memref<1x640x128xf32, #tpu.memory_space<hbm>> -> memref<640x128xf32, #tpu.memory_space<hbm>>
      %dma_start3A_27 = arith.constant 0 : i32
      %dma_start3A_28 = tpu.memref_slice %arg10[%mul3A_2, %dma_start3A_27] : memref<10240x128xf32, #tpu.memory_space<vmem_shared>> -> memref<640x128xf32, #tpu.memory_space<vmem_shared>>
      tpu.enqueue_dma source(%dma_start3A_28 : memref<640x128xf32, #tpu.memory_space<vmem_shared>>) target(%dma_start3A_26 : memref<640x128xf32, #tpu.memory_space<hbm>>) target_semaphore(%run_scoped3A_23 : memref<!tpu.dma_semaphore, #tpu.memory_space<semaphore_mem>>)
      %dma_wait3A = arith.constant 0 : i32
      %dma_wait3A_29 = tpu.memref_slice %arg6[%arg0, %mul3A_2, %dma_wait3A] : memref<2x10240x128xf32, #tpu.memory_space<hbm>> -> memref<1x640x128xf32, #tpu.memory_space<hbm>>
      %dma_wait3A_30 = tpu.memref_squeeze %dma_wait3A_29 : memref<1x640x128xf32, #tpu.memory_space<hbm>> -> memref<640x128xf32, #tpu.memory_space<hbm>>
      %dma_wait3A_31 = arith.constant 0 : i32
      %dma_wait3A_32 = tpu.memref_slice %arg10[%mul3A_2, %dma_wait3A_31] : memref<10240x128xf32, #tpu.memory_space<vmem_shared>> -> memref<640x128xf32, #tpu.memory_space<vmem_shared>>
      tpu.wait_dma2 semaphore(%run_scoped3A_23 : memref<!tpu.dma_semaphore, #tpu.memory_space<semaphore_mem>>) src(%dma_wait3A_32 : memref<640x128xf32, #tpu.memory_space<vmem_shared>>) dst(%dma_wait3A_30 : memref<640x128xf32, #tpu.memory_space<hbm>>)
      tpu.yield
    }) : () -> ()
    return
  }
}

#map = affine_map<(d0, d1) -> (0, 0)>
#map1 = affine_map<(d0, d1) -> (0, 0, 0)>
module attributes {stable_mosaic.version = 14 : i64} {
  func.func @_sc_msgpass(%arg0: i32, %arg1: i32, %arg2: memref<10240x128xf32, #tpu.memory_space<hbm>>, %arg3: memref<32x80x128xi32, #tpu.memory_space<hbm>>, %arg4: memref<32x80x128xi32, #tpu.memory_space<hbm>>, %arg5: memref<10240x128xf32, #tpu.memory_space<hbm>>, %arg6: memref<2x10240x128xf32, #tpu.memory_space<hbm>>, %arg7: memref<2x16x128xi32, #tpu.memory_space<vmem>>, %arg8: memref<2x16x128xi32, #tpu.memory_space<vmem>>, %arg9: memref<2x128x128xf32, #tpu.memory_space<vmem>>, %arg10: memref<10240x128xf32, #tpu.memory_space<vmem_shared>>, %arg11: memref<!tpu.dma_semaphore, #tpu.memory_space<semaphore_mem>>, %arg12: memref<!tpu.dma_semaphore, #tpu.memory_space<semaphore_mem>>) attributes {dimension_semantics = [#tpu.dimension_semantics<core_parallel>, #tpu.dimension_semantics<subcore_parallel>], iteration_bounds = array<i64: 2, 16>, scalar_prefetch = 0 : i64, scratch_operands = 6 : i64, tpu.core_type = #tpu.core_type<sc_vector_subcore>, window_params = [{transform_indices = #map}, {transform_indices = #map1}, {transform_indices = #map1}, {transform_indices = #map}, {transform_indices = #map1}]} {
    %mul3A = arith.constant 2 : i32
    %mul3A_0 = arith.muli %arg1, %mul3A : i32
    %add3A = arith.addi %mul3A_0, %arg0 : i32
    %mul3A_1 = arith.constant 640 : i32
    %mul3A_2 = arith.muli %arg1, %mul3A_1 : i32
    "tpu.region"() ({
      %run_scoped3A_23 = tpu.sem_alloc : memref<!tpu.dma_semaphore, #tpu.memory_space<semaphore_mem>>
      %dma_start3A_24 = arith.constant 0 : i32
      %dma_start3A_25 = tpu.memref_slice %arg10[%mul3A_2, %dma_start3A_24] : memref<10240x128xf32, #tpu.memory_space<vmem_shared>> -> memref<640x128xf32, #tpu.memory_space<vmem_shared>>
      %dma_start3A_26 = arith.constant 0 : i32
      %dma_start3A_27 = tpu.memref_slice %arg5[%mul3A_2, %dma_start3A_26] : memref<10240x128xf32, #tpu.memory_space<hbm>> -> memref<640x128xf32, #tpu.memory_space<hbm>>
      tpu.enqueue_dma source(%dma_start3A_27 : memref<640x128xf32, #tpu.memory_space<hbm>>) target(%dma_start3A_25 : memref<640x128xf32, #tpu.memory_space<vmem_shared>>) target_semaphore(%run_scoped3A_23 : memref<!tpu.dma_semaphore, #tpu.memory_space<semaphore_mem>>)
      %dma_wait3A = arith.constant 0 : i32
      %dma_wait3A_28 = tpu.memref_slice %arg10[%mul3A_2, %dma_wait3A] : memref<10240x128xf32, #tpu.memory_space<vmem_shared>> -> memref<640x128xf32, #tpu.memory_space<vmem_shared>>
      %dma_wait3A_29 = arith.constant 0 : i32
      %dma_wait3A_30 = tpu.memref_slice %arg5[%mul3A_2, %dma_wait3A_29] : memref<10240x128xf32, #tpu.memory_space<hbm>> -> memref<640x128xf32, #tpu.memory_space<hbm>>
      tpu.wait_dma2 semaphore(%run_scoped3A_23 : memref<!tpu.dma_semaphore, #tpu.memory_space<semaphore_mem>>) src(%dma_wait3A_30 : memref<640x128xf32, #tpu.memory_space<hbm>>) dst(%dma_wait3A_28 : memref<640x128xf32, #tpu.memory_space<vmem_shared>>)
      tpu.yield
    }) : () -> ()
    %barrier3A = arith.constant 0 : index
    tpu.barrier barrier_id(%barrier3A)
    %run_scoped3A = arith.constant 0 : i32
    "tpu.region"() ({
      %run_scoped3A_23 = tpu.sem_alloc : memref<!tpu.dma_semaphore, #tpu.memory_space<semaphore_mem>>
      %dma_start3A_24 = arith.constant 0 : i32
      %dma_start3A_25 = arith.constant 0 : i32
      %dma_start3A_26 = tpu.memref_slice %arg7[%run_scoped3A, %dma_start3A_24, %dma_start3A_25] : memref<2x16x128xi32, #tpu.memory_space<vmem>> -> memref<1x16x128xi32, #tpu.memory_space<vmem>>
      %dma_start3A_27 = tpu.memref_squeeze %dma_start3A_26 : memref<1x16x128xi32, #tpu.memory_space<vmem>> -> memref<16x128xi32, #tpu.memory_space<vmem>>
      %dma_start3A_28 = arith.constant 0 : i32
      %dma_start3A_29 = arith.constant 0 : i32
      %dma_start3A_30 = tpu.memref_slice %arg3[%add3A, %dma_start3A_28, %dma_start3A_29] : memref<32x80x128xi32, #tpu.memory_space<hbm>> -> memref<1x16x128xi32, #tpu.memory_space<hbm>>
      %dma_start3A_31 = tpu.memref_squeeze %dma_start3A_30 : memref<1x16x128xi32, #tpu.memory_space<hbm>> -> memref<16x128xi32, #tpu.memory_space<hbm>>
      %dma_start3A_32 = arith.constant 0 : i32
      %dma_start3A_33 = arith.constant 0 : i32
      %dma_start3A_34 = tpu.memref_slice %arg7[%run_scoped3A, %dma_start3A_32, %dma_start3A_33] : memref<2x16x128xi32, #tpu.memory_space<vmem>> -> memref<1x16x128xi32, #tpu.memory_space<vmem>>
      %dma_start3A_35 = tpu.memref_squeeze %dma_start3A_34 : memref<1x16x128xi32, #tpu.memory_space<vmem>> -> memref<16x128xi32, #tpu.memory_space<vmem>>
      %dma_start3A_36 = arith.constant 0 : i32
      %dma_start3A_37 = arith.constant 0 : i32
      %dma_start3A_38 = tpu.memref_slice %arg3[%add3A, %dma_start3A_36, %dma_start3A_37] : memref<32x80x128xi32, #tpu.memory_space<hbm>> -> memref<1x16x128xi32, #tpu.memory_space<hbm>>
      %dma_start3A_39 = tpu.memref_squeeze %dma_start3A_38 : memref<1x16x128xi32, #tpu.memory_space<hbm>> -> memref<16x128xi32, #tpu.memory_space<hbm>>
      tpu.enqueue_dma source(%dma_start3A_39 : memref<16x128xi32, #tpu.memory_space<hbm>>) target(%dma_start3A_35 : memref<16x128xi32, #tpu.memory_space<vmem>>) target_semaphore(%run_scoped3A_23 : memref<!tpu.dma_semaphore, #tpu.memory_space<semaphore_mem>>)
      %dma_wait3A = arith.constant 0 : i32
      %dma_wait3A_40 = arith.constant 0 : i32
      %dma_wait3A_41 = tpu.memref_slice %arg7[%run_scoped3A, %dma_wait3A, %dma_wait3A_40] : memref<2x16x128xi32, #tpu.memory_space<vmem>> -> memref<1x16x128xi32, #tpu.memory_space<vmem>>
      %dma_wait3A_42 = tpu.memref_squeeze %dma_wait3A_41 : memref<1x16x128xi32, #tpu.memory_space<vmem>> -> memref<16x128xi32, #tpu.memory_space<vmem>>
      %dma_wait3A_43 = arith.constant 0 : i32
      %dma_wait3A_44 = arith.constant 0 : i32
      %dma_wait3A_45 = tpu.memref_slice %arg3[%add3A, %dma_wait3A_43, %dma_wait3A_44] : memref<32x80x128xi32, #tpu.memory_space<hbm>> -> memref<1x16x128xi32, #tpu.memory_space<hbm>>
      %dma_wait3A_46 = tpu.memref_squeeze %dma_wait3A_45 : memref<1x16x128xi32, #tpu.memory_space<hbm>> -> memref<16x128xi32, #tpu.memory_space<hbm>>
      %dma_wait3A_47 = arith.constant 0 : i32
      %dma_wait3A_48 = arith.constant 0 : i32
      %dma_wait3A_49 = tpu.memref_slice %arg7[%run_scoped3A, %dma_wait3A_47, %dma_wait3A_48] : memref<2x16x128xi32, #tpu.memory_space<vmem>> -> memref<1x16x128xi32, #tpu.memory_space<vmem>>
      %dma_wait3A_50 = tpu.memref_squeeze %dma_wait3A_49 : memref<1x16x128xi32, #tpu.memory_space<vmem>> -> memref<16x128xi32, #tpu.memory_space<vmem>>
      %dma_wait3A_51 = arith.constant 0 : i32
      %dma_wait3A_52 = arith.constant 0 : i32
      %dma_wait3A_53 = tpu.memref_slice %arg3[%add3A, %dma_wait3A_51, %dma_wait3A_52] : memref<32x80x128xi32, #tpu.memory_space<hbm>> -> memref<1x16x128xi32, #tpu.memory_space<hbm>>
      %dma_wait3A_54 = tpu.memref_squeeze %dma_wait3A_53 : memref<1x16x128xi32, #tpu.memory_space<hbm>> -> memref<16x128xi32, #tpu.memory_space<hbm>>
      tpu.wait_dma2 semaphore(%run_scoped3A_23 : memref<!tpu.dma_semaphore, #tpu.memory_space<semaphore_mem>>) src(%dma_wait3A_54 : memref<16x128xi32, #tpu.memory_space<hbm>>) dst(%dma_wait3A_50 : memref<16x128xi32, #tpu.memory_space<vmem>>)
      tpu.yield
    }) : () -> ()
    %run_scoped3A_3 = arith.constant 0 : i32
    "tpu.region"() ({
      %run_scoped3A_23 = tpu.sem_alloc : memref<!tpu.dma_semaphore, #tpu.memory_space<semaphore_mem>>
      %dma_start3A_24 = arith.constant 0 : i32
      %dma_start3A_25 = arith.constant 0 : i32
      %dma_start3A_26 = tpu.memref_slice %arg8[%run_scoped3A_3, %dma_start3A_24, %dma_start3A_25] : memref<2x16x128xi32, #tpu.memory_space<vmem>> -> memref<1x16x128xi32, #tpu.memory_space<vmem>>
      %dma_start3A_27 = tpu.memref_squeeze %dma_start3A_26 : memref<1x16x128xi32, #tpu.memory_space<vmem>> -> memref<16x128xi32, #tpu.memory_space<vmem>>
      %dma_start3A_28 = arith.constant 0 : i32
      %dma_start3A_29 = arith.constant 0 : i32
      %dma_start3A_30 = tpu.memref_slice %arg4[%add3A, %dma_start3A_28, %dma_start3A_29] : memref<32x80x128xi32, #tpu.memory_space<hbm>> -> memref<1x16x128xi32, #tpu.memory_space<hbm>>
      %dma_start3A_31 = tpu.memref_squeeze %dma_start3A_30 : memref<1x16x128xi32, #tpu.memory_space<hbm>> -> memref<16x128xi32, #tpu.memory_space<hbm>>
      %dma_start3A_32 = arith.constant 0 : i32
      %dma_start3A_33 = arith.constant 0 : i32
      %dma_start3A_34 = tpu.memref_slice %arg8[%run_scoped3A_3, %dma_start3A_32, %dma_start3A_33] : memref<2x16x128xi32, #tpu.memory_space<vmem>> -> memref<1x16x128xi32, #tpu.memory_space<vmem>>
      %dma_start3A_35 = tpu.memref_squeeze %dma_start3A_34 : memref<1x16x128xi32, #tpu.memory_space<vmem>> -> memref<16x128xi32, #tpu.memory_space<vmem>>
      %dma_start3A_36 = arith.constant 0 : i32
      %dma_start3A_37 = arith.constant 0 : i32
      %dma_start3A_38 = tpu.memref_slice %arg4[%add3A, %dma_start3A_36, %dma_start3A_37] : memref<32x80x128xi32, #tpu.memory_space<hbm>> -> memref<1x16x128xi32, #tpu.memory_space<hbm>>
      %dma_start3A_39 = tpu.memref_squeeze %dma_start3A_38 : memref<1x16x128xi32, #tpu.memory_space<hbm>> -> memref<16x128xi32, #tpu.memory_space<hbm>>
      tpu.enqueue_dma source(%dma_start3A_39 : memref<16x128xi32, #tpu.memory_space<hbm>>) target(%dma_start3A_35 : memref<16x128xi32, #tpu.memory_space<vmem>>) target_semaphore(%run_scoped3A_23 : memref<!tpu.dma_semaphore, #tpu.memory_space<semaphore_mem>>)
      %dma_wait3A = arith.constant 0 : i32
      %dma_wait3A_40 = arith.constant 0 : i32
      %dma_wait3A_41 = tpu.memref_slice %arg8[%run_scoped3A_3, %dma_wait3A, %dma_wait3A_40] : memref<2x16x128xi32, #tpu.memory_space<vmem>> -> memref<1x16x128xi32, #tpu.memory_space<vmem>>
      %dma_wait3A_42 = tpu.memref_squeeze %dma_wait3A_41 : memref<1x16x128xi32, #tpu.memory_space<vmem>> -> memref<16x128xi32, #tpu.memory_space<vmem>>
      %dma_wait3A_43 = arith.constant 0 : i32
      %dma_wait3A_44 = arith.constant 0 : i32
      %dma_wait3A_45 = tpu.memref_slice %arg4[%add3A, %dma_wait3A_43, %dma_wait3A_44] : memref<32x80x128xi32, #tpu.memory_space<hbm>> -> memref<1x16x128xi32, #tpu.memory_space<hbm>>
      %dma_wait3A_46 = tpu.memref_squeeze %dma_wait3A_45 : memref<1x16x128xi32, #tpu.memory_space<hbm>> -> memref<16x128xi32, #tpu.memory_space<hbm>>
      %dma_wait3A_47 = arith.constant 0 : i32
      %dma_wait3A_48 = arith.constant 0 : i32
      %dma_wait3A_49 = tpu.memref_slice %arg8[%run_scoped3A_3, %dma_wait3A_47, %dma_wait3A_48] : memref<2x16x128xi32, #tpu.memory_space<vmem>> -> memref<1x16x128xi32, #tpu.memory_space<vmem>>
      %dma_wait3A_50 = tpu.memref_squeeze %dma_wait3A_49 : memref<1x16x128xi32, #tpu.memory_space<vmem>> -> memref<16x128xi32, #tpu.memory_space<vmem>>
      %dma_wait3A_51 = arith.constant 0 : i32
      %dma_wait3A_52 = arith.constant 0 : i32
      %dma_wait3A_53 = tpu.memref_slice %arg4[%add3A, %dma_wait3A_51, %dma_wait3A_52] : memref<32x80x128xi32, #tpu.memory_space<hbm>> -> memref<1x16x128xi32, #tpu.memory_space<hbm>>
      %dma_wait3A_54 = tpu.memref_squeeze %dma_wait3A_53 : memref<1x16x128xi32, #tpu.memory_space<hbm>> -> memref<16x128xi32, #tpu.memory_space<hbm>>
      tpu.wait_dma2 semaphore(%run_scoped3A_23 : memref<!tpu.dma_semaphore, #tpu.memory_space<semaphore_mem>>) src(%dma_wait3A_54 : memref<16x128xi32, #tpu.memory_space<hbm>>) dst(%dma_wait3A_50 : memref<16x128xi32, #tpu.memory_space<vmem>>)
      tpu.yield
    }) : () -> ()
    %dma_start3A = arith.constant 0 : i32
    %dma_start3A_4 = arith.constant 0 : i32
    %dma_start3A_5 = arith.constant 0 : i32
    %dma_start3A_6 = arith.constant 0 : i32
    %dma_start3A_7 = arith.constant 0 : i32
    %dma_start3A_8 = tpu.memref_slice %arg9[%dma_start3A_5, %dma_start3A_6, %dma_start3A_7] : memref<2x128x128xf32, #tpu.memory_space<vmem>> -> memref<1x128x128xf32, #tpu.memory_space<vmem>>
    %dma_start3A_9 = tpu.memref_squeeze %dma_start3A_8 : memref<1x128x128xf32, #tpu.memory_space<vmem>> -> memref<128x128xf32, #tpu.memory_space<vmem>>
    %dma_start3A_10 = arith.constant 0 : i32
    %dma_start3A_11 = tpu.memref_slice %arg7[%dma_start3A, %dma_start3A_4, %dma_start3A_10] : memref<2x16x128xi32, #tpu.memory_space<vmem>> -> memref<1x1x128xi32, #tpu.memory_space<vmem>>
    %dma_start3A_12 = tpu.memref_squeeze %dma_start3A_11 : memref<1x1x128xi32, #tpu.memory_space<vmem>> -> memref<128xi32, #tpu.memory_space<vmem>>
    %dma_start3A_13 = arith.constant 0 : i32
    %dma_start3A_14 = arith.constant 0 : i32
    %dma_start3A_15 = tpu.memref_slice %arg2[%dma_start3A_13, %dma_start3A_14] : memref<10240x128xf32, #tpu.memory_space<hbm>> -> memref<10240x128xf32, #tpu.memory_space<hbm>>
    tpu.enqueue_indirect_dma source(%dma_start3A_15 : memref<10240x128xf32, #tpu.memory_space<hbm>>) target(%dma_start3A_9 : memref<128x128xf32, #tpu.memory_space<vmem>>) offsets(%dma_start3A_12 : memref<128xi32, #tpu.memory_space<vmem>>) semaphore(%arg11 : memref<!tpu.dma_semaphore, #tpu.memory_space<semaphore_mem>>)
    %scan3A = arith.constant 0 : i32
    %scan3A_16 = arith.constant 0 : i32
    %scan3A_17 = arith.constant 5 : i32
    %scan3A_18 = arith.addi %scan3A_16, %scan3A_17 : i32
    %scan3A_19 = arith.constant 1 : i32
    %scan3A_20 = scf.for %scan3A_23 = %scan3A_16 to %scan3A_18 step %scan3A_19 iter_args(%scan3A_24 = %scan3A) -> (i32)  : i32 {
      %rem3A = arith.constant 2 : i32
      %rem3A_25 = arith.remsi %scan3A_23, %rem3A : i32
      %add3A_26 = arith.constant 1 : i32
      %add3A_27 = arith.addi %scan3A_23, %add3A_26 : i32
      %lt3A = arith.constant 5 : i32
      %lt3A_28 = arith.cmpi slt, %add3A_27, %lt3A : i32
      %convert_element_type3A = arith.extui %lt3A_28 : i1 to i32
      %cond3A = arith.constant 0 : i32
      %cond3A_29 = arith.cmpi ne, %convert_element_type3A, %cond3A : i32
      scf.if %cond3A_29 {
        %add3A_38 = arith.constant 1 : i32
        %add3A_39 = arith.addi %scan3A_23, %add3A_38 : i32
        %rem3A_40 = arith.constant 2 : i32
        %rem3A_41 = arith.remsi %add3A_39, %rem3A_40 : i32
        %add3A_42 = arith.constant 1 : i32
        %add3A_43 = arith.addi %scan3A_23, %add3A_42 : i32
        %mul3A_44 = arith.constant 16 : i32
        %mul3A_45 = arith.muli %add3A_43, %mul3A_44 : i32
        "tpu.region"() ({
          %run_scoped3A_50 = tpu.sem_alloc : memref<!tpu.dma_semaphore, #tpu.memory_space<semaphore_mem>>
          %dma_start3A_51 = arith.constant 0 : i32
          %dma_start3A_52 = arith.constant 0 : i32
          %dma_start3A_53 = tpu.memref_slice %arg7[%rem3A_41, %dma_start3A_51, %dma_start3A_52] : memref<2x16x128xi32, #tpu.memory_space<vmem>> -> memref<1x16x128xi32, #tpu.memory_space<vmem>>
          %dma_start3A_54 = tpu.memref_squeeze %dma_start3A_53 : memref<1x16x128xi32, #tpu.memory_space<vmem>> -> memref<16x128xi32, #tpu.memory_space<vmem>>
          %dma_start3A_55 = arith.constant 0 : i32
          %dma_start3A_56 = tpu.memref_slice %arg3[%add3A, %mul3A_45, %dma_start3A_55] : memref<32x80x128xi32, #tpu.memory_space<hbm>> -> memref<1x16x128xi32, #tpu.memory_space<hbm>>
          %dma_start3A_57 = tpu.memref_squeeze %dma_start3A_56 : memref<1x16x128xi32, #tpu.memory_space<hbm>> -> memref<16x128xi32, #tpu.memory_space<hbm>>
          %dma_start3A_58 = arith.constant 0 : i32
          %dma_start3A_59 = arith.constant 0 : i32
          %dma_start3A_60 = tpu.memref_slice %arg7[%rem3A_41, %dma_start3A_58, %dma_start3A_59] : memref<2x16x128xi32, #tpu.memory_space<vmem>> -> memref<1x16x128xi32, #tpu.memory_space<vmem>>
          %dma_start3A_61 = tpu.memref_squeeze %dma_start3A_60 : memref<1x16x128xi32, #tpu.memory_space<vmem>> -> memref<16x128xi32, #tpu.memory_space<vmem>>
          %dma_start3A_62 = arith.constant 0 : i32
          %dma_start3A_63 = tpu.memref_slice %arg3[%add3A, %mul3A_45, %dma_start3A_62] : memref<32x80x128xi32, #tpu.memory_space<hbm>> -> memref<1x16x128xi32, #tpu.memory_space<hbm>>
          %dma_start3A_64 = tpu.memref_squeeze %dma_start3A_63 : memref<1x16x128xi32, #tpu.memory_space<hbm>> -> memref<16x128xi32, #tpu.memory_space<hbm>>
          tpu.enqueue_dma source(%dma_start3A_64 : memref<16x128xi32, #tpu.memory_space<hbm>>) target(%dma_start3A_61 : memref<16x128xi32, #tpu.memory_space<vmem>>) target_semaphore(%run_scoped3A_50 : memref<!tpu.dma_semaphore, #tpu.memory_space<semaphore_mem>>)
          %dma_wait3A = arith.constant 0 : i32
          %dma_wait3A_65 = arith.constant 0 : i32
          %dma_wait3A_66 = tpu.memref_slice %arg7[%rem3A_41, %dma_wait3A, %dma_wait3A_65] : memref<2x16x128xi32, #tpu.memory_space<vmem>> -> memref<1x16x128xi32, #tpu.memory_space<vmem>>
          %dma_wait3A_67 = tpu.memref_squeeze %dma_wait3A_66 : memref<1x16x128xi32, #tpu.memory_space<vmem>> -> memref<16x128xi32, #tpu.memory_space<vmem>>
          %dma_wait3A_68 = arith.constant 0 : i32
          %dma_wait3A_69 = tpu.memref_slice %arg3[%add3A, %mul3A_45, %dma_wait3A_68] : memref<32x80x128xi32, #tpu.memory_space<hbm>> -> memref<1x16x128xi32, #tpu.memory_space<hbm>>
          %dma_wait3A_70 = tpu.memref_squeeze %dma_wait3A_69 : memref<1x16x128xi32, #tpu.memory_space<hbm>> -> memref<16x128xi32, #tpu.memory_space<hbm>>
          %dma_wait3A_71 = arith.constant 0 : i32
          %dma_wait3A_72 = arith.constant 0 : i32
          %dma_wait3A_73 = tpu.memref_slice %arg7[%rem3A_41, %dma_wait3A_71, %dma_wait3A_72] : memref<2x16x128xi32, #tpu.memory_space<vmem>> -> memref<1x16x128xi32, #tpu.memory_space<vmem>>
          %dma_wait3A_74 = tpu.memref_squeeze %dma_wait3A_73 : memref<1x16x128xi32, #tpu.memory_space<vmem>> -> memref<16x128xi32, #tpu.memory_space<vmem>>
          %dma_wait3A_75 = arith.constant 0 : i32
          %dma_wait3A_76 = tpu.memref_slice %arg3[%add3A, %mul3A_45, %dma_wait3A_75] : memref<32x80x128xi32, #tpu.memory_space<hbm>> -> memref<1x16x128xi32, #tpu.memory_space<hbm>>
          %dma_wait3A_77 = tpu.memref_squeeze %dma_wait3A_76 : memref<1x16x128xi32, #tpu.memory_space<hbm>> -> memref<16x128xi32, #tpu.memory_space<hbm>>
          tpu.wait_dma2 semaphore(%run_scoped3A_50 : memref<!tpu.dma_semaphore, #tpu.memory_space<semaphore_mem>>) src(%dma_wait3A_77 : memref<16x128xi32, #tpu.memory_space<hbm>>) dst(%dma_wait3A_74 : memref<16x128xi32, #tpu.memory_space<vmem>>)
          tpu.yield
        }) : () -> ()
        %add3A_46 = arith.constant 1 : i32
        %add3A_47 = arith.addi %scan3A_23, %add3A_46 : i32
        %mul3A_48 = arith.constant 16 : i32
        %mul3A_49 = arith.muli %add3A_47, %mul3A_48 : i32
        "tpu.region"() ({
          %run_scoped3A_50 = tpu.sem_alloc : memref<!tpu.dma_semaphore, #tpu.memory_space<semaphore_mem>>
          %dma_start3A_51 = arith.constant 0 : i32
          %dma_start3A_52 = arith.constant 0 : i32
          %dma_start3A_53 = tpu.memref_slice %arg8[%rem3A_41, %dma_start3A_51, %dma_start3A_52] : memref<2x16x128xi32, #tpu.memory_space<vmem>> -> memref<1x16x128xi32, #tpu.memory_space<vmem>>
          %dma_start3A_54 = tpu.memref_squeeze %dma_start3A_53 : memref<1x16x128xi32, #tpu.memory_space<vmem>> -> memref<16x128xi32, #tpu.memory_space<vmem>>
          %dma_start3A_55 = arith.constant 0 : i32
          %dma_start3A_56 = tpu.memref_slice %arg4[%add3A, %mul3A_49, %dma_start3A_55] : memref<32x80x128xi32, #tpu.memory_space<hbm>> -> memref<1x16x128xi32, #tpu.memory_space<hbm>>
          %dma_start3A_57 = tpu.memref_squeeze %dma_start3A_56 : memref<1x16x128xi32, #tpu.memory_space<hbm>> -> memref<16x128xi32, #tpu.memory_space<hbm>>
          %dma_start3A_58 = arith.constant 0 : i32
          %dma_start3A_59 = arith.constant 0 : i32
          %dma_start3A_60 = tpu.memref_slice %arg8[%rem3A_41, %dma_start3A_58, %dma_start3A_59] : memref<2x16x128xi32, #tpu.memory_space<vmem>> -> memref<1x16x128xi32, #tpu.memory_space<vmem>>
          %dma_start3A_61 = tpu.memref_squeeze %dma_start3A_60 : memref<1x16x128xi32, #tpu.memory_space<vmem>> -> memref<16x128xi32, #tpu.memory_space<vmem>>
          %dma_start3A_62 = arith.constant 0 : i32
          %dma_start3A_63 = tpu.memref_slice %arg4[%add3A, %mul3A_49, %dma_start3A_62] : memref<32x80x128xi32, #tpu.memory_space<hbm>> -> memref<1x16x128xi32, #tpu.memory_space<hbm>>
          %dma_start3A_64 = tpu.memref_squeeze %dma_start3A_63 : memref<1x16x128xi32, #tpu.memory_space<hbm>> -> memref<16x128xi32, #tpu.memory_space<hbm>>
          tpu.enqueue_dma source(%dma_start3A_64 : memref<16x128xi32, #tpu.memory_space<hbm>>) target(%dma_start3A_61 : memref<16x128xi32, #tpu.memory_space<vmem>>) target_semaphore(%run_scoped3A_50 : memref<!tpu.dma_semaphore, #tpu.memory_space<semaphore_mem>>)
          %dma_wait3A = arith.constant 0 : i32
          %dma_wait3A_65 = arith.constant 0 : i32
          %dma_wait3A_66 = tpu.memref_slice %arg8[%rem3A_41, %dma_wait3A, %dma_wait3A_65] : memref<2x16x128xi32, #tpu.memory_space<vmem>> -> memref<1x16x128xi32, #tpu.memory_space<vmem>>
          %dma_wait3A_67 = tpu.memref_squeeze %dma_wait3A_66 : memref<1x16x128xi32, #tpu.memory_space<vmem>> -> memref<16x128xi32, #tpu.memory_space<vmem>>
          %dma_wait3A_68 = arith.constant 0 : i32
          %dma_wait3A_69 = tpu.memref_slice %arg4[%add3A, %mul3A_49, %dma_wait3A_68] : memref<32x80x128xi32, #tpu.memory_space<hbm>> -> memref<1x16x128xi32, #tpu.memory_space<hbm>>
          %dma_wait3A_70 = tpu.memref_squeeze %dma_wait3A_69 : memref<1x16x128xi32, #tpu.memory_space<hbm>> -> memref<16x128xi32, #tpu.memory_space<hbm>>
          %dma_wait3A_71 = arith.constant 0 : i32
          %dma_wait3A_72 = arith.constant 0 : i32
          %dma_wait3A_73 = tpu.memref_slice %arg8[%rem3A_41, %dma_wait3A_71, %dma_wait3A_72] : memref<2x16x128xi32, #tpu.memory_space<vmem>> -> memref<1x16x128xi32, #tpu.memory_space<vmem>>
          %dma_wait3A_74 = tpu.memref_squeeze %dma_wait3A_73 : memref<1x16x128xi32, #tpu.memory_space<vmem>> -> memref<16x128xi32, #tpu.memory_space<vmem>>
          %dma_wait3A_75 = arith.constant 0 : i32
          %dma_wait3A_76 = tpu.memref_slice %arg4[%add3A, %mul3A_49, %dma_wait3A_75] : memref<32x80x128xi32, #tpu.memory_space<hbm>> -> memref<1x16x128xi32, #tpu.memory_space<hbm>>
          %dma_wait3A_77 = tpu.memref_squeeze %dma_wait3A_76 : memref<1x16x128xi32, #tpu.memory_space<hbm>> -> memref<16x128xi32, #tpu.memory_space<hbm>>
          tpu.wait_dma2 semaphore(%run_scoped3A_50 : memref<!tpu.dma_semaphore, #tpu.memory_space<semaphore_mem>>) src(%dma_wait3A_77 : memref<16x128xi32, #tpu.memory_space<hbm>>) dst(%dma_wait3A_74 : memref<16x128xi32, #tpu.memory_space<vmem>>)
          tpu.yield
        }) : () -> ()
      } else {
      }
      %scan3A_30 = arith.constant 0 : i32
      %scan3A_31 = arith.constant 0 : i32
      %scan3A_32 = arith.constant 8 : i32
      %scan3A_33 = arith.addi %scan3A_31, %scan3A_32 : i32
      %scan3A_34 = arith.constant 1 : i32
      %scan3A_35 = scf.for %scan3A_38 = %scan3A_31 to %scan3A_33 step %scan3A_34 iter_args(%scan3A_39 = %scan3A_30) -> (i32)  : i32 {
        %mul3A_40 = arith.constant 2 : i32
        %mul3A_41 = arith.muli %mul3A_40, %scan3A_38 : i32
        %mul3A_42 = arith.constant 16 : i32
        %mul3A_43 = arith.muli %scan3A_23, %mul3A_42 : i32
        %add3A_44 = arith.addi %mul3A_43, %mul3A_41 : i32
        %dma_wait3A = arith.constant 0 : i32
        %dma_wait3A_45 = arith.constant 0 : i32
        %dma_wait3A_46 = arith.constant 0 : i32
        %dma_wait3A_47 = tpu.memref_slice %arg9[%dma_wait3A, %dma_wait3A_45, %dma_wait3A_46] : memref<2x128x128xf32, #tpu.memory_space<vmem>> -> memref<1x128x128xf32, #tpu.memory_space<vmem>>
        %dma_wait3A_48 = tpu.memref_squeeze %dma_wait3A_47 : memref<1x128x128xf32, #tpu.memory_space<vmem>> -> memref<128x128xf32, #tpu.memory_space<vmem>>
        %dma_wait3A_49 = arith.constant 0 : i32
        %dma_wait3A_50 = tpu.memref_slice %arg7[%rem3A_25, %mul3A_41, %dma_wait3A_49] : memref<2x16x128xi32, #tpu.memory_space<vmem>> -> memref<1x1x128xi32, #tpu.memory_space<vmem>>
        %dma_wait3A_51 = tpu.memref_squeeze %dma_wait3A_50 : memref<1x1x128xi32, #tpu.memory_space<vmem>> -> memref<128xi32, #tpu.memory_space<vmem>>
        %dma_wait3A_52 = arith.constant 0 : i32
        %dma_wait3A_53 = arith.constant 0 : i32
        %dma_wait3A_54 = tpu.memref_slice %arg2[%dma_wait3A_52, %dma_wait3A_53] : memref<10240x128xf32, #tpu.memory_space<hbm>> -> memref<10240x128xf32, #tpu.memory_space<hbm>>
        tpu.wait_indirect_dma semaphore(%arg11 : memref<!tpu.dma_semaphore, #tpu.memory_space<semaphore_mem>>) src(%dma_wait3A_54 : memref<10240x128xf32, #tpu.memory_space<hbm>>) dst(%dma_wait3A_48 : memref<128x128xf32, #tpu.memory_space<vmem>>)
        %dma_start3A_55 = arith.constant 0 : i32
        %dma_start3A_56 = arith.constant 0 : i32
        %dma_start3A_57 = arith.constant 0 : i32
        %dma_start3A_58 = tpu.memref_slice %arg9[%dma_start3A_55, %dma_start3A_56, %dma_start3A_57] : memref<2x128x128xf32, #tpu.memory_space<vmem>> -> memref<1x128x128xf32, #tpu.memory_space<vmem>>
        %dma_start3A_59 = tpu.memref_squeeze %dma_start3A_58 : memref<1x128x128xf32, #tpu.memory_space<vmem>> -> memref<128x128xf32, #tpu.memory_space<vmem>>
        %dma_start3A_60 = arith.constant 0 : i32
        %dma_start3A_61 = tpu.memref_slice %arg8[%rem3A_25, %mul3A_41, %dma_start3A_60] : memref<2x16x128xi32, #tpu.memory_space<vmem>> -> memref<1x1x128xi32, #tpu.memory_space<vmem>>
        %dma_start3A_62 = tpu.memref_squeeze %dma_start3A_61 : memref<1x1x128xi32, #tpu.memory_space<vmem>> -> memref<128xi32, #tpu.memory_space<vmem>>
        %dma_start3A_63 = arith.constant 0 : i32
        %dma_start3A_64 = arith.constant 0 : i32
        %dma_start3A_65 = tpu.memref_slice %arg10[%dma_start3A_63, %dma_start3A_64] : memref<10240x128xf32, #tpu.memory_space<vmem_shared>> -> memref<10240x128xf32, #tpu.memory_space<vmem_shared>>
        tpu.enqueue_indirect_dma source(%dma_start3A_59 : memref<128x128xf32, #tpu.memory_space<vmem>>) target(%dma_start3A_65 : memref<10240x128xf32, #tpu.memory_space<vmem_shared>>) offsets(%dma_start3A_62 : memref<128xi32, #tpu.memory_space<vmem>>) semaphore(%arg12 : memref<!tpu.dma_semaphore, #tpu.memory_space<semaphore_mem>>) {add = true}
        %add3A_66 = arith.constant 1 : i32
        %add3A_67 = arith.addi %add3A_44, %add3A_66 : i32
        %lt3A_68 = arith.constant 80 : i32
        %lt3A_69 = arith.cmpi slt, %add3A_67, %lt3A_68 : i32
        %convert_element_type3A_70 = arith.extui %lt3A_69 : i1 to i32
        %cond3A_71 = arith.constant 0 : i32
        %cond3A_72 = arith.cmpi ne, %convert_element_type3A_70, %cond3A_71 : i32
        scf.if %cond3A_72 {
          %add3A_129 = arith.constant 1 : i32
          %add3A_130 = arith.addi %mul3A_41, %add3A_129 : i32
          %lt3A_131 = arith.constant 16 : i32
          %lt3A_132 = arith.cmpi slt, %add3A_130, %lt3A_131 : i32
          %add3A_133 = arith.constant 1 : i32
          %add3A_134 = arith.addi %scan3A_23, %add3A_133 : i32
          %rem3A_135 = arith.constant 2 : i32
          %rem3A_136 = arith.remsi %add3A_134, %rem3A_135 : i32
          %select_n3A = arith.select %lt3A_132, %rem3A_25, %rem3A_136 : i32
          %add3A_137 = arith.constant 1 : i32
          %add3A_138 = arith.addi %mul3A_41, %add3A_137 : i32
          %rem3A_139 = arith.constant 16 : i32
          %rem3A_140 = arith.remsi %add3A_138, %rem3A_139 : i32
          %dma_start3A_141 = arith.constant 1 : i32
          %dma_start3A_142 = arith.constant 0 : i32
          %dma_start3A_143 = arith.constant 0 : i32
          %dma_start3A_144 = tpu.memref_slice %arg9[%dma_start3A_141, %dma_start3A_142, %dma_start3A_143] : memref<2x128x128xf32, #tpu.memory_space<vmem>> -> memref<1x128x128xf32, #tpu.memory_space<vmem>>
          %dma_start3A_145 = tpu.memref_squeeze %dma_start3A_144 : memref<1x128x128xf32, #tpu.memory_space<vmem>> -> memref<128x128xf32, #tpu.memory_space<vmem>>
          %dma_start3A_146 = arith.constant 0 : i32
          %dma_start3A_147 = tpu.memref_slice %arg7[%select_n3A, %rem3A_140, %dma_start3A_146] : memref<2x16x128xi32, #tpu.memory_space<vmem>> -> memref<1x1x128xi32, #tpu.memory_space<vmem>>
          %dma_start3A_148 = tpu.memref_squeeze %dma_start3A_147 : memref<1x1x128xi32, #tpu.memory_space<vmem>> -> memref<128xi32, #tpu.memory_space<vmem>>
          %dma_start3A_149 = arith.constant 0 : i32
          %dma_start3A_150 = arith.constant 0 : i32
          %dma_start3A_151 = tpu.memref_slice %arg2[%dma_start3A_149, %dma_start3A_150] : memref<10240x128xf32, #tpu.memory_space<hbm>> -> memref<10240x128xf32, #tpu.memory_space<hbm>>
          tpu.enqueue_indirect_dma source(%dma_start3A_151 : memref<10240x128xf32, #tpu.memory_space<hbm>>) target(%dma_start3A_145 : memref<128x128xf32, #tpu.memory_space<vmem>>) offsets(%dma_start3A_148 : memref<128xi32, #tpu.memory_space<vmem>>) semaphore(%arg11 : memref<!tpu.dma_semaphore, #tpu.memory_space<semaphore_mem>>)
        } else {
        }
        %dma_wait3A_73 = arith.constant 0 : i32
        %dma_wait3A_74 = arith.constant 0 : i32
        %dma_wait3A_75 = arith.constant 0 : i32
        %dma_wait3A_76 = tpu.memref_slice %arg9[%dma_wait3A_73, %dma_wait3A_74, %dma_wait3A_75] : memref<2x128x128xf32, #tpu.memory_space<vmem>> -> memref<1x128x128xf32, #tpu.memory_space<vmem>>
        %dma_wait3A_77 = tpu.memref_squeeze %dma_wait3A_76 : memref<1x128x128xf32, #tpu.memory_space<vmem>> -> memref<128x128xf32, #tpu.memory_space<vmem>>
        %dma_wait3A_78 = arith.constant 0 : i32
        %dma_wait3A_79 = tpu.memref_slice %arg8[%rem3A_25, %mul3A_41, %dma_wait3A_78] : memref<2x16x128xi32, #tpu.memory_space<vmem>> -> memref<1x1x128xi32, #tpu.memory_space<vmem>>
        %dma_wait3A_80 = tpu.memref_squeeze %dma_wait3A_79 : memref<1x1x128xi32, #tpu.memory_space<vmem>> -> memref<128xi32, #tpu.memory_space<vmem>>
        %dma_wait3A_81 = arith.constant 0 : i32
        %dma_wait3A_82 = arith.constant 0 : i32
        %dma_wait3A_83 = tpu.memref_slice %arg10[%dma_wait3A_81, %dma_wait3A_82] : memref<10240x128xf32, #tpu.memory_space<vmem_shared>> -> memref<10240x128xf32, #tpu.memory_space<vmem_shared>>
        tpu.wait_indirect_dma semaphore(%arg12 : memref<!tpu.dma_semaphore, #tpu.memory_space<semaphore_mem>>) src(%dma_wait3A_77 : memref<128x128xf32, #tpu.memory_space<vmem>>) dst(%dma_wait3A_83 : memref<10240x128xf32, #tpu.memory_space<vmem_shared>>)
        %add3A_84 = arith.constant 1 : i32
        %add3A_85 = arith.addi %add3A_44, %add3A_84 : i32
        %add3A_86 = arith.constant 1 : i32
        %add3A_87 = arith.addi %mul3A_41, %add3A_86 : i32
        %dma_wait3A_88 = arith.constant 1 : i32
        %dma_wait3A_89 = arith.constant 0 : i32
        %dma_wait3A_90 = arith.constant 0 : i32
        %dma_wait3A_91 = tpu.memref_slice %arg9[%dma_wait3A_88, %dma_wait3A_89, %dma_wait3A_90] : memref<2x128x128xf32, #tpu.memory_space<vmem>> -> memref<1x128x128xf32, #tpu.memory_space<vmem>>
        %dma_wait3A_92 = tpu.memref_squeeze %dma_wait3A_91 : memref<1x128x128xf32, #tpu.memory_space<vmem>> -> memref<128x128xf32, #tpu.memory_space<vmem>>
        %dma_wait3A_93 = arith.constant 0 : i32
        %dma_wait3A_94 = tpu.memref_slice %arg7[%rem3A_25, %add3A_87, %dma_wait3A_93] : memref<2x16x128xi32, #tpu.memory_space<vmem>> -> memref<1x1x128xi32, #tpu.memory_space<vmem>>
        %dma_wait3A_95 = tpu.memref_squeeze %dma_wait3A_94 : memref<1x1x128xi32, #tpu.memory_space<vmem>> -> memref<128xi32, #tpu.memory_space<vmem>>
        %dma_wait3A_96 = arith.constant 0 : i32
        %dma_wait3A_97 = arith.constant 0 : i32
        %dma_wait3A_98 = tpu.memref_slice %arg2[%dma_wait3A_96, %dma_wait3A_97] : memref<10240x128xf32, #tpu.memory_space<hbm>> -> memref<10240x128xf32, #tpu.memory_space<hbm>>
        tpu.wait_indirect_dma semaphore(%arg11 : memref<!tpu.dma_semaphore, #tpu.memory_space<semaphore_mem>>) src(%dma_wait3A_98 : memref<10240x128xf32, #tpu.memory_space<hbm>>) dst(%dma_wait3A_92 : memref<128x128xf32, #tpu.memory_space<vmem>>)
        %dma_start3A_99 = arith.constant 1 : i32
        %dma_start3A_100 = arith.constant 0 : i32
        %dma_start3A_101 = arith.constant 0 : i32
        %dma_start3A_102 = tpu.memref_slice %arg9[%dma_start3A_99, %dma_start3A_100, %dma_start3A_101] : memref<2x128x128xf32, #tpu.memory_space<vmem>> -> memref<1x128x128xf32, #tpu.memory_space<vmem>>
        %dma_start3A_103 = tpu.memref_squeeze %dma_start3A_102 : memref<1x128x128xf32, #tpu.memory_space<vmem>> -> memref<128x128xf32, #tpu.memory_space<vmem>>
        %dma_start3A_104 = arith.constant 0 : i32
        %dma_start3A_105 = tpu.memref_slice %arg8[%rem3A_25, %add3A_87, %dma_start3A_104] : memref<2x16x128xi32, #tpu.memory_space<vmem>> -> memref<1x1x128xi32, #tpu.memory_space<vmem>>
        %dma_start3A_106 = tpu.memref_squeeze %dma_start3A_105 : memref<1x1x128xi32, #tpu.memory_space<vmem>> -> memref<128xi32, #tpu.memory_space<vmem>>
        %dma_start3A_107 = arith.constant 0 : i32
        %dma_start3A_108 = arith.constant 0 : i32
        %dma_start3A_109 = tpu.memref_slice %arg10[%dma_start3A_107, %dma_start3A_108] : memref<10240x128xf32, #tpu.memory_space<vmem_shared>> -> memref<10240x128xf32, #tpu.memory_space<vmem_shared>>
        tpu.enqueue_indirect_dma source(%dma_start3A_103 : memref<128x128xf32, #tpu.memory_space<vmem>>) target(%dma_start3A_109 : memref<10240x128xf32, #tpu.memory_space<vmem_shared>>) offsets(%dma_start3A_106 : memref<128xi32, #tpu.memory_space<vmem>>) semaphore(%arg12 : memref<!tpu.dma_semaphore, #tpu.memory_space<semaphore_mem>>) {add = true}
        %add3A_110 = arith.constant 1 : i32
        %add3A_111 = arith.addi %add3A_85, %add3A_110 : i32
        %lt3A_112 = arith.constant 80 : i32
        %lt3A_113 = arith.cmpi slt, %add3A_111, %lt3A_112 : i32
        %convert_element_type3A_114 = arith.extui %lt3A_113 : i1 to i32
        %cond3A_115 = arith.constant 0 : i32
        %cond3A_116 = arith.cmpi ne, %convert_element_type3A_114, %cond3A_115 : i32
        scf.if %cond3A_116 {
          %add3A_129 = arith.constant 1 : i32
          %add3A_130 = arith.addi %add3A_87, %add3A_129 : i32
          %lt3A_131 = arith.constant 16 : i32
          %lt3A_132 = arith.cmpi slt, %add3A_130, %lt3A_131 : i32
          %add3A_133 = arith.constant 1 : i32
          %add3A_134 = arith.addi %scan3A_23, %add3A_133 : i32
          %rem3A_135 = arith.constant 2 : i32
          %rem3A_136 = arith.remsi %add3A_134, %rem3A_135 : i32
          %select_n3A = arith.select %lt3A_132, %rem3A_25, %rem3A_136 : i32
          %add3A_137 = arith.constant 1 : i32
          %add3A_138 = arith.addi %add3A_87, %add3A_137 : i32
          %rem3A_139 = arith.constant 16 : i32
          %rem3A_140 = arith.remsi %add3A_138, %rem3A_139 : i32
          %dma_start3A_141 = arith.constant 0 : i32
          %dma_start3A_142 = arith.constant 0 : i32
          %dma_start3A_143 = arith.constant 0 : i32
          %dma_start3A_144 = tpu.memref_slice %arg9[%dma_start3A_141, %dma_start3A_142, %dma_start3A_143] : memref<2x128x128xf32, #tpu.memory_space<vmem>> -> memref<1x128x128xf32, #tpu.memory_space<vmem>>
          %dma_start3A_145 = tpu.memref_squeeze %dma_start3A_144 : memref<1x128x128xf32, #tpu.memory_space<vmem>> -> memref<128x128xf32, #tpu.memory_space<vmem>>
          %dma_start3A_146 = arith.constant 0 : i32
          %dma_start3A_147 = tpu.memref_slice %arg7[%select_n3A, %rem3A_140, %dma_start3A_146] : memref<2x16x128xi32, #tpu.memory_space<vmem>> -> memref<1x1x128xi32, #tpu.memory_space<vmem>>
          %dma_start3A_148 = tpu.memref_squeeze %dma_start3A_147 : memref<1x1x128xi32, #tpu.memory_space<vmem>> -> memref<128xi32, #tpu.memory_space<vmem>>
          %dma_start3A_149 = arith.constant 0 : i32
          %dma_start3A_150 = arith.constant 0 : i32
          %dma_start3A_151 = tpu.memref_slice %arg2[%dma_start3A_149, %dma_start3A_150] : memref<10240x128xf32, #tpu.memory_space<hbm>> -> memref<10240x128xf32, #tpu.memory_space<hbm>>
          tpu.enqueue_indirect_dma source(%dma_start3A_151 : memref<10240x128xf32, #tpu.memory_space<hbm>>) target(%dma_start3A_145 : memref<128x128xf32, #tpu.memory_space<vmem>>) offsets(%dma_start3A_148 : memref<128xi32, #tpu.memory_space<vmem>>) semaphore(%arg11 : memref<!tpu.dma_semaphore, #tpu.memory_space<semaphore_mem>>)
        } else {
        }
        %dma_wait3A_117 = arith.constant 1 : i32
        %dma_wait3A_118 = arith.constant 0 : i32
        %dma_wait3A_119 = arith.constant 0 : i32
        %dma_wait3A_120 = tpu.memref_slice %arg9[%dma_wait3A_117, %dma_wait3A_118, %dma_wait3A_119] : memref<2x128x128xf32, #tpu.memory_space<vmem>> -> memref<1x128x128xf32, #tpu.memory_space<vmem>>
        %dma_wait3A_121 = tpu.memref_squeeze %dma_wait3A_120 : memref<1x128x128xf32, #tpu.memory_space<vmem>> -> memref<128x128xf32, #tpu.memory_space<vmem>>
        %dma_wait3A_122 = arith.constant 0 : i32
        %dma_wait3A_123 = tpu.memref_slice %arg8[%rem3A_25, %add3A_87, %dma_wait3A_122] : memref<2x16x128xi32, #tpu.memory_space<vmem>> -> memref<1x1x128xi32, #tpu.memory_space<vmem>>
        %dma_wait3A_124 = tpu.memref_squeeze %dma_wait3A_123 : memref<1x1x128xi32, #tpu.memory_space<vmem>> -> memref<128xi32, #tpu.memory_space<vmem>>
        %dma_wait3A_125 = arith.constant 0 : i32
        %dma_wait3A_126 = arith.constant 0 : i32
        %dma_wait3A_127 = tpu.memref_slice %arg10[%dma_wait3A_125, %dma_wait3A_126] : memref<10240x128xf32, #tpu.memory_space<vmem_shared>> -> memref<10240x128xf32, #tpu.memory_space<vmem_shared>>
        tpu.wait_indirect_dma semaphore(%arg12 : memref<!tpu.dma_semaphore, #tpu.memory_space<semaphore_mem>>) src(%dma_wait3A_121 : memref<128x128xf32, #tpu.memory_space<vmem>>) dst(%dma_wait3A_127 : memref<10240x128xf32, #tpu.memory_space<vmem_shared>>)
        %scan3A_128 = arith.constant 0 : i32
        scf.yield %scan3A_128 : i32
      }
      %scan3A_36 = arith.constant 8 : i32
      %scan3A_37 = arith.constant 0 : i32
      scf.yield %scan3A_37 : i32
    }
    %scan3A_21 = arith.constant 5 : i32
    %barrier3A_22 = arith.constant 0 : index
    tpu.barrier barrier_id(%barrier3A_22)
    "tpu.region"() ({
      %run_scoped3A_23 = tpu.sem_alloc : memref<!tpu.dma_semaphore, #tpu.memory_space<semaphore_mem>>
      %dma_start3A_24 = arith.constant 0 : i32
      %dma_start3A_25 = tpu.memref_slice %arg6[%arg0, %mul3A_2, %dma_start3A_24] : memref<2x10240x128xf32, #tpu.memory_space<hbm>> -> memref<1x640x128xf32, #tpu.memory_space<hbm>>
      %dma_start3A_26 = tpu.memref_squeeze %dma_start3A_25 : memref<1x640x128xf32, #tpu.memory_space<hbm>> -> memref<640x128xf32, #tpu.memory_space<hbm>>
      %dma_start3A_27 = arith.constant 0 : i32
      %dma_start3A_28 = tpu.memref_slice %arg10[%mul3A_2, %dma_start3A_27] : memref<10240x128xf32, #tpu.memory_space<vmem_shared>> -> memref<640x128xf32, #tpu.memory_space<vmem_shared>>
      tpu.enqueue_dma source(%dma_start3A_28 : memref<640x128xf32, #tpu.memory_space<vmem_shared>>) target(%dma_start3A_26 : memref<640x128xf32, #tpu.memory_space<hbm>>) target_semaphore(%run_scoped3A_23 : memref<!tpu.dma_semaphore, #tpu.memory_space<semaphore_mem>>)
      %dma_wait3A = arith.constant 0 : i32
      %dma_wait3A_29 = tpu.memref_slice %arg6[%arg0, %mul3A_2, %dma_wait3A] : memref<2x10240x128xf32, #tpu.memory_space<hbm>> -> memref<1x640x128xf32, #tpu.memory_space<hbm>>
      %dma_wait3A_30 = tpu.memref_squeeze %dma_wait3A_29 : memref<1x640x128xf32, #tpu.memory_space<hbm>> -> memref<640x128xf32, #tpu.memory_space<hbm>>
      %dma_wait3A_31 = arith.constant 0 : i32
      %dma_wait3A_32 = tpu.memref_slice %arg10[%mul3A_2, %dma_wait3A_31] : memref<10240x128xf32, #tpu.memory_space<vmem_shared>> -> memref<640x128xf32, #tpu.memory_space<vmem_shared>>
      tpu.wait_dma2 semaphore(%run_scoped3A_23 : memref<!tpu.dma_semaphore, #tpu.memory_space<semaphore_mem>>) src(%dma_wait3A_32 : memref<640x128xf32, #tpu.memory_space<vmem_shared>>) dst(%dma_wait3A_30 : memref<640x128xf32, #tpu.memory_space<hbm>>)
      tpu.yield
    }) : () -> ()
    return
  }
}

module attributes {stable_mosaic.version = 14 : i64} {
  func.func @_tc_pre_body(%arg0: i32, %arg1: memref<2x512x128xf32, #tpu.memory_space<vmem>>, %arg2: memref<512x128xf32, #tpu.memory_space<vmem>>, %arg3: memref<128x128xf32, #tpu.memory_space<vmem>>, %arg4: memref<512x1xf32, #tpu.memory_space<vmem>>, %arg5: memref<512x128xf32, #tpu.memory_space<vmem>>) attributes {dimension_semantics = [#tpu.dimension_semantics<arbitrary>], iteration_bounds = array<i64: 20>, scalar_prefetch = 0 : i64, scratch_operands = 0 : i64, tpu.core_type = #tpu.core_type<tc>, window_params = [{transform_indices = @transform_0, window_bounds = array<i64: 2, 512, 128>}, {transform_indices = @transform_1, window_bounds = array<i64: 512, 128>}, {pipeline_mode = #tpu.pipeline_mode<synchronous>, transform_indices = @transform_2, window_bounds = array<i64: 128, 128>}, {transform_indices = @transform_3, window_bounds = array<i64: 512, 1>}, {transform_indices = @transform_4, window_bounds = array<i64: 512, 128>}]} {
    %get3A = arith.constant 0 : index
    %get3A_0 = arith.constant 0 : index
    %get3A_1 = arith.constant 0 : index
    %get3A_2 = vector.load %arg1[%get3A, %get3A_0, %get3A_1] : memref<2x512x128xf32, #tpu.memory_space<vmem>>, vector<1x512x1xf32>
    %get3A_3 = vector.shape_cast %get3A_2 : vector<1x512x1xf32> to vector<512x1xf32>
    %get3A_4 = arith.constant 1 : index
    %get3A_5 = arith.constant 0 : index
    %get3A_6 = arith.constant 0 : index
    %get3A_7 = vector.load %arg1[%get3A_4, %get3A_5, %get3A_6] : memref<2x512x128xf32, #tpu.memory_space<vmem>>, vector<1x512x1xf32>
    %get3A_8 = vector.shape_cast %get3A_7 : vector<1x512x1xf32> to vector<512x1xf32>
    %add3A = arith.addf %get3A_3, %get3A_8 : vector<512x1xf32>
    %add3A_9 = arith.constant 1.000000e+00 : f32
    %add3A_10 = vector.broadcast %add3A_9 : f32 to vector<512x1xf32>
    %add3A_11 = arith.addf %add3A, %add3A_10 : vector<512x1xf32>
    %iota3A = tpu.iota {dimensions = array<i32: 0>} : vector<512x1xi32>
    %mul3A = arith.constant 512 : i32
    %mul3A_12 = arith.muli %arg0, %mul3A : i32
    %add3A_13 = vector.broadcast %mul3A_12 : i32 to vector<512x1xi32>
    %add3A_14 = arith.addi %iota3A, %add3A_13 : vector<512x1xi32>
    %lt3A = arith.constant 10000 : i32
    %lt3A_15 = vector.broadcast %lt3A : i32 to vector<512x1xi32>
    %lt3A_16 = arith.cmpi slt, %add3A_14, %lt3A_15 : vector<512x1xi32>
    %rsqrt3A = math.rsqrt %add3A_11 : vector<512x1xf32>
    %jit3A = arith.constant 0.000000e+00 : f32
    %broadcast_in_dim3A = vector.broadcast %jit3A : f32 to vector<512x1xf32>
    %select_n3A = arith.select %lt3A_16, %rsqrt3A, %broadcast_in_dim3A : vector<512x1xi1>, vector<512x1xf32>
    %swap3A = arith.constant 0 : index
    %swap3A_17 = arith.constant 0 : index
    %swap3A_18 = vector.load %arg4[%swap3A, %swap3A_17] : memref<512x1xf32, #tpu.memory_space<vmem>>, vector<512x1xf32>
    tpu.vector_store %arg4[%swap3A, %swap3A_17], %select_n3A {strides = array<i32>} : memref<512x1xf32, #tpu.memory_space<vmem>>, vector<512x1xf32>,
    %get3A_19 = arith.constant 0 : index
    %get3A_20 = arith.constant 0 : index
    %get3A_21 = vector.load %arg2[%get3A_19, %get3A_20] : memref<512x128xf32, #tpu.memory_space<vmem>>, vector<512x128xf32>
    %get3A_22 = arith.constant 0 : index
    %get3A_23 = arith.constant 0 : index
    %get3A_24 = vector.load %arg3[%get3A_22, %get3A_23] : memref<128x128xf32, #tpu.memory_space<vmem>>, vector<128x128xf32>
    %dot_general3A = arith.constant dense<0.000000e+00> : vector<512x128xf32>
    %dot_general3A_25 = tpu.matmul %get3A_21, %get3A_24, %dot_general3A {dimension_numbers = #tpu.dot_dimension_numbers<[1], [0], [0], [1], [0, 0, 1, 1], [], []>, transpose_lhs_hint = false} : vector<512x128xf32>, vector<128x128xf32>, vector<512x128xf32> -> vector<512x128xf32>
    %mul3A_26 = vector.broadcast %select_n3A : vector<512x1xf32> to vector<512x128xf32>
    %mul3A_27 = arith.mulf %dot_general3A_25, %mul3A_26 : vector<512x128xf32>
    %swap3A_28 = arith.constant 0 : index
    %swap3A_29 = arith.constant 0 : index
    %swap3A_30 = vector.load %arg5[%swap3A_28, %swap3A_29] : memref<512x128xf32, #tpu.memory_space<vmem>>, vector<512x128xf32>
    tpu.vector_store %arg5[%swap3A_28, %swap3A_29], %mul3A_27 {strides = array<i32>} : memref<512x128xf32, #tpu.memory_space<vmem>>, vector<512x128xf32>,
    return
  }
  func.func @transform_0(%arg0: i32) -> (i32, i32, i32) {
    %c0_i32 = arith.constant 0 : i32
    %c0_i32_0 = arith.constant 0 : i32
    %c0_i32_1 = arith.constant 0 : i32
    return %c0_i32, %arg0, %c0_i32_0 : i32, i32, i32
  }
  func.func @transform_1(%arg0: i32) -> (i32, i32) {
    %c0_i32 = arith.constant 0 : i32
    %c0_i32_0 = arith.constant 0 : i32
    return %arg0, %c0_i32 : i32, i32
  }
  func.func @transform_2(%arg0: i32) -> (i32, i32) {
    %c0_i32 = arith.constant 0 : i32
    %c0_i32_0 = arith.constant 0 : i32
    %c0_i32_1 = arith.constant 0 : i32
    return %c0_i32, %c0_i32_0 : i32, i32
  }
  func.func @transform_3(%arg0: i32) -> (i32, i32) {
    %c0_i32 = arith.constant 0 : i32
    %c0_i32_0 = arith.constant 0 : i32
    return %arg0, %c0_i32 : i32, i32
  }
  func.func @transform_4(%arg0: i32) -> (i32, i32) {
    %c0_i32 = arith.constant 0 : i32
    %c0_i32_0 = arith.constant 0 : i32
    return %arg0, %c0_i32 : i32, i32
  }
}

module attributes {stable_mosaic.version = 14 : i64} {
  func.func @_tc_mid_body(%arg0: i32, %arg1: memref<2x512x128xf32, #tpu.memory_space<vmem>>, %arg2: memref<512x128xf32, #tpu.memory_space<vmem>>, %arg3: memref<512x1xf32, #tpu.memory_space<vmem>>, %arg4: memref<1x128xf32, #tpu.memory_space<vmem>>, %arg5: memref<1x128xf32, #tpu.memory_space<vmem>>, %arg6: memref<1x128xf32, #tpu.memory_space<vmem>>, %arg7: memref<128x128xf32, #tpu.memory_space<vmem>>, %arg8: memref<512x128xf32, #tpu.memory_space<vmem>>) attributes {dimension_semantics = [#tpu.dimension_semantics<arbitrary>], iteration_bounds = array<i64: 20>, scalar_prefetch = 0 : i64, scratch_operands = 0 : i64, tpu.core_type = #tpu.core_type<tc>, window_params = [{transform_indices = @transform_0, window_bounds = array<i64: 2, 512, 128>}, {transform_indices = @transform_1, window_bounds = array<i64: 512, 128>}, {transform_indices = @transform_2, window_bounds = array<i64: 512, 1>}, {pipeline_mode = #tpu.pipeline_mode<synchronous>, transform_indices = @transform_3, window_bounds = array<i64: 1, 128>}, {pipeline_mode = #tpu.pipeline_mode<synchronous>, transform_indices = @transform_4, window_bounds = array<i64: 1, 128>}, {pipeline_mode = #tpu.pipeline_mode<synchronous>, transform_indices = @transform_5, window_bounds = array<i64: 1, 128>}, {pipeline_mode = #tpu.pipeline_mode<synchronous>, transform_indices = @transform_6, window_bounds = array<i64: 128, 128>}, {transform_indices = @transform_7, window_bounds = array<i64: 512, 128>}]} {
    %get3A = arith.constant 0 : index
    %get3A_0 = arith.constant 0 : index
    %get3A_1 = arith.constant 0 : index
    %get3A_2 = vector.load %arg1[%get3A, %get3A_0, %get3A_1] : memref<2x512x128xf32, #tpu.memory_space<vmem>>, vector<1x512x128xf32>
    %get3A_3 = vector.shape_cast %get3A_2 : vector<1x512x128xf32> to vector<512x128xf32>
    %get3A_4 = arith.constant 1 : index
    %get3A_5 = arith.constant 0 : index
    %get3A_6 = arith.constant 0 : index
    %get3A_7 = vector.load %arg1[%get3A_4, %get3A_5, %get3A_6] : memref<2x512x128xf32, #tpu.memory_space<vmem>>, vector<1x512x128xf32>
    %get3A_8 = vector.shape_cast %get3A_7 : vector<1x512x128xf32> to vector<512x128xf32>
    %add3A = arith.addf %get3A_3, %get3A_8 : vector<512x128xf32>
    %get3A_9 = arith.constant 0 : index
    %get3A_10 = arith.constant 0 : index
    %get3A_11 = vector.load %arg2[%get3A_9, %get3A_10] : memref<512x128xf32, #tpu.memory_space<vmem>>, vector<512x128xf32>
    %add3A_12 = arith.addf %add3A, %get3A_11 : vector<512x128xf32>
    %get3A_13 = arith.constant 0 : index
    %get3A_14 = arith.constant 0 : index
    %get3A_15 = vector.load %arg3[%get3A_13, %get3A_14] : memref<512x1xf32, #tpu.memory_space<vmem>>, vector<512x1xf32>
    %mul3A = vector.broadcast %get3A_15 : vector<512x1xf32> to vector<512x128xf32>
    %mul3A_16 = arith.mulf %add3A_12, %mul3A : vector<512x128xf32>
    %get3A_17 = arith.constant 0 : index
    %get3A_18 = arith.constant 0 : index
    %get3A_19 = vector.load %arg4[%get3A_17, %get3A_18] : memref<1x128xf32, #tpu.memory_space<vmem>>, vector<1x128xf32>
    %add3A_20 = vector.broadcast %get3A_19 : vector<1x128xf32> to vector<512x128xf32>
    %add3A_21 = arith.addf %mul3A_16, %add3A_20 : vector<512x128xf32>
    %reduce_sum3A = arith.constant dense<0.000000e+00> : vector<512xf32>
    %reduce_sum3A_22 = vector.multi_reduction <add>, %add3A_21, %reduce_sum3A [1] : vector<512x128xf32> to vector<512xf32>
    %broadcast_in_dim3A = vector.shape_cast %reduce_sum3A_22 : vector<512xf32> to vector<512x1xf32>
    %div3A = arith.constant 1.280000e+02 : f32
    %div3A_23 = vector.broadcast %div3A : f32 to vector<512x1xf32>
    %div3A_24 = arith.divf %broadcast_in_dim3A, %div3A_23 : vector<512x1xf32>
    %sub3A = vector.broadcast %div3A_24 : vector<512x1xf32> to vector<512x128xf32>
    %sub3A_25 = arith.subf %add3A_21, %sub3A : vector<512x128xf32>
    %integer_pow3A = arith.mulf %sub3A_25, %sub3A_25 : vector<512x128xf32>
    %reduce_sum3A_26 = arith.constant dense<0.000000e+00> : vector<512xf32>
    %reduce_sum3A_27 = vector.multi_reduction <add>, %integer_pow3A, %reduce_sum3A_26 [1] : vector<512x128xf32> to vector<512xf32>
    %broadcast_in_dim3A_28 = vector.shape_cast %reduce_sum3A_27 : vector<512xf32> to vector<512x1xf32>
    %div3A_29 = arith.constant 1.280000e+02 : f32
    %div3A_30 = vector.broadcast %div3A_29 : f32 to vector<512x1xf32>
    %div3A_31 = arith.divf %broadcast_in_dim3A_28, %div3A_30 : vector<512x1xf32>
    %sub3A_32 = vector.broadcast %div3A_24 : vector<512x1xf32> to vector<512x128xf32>
    %sub3A_33 = arith.subf %add3A_21, %sub3A_32 : vector<512x128xf32>
    %add3A_34 = arith.constant 9.99999974E-6 : f32
    %add3A_35 = vector.broadcast %add3A_34 : f32 to vector<512x1xf32>
    %add3A_36 = arith.addf %div3A_31, %add3A_35 : vector<512x1xf32>
    %rsqrt3A = math.rsqrt %add3A_36 : vector<512x1xf32>
    %mul3A_37 = vector.broadcast %rsqrt3A : vector<512x1xf32> to vector<512x128xf32>
    %mul3A_38 = arith.mulf %sub3A_33, %mul3A_37 : vector<512x128xf32>
    %get3A_39 = arith.constant 0 : index
    %get3A_40 = arith.constant 0 : index
    %get3A_41 = vector.load %arg5[%get3A_39, %get3A_40] : memref<1x128xf32, #tpu.memory_space<vmem>>, vector<1x128xf32>
    %mul3A_42 = vector.broadcast %get3A_41 : vector<1x128xf32> to vector<512x128xf32>
    %mul3A_43 = arith.mulf %mul3A_38, %mul3A_42 : vector<512x128xf32>
    %get3A_44 = arith.constant 0 : index
    %get3A_45 = arith.constant 0 : index
    %get3A_46 = vector.load %arg6[%get3A_44, %get3A_45] : memref<1x128xf32, #tpu.memory_space<vmem>>, vector<1x128xf32>
    %add3A_47 = vector.broadcast %get3A_46 : vector<1x128xf32> to vector<512x128xf32>
    %add3A_48 = arith.addf %mul3A_43, %add3A_47 : vector<512x128xf32>
    %mul3A_49 = arith.constant 5.000000e-01 : f32
    %mul3A_50 = vector.broadcast %mul3A_49 : f32 to vector<512x128xf32>
    %mul3A_51 = arith.mulf %mul3A_50, %add3A_48 : vector<512x128xf32>
    %mul3A_52 = arith.constant 0.707106769 : f32
    %mul3A_53 = vector.broadcast %mul3A_52 : f32 to vector<512x128xf32>
    %mul3A_54 = arith.mulf %add3A_48, %mul3A_53 : vector<512x128xf32>
    %erf3A = math.erf %mul3A_54 : vector<512x128xf32>
    %add3A_55 = arith.constant 1.000000e+00 : f32
    %add3A_56 = vector.broadcast %add3A_55 : f32 to vector<512x128xf32>
    %add3A_57 = arith.addf %add3A_56, %erf3A : vector<512x128xf32>
    %mul3A_58 = arith.mulf %mul3A_51, %add3A_57 : vector<512x128xf32>
    %get3A_59 = arith.constant 0 : index
    %get3A_60 = arith.constant 0 : index
    %get3A_61 = vector.load %arg7[%get3A_59, %get3A_60] : memref<128x128xf32, #tpu.memory_space<vmem>>, vector<128x128xf32>
    %dot_general3A = arith.constant dense<0.000000e+00> : vector<512x128xf32>
    %dot_general3A_62 = tpu.matmul %mul3A_58, %get3A_61, %dot_general3A {dimension_numbers = #tpu.dot_dimension_numbers<[1], [0], [0], [1], [0, 0, 1, 1], [], []>, transpose_lhs_hint = false} : vector<512x128xf32>, vector<128x128xf32>, vector<512x128xf32> -> vector<512x128xf32>
    %get3A_63 = arith.constant 0 : index
    %get3A_64 = arith.constant 0 : index
    %get3A_65 = vector.load %arg3[%get3A_63, %get3A_64] : memref<512x1xf32, #tpu.memory_space<vmem>>, vector<512x1xf32>
    %mul3A_66 = vector.broadcast %get3A_65 : vector<512x1xf32> to vector<512x128xf32>
    %mul3A_67 = arith.mulf %dot_general3A_62, %mul3A_66 : vector<512x128xf32>
    %swap3A = arith.constant 0 : index
    %swap3A_68 = arith.constant 0 : index
    %swap3A_69 = vector.load %arg8[%swap3A, %swap3A_68] : memref<512x128xf32, #tpu.memory_space<vmem>>, vector<512x128xf32>
    tpu.vector_store %arg8[%swap3A, %swap3A_68], %mul3A_67 {strides = array<i32>} : memref<512x128xf32, #tpu.memory_space<vmem>>, vector<512x128xf32>,
    return
  }
  func.func @transform_0(%arg0: i32) -> (i32, i32, i32) {
    %c0_i32 = arith.constant 0 : i32
    %c0_i32_0 = arith.constant 0 : i32
    %c0_i32_1 = arith.constant 0 : i32
    return %c0_i32, %arg0, %c0_i32_0 : i32, i32, i32
  }
  func.func @transform_1(%arg0: i32) -> (i32, i32) {
    %c0_i32 = arith.constant 0 : i32
    %c0_i32_0 = arith.constant 0 : i32
    return %arg0, %c0_i32 : i32, i32
  }
  func.func @transform_2(%arg0: i32) -> (i32, i32) {
    %c0_i32 = arith.constant 0 : i32
    %c0_i32_0 = arith.constant 0 : i32
    return %arg0, %c0_i32 : i32, i32
  }
  func.func @transform_3(%arg0: i32) -> (i32, i32) {
    %c0_i32 = arith.constant 0 : i32
    %c0_i32_0 = arith.constant 0 : i32
    %c0_i32_1 = arith.constant 0 : i32
    return %c0_i32, %c0_i32_0 : i32, i32
  }
  func.func @transform_4(%arg0: i32) -> (i32, i32) {
    %c0_i32 = arith.constant 0 : i32
    %c0_i32_0 = arith.constant 0 : i32
    %c0_i32_1 = arith.constant 0 : i32
    return %c0_i32, %c0_i32_0 : i32, i32
  }
  func.func @transform_5(%arg0: i32) -> (i32, i32) {
    %c0_i32 = arith.constant 0 : i32
    %c0_i32_0 = arith.constant 0 : i32
    %c0_i32_1 = arith.constant 0 : i32
    return %c0_i32, %c0_i32_0 : i32, i32
  }
  func.func @transform_6(%arg0: i32) -> (i32, i32) {
    %c0_i32 = arith.constant 0 : i32
    %c0_i32_0 = arith.constant 0 : i32
    %c0_i32_1 = arith.constant 0 : i32
    return %c0_i32, %c0_i32_0 : i32, i32
  }
  func.func @transform_7(%arg0: i32) -> (i32, i32) {
    %c0_i32 = arith.constant 0 : i32
    %c0_i32_0 = arith.constant 0 : i32
    return %arg0, %c0_i32 : i32, i32
  }
}

module attributes {stable_mosaic.version = 14 : i64} {
  func.func @_tc_fin_body(%arg0: i32, %arg1: memref<2x512x128xf32, #tpu.memory_space<vmem>>, %arg2: memref<512x128xf32, #tpu.memory_space<vmem>>, %arg3: memref<512x1xf32, #tpu.memory_space<vmem>>, %arg4: memref<1x128xf32, #tpu.memory_space<vmem>>, %arg5: memref<1x128xf32, #tpu.memory_space<vmem>>, %arg6: memref<1x128xf32, #tpu.memory_space<vmem>>, %arg7: memref<128x1xf32, #tpu.memory_space<vmem>>, %arg8: memref<1x1xf32, #tpu.memory_space<vmem>>, %arg9: memref<512x128xf32, #tpu.memory_space<vmem>>, %arg10: memref<512x1xf32, #tpu.memory_space<vmem>>) attributes {dimension_semantics = [#tpu.dimension_semantics<arbitrary>], iteration_bounds = array<i64: 20>, scalar_prefetch = 0 : i64, scratch_operands = 0 : i64, tpu.core_type = #tpu.core_type<tc>, window_params = [{transform_indices = @transform_0, window_bounds = array<i64: 2, 512, 128>}, {transform_indices = @transform_1, window_bounds = array<i64: 512, 128>}, {transform_indices = @transform_2, window_bounds = array<i64: 512, 1>}, {pipeline_mode = #tpu.pipeline_mode<synchronous>, transform_indices = @transform_3, window_bounds = array<i64: 1, 128>}, {pipeline_mode = #tpu.pipeline_mode<synchronous>, transform_indices = @transform_4, window_bounds = array<i64: 1, 128>}, {pipeline_mode = #tpu.pipeline_mode<synchronous>, transform_indices = @transform_5, window_bounds = array<i64: 1, 128>}, {pipeline_mode = #tpu.pipeline_mode<synchronous>, transform_indices = @transform_6, window_bounds = array<i64: 128, 1>}, {pipeline_mode = #tpu.pipeline_mode<synchronous>, transform_indices = @transform_7, window_bounds = array<i64: 1, 1>}, {transform_indices = @transform_8, window_bounds = array<i64: 512, 128>}, {transform_indices = @transform_9, window_bounds = array<i64: 512, 1>}]} {
    %get3A = arith.constant 0 : index
    %get3A_0 = arith.constant 0 : index
    %get3A_1 = arith.constant 0 : index
    %get3A_2 = vector.load %arg1[%get3A, %get3A_0, %get3A_1] : memref<2x512x128xf32, #tpu.memory_space<vmem>>, vector<1x512x128xf32>
    %get3A_3 = vector.shape_cast %get3A_2 : vector<1x512x128xf32> to vector<512x128xf32>
    %get3A_4 = arith.constant 1 : index
    %get3A_5 = arith.constant 0 : index
    %get3A_6 = arith.constant 0 : index
    %get3A_7 = vector.load %arg1[%get3A_4, %get3A_5, %get3A_6] : memref<2x512x128xf32, #tpu.memory_space<vmem>>, vector<1x512x128xf32>
    %get3A_8 = vector.shape_cast %get3A_7 : vector<1x512x128xf32> to vector<512x128xf32>
    %add3A = arith.addf %get3A_3, %get3A_8 : vector<512x128xf32>
    %get3A_9 = arith.constant 0 : index
    %get3A_10 = arith.constant 0 : index
    %get3A_11 = vector.load %arg2[%get3A_9, %get3A_10] : memref<512x128xf32, #tpu.memory_space<vmem>>, vector<512x128xf32>
    %add3A_12 = arith.addf %add3A, %get3A_11 : vector<512x128xf32>
    %get3A_13 = arith.constant 0 : index
    %get3A_14 = arith.constant 0 : index
    %get3A_15 = vector.load %arg3[%get3A_13, %get3A_14] : memref<512x1xf32, #tpu.memory_space<vmem>>, vector<512x1xf32>
    %mul3A = vector.broadcast %get3A_15 : vector<512x1xf32> to vector<512x128xf32>
    %mul3A_16 = arith.mulf %add3A_12, %mul3A : vector<512x128xf32>
    %get3A_17 = arith.constant 0 : index
    %get3A_18 = arith.constant 0 : index
    %get3A_19 = vector.load %arg4[%get3A_17, %get3A_18] : memref<1x128xf32, #tpu.memory_space<vmem>>, vector<1x128xf32>
    %add3A_20 = vector.broadcast %get3A_19 : vector<1x128xf32> to vector<512x128xf32>
    %add3A_21 = arith.addf %mul3A_16, %add3A_20 : vector<512x128xf32>
    %reduce_sum3A = arith.constant dense<0.000000e+00> : vector<512xf32>
    %reduce_sum3A_22 = vector.multi_reduction <add>, %add3A_21, %reduce_sum3A [1] : vector<512x128xf32> to vector<512xf32>
    %broadcast_in_dim3A = vector.shape_cast %reduce_sum3A_22 : vector<512xf32> to vector<512x1xf32>
    %div3A = arith.constant 1.280000e+02 : f32
    %div3A_23 = vector.broadcast %div3A : f32 to vector<512x1xf32>
    %div3A_24 = arith.divf %broadcast_in_dim3A, %div3A_23 : vector<512x1xf32>
    %sub3A = vector.broadcast %div3A_24 : vector<512x1xf32> to vector<512x128xf32>
    %sub3A_25 = arith.subf %add3A_21, %sub3A : vector<512x128xf32>
    %integer_pow3A = arith.mulf %sub3A_25, %sub3A_25 : vector<512x128xf32>
    %reduce_sum3A_26 = arith.constant dense<0.000000e+00> : vector<512xf32>
    %reduce_sum3A_27 = vector.multi_reduction <add>, %integer_pow3A, %reduce_sum3A_26 [1] : vector<512x128xf32> to vector<512xf32>
    %broadcast_in_dim3A_28 = vector.shape_cast %reduce_sum3A_27 : vector<512xf32> to vector<512x1xf32>
    %div3A_29 = arith.constant 1.280000e+02 : f32
    %div3A_30 = vector.broadcast %div3A_29 : f32 to vector<512x1xf32>
    %div3A_31 = arith.divf %broadcast_in_dim3A_28, %div3A_30 : vector<512x1xf32>
    %sub3A_32 = vector.broadcast %div3A_24 : vector<512x1xf32> to vector<512x128xf32>
    %sub3A_33 = arith.subf %add3A_21, %sub3A_32 : vector<512x128xf32>
    %add3A_34 = arith.constant 9.99999974E-6 : f32
    %add3A_35 = vector.broadcast %add3A_34 : f32 to vector<512x1xf32>
    %add3A_36 = arith.addf %div3A_31, %add3A_35 : vector<512x1xf32>
    %rsqrt3A = math.rsqrt %add3A_36 : vector<512x1xf32>
    %mul3A_37 = vector.broadcast %rsqrt3A : vector<512x1xf32> to vector<512x128xf32>
    %mul3A_38 = arith.mulf %sub3A_33, %mul3A_37 : vector<512x128xf32>
    %get3A_39 = arith.constant 0 : index
    %get3A_40 = arith.constant 0 : index
    %get3A_41 = vector.load %arg5[%get3A_39, %get3A_40] : memref<1x128xf32, #tpu.memory_space<vmem>>, vector<1x128xf32>
    %mul3A_42 = vector.broadcast %get3A_41 : vector<1x128xf32> to vector<512x128xf32>
    %mul3A_43 = arith.mulf %mul3A_38, %mul3A_42 : vector<512x128xf32>
    %get3A_44 = arith.constant 0 : index
    %get3A_45 = arith.constant 0 : index
    %get3A_46 = vector.load %arg6[%get3A_44, %get3A_45] : memref<1x128xf32, #tpu.memory_space<vmem>>, vector<1x128xf32>
    %add3A_47 = vector.broadcast %get3A_46 : vector<1x128xf32> to vector<512x128xf32>
    %add3A_48 = arith.addf %mul3A_43, %add3A_47 : vector<512x128xf32>
    %swap3A = arith.constant 0 : index
    %swap3A_49 = arith.constant 0 : index
    %swap3A_50 = vector.load %arg9[%swap3A, %swap3A_49] : memref<512x128xf32, #tpu.memory_space<vmem>>, vector<512x128xf32>
    tpu.vector_store %arg9[%swap3A, %swap3A_49], %add3A_48 {strides = array<i32>} : memref<512x128xf32, #tpu.memory_space<vmem>>, vector<512x128xf32>,
    %get3A_51 = arith.constant 0 : index
    %get3A_52 = arith.constant 0 : index
    %get3A_53 = vector.load %arg7[%get3A_51, %get3A_52] : memref<128x1xf32, #tpu.memory_space<vmem>>, vector<128x1xf32>
    %dot_general3A = arith.constant dense<0.000000e+00> : vector<512x1xf32>
    %dot_general3A_54 = tpu.matmul %add3A_48, %get3A_53, %dot_general3A {dimension_numbers = #tpu.dot_dimension_numbers<[1], [0], [0], [1], [0, 0, 1, 1], [], []>, transpose_lhs_hint = false} : vector<512x128xf32>, vector<128x1xf32>, vector<512x1xf32> -> vector<512x1xf32>
    %get3A_55 = arith.constant 0 : index
    %get3A_56 = arith.constant 0 : index
    %get3A_57 = vector.load %arg8[%get3A_55, %get3A_56] : memref<1x1xf32, #tpu.memory_space<vmem>>, vector<1x1xf32>
    %get3A_58 = vector.extract %get3A_57[0, 0] : f32 from vector<1x1xf32>
    %add3A_59 = vector.broadcast %get3A_58 : f32 to vector<512x1xf32>
    %add3A_60 = arith.addf %dot_general3A_54, %add3A_59 : vector<512x1xf32>
    %swap3A_61 = arith.constant 0 : index
    %swap3A_62 = arith.constant 0 : index
    %swap3A_63 = vector.load %arg10[%swap3A_61, %swap3A_62] : memref<512x1xf32, #tpu.memory_space<vmem>>, vector<512x1xf32>
    tpu.vector_store %arg10[%swap3A_61, %swap3A_62], %add3A_60 {strides = array<i32>} : memref<512x1xf32, #tpu.memory_space<vmem>>, vector<512x1xf32>,
    return
  }
  func.func @transform_0(%arg0: i32) -> (i32, i32, i32) {
    %c0_i32 = arith.constant 0 : i32
    %c0_i32_0 = arith.constant 0 : i32
    %c0_i32_1 = arith.constant 0 : i32
    return %c0_i32, %arg0, %c0_i32_0 : i32, i32, i32
  }
  func.func @transform_1(%arg0: i32) -> (i32, i32) {
    %c0_i32 = arith.constant 0 : i32
    %c0_i32_0 = arith.constant 0 : i32
    return %arg0, %c0_i32 : i32, i32
  }
  func.func @transform_2(%arg0: i32) -> (i32, i32) {
    %c0_i32 = arith.constant 0 : i32
    %c0_i32_0 = arith.constant 0 : i32
    return %arg0, %c0_i32 : i32, i32
  }
  func.func @transform_3(%arg0: i32) -> (i32, i32) {
    %c0_i32 = arith.constant 0 : i32
    %c0_i32_0 = arith.constant 0 : i32
    %c0_i32_1 = arith.constant 0 : i32
    return %c0_i32, %c0_i32_0 : i32, i32
  }
  func.func @transform_4(%arg0: i32) -> (i32, i32) {
    %c0_i32 = arith.constant 0 : i32
    %c0_i32_0 = arith.constant 0 : i32
    %c0_i32_1 = arith.constant 0 : i32
    return %c0_i32, %c0_i32_0 : i32, i32
  }
  func.func @transform_5(%arg0: i32) -> (i32, i32) {
    %c0_i32 = arith.constant 0 : i32
    %c0_i32_0 = arith.constant 0 : i32
    %c0_i32_1 = arith.constant 0 : i32
    return %c0_i32, %c0_i32_0 : i32, i32
  }
  func.func @transform_6(%arg0: i32) -> (i32, i32) {
    %c0_i32 = arith.constant 0 : i32
    %c0_i32_0 = arith.constant 0 : i32
    %c0_i32_1 = arith.constant 0 : i32
    return %c0_i32, %c0_i32_0 : i32, i32
  }
  func.func @transform_7(%arg0: i32) -> (i32, i32) {
    %c0_i32 = arith.constant 0 : i32
    %c0_i32_0 = arith.constant 0 : i32
    %c0_i32_1 = arith.constant 0 : i32
    return %c0_i32, %c0_i32_0 : i32, i32
  }
  func.func @transform_8(%arg0: i32) -> (i32, i32) {
    %c0_i32 = arith.constant 0 : i32
    %c0_i32_0 = arith.constant 0 : i32
    return %arg0, %c0_i32 : i32, i32
  }
  func.func @transform_9(%arg0: i32) -> (i32, i32) {
    %c0_i32 = arith.constant 0 : i32
    %c0_i32_0 = arith.constant 0 : i32
    return %arg0, %c0_i32 : i32, i32
  }
}

</mosaic_0001>

<sc_bundles>
// kernel: kernel.12.cloned.1.call-start
scs
__scs_entry_jumppad:
0x0: {  	(pc) =	sbr.rel $0x88, $3  }
0x1: {  	(tag) =	ssettag $0x0;
	lr =	simm.s32 $0x1  }
0x2: {  	[smem:$0x3F8D] =	sst lr;
	_ =	strace $0xD0000000  }
0x3: {  	_ = 	snop  }
0x4: {  	_ = 	snop  }
0x5: {  	_ = 	snop  }
0x6: {  	_ = 	snop  }
0x7: {  	_ = 	snop  }
__scs_overlays_trampoline_lowered:
0x8: {  	[smem:$0x3F9C] =	sst s0  }
0x9: {  	[smem:$0x3F9D] =	sst s1  }
0xa: {  	[smem:$0x3F9E] =	sst s2  }
0xb: {  	[smem:$0x3F9F] =	sst s3  }
0xc: {  	[smem:$0x3FA0] =	sst s4  }
0xd: {  	[smem:$0x3FA1] =	sst s5  }
0xe: {  	[smem:$0x3FA2] =	sst s6  }
0xf: {  	[smem:$0x3FA3] =	sst s7  }
0x10: {  	[smem:$0x3FA4] =	sst s8  }
0x11: {  	[smem:$0x3FA5] =	sst s9;
	s0 =	simm.s32 @!p0 $0x0  }
0x12: {  	s1 =	sld [smem:$0x3F8B];
	s0 =	simm.s32 @p0 $0x1  }
0x13: {  	[smem:$0x3FA6] =	sst s0;
	s0 =	simm.s32 @!p1 $0x0  }
0x14: {  	s2 =	sld [smem:$0x3F8A];
	s0 =	simm.s32 @p1 $0x1  }
0x15: {  	[smem:$0x3FA7] =	sst s0;
	s0 =	simm.s32 @!p2 $0x0  }
0x16: {  	s3 =	sld [smem:$0x3FDB];
	s0 =	simm.s32 @p2 $0x1  }
0x17: {  	s4 =	simm.s32 $0x1BF5;
	[smem:$0x3FA9] =	sst s0  }
0x18: {  	s0 =	sld [smem:$0x3F8C];
	_ =	swait.ge [sflag:s4], $0x0  }
0x19: {  	s7 =	sld [smem:$0x3F8D]  }
0x1a: {  	s8 =	sadd.s32 $0xFFFFE003, lr  }
0x1b: {  	s9 =	sadd.s32 $0xFFFFFEF7, lr;
	s5 =	simm.s32 $0xFFFFFFFF;
	p2 =	slt.u32 s8, $0xFFFFF086  }
0x1c: {  	p1 =	slt.u32 s9, $0xF7A;
	s5 =	simm.s32 @!p2 $0x0  }
0x1d: {  	s5 =	simm.s32 @p1 $0x1;
	p0 =	seq.s32 s7, s2  }
0x1e: {  	s7 =	smul.u32 @!p0 $0xF7A, s2;
	p2 =	seq.s32 @!p0 s5, $0x0  }
0x1f: {  	s9 =	smul.u32 $0xF7A, s1;
	s8 =	simm.s32 @!p0 $0x1BF5;
	p2 =	por !p2, p0  }
0x20: {  	[sflag:s8] =	ssyncset.s32 @!p0 $0xFFFFF086;
	s6 =	sadd.s32 @!p0 s3, s7;
	s7 =	simm.s32 @!p0 $0x108  }
0x21: {  	s3 =	sadd.s32 s3, s9;
	s6 =	sadd.s32 @!p0 $0x88, s6;
	s7 =	simm.s32 @p2 $0x1082  }
0x22: {  	[simem:s7], [sflag:s8] =	dma.local @!p0 [hbm:s6], $0xF7A  }
0x23: {  	s9 =	sor.u32 $0xD0000000, s2;
	s6 =	simm.s32 $0x108;
	_ =	swait.ge @!p0 [sflag:s8], $0x0  }
0x24: {  	s3 =	sadd.s32 $0x88, s3;
	s6 =	simm.s32 @!p1 $0x1082;
	[sflag:s4] =	ssyncset.s32 $0xFFFFF086  }
0x25: {  	[simem:s6], [sflag:s4] =	dma.local [hbm:s3], $0xF7A  }
0x26: {  	[smem:$0x3F8D] =	sst s1;
	(tag) =	ssettag s2;
	_ =	strace s9  }
0x27: {  	s1 =	sld [smem:$0x3F9D]  }
0x28: {  	s2 =	sld [smem:$0x3F9E]  }
0x29: {  	s4 =	sld [smem:$0x3FA0]  }
0x2a: {  	p0 =	seq.s32 s5, $0x0;
	s5 =	sld [smem:$0x3FA1]  }
0x2b: {  	s6 =	sld [smem:$0x3FA2]  }
0x2c: {  	s7 =	sld [smem:$0x3FA3]  }
0x2d: {  	s3 =	simm.s32 $0x108;
	s8 =	sld [smem:$0x3FA4]  }
0x2e: {  	s3 =	simm.s32 @!p0 $0x1082;
	s9 =	sld [smem:$0x3FA5]  }
0x2f: {  	lr =	sadd.s32 s0, s3;
	s0 =	sld [smem:$0x3F9C]  }
0x30: {  	s3 =	sld [smem:$0x3F9F]  }
0x31: {  	[smem:$0x3FA8] =	sst s10  }
0x32: {  	s10 =	sld [smem:$0x3FA6];
	_ =	sdelay $0x3  }
0x33: {  	p0 =	seq.s32 s10, $0x1;
	s10 =	sld [smem:$0x3FA8];
	_ =	sdelay $0x3  }
0x34: {  	[smem:$0x3FA8] =	sst s10  }
0x35: {  	s10 =	sld [smem:$0x3FA7];
	_ =	sdelay $0x3  }
0x36: {  	p1 =	seq.s32 s10, $0x1;
	s10 =	sld [smem:$0x3FA8];
	_ =	sdelay $0x3  }
0x37: {  	[smem:$0x3FA8] =	sst s10  }
0x38: {  	s10 =	sld [smem:$0x3FA9]  }
0x39: {  	_ = 	snop;
	(pc) =	sbr.ind lr, $3  }
0x3a: {  	_ = 	snop  }
0x3b: {  	_ = 	snop  }
0x3c: {  	p2 =	seq.s32 s10, $0x1;
	s10 =	sld [smem:$0x3FA8]  }
0x3d: {  	_ =	shalt  }
0x3e: {  	_ =	shalt  }
0x3f: {  	_ =	shalt  }
0x40: {  	_ =	shalt  }
0x41: {  	_ =	shalt  }
0x42: {  	_ =	shalt  }
0x43: {  	_ =	shalt  }
0x44: {  	_ =	shalt  }
0x45: {  	_ =	shalt  }
0x46: {  	_ =	shalt  }
0x47: {  	_ =	shalt  }
0x48: {  	_ =	shalt  }
0x49: {  	_ =	shalt  }
0x4a: {  	_ =	shalt  }
0x4b: {  	_ =	shalt  }
0x4c: {  	_ =	shalt  }
0x4d: {  	_ =	shalt  }
0x4e: {  	_ =	shalt  }
0x4f: {  	_ =	shalt  }
0x50: {  	_ =	shalt  }
0x51: {  	_ =	shalt  }
0x52: {  	_ =	shalt  }
0x53: {  	_ =	shalt  }
0x54: {  	_ =	shalt  }
0x55: {  	_ =	shalt  }
0x56: {  	_ =	shalt  }
0x57: {  	_ =	shalt  }
0x58: {  	_ =	shalt  }
0x59: {  	_ =	shalt  }
0x5a: {  	_ =	shalt  }
0x5b: {  	_ =	shalt  }
0x5c: {  	_ =	shalt  }
0x5d: {  	_ =	shalt  }
0x5e: {  	_ =	shalt  }
0x5f: {  	_ =	shalt  }
0x60: {  	_ =	shalt  }
0x61: {  	_ =	shalt  }
0x62: {  	_ =	shalt  }
0x63: {  	_ =	shalt  }
0x64: {  	_ =	shalt  }
0x65: {  	_ =	shalt  }
0x66: {  	_ =	shalt  }
0x67: {  	_ =	shalt  }
0x68: {  	_ =	shalt  }
0x69: {  	_ =	shalt  }
0x6a: {  	_ =	shalt  }
0x6b: {  	_ =	shalt  }
0x6c: {  	_ =	shalt  }
0x6d: {  	_ =	shalt  }
0x6e: {  	_ =	shalt  }
0x6f: {  	_ =	shalt  }
0x70: {  	_ =	shalt  }
0x71: {  	_ =	shalt  }
0x72: {  	_ =	shalt  }
0x73: {  	_ =	shalt  }
0x74: {  	_ =	shalt  }
0x75: {  	_ =	shalt  }
0x76: {  	_ =	shalt  }
0x77: {  	_ =	shalt  }
0x78: {  	_ =	shalt  }
0x79: {  	_ =	shalt  }
0x7a: {  	_ =	shalt  }
0x7b: {  	_ =	shalt  }
0x7c: {  	_ =	shalt  }
0x7d: {  	_ =	shalt  }
0x7e: {  	_ =	shalt  }
0x7f: {  	_ =	shalt  }
0x80: {  	_ =	shalt  }
0x81: {  	_ =	shalt  }
0x82: {  	_ =	shalt  }
0x83: {  	_ =	shalt  }
0x84: {  	_ =	shalt  }
0x85: {  	_ =	shalt  }
0x86: {  	_ =	shalt  }
0x87: {  	_ =	shalt  }
.Lfunc_end0:
.L_simem_size_0:
called_computation_lowered:
.L_overlay_start_0:
0x88: {  	s2 =	sld [smem:$0x3FD9]  }
0x89: {  	s3 =	sld [smem:$0x3FFE];
	_ =	sdelay $0x1  }
0x8a: {  	s1 =	srdreg.scid  }
0x8b: {  	s0 =	sand.u32 $0x1, s1  }
0x8c: {  	s14 =	sshll.u32 s0, $0xA;
	s2 =	sadd.s32 s3, s2  }
0x8d: {  	s2 =	sadd.s32 s2, s14  }
0x8e: {  	[smem:$0x3FB4] =	sst s2  }
0x8f: {  	_ = 	snop  }
0x90: {  	s2 =	sld [smem:$0x3FD0];
	_ =	sdelay $0x2  }
0x91: {  	s15 =	simm.s32 $0xA;
	s4 =	simm.s32 $0x10  }
0x92: {  	[smem:s4], [sflag:s15] =	dma.local [hbm:s2], $0x1  }
0x93: {  	_ =	swait.eq [sflag:s15], $0x1  }
0x94: {  	[sflag:s15] =	ssyncset.done $0x0  }
0x95: {  	[sflag:s15] =	ssyncadd.s32 $0xFFFFFFFF  }
0x96: {  	s16 =	sld [smem:$0x11];
	(tm) =	ssettm $0x1  }
0x97: {  	s17 =	sld [smem:$0x3FFB];
	_ =	sdelay $0x3  }
0x98: {  	_ =	strace s17  }
0x99: {  	s3 =	sld [smem:$0x3FFC];
	_ =	sdelay $0x3  }
0x9a: {  	_ =	strace s3  }
0x9b: {  	s3 =	sld [smem:$0x3FFD];
	_ =	sdelay $0x3  }
0x9c: {  	_ =	strace s3  }
0x9d: {  	_ =	strace $0x8FFFFFFF  }
0x9e: {  	s18 =	sld [smem:$0x3FDB];
	_ =	sdelay $0x1  }
0x9f: {  	s19 =	simm.s32 $_scs_section_size  }
0xa0: {  	s5 =	simm.s32 $_size__tile_overlayer_lowered;
	s6 =	simm.s32 $_tile_overlayer_lowered  }
0xa1: {  	s22 =	simm.s32 $0x1BFF;
	s21 =	sshll.u32 s6, $0x1;
	s3 =	sadd.s32 s19, s18  }
0xa2: {  	s7 =	simm.s32 $0x0;
	s20 =	sshll.u32 s5, $0x1;
	s5 =	sadd.s32 s21, s3  }
0xa3: {  	[timem:s7], [sflag:s22] =	dma.local [hbm:s5], s20  }
0xa4: {  	_ =	swait.ge [sflag:s22], s20  }
0xa5: {  	s4 =	ssub.s32 $0x0, s20;
	[sflag:s22] =	ssyncset.done $0x0  }
0xa6: {  	[sflag:s22] =	ssyncadd.s32 s4;
	_ =	sdelay $0x1  }
0xa7: {  	s23 =	simm.s32 $0x1B8B  }
0xa8: {  	_ =	swait.ge [sflag:s23], $0x1  }
0xa9: {  	[sflag:s23] =	ssyncset.done $0x0  }
0xaa: {  	s25 =	simm.s32 $0x1B8E;
	s24 =	sld [smem:$0x3FFE];
	[sflag:s23] =	ssyncadd.s32 $0xFFFFFFFF  }
0xab: {  	s26 =	simm.s32 $execute0_lowered;
	[smem:$0x3FD2] =	sst s25  }
0xac: {  	s5 =	sshll.u32 s26, $0x1;
	_ =	strace $0x80000046;
	[dreg:$0x1] =	wrdreg $0xFFFFFFFF  }
0xad: {  	s28 =	simm.s32 $_size_execute0_lowered;
	s3 =	sadd.s32 s3, s5;
	[dreg:$0x0] =	wrdreg $0x0  }
0xae: {  	s5 =	sshll.u32 s28, $0x1;
	[dreg:$0x2] =	wrdreg s3  }
0xaf: {  	[dreg:$0x3] =	wrdreg s5  }
0xb0: {  	[dreg:$0x4] =	wrdreg $0xC0  }
0xb1: {  	_ =	task [dreg:s7], $0x5FFFF  }
0xb2: {  	[dreg:$0x1] =	wrdreg $0xFFFFFFFF  }
0xb3: {  	[dreg:$0x0] =	wrdreg $0x60  }
0xb4: {  	[dreg:$0x2] =	wrdreg s16  }
0xb5: {  	[dreg:$0x3] =	wrdreg s24  }
0xb6: {  	[dreg:$0x4] =	wrdreg $0x48000  }
0xb7: {  	[dreg:$0x5] =	wrdreg $0x9  }
0xb8: {  	_ =	task.clear_ibuf [dreg:s7], $0x6FFFF;
	_ =	strace $0x90000046  }
0xb9: {  	s29 =	simm.s32 $0x9;
	_ =	strace $0x80000048  }
0xba: {  	_ =	swait.ge [sflag:s29], $0x1  }
0xbb: {  	[sflag:s29] =	ssyncadd.s32 $0xFFFFFFFF  }
0xbc: {  	_ =	strace $0x90000048  }
0xbd: {  	_ =	sfence  }
0xbe: {  	s30 =	sld [smem:$0x0];
	_ =	sdelay $0x2  }
0xbf: {  	s31 =	sshll.u32 s1, $0xD;
	s1 =	sshrl.u32 s1, $0x2  }
0xc0: {  	s3 =	sand.u32 $0x4000, s31;
	s1 =	sadd.s32 s1, s30  }
0xc1: {  	s0 =	sor.u32 s3, s0;
	s1 =	sshll.u32 s1, $0x11  }
0xc2: {  	s0 =	sor.u32 s1, s0  }
0xc3: {  	s0 =	sadd.s32 $0x8F2B, s0  }
0xc4: {  	[sflag:s0] =	ssyncadd.remote.s32 $0x1  }
0xc5: {  	_ =	sfence.sel $0xFFFF  }
0xc6: {  	[dreg:$0x0] =	wrdreg $0xFFFFFFFF;
	(pc) =	sbr.abs _section_cstart, $3  }
0xc7: {  	[dreg:$0x1] =	wrdreg $0xFFFFFFFF  }
0xc8: {  	_ =	task.clear_ibuf [dreg:s7], $0x2FFFF;
	_ =	strace $0x9FFFFFFF  }
0xc9: {  	(tm) =	ssettm $0x7FFFFFFF  }
tec
execute0_lowered:
.L_overlay_start_1:
0x0: {  	(tag) =	ssettag $0x1  }
0x1: {  	s0 =	rddreg [dreg:$0x0]  }
0x2: {  	s5 =	rddreg [dreg:$0x1]  }
0x3: {  	s2 =	rddreg [dreg:$0x2];
	s1 =	stileid.u32  }
0x4: {  	s4 =	srdreg.scid;
	s3 =	simm.s32 $0x0;
	s13 =	simm.s32 $0x80  }
0x5: {  	s14 =	simm.s32 $0x100;
	s15 =	simm.s32 $0x180;
	s16 =	simm.s32 $0x200  }
0x6: {  	s17 =	simm.s32 $0x280;
	s18 =	simm.s32 $0x300;
	s19 =	simm.s32 $0x380  }
0x7: {  	s20 =	simm.s32 $0x400;
	s21 =	simm.s32 $0x480;
	s22 =	simm.s32 $0x500  }
0x8: {  	s23 =	simm.s32 $0x580;
	s24 =	simm.s32 $0x600;
	s6 =	smul.u32 $0x14000, s1  }
0x9: {  	s28 =	simm.s32 $0x780;
	s29 =	simm.s32 $0x0;
	s9 =	smul.u32 $0x50000, s1  }
0xa: {  	s7 =	sand.u32 $0x1, s4;
	[smem:$0x7FF] =	sst s3;
	s25 =	smul.u32 $0x5000, s1  }
0xb: {  	s4 =	sadd.s32 $0x2CA00, s5;
	s31 =	sshll.u32 s1, $0x6;
	s8 =	smul.u32 $0x140000, s7  }
0xc: {  	_ =	strace $0x80000047;
	s11 =	ssub.s32 $0x2, s7;
	s7 =	smul.u32 $0x2800, s7  }
0xd: {  	s10 =	sshrl.u32 s6, $0x3;
	s26 =	sshrl.u32 s11, $0x1;
	s30 =	sshrl.u32 s9, $0x2  }
0xe: {  	s9 =	simm.s32 $0x800;
	s6 =	sadd.s32 s6, s8;
	s10 =	sadd.s32 s10, s5  }
0xf: {  	s11 =	ssub.s32 s11, s26;
	s7 =	sadd.s32 s7, s25;
	s12 =	sadd.s32 s30, s2  }
0x10: {  	s25 =	simm.s32 $0x680;
	s26 =	simm.s32 $0x700;
	s6 =	sshrl.u32 s6, $0x3  }
0x11: {  	s8 =	sshrl.u32 s7, $0x3;
	s7 =	smax.u32 s11, $0x1;
	s11 =	sor.u32 $0x1C01, s31  }
0x12: {  	s12 =	sshrl.u32 s12, $0x3;
	s6 =	sadd.s32 s6, s5;
	s5 =	sadd.s32 $0x4A00, s10  }
0x13: {  	s8 =	sadd.s32 s8, s0;
	s10 =	simm.s32 $0x1;
	s6 =	sadd.s32 $0x2D200, s6  }
.LBB2_1:
0x14: {  	[tilespmem:s9], [sflag:$0x1] =	stream.linear.gather [hbm4b:s4+s3], $0x4000, $0x38;
	[tilespmem:$0x18800] =	vst v63  }
0x15: {  	_ =	swait.ge [sflag:s10], $0x4000  }
0x16: {  	[sflag:s10] =	ssyncset.done $0x0  }
0x17: {  	[sflag:s10] =	ssyncadd.s32 $0xFFFFC000  }
0x18: {  	[spmem:s12], [sflag:s11] =	dma.local [hbm:s5], $0x2800  }
0x19: {  	_ =	swait.ge [sflag:s10], $0x2800  }
0x1a: {  	[sflag:s10] =	ssyncset.done $0x0  }
0x1b: {  	[sflag:s10] =	ssyncadd.s32 $0xFFFFD800  }
0x1c: {  	s0 =	sadd.s32 $0x0, s8;
	[bflag:$0x0] =	sbarrier.arrive $0xFFFF  }
0x1d: {  	[tilespmem:s3], [sflag:$0x1] =	stream.linear.gather [hbm4b:s0+s3], $0x800, $0x38;
	[tilespmem:$0x18800] =	vst v63  }
0x1e: {  	_ =	swait.ge [sflag:s10], $0x800  }
0x1f: {  	[sflag:s10] =	ssyncset.done $0x0  }
0x20: {  	[sflag:s10] =	ssyncadd.s32 $0xFFFFF800  }
0x21: {  	[spmem:s2] =	stream.indirect.scatter.add.f32 [tilespmem:s9], [sflag:$0x1], $0x80, s3, s13, $0xb8;
	[tilespmem:$0x18800] =	vst v63  }
0x22: {  	_ =	swait.ge [sflag:s10], $0x4000  }
0x23: {  	[sflag:s10] =	ssyncset.done $0x0  }
0x24: {  	[sflag:s10] =	ssyncadd.s32 $0xFFFFC000  }
0x25: {  	[spmem:s2] =	stream.indirect.scatter.add.f32 [tilespmem:s9], [sflag:$0x1], $0x80, s13, s13, $0xb8;
	[tilespmem:$0x18800] =	vst v63  }
0x26: {  	_ =	swait.ge [sflag:s10], $0x4000  }
0x27: {  	[sflag:s10] =	ssyncset.done $0x0  }
0x28: {  	[sflag:s10] =	ssyncadd.s32 $0xFFFFC000  }
0x29: {  	[spmem:s2] =	stream.indirect.scatter.add.f32 [tilespmem:s9], [sflag:$0x1], $0x80, s14, s13, $0xb8;
	[tilespmem:$0x18800] =	vst v63  }
0x2a: {  	_ =	swait.ge [sflag:s10], $0x4000  }
0x2b: {  	[sflag:s10] =	ssyncset.done $0x0  }
0x2c: {  	[sflag:s10] =	ssyncadd.s32 $0xFFFFC000  }
0x2d: {  	[spmem:s2] =	stream.indirect.scatter.add.f32 [tilespmem:s9], [sflag:$0x1], $0x80, s15, s13, $0xb8;
	[tilespmem:$0x18800] =	vst v63  }
0x2e: {  	_ =	swait.ge [sflag:s10], $0x4000  }
0x2f: {  	[sflag:s10] =	ssyncset.done $0x0  }
0x30: {  	[sflag:s10] =	ssyncadd.s32 $0xFFFFC000  }
0x31: {  	[spmem:s2] =	stream.indirect.scatter.add.f32 [tilespmem:s9], [sflag:$0x1], $0x80, s16, s13, $0xb8;
	[tilespmem:$0x18800] =	vst v63  }
0x32: {  	_ =	swait.ge [sflag:s10], $0x4000  }
0x33: {  	[sflag:s10] =	ssyncset.done $0x0  }
0x34: {  	[sflag:s10] =	ssyncadd.s32 $0xFFFFC000  }
0x35: {  	[spmem:s2] =	stream.indirect.scatter.add.f32 [tilespmem:s9], [sflag:$0x1], $0x80, s17, s13, $0xb8;
	[tilespmem:$0x18800] =	vst v63  }
0x36: {  	_ =	swait.ge [sflag:s10], $0x4000  }
0x37: {  	[sflag:s10] =	ssyncset.done $0x0  }
0x38: {  	[sflag:s10] =	ssyncadd.s32 $0xFFFFC000  }
0x39: {  	[spmem:s2] =	stream.indirect.scatter.add.f32 [tilespmem:s9], [sflag:$0x1], $0x80, s18, s13, $0xb8;
	[tilespmem:$0x18800] =	vst v63  }
0x3a: {  	_ =	swait.ge [sflag:s10], $0x4000  }
0x3b: {  	[sflag:s10] =	ssyncset.done $0x0  }
0x3c: {  	[sflag:s10] =	ssyncadd.s32 $0xFFFFC000  }
0x3d: {  	[spmem:s2] =	stream.indirect.scatter.add.f32 [tilespmem:s9], [sflag:$0x1], $0x80, s19, s13, $0xb8;
	[tilespmem:$0x18800] =	vst v63  }
0x3e: {  	_ =	swait.ge [sflag:s10], $0x4000  }
0x3f: {  	[sflag:s10] =	ssyncset.done $0x0  }
0x40: {  	[sflag:s10] =	ssyncadd.s32 $0xFFFFC000  }
0x41: {  	[spmem:s2] =	stream.indirect.scatter.add.f32 [tilespmem:s9], [sflag:$0x1], $0x80, s20, s13, $0xb8;
	[tilespmem:$0x18800] =	vst v63  }
0x42: {  	_ =	swait.ge [sflag:s10], $0x4000  }
0x43: {  	[sflag:s10] =	ssyncset.done $0x0  }
0x44: {  	[sflag:s10] =	ssyncadd.s32 $0xFFFFC000  }
0x45: {  	[spmem:s2] =	stream.indirect.scatter.add.f32 [tilespmem:s9], [sflag:$0x1], $0x80, s21, s13, $0xb8;
	[tilespmem:$0x18800] =	vst v63  }
0x46: {  	_ =	swait.ge [sflag:s10], $0x4000  }
0x47: {  	[sflag:s10] =	ssyncset.done $0x0  }
0x48: {  	[sflag:s10] =	ssyncadd.s32 $0xFFFFC000  }
0x49: {  	[spmem:s2] =	stream.indirect.scatter.add.f32 [tilespmem:s9], [sflag:$0x1], $0x80, s22, s13, $0xb8;
	[tilespmem:$0x18800] =	vst v63  }
0x4a: {  	_ =	swait.ge [sflag:s10], $0x4000  }
0x4b: {  	[sflag:s10] =	ssyncset.done $0x0  }
0x4c: {  	[sflag:s10] =	ssyncadd.s32 $0xFFFFC000  }
0x4d: {  	[spmem:s2] =	stream.indirect.scatter.add.f32 [tilespmem:s9], [sflag:$0x1], $0x80, s23, s13, $0xb8;
	[tilespmem:$0x18800] =	vst v63  }
0x4e: {  	_ =	swait.ge [sflag:s10], $0x4000  }
0x4f: {  	[sflag:s10] =	ssyncset.done $0x0  }
0x50: {  	[sflag:s10] =	ssyncadd.s32 $0xFFFFC000  }
0x51: {  	[spmem:s2] =	stream.indirect.scatter.add.f32 [tilespmem:s9], [sflag:$0x1], $0x80, s24, s13, $0xb8;
	[tilespmem:$0x18800] =	vst v63  }
0x52: {  	_ =	swait.ge [sflag:s10], $0x4000  }
0x53: {  	[sflag:s10] =	ssyncset.done $0x0  }
0x54: {  	[sflag:s10] =	ssyncadd.s32 $0xFFFFC000  }
0x55: {  	[spmem:s2] =	stream.indirect.scatter.add.f32 [tilespmem:s9], [sflag:$0x1], $0x80, s25, s13, $0xb8;
	[tilespmem:$0x18800] =	vst v63  }
0x56: {  	_ =	swait.ge [sflag:s10], $0x4000  }
0x57: {  	[sflag:s10] =	ssyncset.done $0x0  }
0x58: {  	[sflag:s10] =	ssyncadd.s32 $0xFFFFC000  }
0x59: {  	[spmem:s2] =	stream.indirect.scatter.add.f32 [tilespmem:s9], [sflag:$0x1], $0x80, s26, s13, $0xb8;
	[tilespmem:$0x18800] =	vst v63  }
0x5a: {  	_ =	swait.ge [sflag:s10], $0x4000  }
0x5b: {  	[sflag:s10] =	ssyncset.done $0x0  }
0x5c: {  	[sflag:s10] =	ssyncadd.s32 $0xFFFFC000  }
0x5d: {  	[spmem:s2] =	stream.indirect.scatter.add.f32 [tilespmem:s9], [sflag:$0x1], $0x80, s28, s13, $0xb8;
	[tilespmem:$0x18800] =	vst v63  }
0x5e: {  	_ =	swait.ge [sflag:s10], $0x4000  }
0x5f: {  	s30 =	simm.s32 $0x100;
	s31 =	simm.s32 $0x200;
	[sflag:s10] =	ssyncset.done $0x0  }
.LBB2_2:
0x60: {  	s1 =	sadd.s32 s30, s8  }
0x61: {  	[sflag:s10] =	ssyncadd.s32 $0xFFFFC000;
	s30 =	smov.u32 s31;
	s0 =	sadd.s32 $0x100, s31  }
0x62: {  	[tilespmem:s3], [sflag:$0x1] =	stream.linear.gather [hbm4b:s1+s3], $0x800, $0x38;
	[tilespmem:$0x18800] =	vst v63  }
0x63: {  	p0 =	sne.s32 s31, $0x400;
	_ =	swait.ge [sflag:s10], $0x800  }
0x64: {  	[sflag:s10] =	ssyncset.done $0x0  }
0x65: {  	[sflag:s10] =	ssyncadd.s32 $0xFFFFF800  }
0x66: {  	[spmem:s2] =	stream.indirect.scatter.add.f32 [tilespmem:s9], [sflag:$0x1], $0x80, s3, s13, $0xb8;
	[tilespmem:$0x18800] =	vst v63  }
0x67: {  	_ =	swait.ge [sflag:s10], $0x4000  }
0x68: {  	[sflag:s10] =	ssyncset.done $0x0  }
0x69: {  	[sflag:s10] =	ssyncadd.s32 $0xFFFFC000  }
0x6a: {  	[spmem:s2] =	stream.indirect.scatter.add.f32 [tilespmem:s9], [sflag:$0x1], $0x80, s13, s13, $0xb8;
	[tilespmem:$0x18800] =	vst v63  }
0x6b: {  	_ =	swait.ge [sflag:s10], $0x4000  }
0x6c: {  	[sflag:s10] =	ssyncset.done $0x0  }
0x6d: {  	[sflag:s10] =	ssyncadd.s32 $0xFFFFC000  }
0x6e: {  	[spmem:s2] =	stream.indirect.scatter.add.f32 [tilespmem:s9], [sflag:$0x1], $0x80, s14, s13, $0xb8;
	[tilespmem:$0x18800] =	vst v63  }
0x6f: {  	_ =	swait.ge [sflag:s10], $0x4000  }
0x70: {  	[sflag:s10] =	ssyncset.done $0x0  }
0x71: {  	[sflag:s10] =	ssyncadd.s32 $0xFFFFC000  }
0x72: {  	[spmem:s2] =	stream.indirect.scatter.add.f32 [tilespmem:s9], [sflag:$0x1], $0x80, s15, s13, $0xb8;
	[tilespmem:$0x18800] =	vst v63  }
0x73: {  	_ =	swait.ge [sflag:s10], $0x4000  }
0x74: {  	[sflag:s10] =	ssyncset.done $0x0  }
0x75: {  	[sflag:s10] =	ssyncadd.s32 $0xFFFFC000  }
0x76: {  	[spmem:s2] =	stream.indirect.scatter.add.f32 [tilespmem:s9], [sflag:$0x1], $0x80, s16, s13, $0xb8;
	[tilespmem:$0x18800] =	vst v63  }
0x77: {  	_ =	swait.ge [sflag:s10], $0x4000  }
0x78: {  	[sflag:s10] =	ssyncset.done $0x0  }
0x79: {  	[sflag:s10] =	ssyncadd.s32 $0xFFFFC000  }
0x7a: {  	[spmem:s2] =	stream.indirect.scatter.add.f32 [tilespmem:s9], [sflag:$0x1], $0x80, s17, s13, $0xb8;
	[tilespmem:$0x18800] =	vst v63  }
0x7b: {  	_ =	swait.ge [sflag:s10], $0x4000  }
0x7c: {  	[sflag:s10] =	ssyncset.done $0x0  }
0x7d: {  	[sflag:s10] =	ssyncadd.s32 $0xFFFFC000  }
0x7e: {  	[spmem:s2] =	stream.indirect.scatter.add.f32 [tilespmem:s9], [sflag:$0x1], $0x80, s18, s13, $0xb8;
	[tilespmem:$0x18800] =	vst v63  }
0x7f: {  	_ =	swait.ge [sflag:s10], $0x4000  }
0x80: {  	[sflag:s10] =	ssyncset.done $0x0  }
0x81: {  	[sflag:s10] =	ssyncadd.s32 $0xFFFFC000  }
0x82: {  	[spmem:s2] =	stream.indirect.scatter.add.f32 [tilespmem:s9], [sflag:$0x1], $0x80, s19, s13, $0xb8;
	[tilespmem:$0x18800] =	vst v63  }
0x83: {  	_ =	swait.ge [sflag:s10], $0x4000  }
0x84: {  	[sflag:s10] =	ssyncset.done $0x0  }
0x85: {  	[sflag:s10] =	ssyncadd.s32 $0xFFFFC000  }
0x86: {  	[spmem:s2] =	stream.indirect.scatter.add.f32 [tilespmem:s9], [sflag:$0x1], $0x80, s20, s13, $0xb8;
	[tilespmem:$0x18800] =	vst v63  }
0x87: {  	_ =	swait.ge [sflag:s10], $0x4000  }
0x88: {  	[sflag:s10] =	ssyncset.done $0x0  }
0x89: {  	[sflag:s10] =	ssyncadd.s32 $0xFFFFC000  }
0x8a: {  	[spmem:s2] =	stream.indirect.scatter.add.f32 [tilespmem:s9], [sflag:$0x1], $0x80, s21, s13, $0xb8;
	[tilespmem:$0x18800] =	vst v63  }
0x8b: {  	_ =	swait.ge [sflag:s10], $0x4000  }
0x8c: {  	[sflag:s10] =	ssyncset.done $0x0  }
0x8d: {  	[sflag:s10] =	ssyncadd.s32 $0xFFFFC000  }
0x8e: {  	[spmem:s2] =	stream.indirect.scatter.add.f32 [tilespmem:s9], [sflag:$0x1], $0x80, s22, s13, $0xb8;
	[tilespmem:$0x18800] =	vst v63  }
0x8f: {  	_ =	swait.ge [sflag:s10], $0x4000  }
0x90: {  	[sflag:s10] =	ssyncset.done $0x0  }
0x91: {  	[sflag:s10] =	ssyncadd.s32 $0xFFFFC000  }
0x92: {  	[spmem:s2] =	stream.indirect.scatter.add.f32 [tilespmem:s9], [sflag:$0x1], $0x80, s23, s13, $0xb8;
	[tilespmem:$0x18800] =	vst v63  }
0x93: {  	_ =	swait.ge [sflag:s10], $0x4000  }
0x94: {  	[sflag:s10] =	ssyncset.done $0x0  }
0x95: {  	[sflag:s10] =	ssyncadd.s32 $0xFFFFC000  }
0x96: {  	[spmem:s2] =	stream.indirect.scatter.add.f32 [tilespmem:s9], [sflag:$0x1], $0x80, s24, s13, $0xb8;
	[tilespmem:$0x18800] =	vst v63  }
0x97: {  	_ =	swait.ge [sflag:s10], $0x4000  }
0x98: {  	[sflag:s10] =	ssyncset.done $0x0  }
0x99: {  	[sflag:s10] =	ssyncadd.s32 $0xFFFFC000  }
0x9a: {  	[spmem:s2] =	stream.indirect.scatter.add.f32 [tilespmem:s9], [sflag:$0x1], $0x80, s25, s13, $0xb8;
	[tilespmem:$0x18800] =	vst v63  }
0x9b: {  	_ =	swait.ge [sflag:s10], $0x4000  }
0x9c: {  	[sflag:s10] =	ssyncset.done $0x0  }
0x9d: {  	[sflag:s10] =	ssyncadd.s32 $0xFFFFC000  }
0x9e: {  	[spmem:s2] =	stream.indirect.scatter.add.f32 [tilespmem:s9], [sflag:$0x1], $0x80, s26, s13, $0xb8;
	[tilespmem:$0x18800] =	vst v63  }
0x9f: {  	_ =	swait.ge [sflag:s10], $0x4000  }
.Ltmp0:
0xa0: {  	[sflag:s10] =	ssyncset.done $0x0;
	(pc) =	sbr.rel @p0 .LBB2_2-.Ltmp0, $4  }
0xa1: {  	[sflag:s10] =	ssyncadd.s32 $0xFFFFC000  }
0xa2: {  	[spmem:s2] =	stream.indirect.scatter.add.f32 [tilespmem:s9], [sflag:$0x1], $0x80, s28, s13, $0xb8;
	[tilespmem:$0x18800] =	vst v63  }
0xa3: {  	_ =	swait.ge [sflag:s10], $0x4000  }
0xa4: {  	s31 =	smov.u32 s0;
	[sflag:s10] =	ssyncset.done $0x0  }
0xa5: {  	s0 =	sadd.s32 s30, s8;
	[sflag:s10] =	ssyncadd.s32 $0xFFFFC000  }
0xa6: {  	[tilespmem:s3], [sflag:$0x1] =	stream.linear.gather [hbm4b:s0+s3], $0x800, $0x38;
	[tilespmem:$0x18800] =	vst v63  }
0xa7: {  	_ =	swait.ge [sflag:s10], $0x800  }
0xa8: {  	[sflag:s10] =	ssyncset.done $0x0  }
0xa9: {  	[sflag:s10] =	ssyncadd.s32 $0xFFFFF800  }
0xaa: {  	[spmem:s2] =	stream.indirect.scatter.add.f32 [tilespmem:s9], [sflag:$0x1], $0x80, s3, s13, $0xb8;
	[tilespmem:$0x18800] =	vst v63  }
0xab: {  	_ =	swait.ge [sflag:s10], $0x4000  }
0xac: {  	[sflag:s10] =	ssyncset.done $0x0  }
0xad: {  	[sflag:s10] =	ssyncadd.s32 $0xFFFFC000  }
0xae: {  	[spmem:s2] =	stream.indirect.scatter.add.f32 [tilespmem:s9], [sflag:$0x1], $0x80, s13, s13, $0xb8;
	[tilespmem:$0x18800] =	vst v63  }
0xaf: {  	_ =	swait.ge [sflag:s10], $0x4000  }
0xb0: {  	[sflag:s10] =	ssyncset.done $0x0  }
0xb1: {  	[sflag:s10] =	ssyncadd.s32 $0xFFFFC000  }
0xb2: {  	[spmem:s2] =	stream.indirect.scatter.add.f32 [tilespmem:s9], [sflag:$0x1], $0x80, s14, s13, $0xb8;
	[tilespmem:$0x18800] =	vst v63  }
0xb3: {  	_ =	swait.ge [sflag:s10], $0x4000  }
0xb4: {  	[sflag:s10] =	ssyncset.done $0x0  }
0xb5: {  	[sflag:s10] =	ssyncadd.s32 $0xFFFFC000  }
0xb6: {  	[spmem:s2] =	stream.indirect.scatter.add.f32 [tilespmem:s9], [sflag:$0x1], $0x80, s15, s13, $0xb8;
	[tilespmem:$0x18800] =	vst v63  }
0xb7: {  	_ =	swait.ge [sflag:s10], $0x4000  }
0xb8: {  	[sflag:s10] =	ssyncset.done $0x0  }
0xb9: {  	[sflag:s10] =	ssyncadd.s32 $0xFFFFC000  }
0xba: {  	[spmem:s2] =	stream.indirect.scatter.add.f32 [tilespmem:s9], [sflag:$0x1], $0x80, s16, s13, $0xb8;
	[tilespmem:$0x18800] =	vst v63  }
0xbb: {  	_ =	swait.ge [sflag:s10], $0x4000  }
0xbc: {  	[sflag:s10] =	ssyncset.done $0x0  }
0xbd: {  	[sflag:s10] =	ssyncadd.s32 $0xFFFFC000  }
0xbe: {  	[spmem:s2] =	stream.indirect.scatter.add.f32 [tilespmem:s9], [sflag:$0x1], $0x80, s17, s13, $0xb8;
	[tilespmem:$0x18800] =	vst v63  }
0xbf: {  	_ =	swait.ge [sflag:s10], $0x4000  }
0xc0: {  	[sflag:s10] =	ssyncset.done $0x0  }
0xc1: {  	[sflag:s10] =	ssyncadd.s32 $0xFFFFC000  }
0xc2: {  	[spmem:s2] =	stream.indirect.scatter.add.f32 [tilespmem:s9], [sflag:$0x1], $0x80, s18, s13, $0xb8;
	[tilespmem:$0x18800] =	vst v63  }
0xc3: {  	_ =	swait.ge [sflag:s10], $0x4000  }
0xc4: {  	[sflag:s10] =	ssyncset.done $0x0  }
0xc5: {  	[sflag:s10] =	ssyncadd.s32 $0xFFFFC000  }
0xc6: {  	[spmem:s2] =	stream.indirect.scatter.add.f32 [tilespmem:s9], [sflag:$0x1], $0x80, s19, s13, $0xb8;
	[tilespmem:$0x18800] =	vst v63  }
0xc7: {  	_ =	swait.ge [sflag:s10], $0x4000  }
0xc8: {  	[sflag:s10] =	ssyncset.done $0x0  }
0xc9: {  	[sflag:s10] =	ssyncadd.s32 $0xFFFFC000  }
0xca: {  	[spmem:s2] =	stream.indirect.scatter.add.f32 [tilespmem:s9], [sflag:$0x1], $0x80, s20, s13, $0xb8;
	[tilespmem:$0x18800] =	vst v63  }
0xcb: {  	_ =	swait.ge [sflag:s10], $0x4000  }
0xcc: {  	[sflag:s10] =	ssyncset.done $0x0  }
0xcd: {  	[sflag:s10] =	ssyncadd.s32 $0xFFFFC000  }
0xce: {  	[spmem:s2] =	stream.indirect.scatter.add.f32 [tilespmem:s9], [sflag:$0x1], $0x80, s21, s13, $0xb8;
	[tilespmem:$0x18800] =	vst v63  }
0xcf: {  	_ =	swait.ge [sflag:s10], $0x4000  }
0xd0: {  	[sflag:s10] =	ssyncset.done $0x0  }
0xd1: {  	[sflag:s10] =	ssyncadd.s32 $0xFFFFC000  }
0xd2: {  	[spmem:s2] =	stream.indirect.scatter.add.f32 [tilespmem:s9], [sflag:$0x1], $0x80, s22, s13, $0xb8;
	[tilespmem:$0x18800] =	vst v63  }
0xd3: {  	_ =	swait.ge [sflag:s10], $0x4000  }
0xd4: {  	[sflag:s10] =	ssyncset.done $0x0  }
0xd5: {  	[sflag:s10] =	ssyncadd.s32 $0xFFFFC000  }
0xd6: {  	[spmem:s2] =	stream.indirect.scatter.add.f32 [tilespmem:s9], [sflag:$0x1], $0x80, s23, s13, $0xb8;
	[tilespmem:$0x18800] =	vst v63  }
0xd7: {  	_ =	swait.ge [sflag:s10], $0x4000  }
0xd8: {  	[sflag:s10] =	ssyncset.done $0x0  }
0xd9: {  	[sflag:s10] =	ssyncadd.s32 $0xFFFFC000  }
0xda: {  	[spmem:s2] =	stream.indirect.scatter.add.f32 [tilespmem:s9], [sflag:$0x1], $0x80, s24, s13, $0xb8;
	[tilespmem:$0x18800] =	vst v63  }
0xdb: {  	_ =	swait.ge [sflag:s10], $0x4000  }
0xdc: {  	[sflag:s10] =	ssyncset.done $0x0  }
0xdd: {  	[sflag:s10] =	ssyncadd.s32 $0xFFFFC000  }
0xde: {  	[spmem:s2] =	stream.indirect.scatter.add.f32 [tilespmem:s9], [sflag:$0x1], $0x80, s25, s13, $0xb8;
	[tilespmem:$0x18800] =	vst v63  }
0xdf: {  	_ =	swait.ge [sflag:s10], $0x4000  }
0xe0: {  	[sflag:s10] =	ssyncset.done $0x0  }
0xe1: {  	[sflag:s10] =	ssyncadd.s32 $0xFFFFC000  }
0xe2: {  	[spmem:s2] =	stream.indirect.scatter.add.f32 [tilespmem:s9], [sflag:$0x1], $0x80, s26, s13, $0xb8;
	[tilespmem:$0x18800] =	vst v63  }
0xe3: {  	_ =	swait.ge [sflag:s10], $0x4000  }
0xe4: {  	[sflag:s10] =	ssyncset.done $0x0  }
0xe5: {  	[sflag:s10] =	ssyncadd.s32 $0xFFFFC000  }
0xe6: {  	[spmem:s2] =	stream.indirect.scatter.add.f32 [tilespmem:s9], [sflag:$0x1], $0x80, s28, s13, $0xb8;
	[tilespmem:$0x18800] =	vst v63  }
0xe7: {  	_ =	swait.ge [sflag:s10], $0x4000  }
0xe8: {  	s29 =	sadd.s32 $0x1, s29;
	[sflag:s10] =	ssyncset.done $0x0  }
0xe9: {  	p0 =	sne.s32 s29, s7;
	[sflag:s10] =	ssyncadd.s32 $0xFFFFC000  }
.Ltmp1:
0xea: {  	[bflag:$0x0] =	sbarrier.arrive $0xFFFF;
	(pc) =	sbr.rel @p0 .LBB2_1-.Ltmp1, $4  }
0xeb: {  	[hbm:s6], [sflag:s11] =	dma.local [spmem:s12], $0x2800  }
0xec: {  	_ =	swait.ge [sflag:s10], $0x2800  }
0xed: {  	[sflag:s10] =	ssyncset.done $0x0  }
0xee: {  	[sflag:s10] =	ssyncadd.s32 $0xFFFFD800  }
0xef: {  	_ =	sfence.sel $0x180000  }
0xf0: {  	[bflag:$0x0] =	sbarrier.arrive $0xFFFF  }
0xf1: {  	_ =	strace $0x90000047  }
0xf2: {  	s0 =	stileid.u32;
	[bflag:$0x2] =	sbarrier.arrive $0xFFFF  }
0xf3: {  	p0 =	sne.s32 s0, $0x0;
	s0 =	rddreg [dreg:$0x3]  }
0xf4: {  	s0 =	sadd.s32 @!p0 $0x100000, s0  }
0xf5: {  	[sflag:s0] =	ssyncadd.tile.s32 @!p0 $0x1;
	_ =	shalt  }
.Lfunc_end2:
_tile_overlayer_lowered:
.L_overlay_start_2:
0xf6: {  	(tag) =	ssettag $0x2  }
0xf7: {  	s0 =	rddreg [dreg:$0x0];
	s2 =	stileid.u32  }
0xf8: {  	s1 =	rddreg [dreg:$0x1];
	p0 =	sne.s32 s2, $0x0  }
0xf9: {  	s3 =	rddreg [dreg:$0x2];
	[bflag:$0x3] =	sbarrier.arrive $0xFFFF;
	s2 =	simm.s32 @!p0 $0x1C01  }
0xfa: {  	[timem:s3], [sflag:s2] =	dma.local @!p0 [hbm:s0], s1  }
0xfb: {  	s0 =	simm.s32 @!p0 $0x1  }
0xfc: {  	_ =	swait.ge @!p0 [sflag:s0], s1  }
0xfd: {  	s1 =	ssub.s32 @!p0 $0x0, s1;
	[sflag:s0] =	ssyncset.done @!p0 $0x0  }
0xfe: {  	[sflag:s0] =	ssyncadd.s32 @!p0 s1  }
0xff: {  	[bflag:$0x3] =	sbarrier.arrive $0xFFFF  }
0x100: {  	_ =	shalt  }

// kernel: kernel.15.cloned.1.call-start
scs
__scs_entry_jumppad:
0x0: {  	(pc) =	sbr.rel $0x88, $3  }
0x1: {  	(tag) =	ssettag $0x0;
	lr =	simm.s32 $0x1  }
0x2: {  	[smem:$0x3F8D] =	sst lr;
	_ =	strace $0xD0000000  }
0x3: {  	_ = 	snop  }
0x4: {  	_ = 	snop  }
0x5: {  	_ = 	snop  }
0x6: {  	_ = 	snop  }
0x7: {  	_ = 	snop  }
__scs_overlays_trampoline_lowered:
0x8: {  	[smem:$0x3F9C] =	sst s0  }
0x9: {  	[smem:$0x3F9D] =	sst s1  }
0xa: {  	[smem:$0x3F9E] =	sst s2  }
0xb: {  	[smem:$0x3F9F] =	sst s3  }
0xc: {  	[smem:$0x3FA0] =	sst s4  }
0xd: {  	[smem:$0x3FA1] =	sst s5  }
0xe: {  	[smem:$0x3FA2] =	sst s6  }
0xf: {  	[smem:$0x3FA3] =	sst s7  }
0x10: {  	[smem:$0x3FA4] =	sst s8  }
0x11: {  	[smem:$0x3FA5] =	sst s9;
	s0 =	simm.s32 @!p0 $0x0  }
0x12: {  	s1 =	sld [smem:$0x3F8B];
	s0 =	simm.s32 @p0 $0x1  }
0x13: {  	[smem:$0x3FA6] =	sst s0;
	s0 =	simm.s32 @!p1 $0x0  }
0x14: {  	s2 =	sld [smem:$0x3F8A];
	s0 =	simm.s32 @p1 $0x1  }
0x15: {  	[smem:$0x3FA7] =	sst s0;
	s0 =	simm.s32 @!p2 $0x0  }
0x16: {  	s3 =	sld [smem:$0x3FDB];
	s0 =	simm.s32 @p2 $0x1  }
0x17: {  	s4 =	simm.s32 $0x1BF5;
	[smem:$0x3FA9] =	sst s0  }
0x18: {  	s0 =	sld [smem:$0x3F8C];
	_ =	swait.ge [sflag:s4], $0x0  }
0x19: {  	s7 =	sld [smem:$0x3F8D]  }
0x1a: {  	s8 =	sadd.s32 $0xFFFFE003, lr  }
0x1b: {  	s9 =	sadd.s32 $0xFFFFFEF7, lr;
	s5 =	simm.s32 $0xFFFFFFFF;
	p2 =	slt.u32 s8, $0xFFFFF086  }
0x1c: {  	p1 =	slt.u32 s9, $0xF7A;
	s5 =	simm.s32 @!p2 $0x0  }
0x1d: {  	s5 =	simm.s32 @p1 $0x1;
	p0 =	seq.s32 s7, s2  }
0x1e: {  	s7 =	smul.u32 @!p0 $0xF7A, s2;
	p2 =	seq.s32 @!p0 s5, $0x0  }
0x1f: {  	s9 =	smul.u32 $0xF7A, s1;
	s8 =	simm.s32 @!p0 $0x1BF5;
	p2 =	por !p2, p0  }
0x20: {  	[sflag:s8] =	ssyncset.s32 @!p0 $0xFFFFF086;
	s6 =	sadd.s32 @!p0 s3, s7;
	s7 =	simm.s32 @!p0 $0x108  }
0x21: {  	s3 =	sadd.s32 s3, s9;
	s6 =	sadd.s32 @!p0 $0x88, s6;
	s7 =	simm.s32 @p2 $0x1082  }
0x22: {  	[simem:s7], [sflag:s8] =	dma.local @!p0 [hbm:s6], $0xF7A  }
0x23: {  	s9 =	sor.u32 $0xD0000000, s2;
	s6 =	simm.s32 $0x108;
	_ =	swait.ge @!p0 [sflag:s8], $0x0  }
0x24: {  	s3 =	sadd.s32 $0x88, s3;
	s6 =	simm.s32 @!p1 $0x1082;
	[sflag:s4] =	ssyncset.s32 $0xFFFFF086  }
0x25: {  	[simem:s6], [sflag:s4] =	dma.local [hbm:s3], $0xF7A  }
0x26: {  	[smem:$0x3F8D] =	sst s1;
	(tag) =	ssettag s2;
	_ =	strace s9  }
0x27: {  	s1 =	sld [smem:$0x3F9D]  }
0x28: {  	s2 =	sld [smem:$0x3F9E]  }
0x29: {  	s4 =	sld [smem:$0x3FA0]  }
0x2a: {  	p0 =	seq.s32 s5, $0x0;
	s5 =	sld [smem:$0x3FA1]  }
0x2b: {  	s6 =	sld [smem:$0x3FA2]  }
0x2c: {  	s7 =	sld [smem:$0x3FA3]  }
0x2d: {  	s3 =	simm.s32 $0x108;
	s8 =	sld [smem:$0x3FA4]  }
0x2e: {  	s3 =	simm.s32 @!p0 $0x1082;
	s9 =	sld [smem:$0x3FA5]  }
0x2f: {  	lr =	sadd.s32 s0, s3;
	s0 =	sld [smem:$0x3F9C]  }
0x30: {  	s3 =	sld [smem:$0x3F9F]  }
0x31: {  	[smem:$0x3FA8] =	sst s10  }
0x32: {  	s10 =	sld [smem:$0x3FA6];
	_ =	sdelay $0x3  }
0x33: {  	p0 =	seq.s32 s10, $0x1;
	s10 =	sld [smem:$0x3FA8];
	_ =	sdelay $0x3  }
0x34: {  	[smem:$0x3FA8] =	sst s10  }
0x35: {  	s10 =	sld [smem:$0x3FA7];
	_ =	sdelay $0x3  }
0x36: {  	p1 =	seq.s32 s10, $0x1;
	s10 =	sld [smem:$0x3FA8];
	_ =	sdelay $0x3  }
0x37: {  	[smem:$0x3FA8] =	sst s10  }
0x38: {  	s10 =	sld [smem:$0x3FA9]  }
0x39: {  	_ = 	snop;
	(pc) =	sbr.ind lr, $3  }
0x3a: {  	_ = 	snop  }
0x3b: {  	_ = 	snop  }
0x3c: {  	p2 =	seq.s32 s10, $0x1;
	s10 =	sld [smem:$0x3FA8]  }
0x3d: {  	_ =	shalt  }
0x3e: {  	_ =	shalt  }
0x3f: {  	_ =	shalt  }
0x40: {  	_ =	shalt  }
0x41: {  	_ =	shalt  }
0x42: {  	_ =	shalt  }
0x43: {  	_ =	shalt  }
0x44: {  	_ =	shalt  }
0x45: {  	_ =	shalt  }
0x46: {  	_ =	shalt  }
0x47: {  	_ =	shalt  }
0x48: {  	_ =	shalt  }
0x49: {  	_ =	shalt  }
0x4a: {  	_ =	shalt  }
0x4b: {  	_ =	shalt  }
0x4c: {  	_ =	shalt  }
0x4d: {  	_ =	shalt  }
0x4e: {  	_ =	shalt  }
0x4f: {  	_ =	shalt  }
0x50: {  	_ =	shalt  }
0x51: {  	_ =	shalt  }
0x52: {  	_ =	shalt  }
0x53: {  	_ =	shalt  }
0x54: {  	_ =	shalt  }
0x55: {  	_ =	shalt  }
0x56: {  	_ =	shalt  }
0x57: {  	_ =	shalt  }
0x58: {  	_ =	shalt  }
0x59: {  	_ =	shalt  }
0x5a: {  	_ =	shalt  }
0x5b: {  	_ =	shalt  }
0x5c: {  	_ =	shalt  }
0x5d: {  	_ =	shalt  }
0x5e: {  	_ =	shalt  }
0x5f: {  	_ =	shalt  }
0x60: {  	_ =	shalt  }
0x61: {  	_ =	shalt  }
0x62: {  	_ =	shalt  }
0x63: {  	_ =	shalt  }
0x64: {  	_ =	shalt  }
0x65: {  	_ =	shalt  }
0x66: {  	_ =	shalt  }
0x67: {  	_ =	shalt  }
0x68: {  	_ =	shalt  }
0x69: {  	_ =	shalt  }
0x6a: {  	_ =	shalt  }
0x6b: {  	_ =	shalt  }
0x6c: {  	_ =	shalt  }
0x6d: {  	_ =	shalt  }
0x6e: {  	_ =	shalt  }
0x6f: {  	_ =	shalt  }
0x70: {  	_ =	shalt  }
0x71: {  	_ =	shalt  }
0x72: {  	_ =	shalt  }
0x73: {  	_ =	shalt  }
0x74: {  	_ =	shalt  }
0x75: {  	_ =	shalt  }
0x76: {  	_ =	shalt  }
0x77: {  	_ =	shalt  }
0x78: {  	_ =	shalt  }
0x79: {  	_ =	shalt  }
0x7a: {  	_ =	shalt  }
0x7b: {  	_ =	shalt  }
0x7c: {  	_ =	shalt  }
0x7d: {  	_ =	shalt  }
0x7e: {  	_ =	shalt  }
0x7f: {  	_ =	shalt  }
0x80: {  	_ =	shalt  }
0x81: {  	_ =	shalt  }
0x82: {  	_ =	shalt  }
0x83: {  	_ =	shalt  }
0x84: {  	_ =	shalt  }
0x85: {  	_ =	shalt  }
0x86: {  	_ =	shalt  }
0x87: {  	_ =	shalt  }
.Lfunc_end0:
.L_simem_size_0:
called_computation.1_lowered:
.L_overlay_start_0:
0x88: {  	s2 =	sld [smem:$0x3FD9]  }
0x89: {  	s3 =	sld [smem:$0x3FFE];
	_ =	sdelay $0x1  }
0x8a: {  	s1 =	srdreg.scid  }
0x8b: {  	s0 =	sand.u32 $0x1, s1  }
0x8c: {  	s14 =	sshll.u32 s0, $0xA;
	s2 =	sadd.s32 s3, s2  }
0x8d: {  	s2 =	sadd.s32 s2, s14  }
0x8e: {  	[smem:$0x3FB4] =	sst s2  }
0x8f: {  	_ = 	snop  }
0x90: {  	s2 =	sld [smem:$0x3FD0];
	_ =	sdelay $0x2  }
0x91: {  	s15 =	simm.s32 $0xA;
	s4 =	simm.s32 $0x10  }
0x92: {  	[smem:s4], [sflag:s15] =	dma.local [hbm:s2], $0x1  }
0x93: {  	_ =	swait.eq [sflag:s15], $0x1  }
0x94: {  	[sflag:s15] =	ssyncset.done $0x0  }
0x95: {  	[sflag:s15] =	ssyncadd.s32 $0xFFFFFFFF  }
0x96: {  	s16 =	sld [smem:$0x11];
	(tm) =	ssettm $0x1  }
0x97: {  	s17 =	sld [smem:$0x3FFB];
	_ =	sdelay $0x3  }
0x98: {  	_ =	strace s17  }
0x99: {  	s3 =	sld [smem:$0x3FFC];
	_ =	sdelay $0x3  }
0x9a: {  	_ =	strace s3  }
0x9b: {  	s3 =	sld [smem:$0x3FFD];
	_ =	sdelay $0x3  }
0x9c: {  	_ =	strace s3  }
0x9d: {  	_ =	strace $0x8FFFFFFF  }
0x9e: {  	s18 =	sld [smem:$0x3FDB];
	_ =	sdelay $0x1  }
0x9f: {  	s19 =	simm.s32 $_scs_section_size  }
0xa0: {  	s5 =	simm.s32 $_size__tile_overlayer_lowered;
	s6 =	simm.s32 $_tile_overlayer_lowered  }
0xa1: {  	s22 =	simm.s32 $0x1BFF;
	s21 =	sshll.u32 s6, $0x1;
	s3 =	sadd.s32 s19, s18  }
0xa2: {  	s7 =	simm.s32 $0x0;
	s20 =	sshll.u32 s5, $0x1;
	s5 =	sadd.s32 s21, s3  }
0xa3: {  	[timem:s7], [sflag:s22] =	dma.local [hbm:s5], s20  }
0xa4: {  	_ =	swait.ge [sflag:s22], s20  }
0xa5: {  	s4 =	ssub.s32 $0x0, s20;
	[sflag:s22] =	ssyncset.done $0x0  }
0xa6: {  	[sflag:s22] =	ssyncadd.s32 s4;
	_ =	sdelay $0x1  }
0xa7: {  	s23 =	simm.s32 $0x1B8B  }
0xa8: {  	_ =	swait.ge [sflag:s23], $0x1  }
0xa9: {  	[sflag:s23] =	ssyncset.done $0x0  }
0xaa: {  	s25 =	simm.s32 $0x1B8E;
	s24 =	sld [smem:$0x3FFE];
	[sflag:s23] =	ssyncadd.s32 $0xFFFFFFFF  }
0xab: {  	s26 =	simm.s32 $execute0_lowered;
	[smem:$0x3FD2] =	sst s25  }
0xac: {  	s5 =	sshll.u32 s26, $0x1;
	_ =	strace $0x80000049;
	[dreg:$0x1] =	wrdreg $0xFFFFFFFF  }
0xad: {  	s28 =	simm.s32 $_size_execute0_lowered;
	s3 =	sadd.s32 s3, s5;
	[dreg:$0x0] =	wrdreg $0x0  }
0xae: {  	s5 =	sshll.u32 s28, $0x1;
	[dreg:$0x2] =	wrdreg s3  }
0xaf: {  	[dreg:$0x3] =	wrdreg s5  }
0xb0: {  	[dreg:$0x4] =	wrdreg $0xC0  }
0xb1: {  	_ =	task [dreg:s7], $0x5FFFF  }
0xb2: {  	[dreg:$0x1] =	wrdreg $0xFFFFFFFF  }
0xb3: {  	[dreg:$0x0] =	wrdreg $0x60  }
0xb4: {  	[dreg:$0x2] =	wrdreg s24  }
0xb5: {  	[dreg:$0x3] =	wrdreg s16  }
0xb6: {  	[dreg:$0x4] =	wrdreg $0xA0000  }
0xb7: {  	[dreg:$0x5] =	wrdreg $0x9  }
0xb8: {  	_ =	task.clear_ibuf [dreg:s7], $0x6FFFF;
	_ =	strace $0x90000049  }
0xb9: {  	s29 =	simm.s32 $0x9;
	_ =	strace $0x8000004B  }
0xba: {  	_ =	swait.ge [sflag:s29], $0x1  }
0xbb: {  	[sflag:s29] =	ssyncadd.s32 $0xFFFFFFFF  }
0xbc: {  	_ =	strace $0x9000004B  }
0xbd: {  	_ =	sfence  }
0xbe: {  	s30 =	sld [smem:$0x0];
	_ =	sdelay $0x2  }
0xbf: {  	s31 =	sshll.u32 s1, $0xD;
	s1 =	sshrl.u32 s1, $0x2  }
0xc0: {  	s3 =	sand.u32 $0x4000, s31;
	s1 =	sadd.s32 s1, s30  }
0xc1: {  	s0 =	sor.u32 s3, s0;
	s1 =	sshll.u32 s1, $0x11  }
0xc2: {  	s0 =	sor.u32 s1, s0  }
0xc3: {  	s0 =	sadd.s32 $0x8F2B, s0  }
0xc4: {  	[sflag:s0] =	ssyncadd.remote.s32 $0x1  }
0xc5: {  	_ =	sfence.sel $0xFFFF  }
0xc6: {  	[dreg:$0x0] =	wrdreg $0xFFFFFFFF;
	(pc) =	sbr.abs _section_cstart, $3  }
0xc7: {  	[dreg:$0x1] =	wrdreg $0xFFFFFFFF  }
0xc8: {  	_ =	task.clear_ibuf [dreg:s7], $0x2FFFF;
	_ =	strace $0x9FFFFFFF  }
0xc9: {  	(tm) =	ssettm $0x7FFFFFFF  }
tec
execute0_lowered:
.L_overlay_start_1:
0x0: {  	(tag) =	ssettag $0x1  }
0x1: {  	s7 =	rddreg [dreg:$0x0]  }
0x2: {  	s2 =	rddreg [dreg:$0x1]  }
0x3: {  	s3 =	rddreg [dreg:$0x2]  }
0x4: {  	s1 =	stileid.u32;
	s5 =	srdreg.scid;
	s4 =	simm.s32 $0x0  }
0x5: {  	s17 =	simm.s32 $0x2000;
	s18 =	simm.s32 $0x1;
	s19 =	simm.s32 $0x6000  }
0x6: {  	s20 =	simm.s32 $0x2;
	s21 =	simm.s32 $0x0;
	s8 =	smul.u32 $0x14000, s1  }
0x7: {  	s9 =	sand.u32 $0x1, s5;
	[smem:$0x7FF] =	sst s4;
	s13 =	smul.u32 $0x50000, s1  }
0x8: {  	s5 =	sadd.s32 $0x2CA00, s7;
	s6 =	sadd.s32 $0x7D200, s7;
	s29 =	smul.u32 $0x5000, s1  }
0x9: {  	s25 =	sshll.u32 s1, $0x1;
	s30 =	sshll.u32 s1, $0x6;
	s10 =	smul.u32 $0x140000, s9  }
0xa: {  	_ =	strace $0x8000004A;
	s12 =	ssub.s32 $0x2, s9;
	s16 =	smul.u32 $0x2800, s9  }
0xb: {  	s11 =	sshrl.u32 s8, $0x3;
	s26 =	sshrl.u32 s12, $0x1;
	s28 =	sshrl.u32 s13, $0x2  }
0xc: {  	s8 =	sadd.s32 s8, s10;
	s24 =	sadd.s32 s11, s7;
	s11 =	sor.u32 s9, s25  }
0xd: {  	s12 =	ssub.s32 s12, s26;
	s15 =	sadd.s32 s28, s3;
	s13 =	sadd.s32 s16, s29  }
0xe: {  	s16 =	simm.s32 $0x80;
	s8 =	sshrl.u32 s8, $0x3;
	s11 =	smul.u32 $0x2800, s11  }
0xf: {  	s12 =	smax.u32 s12, $0x1;
	[dreg:$0x4] =	wrdreg s13;
	s13 =	sshrl.u32 s15, $0x3  }
0x10: {  	s15 =	simm.s32 $0x1000;
	s14 =	sadd.s32 s8, s7;
	s7 =	sadd.s32 $0x4A00, s24  }
0x11: {  	s8 =	sor.u32 $0x1C03, s30;
	s31 =	sshrl.u32 s11, $0x3;
	s11 =	sadd.s32 $0x87200, s14  }
0x12: {  	s14 =	simm.s32 $0x3;
	s9 =	sadd.s32 s6, s31;
	s10 =	sadd.s32 s2, s31  }
.LBB2_1:
0x13: {  	[spmem:s13], [sflag:s8] =	dma.local [hbm:s7], $0x2800  }
0x14: {  	_ =	swait.ge [sflag:s14], $0x2800  }
0x15: {  	[sflag:s14] =	ssyncset.done $0x0  }
0x16: {  	[sflag:s14] =	ssyncadd.s32 $0xFFFFD800  }
0x17: {  	[bflag:$0x0] =	sbarrier.arrive $0xFFFF  }
0x18: {  	[tilespmem:s4], [sflag:$0x3] =	stream.linear.gather [hbm4b:s9+s4], $0x800, $0x38;
	[tilespmem:$0x1E000] =	vst v63  }
0x19: {  	_ =	swait.ge [sflag:s14], $0x800  }
0x1a: {  	[sflag:s14] =	ssyncset.done $0x0  }
0x1b: {  	[sflag:s14] =	ssyncadd.s32 $0xFFFFF800  }
0x1c: {  	[tilespmem:s15], [sflag:$0x3] =	stream.linear.gather [hbm4b:s10+s4], $0x800, $0x38;
	[tilespmem:$0x1E000] =	vst v63  }
0x1d: {  	_ =	swait.ge [sflag:s14], $0x800  }
0x1e: {  	p0 =	por $0x0, $0x0;
	[sflag:s14] =	ssyncset.done $0x0;
	s22 =	rddreg [dreg:$0x4]  }
0x1f: {  	[sflag:s14] =	ssyncadd.s32 $0xFFFFF800;
	s22 =	sadd.s32 @!p0 $0x800, s22  }
0x20: {  	[tilespmem:s17], [sflag:$0x1] =	stream.indirect.gather [hbm4b:s5+s16], $0x80, s4, s16, $0xb8;
	[tilespmem:$0x1E000] =	vst v63  }
0x21: {  	s23 =	simm.s32 $0x800;
	s24 =	simm.s32 @!p0 $0x3;
	s22 =	sshrl.u32 @!p0 s22, $0x3  }
0x22: {  	s23 =	sand.u32 @!p0 $0x800, s23;
	s26 =	simm.s32 @!p0 $0x0;
	s25 =	sadd.s32 @!p0 s6, s22  }
0x23: {  	[tilespmem:s23], [sflag:$0x3] =	stream.linear.gather @!p0 [hbm4b:s25+s26], $0x800, $0x38;
	[tilespmem:$0x1E000] =	vst v63  }
0x24: {  	_ =	swait.ge @!p0 [sflag:s24], $0x800  }
0x25: {  	[sflag:s24] =	ssyncset.done @!p0 $0x0  }
0x26: {  	s22 =	sadd.s32 @!p0 s2, s22;
	s23 =	sor.u32 @!p0 $0x1000, s23;
	[sflag:s24] =	ssyncadd.s32 @!p0 $0xFFFFF800  }
0x27: {  	[tilespmem:s23], [sflag:$0x3] =	stream.linear.gather @!p0 [hbm4b:s22+s26], $0x800, $0x38;
	[tilespmem:$0x1E000] =	vst v63  }
0x28: {  	_ =	swait.ge @!p0 [sflag:s24], $0x800  }
0x29: {  	[sflag:s24] =	ssyncset.done @!p0 $0x0  }
0x2a: {  	[sflag:s24] =	ssyncadd.s32 @!p0 $0xFFFFF800  }
0x2b: {  	s24 =	simm.s32 $0x0;
	_ =	swait.ge [sflag:s18], $0x4000  }
0x2c: {  	s22 =	sand.u32 $0x800, s24;
	[sflag:s18] =	ssyncset.done $0x0  }
0x2d: {  	s25 =	sor.u32 $0x1000, s22;
	[sflag:s18] =	ssyncadd.s32 $0xFFFFC000  }
0x2e: {  	[spmem:s3] =	stream.indirect.scatter.add.f32 [tilespmem:s17], [sflag:$0x2], $0x80, s25, s16, $0xb8;
	[tilespmem:$0x1E000] =	vst v63  }
0x2f: {  	s26 =	sor.u32 $0x80, s22  }
0x30: {  	[tilespmem:s19], [sflag:$0x1] =	stream.indirect.gather [hbm4b:s5+s16], $0x80, s26, s16, $0xb8;
	[tilespmem:$0x1E000] =	vst v63  }
0x31: {  	_ =	swait.ge [sflag:s20], $0x4000  }
0x32: {  	[sflag:s20] =	ssyncset.done $0x0  }
0x33: {  	[sflag:s20] =	ssyncadd.s32 $0xFFFFC000  }
0x34: {  	_ =	swait.ge [sflag:s18], $0x4000  }
0x35: {  	[sflag:s18] =	ssyncset.done $0x0  }
0x36: {  	s28 =	sor.u32 $0x1080, s22;
	[sflag:s18] =	ssyncadd.s32 $0xFFFFC000  }
0x37: {  	[spmem:s3] =	stream.indirect.scatter.add.f32 [tilespmem:s19], [sflag:$0x2], $0x80, s28, s16, $0xb8;
	[tilespmem:$0x1E000] =	vst v63  }
0x38: {  	s29 =	sor.u32 $0x100, s22  }
0x39: {  	[tilespmem:s17], [sflag:$0x1] =	stream.indirect.gather [hbm4b:s5+s16], $0x80, s29, s16, $0xb8;
	[tilespmem:$0x1E000] =	vst v63  }
0x3a: {  	_ =	swait.ge [sflag:s20], $0x4000  }
0x3b: {  	[sflag:s20] =	ssyncset.done $0x0  }
0x3c: {  	[sflag:s20] =	ssyncadd.s32 $0xFFFFC000  }
0x3d: {  	_ =	swait.ge [sflag:s18], $0x4000  }
0x3e: {  	[sflag:s18] =	ssyncset.done $0x0  }
0x3f: {  	s30 =	sor.u32 $0x1100, s22;
	[sflag:s18] =	ssyncadd.s32 $0xFFFFC000  }
0x40: {  	[spmem:s3] =	stream.indirect.scatter.add.f32 [tilespmem:s17], [sflag:$0x2], $0x80, s30, s16, $0xb8;
	[tilespmem:$0x1E000] =	vst v63  }
0x41: {  	s31 =	sor.u32 $0x180, s22  }
0x42: {  	[tilespmem:s19], [sflag:$0x1] =	stream.indirect.gather [hbm4b:s5+s16], $0x80, s31, s16, $0xb8;
	[tilespmem:$0x1E000] =	vst v63  }
0x43: {  	_ =	swait.ge [sflag:s20], $0x4000  }
0x44: {  	[sflag:s20] =	ssyncset.done $0x0  }
0x45: {  	[sflag:s20] =	ssyncadd.s32 $0xFFFFC000  }
0x46: {  	_ =	swait.ge [sflag:s18], $0x4000  }
0x47: {  	[sflag:s18] =	ssyncset.done $0x0  }
0x48: {  	s0 =	sor.u32 $0x1180, s22;
	[sflag:s18] =	ssyncadd.s32 $0xFFFFC000  }
0x49: {  	[spmem:s3] =	stream.indirect.scatter.add.f32 [tilespmem:s19], [sflag:$0x2], $0x80, s0, s16, $0xb8;
	[tilespmem:$0x1E000] =	vst v63  }
0x4a: {  	s24 =	sor.u32 $0x200, s22  }
0x4b: {  	[tilespmem:s17], [sflag:$0x1] =	stream.indirect.gather [hbm4b:s5+s16], $0x80, s24, s16, $0xb8;
	[tilespmem:$0x1E000] =	vst v63  }
0x4c: {  	_ =	swait.ge [sflag:s20], $0x4000  }
0x4d: {  	[sflag:s20] =	ssyncset.done $0x0  }
0x4e: {  	[sflag:s20] =	ssyncadd.s32 $0xFFFFC000  }
0x4f: {  	_ =	swait.ge [sflag:s18], $0x4000  }
0x50: {  	[sflag:s18] =	ssyncset.done $0x0  }
0x51: {  	s25 =	sor.u32 $0x1200, s22;
	[sflag:s18] =	ssyncadd.s32 $0xFFFFC000  }
0x52: {  	[spmem:s3] =	stream.indirect.scatter.add.f32 [tilespmem:s17], [sflag:$0x2], $0x80, s25, s16, $0xb8;
	[tilespmem:$0x1E000] =	vst v63  }
0x53: {  	s26 =	sor.u32 $0x280, s22  }
0x54: {  	[tilespmem:s19], [sflag:$0x1] =	stream.indirect.gather [hbm4b:s5+s16], $0x80, s26, s16, $0xb8;
	[tilespmem:$0x1E000] =	vst v63  }
0x55: {  	_ =	swait.ge [sflag:s20], $0x4000  }
0x56: {  	[sflag:s20] =	ssyncset.done $0x0  }
0x57: {  	[sflag:s20] =	ssyncadd.s32 $0xFFFFC000  }
0x58: {  	_ =	swait.ge [sflag:s18], $0x4000  }
0x59: {  	[sflag:s18] =	ssyncset.done $0x0  }
0x5a: {  	s28 =	sor.u32 $0x1280, s22;
	[sflag:s18] =	ssyncadd.s32 $0xFFFFC000  }
0x5b: {  	[spmem:s3] =	stream.indirect.scatter.add.f32 [tilespmem:s19], [sflag:$0x2], $0x80, s28, s16, $0xb8;
	[tilespmem:$0x1E000] =	vst v63  }
0x5c: {  	s29 =	sor.u32 $0x300, s22  }
0x5d: {  	[tilespmem:s17], [sflag:$0x1] =	stream.indirect.gather [hbm4b:s5+s16], $0x80, s29, s16, $0xb8;
	[tilespmem:$0x1E000] =	vst v63  }
0x5e: {  	_ =	swait.ge [sflag:s20], $0x4000  }
0x5f: {  	[sflag:s20] =	ssyncset.done $0x0  }
0x60: {  	[sflag:s20] =	ssyncadd.s32 $0xFFFFC000  }
0x61: {  	_ =	swait.ge [sflag:s18], $0x4000  }
0x62: {  	[sflag:s18] =	ssyncset.done $0x0  }
0x63: {  	s30 =	sor.u32 $0x1300, s22;
	[sflag:s18] =	ssyncadd.s32 $0xFFFFC000  }
0x64: {  	[spmem:s3] =	stream.indirect.scatter.add.f32 [tilespmem:s17], [sflag:$0x2], $0x80, s30, s16, $0xb8;
	[tilespmem:$0x1E000] =	vst v63  }
0x65: {  	s31 =	sor.u32 $0x380, s22  }
0x66: {  	[tilespmem:s19], [sflag:$0x1] =	stream.indirect.gather [hbm4b:s5+s16], $0x80, s31, s16, $0xb8;
	[tilespmem:$0x1E000] =	vst v63  }
0x67: {  	_ =	swait.ge [sflag:s20], $0x4000  }
0x68: {  	[sflag:s20] =	ssyncset.done $0x0  }
0x69: {  	[sflag:s20] =	ssyncadd.s32 $0xFFFFC000  }
0x6a: {  	_ =	swait.ge [sflag:s18], $0x4000  }
0x6b: {  	[sflag:s18] =	ssyncset.done $0x0  }
0x6c: {  	s0 =	sor.u32 $0x1380, s22;
	[sflag:s18] =	ssyncadd.s32 $0xFFFFC000  }
0x6d: {  	[spmem:s3] =	stream.indirect.scatter.add.f32 [tilespmem:s19], [sflag:$0x2], $0x80, s0, s16, $0xb8;
	[tilespmem:$0x1E000] =	vst v63  }
0x6e: {  	s24 =	sor.u32 $0x400, s22  }
0x6f: {  	[tilespmem:s17], [sflag:$0x1] =	stream.indirect.gather [hbm4b:s5+s16], $0x80, s24, s16, $0xb8;
	[tilespmem:$0x1E000] =	vst v63  }
0x70: {  	_ =	swait.ge [sflag:s20], $0x4000  }
0x71: {  	[sflag:s20] =	ssyncset.done $0x0  }
0x72: {  	[sflag:s20] =	ssyncadd.s32 $0xFFFFC000  }
0x73: {  	_ =	swait.ge [sflag:s18], $0x4000  }
0x74: {  	[sflag:s18] =	ssyncset.done $0x0  }
0x75: {  	s25 =	sor.u32 $0x1400, s22;
	[sflag:s18] =	ssyncadd.s32 $0xFFFFC000  }
0x76: {  	[spmem:s3] =	stream.indirect.scatter.add.f32 [tilespmem:s17], [sflag:$0x2], $0x80, s25, s16, $0xb8;
	[tilespmem:$0x1E000] =	vst v63  }
0x77: {  	s26 =	sor.u32 $0x480, s22  }
0x78: {  	[tilespmem:s19], [sflag:$0x1] =	stream.indirect.gather [hbm4b:s5+s16], $0x80, s26, s16, $0xb8;
	[tilespmem:$0x1E000] =	vst v63  }
0x79: {  	_ =	swait.ge [sflag:s20], $0x4000  }
0x7a: {  	[sflag:s20] =	ssyncset.done $0x0  }
0x7b: {  	[sflag:s20] =	ssyncadd.s32 $0xFFFFC000  }
0x7c: {  	_ =	swait.ge [sflag:s18], $0x4000  }
0x7d: {  	[sflag:s18] =	ssyncset.done $0x0  }
0x7e: {  	s28 =	sor.u32 $0x1480, s22;
	[sflag:s18] =	ssyncadd.s32 $0xFFFFC000  }
0x7f: {  	[spmem:s3] =	stream.indirect.scatter.add.f32 [tilespmem:s19], [sflag:$0x2], $0x80, s28, s16, $0xb8;
	[tilespmem:$0x1E000] =	vst v63  }
0x80: {  	s29 =	sor.u32 $0x500, s22  }
0x81: {  	[tilespmem:s17], [sflag:$0x1] =	stream.indirect.gather [hbm4b:s5+s16], $0x80, s29, s16, $0xb8;
	[tilespmem:$0x1E000] =	vst v63  }
0x82: {  	_ =	swait.ge [sflag:s20], $0x4000  }
0x83: {  	[sflag:s20] =	ssyncset.done $0x0  }
0x84: {  	[sflag:s20] =	ssyncadd.s32 $0xFFFFC000  }
0x85: {  	_ =	swait.ge [sflag:s18], $0x4000  }
0x86: {  	[sflag:s18] =	ssyncset.done $0x0  }
0x87: {  	s30 =	sor.u32 $0x1500, s22;
	[sflag:s18] =	ssyncadd.s32 $0xFFFFC000  }
0x88: {  	[spmem:s3] =	stream.indirect.scatter.add.f32 [tilespmem:s17], [sflag:$0x2], $0x80, s30, s16, $0xb8;
	[tilespmem:$0x1E000] =	vst v63  }
0x89: {  	s31 =	sor.u32 $0x580, s22  }
0x8a: {  	[tilespmem:s19], [sflag:$0x1] =	stream.indirect.gather [hbm4b:s5+s16], $0x80, s31, s16, $0xb8;
	[tilespmem:$0x1E000] =	vst v63  }
0x8b: {  	_ =	swait.ge [sflag:s20], $0x4000  }
0x8c: {  	[sflag:s20] =	ssyncset.done $0x0  }
0x8d: {  	[sflag:s20] =	ssyncadd.s32 $0xFFFFC000  }
0x8e: {  	_ =	swait.ge [sflag:s18], $0x4000  }
0x8f: {  	[sflag:s18] =	ssyncset.done $0x0  }
0x90: {  	s0 =	sor.u32 $0x1580, s22;
	[sflag:s18] =	ssyncadd.s32 $0xFFFFC000  }
0x91: {  	[spmem:s3] =	stream.indirect.scatter.add.f32 [tilespmem:s19], [sflag:$0x2], $0x80, s0, s16, $0xb8;
	[tilespmem:$0x1E000] =	vst v63  }
0x92: {  	s24 =	sor.u32 $0x600, s22  }
0x93: {  	[tilespmem:s17], [sflag:$0x1] =	stream.indirect.gather [hbm4b:s5+s16], $0x80, s24, s16, $0xb8;
	[tilespmem:$0x1E000] =	vst v63  }
0x94: {  	_ =	swait.ge [sflag:s20], $0x4000  }
0x95: {  	[sflag:s20] =	ssyncset.done $0x0  }
0x96: {  	[sflag:s20] =	ssyncadd.s32 $0xFFFFC000  }
0x97: {  	_ =	swait.ge [sflag:s18], $0x4000  }
0x98: {  	[sflag:s18] =	ssyncset.done $0x0  }
0x99: {  	s25 =	sor.u32 $0x1600, s22;
	[sflag:s18] =	ssyncadd.s32 $0xFFFFC000  }
0x9a: {  	[spmem:s3] =	stream.indirect.scatter.add.f32 [tilespmem:s17], [sflag:$0x2], $0x80, s25, s16, $0xb8;
	[tilespmem:$0x1E000] =	vst v63  }
0x9b: {  	s26 =	sor.u32 $0x680, s22  }
0x9c: {  	[tilespmem:s19], [sflag:$0x1] =	stream.indirect.gather [hbm4b:s5+s16], $0x80, s26, s16, $0xb8;
	[tilespmem:$0x1E000] =	vst v63  }
0x9d: {  	_ =	swait.ge [sflag:s20], $0x4000  }
0x9e: {  	[sflag:s20] =	ssyncset.done $0x0  }
0x9f: {  	[sflag:s20] =	ssyncadd.s32 $0xFFFFC000  }
0xa0: {  	_ =	swait.ge [sflag:s18], $0x4000  }
0xa1: {  	[sflag:s18] =	ssyncset.done $0x0  }
0xa2: {  	s28 =	sor.u32 $0x1680, s22;
	[sflag:s18] =	ssyncadd.s32 $0xFFFFC000  }
0xa3: {  	[spmem:s3] =	stream.indirect.scatter.add.f32 [tilespmem:s19], [sflag:$0x2], $0x80, s28, s16, $0xb8;
	[tilespmem:$0x1E000] =	vst v63  }
0xa4: {  	s29 =	sor.u32 $0x700, s22  }
0xa5: {  	[tilespmem:s17], [sflag:$0x1] =	stream.indirect.gather [hbm4b:s5+s16], $0x80, s29, s16, $0xb8;
	[tilespmem:$0x1E000] =	vst v63  }
0xa6: {  	_ =	swait.ge [sflag:s20], $0x4000  }
0xa7: {  	[sflag:s20] =	ssyncset.done $0x0  }
0xa8: {  	[sflag:s20] =	ssyncadd.s32 $0xFFFFC000  }
0xa9: {  	_ =	swait.ge [sflag:s18], $0x4000  }
0xaa: {  	[sflag:s18] =	ssyncset.done $0x0  }
0xab: {  	s30 =	sor.u32 $0x1700, s22;
	[sflag:s18] =	ssyncadd.s32 $0xFFFFC000  }
0xac: {  	[spmem:s3] =	stream.indirect.scatter.add.f32 [tilespmem:s17], [sflag:$0x2], $0x80, s30, s16, $0xb8;
	[tilespmem:$0x1E000] =	vst v63  }
0xad: {  	s31 =	sor.u32 $0x780, s22  }
0xae: {  	[tilespmem:s19], [sflag:$0x1] =	stream.indirect.gather [hbm4b:s5+s16], $0x80, s31, s16, $0xb8;
	[tilespmem:$0x1E000] =	vst v63  }
0xaf: {  	_ =	swait.ge [sflag:s20], $0x4000  }
0xb0: {  	[sflag:s20] =	ssyncset.done $0x0  }
0xb1: {  	[sflag:s20] =	ssyncadd.s32 $0xFFFFC000  }
0xb2: {  	_ =	swait.ge [sflag:s18], $0x4000  }
0xb3: {  	p0 =	por $0x0, $0x0;
	[sflag:s18] =	ssyncset.done $0x0  }
0xb4: {  	s23 =	sxor.u32 @!p0 $0xFFFFFFFF, s4;
	s22 =	sor.u32 $0x1780, s22;
	[sflag:s18] =	ssyncadd.s32 $0xFFFFC000  }
0xb5: {  	[spmem:s3] =	stream.indirect.scatter.add.f32 [tilespmem:s19], [sflag:$0x2], $0x80, s22, s16, $0xb8;
	[tilespmem:$0x1E000] =	vst v63  }
0xb6: {  	s22 =	sand.u32 @!p0 $0x2000, s23  }
0xb7: {  	s24 =	simm.s32 @!p0 $0x2000;
	s23 =	simm.s32 @!p0 $0x80;
	s22 =	sshrl.u32 @!p0 s22, $0x2  }
0xb8: {  	[tilespmem:s24], [sflag:$0x1] =	stream.indirect.gather @!p0 [hbm4b:s5+s23], $0x80, s22, s23, $0xb8;
	[tilespmem:$0x1E000] =	vst v63  }
0xb9: {  	s25 =	simm.s32 $0x4000;
	s23 =	simm.s32 $0x2000  }
0xba: {  	s24 =	simm.s32 $0x1000;
	s22 =	simm.s32 $0x1;
	_ =	swait.ge [sflag:s20], $0x4000  }
.LBB2_2:
0xbb: {  	s28 =	rddreg [dreg:$0x4];
	p1 =	seq.s32 s23, $0x8000  }
0xbc: {  	[sflag:s20] =	ssyncset.done $0x0;
	s28 =	sadd.s32 @!p1 s24, s28  }
0xbd: {  	[sflag:s20] =	ssyncadd.s32 $0xFFFFC000;
	s29 =	simm.s32 @!p1 $0x3;
	s28 =	sshrl.u32 @!p1 s28, $0x3  }
0xbe: {  	s30 =	sand.u32 @!p1 $0x800, s24;
	s0 =	simm.s32 @!p1 $0x0;
	s31 =	sadd.s32 @!p1 s6, s28  }
0xbf: {  	[tilespmem:s30], [sflag:$0x3] =	stream.linear.gather @!p1 [hbm4b:s31+s0], $0x800, $0x38;
	[tilespmem:$0x1E000] =	vst v63  }
0xc0: {  	_ =	swait.ge @!p1 [sflag:s29], $0x800  }
0xc1: {  	[sflag:s29] =	ssyncset.done @!p1 $0x0  }
0xc2: {  	s28 =	sadd.s32 @!p1 s2, s28;
	s30 =	sor.u32 @!p1 $0x1000, s30;
	[sflag:s29] =	ssyncadd.s32 @!p1 $0xFFFFF800  }
0xc3: {  	[tilespmem:s30], [sflag:$0x3] =	stream.linear.gather @!p1 [hbm4b:s28+s0], $0x800, $0x38;
	[tilespmem:$0x1E000] =	vst v63  }
0xc4: {  	_ =	swait.ge @!p1 [sflag:s29], $0x800  }
0xc5: {  	[sflag:s29] =	ssyncset.done @!p1 $0x0  }
0xc6: {  	[sflag:s29] =	ssyncadd.s32 @!p1 $0xFFFFF800  }
0xc7: {  	s28 =	sshrl.u32 s23, $0x2;
	_ =	swait.ge [sflag:s18], $0x4000  }
0xc8: {  	s28 =	sand.u32 $0x800, s28;
	[sflag:s18] =	ssyncset.done $0x0  }
0xc9: {  	s0 =	sor.u32 $0x1000, s28;
	[sflag:s18] =	ssyncadd.s32 $0xFFFFC000  }
0xca: {  	[spmem:s3] =	stream.indirect.scatter.add.f32 [tilespmem:s17], [sflag:$0x2], $0x80, s0, s16, $0xb8;
	[tilespmem:$0x1E000] =	vst v63  }
0xcb: {  	s29 =	sor.u32 $0x80, s28  }
0xcc: {  	[tilespmem:s19], [sflag:$0x1] =	stream.indirect.gather [hbm4b:s5+s16], $0x80, s29, s16, $0xb8;
	[tilespmem:$0x1E000] =	vst v63  }
0xcd: {  	_ =	swait.ge [sflag:s20], $0x4000  }
0xce: {  	[sflag:s20] =	ssyncset.done $0x0  }
0xcf: {  	[sflag:s20] =	ssyncadd.s32 $0xFFFFC000  }
0xd0: {  	_ =	swait.ge [sflag:s18], $0x4000  }
0xd1: {  	[sflag:s18] =	ssyncset.done $0x0  }
0xd2: {  	s30 =	sor.u32 $0x1080, s28;
	[sflag:s18] =	ssyncadd.s32 $0xFFFFC000  }
0xd3: {  	[spmem:s3] =	stream.indirect.scatter.add.f32 [tilespmem:s19], [sflag:$0x2], $0x80, s30, s16, $0xb8;
	[tilespmem:$0x1E000] =	vst v63  }
0xd4: {  	s31 =	sor.u32 $0x100, s28  }
0xd5: {  	[tilespmem:s17], [sflag:$0x1] =	stream.indirect.gather [hbm4b:s5+s16], $0x80, s31, s16, $0xb8;
	[tilespmem:$0x1E000] =	vst v63  }
0xd6: {  	_ =	swait.ge [sflag:s20], $0x4000  }
0xd7: {  	[sflag:s20] =	ssyncset.done $0x0  }
0xd8: {  	[sflag:s20] =	ssyncadd.s32 $0xFFFFC000  }
0xd9: {  	_ =	swait.ge [sflag:s18], $0x4000  }
0xda: {  	[sflag:s18] =	ssyncset.done $0x0  }
0xdb: {  	s29 =	sor.u32 $0x1100, s28;
	[sflag:s18] =	ssyncadd.s32 $0xFFFFC000  }
0xdc: {  	[spmem:s3] =	stream.indirect.scatter.add.f32 [tilespmem:s17], [sflag:$0x2], $0x80, s29, s16, $0xb8;
	[tilespmem:$0x1E000] =	vst v63  }
0xdd: {  	s30 =	sor.u32 $0x180, s28  }
0xde: {  	[tilespmem:s19], [sflag:$0x1] =	stream.indirect.gather [hbm4b:s5+s16], $0x80, s30, s16, $0xb8;
	[tilespmem:$0x1E000] =	vst v63  }
0xdf: {  	_ =	swait.ge [sflag:s20], $0x4000  }
0xe0: {  	[sflag:s20] =	ssyncset.done $0x0  }
0xe1: {  	[sflag:s20] =	ssyncadd.s32 $0xFFFFC000  }
0xe2: {  	_ =	swait.ge [sflag:s18], $0x4000  }
0xe3: {  	[sflag:s18] =	ssyncset.done $0x0  }
0xe4: {  	s31 =	sor.u32 $0x1180, s28;
	[sflag:s18] =	ssyncadd.s32 $0xFFFFC000  }
0xe5: {  	[spmem:s3] =	stream.indirect.scatter.add.f32 [tilespmem:s19], [sflag:$0x2], $0x80, s31, s16, $0xb8;
	[tilespmem:$0x1E000] =	vst v63  }
0xe6: {  	s29 =	sor.u32 $0x200, s28  }
0xe7: {  	[tilespmem:s17], [sflag:$0x1] =	stream.indirect.gather [hbm4b:s5+s16], $0x80, s29, s16, $0xb8;
	[tilespmem:$0x1E000] =	vst v63  }
0xe8: {  	_ =	swait.ge [sflag:s20], $0x4000  }
0xe9: {  	[sflag:s20] =	ssyncset.done $0x0  }
0xea: {  	[sflag:s20] =	ssyncadd.s32 $0xFFFFC000  }
0xeb: {  	_ =	swait.ge [sflag:s18], $0x4000  }
0xec: {  	[sflag:s18] =	ssyncset.done $0x0  }
0xed: {  	s30 =	sor.u32 $0x1200, s28;
	[sflag:s18] =	ssyncadd.s32 $0xFFFFC000  }
0xee: {  	[spmem:s3] =	stream.indirect.scatter.add.f32 [tilespmem:s17], [sflag:$0x2], $0x80, s30, s16, $0xb8;
	[tilespmem:$0x1E000] =	vst v63  }
0xef: {  	s31 =	sor.u32 $0x280, s28  }
0xf0: {  	[tilespmem:s19], [sflag:$0x1] =	stream.indirect.gather [hbm4b:s5+s16], $0x80, s31, s16, $0xb8;
	[tilespmem:$0x1E000] =	vst v63  }
0xf1: {  	_ =	swait.ge [sflag:s20], $0x4000  }
0xf2: {  	[sflag:s20] =	ssyncset.done $0x0  }
0xf3: {  	[sflag:s20] =	ssyncadd.s32 $0xFFFFC000  }
0xf4: {  	_ =	swait.ge [sflag:s18], $0x4000  }
0xf5: {  	[sflag:s18] =	ssyncset.done $0x0  }
0xf6: {  	s29 =	sor.u32 $0x1280, s28;
	[sflag:s18] =	ssyncadd.s32 $0xFFFFC000  }
0xf7: {  	[spmem:s3] =	stream.indirect.scatter.add.f32 [tilespmem:s19], [sflag:$0x2], $0x80, s29, s16, $0xb8;
	[tilespmem:$0x1E000] =	vst v63  }
0xf8: {  	s30 =	sor.u32 $0x300, s28  }
0xf9: {  	[tilespmem:s17], [sflag:$0x1] =	stream.indirect.gather [hbm4b:s5+s16], $0x80, s30, s16, $0xb8;
	[tilespmem:$0x1E000] =	vst v63  }
0xfa: {  	_ =	swait.ge [sflag:s20], $0x4000  }
0xfb: {  	[sflag:s20] =	ssyncset.done $0x0  }
0xfc: {  	[sflag:s20] =	ssyncadd.s32 $0xFFFFC000  }
0xfd: {  	_ =	swait.ge [sflag:s18], $0x4000  }
0xfe: {  	[sflag:s18] =	ssyncset.done $0x0  }
0xff: {  	s31 =	sor.u32 $0x1300, s28;
	[sflag:s18] =	ssyncadd.s32 $0xFFFFC000  }
0x100: {  	[spmem:s3] =	stream.indirect.scatter.add.f32 [tilespmem:s17], [sflag:$0x2], $0x80, s31, s16, $0xb8;
	[tilespmem:$0x1E000] =	vst v63  }
0x101: {  	s29 =	sor.u32 $0x380, s28  }
0x102: {  	[tilespmem:s19], [sflag:$0x1] =	stream.indirect.gather [hbm4b:s5+s16], $0x80, s29, s16, $0xb8;
	[tilespmem:$0x1E000] =	vst v63  }
0x103: {  	_ =	swait.ge [sflag:s20], $0x4000  }
0x104: {  	[sflag:s20] =	ssyncset.done $0x0  }
0x105: {  	[sflag:s20] =	ssyncadd.s32 $0xFFFFC000  }
0x106: {  	_ =	swait.ge [sflag:s18], $0x4000  }
0x107: {  	[sflag:s18] =	ssyncset.done $0x0  }
0x108: {  	s30 =	sor.u32 $0x1380, s28;
	[sflag:s18] =	ssyncadd.s32 $0xFFFFC000  }
0x109: {  	[spmem:s3] =	stream.indirect.scatter.add.f32 [tilespmem:s19], [sflag:$0x2], $0x80, s30, s16, $0xb8;
	[tilespmem:$0x1E000] =	vst v63  }
0x10a: {  	s31 =	sor.u32 $0x400, s28  }
0x10b: {  	[tilespmem:s17], [sflag:$0x1] =	stream.indirect.gather [hbm4b:s5+s16], $0x80, s31, s16, $0xb8;
	[tilespmem:$0x1E000] =	vst v63  }
0x10c: {  	_ =	swait.ge [sflag:s20], $0x4000  }
0x10d: {  	[sflag:s20] =	ssyncset.done $0x0  }
0x10e: {  	[sflag:s20] =	ssyncadd.s32 $0xFFFFC000  }
0x10f: {  	_ =	swait.ge [sflag:s18], $0x4000  }
0x110: {  	[sflag:s18] =	ssyncset.done $0x0  }
0x111: {  	s29 =	sor.u32 $0x1400, s28;
	[sflag:s18] =	ssyncadd.s32 $0xFFFFC000  }
0x112: {  	[spmem:s3] =	stream.indirect.scatter.add.f32 [tilespmem:s17], [sflag:$0x2], $0x80, s29, s16, $0xb8;
	[tilespmem:$0x1E000] =	vst v63  }
0x113: {  	s30 =	sor.u32 $0x480, s28  }
0x114: {  	[tilespmem:s19], [sflag:$0x1] =	stream.indirect.gather [hbm4b:s5+s16], $0x80, s30, s16, $0xb8;
	[tilespmem:$0x1E000] =	vst v63  }
0x115: {  	_ =	swait.ge [sflag:s20], $0x4000  }
0x116: {  	[sflag:s20] =	ssyncset.done $0x0  }
0x117: {  	[sflag:s20] =	ssyncadd.s32 $0xFFFFC000  }
0x118: {  	_ =	swait.ge [sflag:s18], $0x4000  }
0x119: {  	[sflag:s18] =	ssyncset.done $0x0  }
0x11a: {  	s31 =	sor.u32 $0x1480, s28;
	[sflag:s18] =	ssyncadd.s32 $0xFFFFC000  }
0x11b: {  	[spmem:s3] =	stream.indirect.scatter.add.f32 [tilespmem:s19], [sflag:$0x2], $0x80, s31, s16, $0xb8;
	[tilespmem:$0x1E000] =	vst v63  }
0x11c: {  	s29 =	sor.u32 $0x500, s28  }
0x11d: {  	[tilespmem:s17], [sflag:$0x1] =	stream.indirect.gather [hbm4b:s5+s16], $0x80, s29, s16, $0xb8;
	[tilespmem:$0x1E000] =	vst v63  }
0x11e: {  	_ =	swait.ge [sflag:s20], $0x4000  }
0x11f: {  	[sflag:s20] =	ssyncset.done $0x0  }
0x120: {  	[sflag:s20] =	ssyncadd.s32 $0xFFFFC000  }
0x121: {  	_ =	swait.ge [sflag:s18], $0x4000  }
0x122: {  	[sflag:s18] =	ssyncset.done $0x0  }
0x123: {  	s30 =	sor.u32 $0x1500, s28;
	[sflag:s18] =	ssyncadd.s32 $0xFFFFC000  }
0x124: {  	[spmem:s3] =	stream.indirect.scatter.add.f32 [tilespmem:s17], [sflag:$0x2], $0x80, s30, s16, $0xb8;
	[tilespmem:$0x1E000] =	vst v63  }
0x125: {  	s31 =	sor.u32 $0x580, s28  }
0x126: {  	[tilespmem:s19], [sflag:$0x1] =	stream.indirect.gather [hbm4b:s5+s16], $0x80, s31, s16, $0xb8;
	[tilespmem:$0x1E000] =	vst v63  }
0x127: {  	_ =	swait.ge [sflag:s20], $0x4000  }
0x128: {  	[sflag:s20] =	ssyncset.done $0x0  }
0x129: {  	[sflag:s20] =	ssyncadd.s32 $0xFFFFC000  }
0x12a: {  	_ =	swait.ge [sflag:s18], $0x4000  }
0x12b: {  	[sflag:s18] =	ssyncset.done $0x0  }
0x12c: {  	s29 =	sor.u32 $0x1580, s28;
	[sflag:s18] =	ssyncadd.s32 $0xFFFFC000  }
0x12d: {  	[spmem:s3] =	stream.indirect.scatter.add.f32 [tilespmem:s19], [sflag:$0x2], $0x80, s29, s16, $0xb8;
	[tilespmem:$0x1E000] =	vst v63  }
0x12e: {  	s30 =	sor.u32 $0x600, s28  }
0x12f: {  	[tilespmem:s17], [sflag:$0x1] =	stream.indirect.gather [hbm4b:s5+s16], $0x80, s30, s16, $0xb8;
	[tilespmem:$0x1E000] =	vst v63  }
0x130: {  	_ =	swait.ge [sflag:s20], $0x4000  }
0x131: {  	[sflag:s20] =	ssyncset.done $0x0  }
0x132: {  	[sflag:s20] =	ssyncadd.s32 $0xFFFFC000  }
0x133: {  	_ =	swait.ge [sflag:s18], $0x4000  }
0x134: {  	[sflag:s18] =	ssyncset.done $0x0  }
0x135: {  	s31 =	sor.u32 $0x1600, s28;
	[sflag:s18] =	ssyncadd.s32 $0xFFFFC000  }
0x136: {  	[spmem:s3] =	stream.indirect.scatter.add.f32 [tilespmem:s17], [sflag:$0x2], $0x80, s31, s16, $0xb8;
	[tilespmem:$0x1E000] =	vst v63  }
0x137: {  	s29 =	sor.u32 $0x680, s28  }
0x138: {  	[tilespmem:s19], [sflag:$0x1] =	stream.indirect.gather [hbm4b:s5+s16], $0x80, s29, s16, $0xb8;
	[tilespmem:$0x1E000] =	vst v63  }
0x139: {  	_ =	swait.ge [sflag:s20], $0x4000  }
0x13a: {  	[sflag:s20] =	ssyncset.done $0x0  }
0x13b: {  	[sflag:s20] =	ssyncadd.s32 $0xFFFFC000  }
0x13c: {  	_ =	swait.ge [sflag:s18], $0x4000  }
0x13d: {  	[sflag:s18] =	ssyncset.done $0x0  }
0x13e: {  	s30 =	sor.u32 $0x1680, s28;
	[sflag:s18] =	ssyncadd.s32 $0xFFFFC000  }
0x13f: {  	[spmem:s3] =	stream.indirect.scatter.add.f32 [tilespmem:s19], [sflag:$0x2], $0x80, s30, s16, $0xb8;
	[tilespmem:$0x1E000] =	vst v63  }
0x140: {  	s31 =	sor.u32 $0x700, s28  }
0x141: {  	[tilespmem:s17], [sflag:$0x1] =	stream.indirect.gather [hbm4b:s5+s16], $0x80, s31, s16, $0xb8;
	[tilespmem:$0x1E000] =	vst v63  }
0x142: {  	_ =	swait.ge [sflag:s20], $0x4000  }
0x143: {  	[sflag:s20] =	ssyncset.done $0x0  }
0x144: {  	[sflag:s20] =	ssyncadd.s32 $0xFFFFC000  }
0x145: {  	_ =	swait.ge [sflag:s18], $0x4000  }
0x146: {  	[sflag:s18] =	ssyncset.done $0x0  }
0x147: {  	s29 =	sor.u32 $0x1700, s28;
	[sflag:s18] =	ssyncadd.s32 $0xFFFFC000  }
0x148: {  	[spmem:s3] =	stream.indirect.scatter.add.f32 [tilespmem:s17], [sflag:$0x2], $0x80, s29, s16, $0xb8;
	[tilespmem:$0x1E000] =	vst v63  }
0x149: {  	s30 =	sor.u32 $0x780, s28  }
0x14a: {  	[tilespmem:s19], [sflag:$0x1] =	stream.indirect.gather [hbm4b:s5+s16], $0x80, s30, s16, $0xb8;
	[tilespmem:$0x1E000] =	vst v63  }
0x14b: {  	_ =	swait.ge [sflag:s20], $0x4000  }
0x14c: {  	s26 =	smov.u32 s25;
	[sflag:s20] =	ssyncset.done $0x0  }
0x14d: {  	s25 =	sadd.s32 $0x2000, s25;
	p1 =	sgt.u32 s22, $0x3;
	[sflag:s20] =	ssyncadd.s32 $0xFFFFC000  }
0x14e: {  	p0 =	sne.s32 s25, $0xA000;
	s23 =	sxor.u32 @!p1 $0xFFFFFFFF, s23;
	_ =	swait.ge [sflag:s18], $0x4000  }
0x14f: {  	s24 =	sadd.s32 $0x800, s24;
	s0 =	sand.u32 @!p1 $0x2000, s23;
	[sflag:s18] =	ssyncset.done $0x0  }
.Ltmp0:
0x150: {  	s31 =	sor.u32 $0x1780, s28;
	[sflag:s18] =	ssyncadd.s32 $0xFFFFC000;
	(pc) =	sbr.rel @p0 .LBB2_2-.Ltmp0, $4  }
0x151: {  	[spmem:s3] =	stream.indirect.scatter.add.f32 [tilespmem:s19], [sflag:$0x2], $0x80, s31, s16, $0xb8;
	[tilespmem:$0x1E000] =	vst v63  }
0x152: {  	s0 =	sshrl.u32 @!p1 s0, $0x2;
	s28 =	simm.s32 @!p1 $0x80;
	s29 =	simm.s32 @!p1 $0x2000  }
0x153: {  	[tilespmem:s29], [sflag:$0x1] =	stream.indirect.gather @!p1 [hbm4b:s5+s28], $0x80, s0, s28, $0xb8;
	[tilespmem:$0x1E000] =	vst v63  }
0x154: {  	s22 =	sadd.s32 $0x1, s22;
	s23 =	smov.u32 s26;
	_ =	swait.ge [sflag:s20], $0x4000  }
0x155: {  	s0 =	rddreg [dreg:$0x4];
	p0 =	seq.s32 s23, $0x8000  }
0x156: {  	[sflag:s20] =	ssyncset.done $0x0;
	s0 =	sadd.s32 @!p0 s24, s0  }
0x157: {  	[sflag:s20] =	ssyncadd.s32 $0xFFFFC000;
	s25 =	simm.s32 @!p0 $0x3;
	s0 =	sshrl.u32 @!p0 s0, $0x3  }
0x158: {  	s24 =	sand.u32 @!p0 $0x800, s24;
	s28 =	simm.s32 @!p0 $0x0;
	s26 =	sadd.s32 @!p0 s6, s0  }
0x159: {  	[tilespmem:s24], [sflag:$0x3] =	stream.linear.gather @!p0 [hbm4b:s26+s28], $0x800, $0x38;
	[tilespmem:$0x1E000] =	vst v63  }
0x15a: {  	_ =	swait.ge @!p0 [sflag:s25], $0x800  }
0x15b: {  	[sflag:s25] =	ssyncset.done @!p0 $0x0  }
0x15c: {  	s0 =	sadd.s32 @!p0 s2, s0;
	s24 =	sor.u32 @!p0 $0x1000, s24;
	[sflag:s25] =	ssyncadd.s32 @!p0 $0xFFFFF800  }
0x15d: {  	[tilespmem:s24], [sflag:$0x3] =	stream.linear.gather @!p0 [hbm4b:s0+s28], $0x800, $0x38;
	[tilespmem:$0x1E000] =	vst v63  }
0x15e: {  	_ =	swait.ge @!p0 [sflag:s25], $0x800  }
0x15f: {  	[sflag:s25] =	ssyncset.done @!p0 $0x0  }
0x160: {  	[sflag:s25] =	ssyncadd.s32 @!p0 $0xFFFFF800  }
0x161: {  	s24 =	sshrl.u32 s23, $0x2;
	_ =	swait.ge [sflag:s18], $0x4000  }
0x162: {  	s24 =	sand.u32 $0x800, s24;
	[sflag:s18] =	ssyncset.done $0x0  }
0x163: {  	s0 =	sor.u32 $0x1000, s24;
	[sflag:s18] =	ssyncadd.s32 $0xFFFFC000  }
0x164: {  	[spmem:s3] =	stream.indirect.scatter.add.f32 [tilespmem:s17], [sflag:$0x2], $0x80, s0, s16, $0xb8;
	[tilespmem:$0x1E000] =	vst v63  }
0x165: {  	s25 =	sor.u32 $0x80, s24  }
0x166: {  	[tilespmem:s19], [sflag:$0x1] =	stream.indirect.gather [hbm4b:s5+s16], $0x80, s25, s16, $0xb8;
	[tilespmem:$0x1E000] =	vst v63  }
0x167: {  	_ =	swait.ge [sflag:s20], $0x4000  }
0x168: {  	[sflag:s20] =	ssyncset.done $0x0  }
0x169: {  	[sflag:s20] =	ssyncadd.s32 $0xFFFFC000  }
0x16a: {  	_ =	swait.ge [sflag:s18], $0x4000  }
0x16b: {  	[sflag:s18] =	ssyncset.done $0x0  }
0x16c: {  	s26 =	sor.u32 $0x1080, s24;
	[sflag:s18] =	ssyncadd.s32 $0xFFFFC000  }
0x16d: {  	[spmem:s3] =	stream.indirect.scatter.add.f32 [tilespmem:s19], [sflag:$0x2], $0x80, s26, s16, $0xb8;
	[tilespmem:$0x1E000] =	vst v63  }
0x16e: {  	s28 =	sor.u32 $0x100, s24  }
0x16f: {  	[tilespmem:s17], [sflag:$0x1] =	stream.indirect.gather [hbm4b:s5+s16], $0x80, s28, s16, $0xb8;
	[tilespmem:$0x1E000] =	vst v63  }
0x170: {  	_ =	swait.ge [sflag:s20], $0x4000  }
0x171: {  	[sflag:s20] =	ssyncset.done $0x0  }
0x172: {  	[sflag:s20] =	ssyncadd.s32 $0xFFFFC000  }
0x173: {  	_ =	swait.ge [sflag:s18], $0x4000  }
0x174: {  	[sflag:s18] =	ssyncset.done $0x0  }
0x175: {  	s29 =	sor.u32 $0x1100, s24;
	[sflag:s18] =	ssyncadd.s32 $0xFFFFC000  }
0x176: {  	[spmem:s3] =	stream.indirect.scatter.add.f32 [tilespmem:s17], [sflag:$0x2], $0x80, s29, s16, $0xb8;
	[tilespmem:$0x1E000] =	vst v63  }
0x177: {  	s30 =	sor.u32 $0x180, s24  }
0x178: {  	[tilespmem:s19], [sflag:$0x1] =	stream.indirect.gather [hbm4b:s5+s16], $0x80, s30, s16, $0xb8;
	[tilespmem:$0x1E000] =	vst v63  }
0x179: {  	_ =	swait.ge [sflag:s20], $0x4000  }
0x17a: {  	[sflag:s20] =	ssyncset.done $0x0  }
0x17b: {  	[sflag:s20] =	ssyncadd.s32 $0xFFFFC000  }
0x17c: {  	_ =	swait.ge [sflag:s18], $0x4000  }
0x17d: {  	[sflag:s18] =	ssyncset.done $0x0  }
0x17e: {  	s31 =	sor.u32 $0x1180, s24;
	[sflag:s18] =	ssyncadd.s32 $0xFFFFC000  }
0x17f: {  	[spmem:s3] =	stream.indirect.scatter.add.f32 [tilespmem:s19], [sflag:$0x2], $0x80, s31, s16, $0xb8;
	[tilespmem:$0x1E000] =	vst v63  }
0x180: {  	s25 =	sor.u32 $0x200, s24  }
0x181: {  	[tilespmem:s17], [sflag:$0x1] =	stream.indirect.gather [hbm4b:s5+s16], $0x80, s25, s16, $0xb8;
	[tilespmem:$0x1E000] =	vst v63  }
0x182: {  	_ =	swait.ge [sflag:s20], $0x4000  }
0x183: {  	[sflag:s20] =	ssyncset.done $0x0  }
0x184: {  	[sflag:s20] =	ssyncadd.s32 $0xFFFFC000  }
0x185: {  	_ =	swait.ge [sflag:s18], $0x4000  }
0x186: {  	[sflag:s18] =	ssyncset.done $0x0  }
0x187: {  	s26 =	sor.u32 $0x1200, s24;
	[sflag:s18] =	ssyncadd.s32 $0xFFFFC000  }
0x188: {  	[spmem:s3] =	stream.indirect.scatter.add.f32 [tilespmem:s17], [sflag:$0x2], $0x80, s26, s16, $0xb8;
	[tilespmem:$0x1E000] =	vst v63  }
0x189: {  	s28 =	sor.u32 $0x280, s24  }
0x18a: {  	[tilespmem:s19], [sflag:$0x1] =	stream.indirect.gather [hbm4b:s5+s16], $0x80, s28, s16, $0xb8;
	[tilespmem:$0x1E000] =	vst v63  }
0x18b: {  	_ =	swait.ge [sflag:s20], $0x4000  }
0x18c: {  	[sflag:s20] =	ssyncset.done $0x0  }
0x18d: {  	[sflag:s20] =	ssyncadd.s32 $0xFFFFC000  }
0x18e: {  	_ =	swait.ge [sflag:s18], $0x4000  }
0x18f: {  	[sflag:s18] =	ssyncset.done $0x0  }
0x190: {  	s29 =	sor.u32 $0x1280, s24;
	[sflag:s18] =	ssyncadd.s32 $0xFFFFC000  }
0x191: {  	[spmem:s3] =	stream.indirect.scatter.add.f32 [tilespmem:s19], [sflag:$0x2], $0x80, s29, s16, $0xb8;
	[tilespmem:$0x1E000] =	vst v63  }
0x192: {  	s30 =	sor.u32 $0x300, s24  }
0x193: {  	[tilespmem:s17], [sflag:$0x1] =	stream.indirect.gather [hbm4b:s5+s16], $0x80, s30, s16, $0xb8;
	[tilespmem:$0x1E000] =	vst v63  }
0x194: {  	_ =	swait.ge [sflag:s20], $0x4000  }
0x195: {  	[sflag:s20] =	ssyncset.done $0x0  }
0x196: {  	[sflag:s20] =	ssyncadd.s32 $0xFFFFC000  }
0x197: {  	_ =	swait.ge [sflag:s18], $0x4000  }
0x198: {  	[sflag:s18] =	ssyncset.done $0x0  }
0x199: {  	s31 =	sor.u32 $0x1300, s24;
	[sflag:s18] =	ssyncadd.s32 $0xFFFFC000  }
0x19a: {  	[spmem:s3] =	stream.indirect.scatter.add.f32 [tilespmem:s17], [sflag:$0x2], $0x80, s31, s16, $0xb8;
	[tilespmem:$0x1E000] =	vst v63  }
0x19b: {  	s25 =	sor.u32 $0x380, s24  }
0x19c: {  	[tilespmem:s19], [sflag:$0x1] =	stream.indirect.gather [hbm4b:s5+s16], $0x80, s25, s16, $0xb8;
	[tilespmem:$0x1E000] =	vst v63  }
0x19d: {  	_ =	swait.ge [sflag:s20], $0x4000  }
0x19e: {  	[sflag:s20] =	ssyncset.done $0x0  }
0x19f: {  	[sflag:s20] =	ssyncadd.s32 $0xFFFFC000  }
0x1a0: {  	_ =	swait.ge [sflag:s18], $0x4000  }
0x1a1: {  	[sflag:s18] =	ssyncset.done $0x0  }
0x1a2: {  	s26 =	sor.u32 $0x1380, s24;
	[sflag:s18] =	ssyncadd.s32 $0xFFFFC000  }
0x1a3: {  	[spmem:s3] =	stream.indirect.scatter.add.f32 [tilespmem:s19], [sflag:$0x2], $0x80, s26, s16, $0xb8;
	[tilespmem:$0x1E000] =	vst v63  }
0x1a4: {  	s28 =	sor.u32 $0x400, s24  }
0x1a5: {  	[tilespmem:s17], [sflag:$0x1] =	stream.indirect.gather [hbm4b:s5+s16], $0x80, s28, s16, $0xb8;
	[tilespmem:$0x1E000] =	vst v63  }
0x1a6: {  	_ =	swait.ge [sflag:s20], $0x4000  }
0x1a7: {  	[sflag:s20] =	ssyncset.done $0x0  }
0x1a8: {  	[sflag:s20] =	ssyncadd.s32 $0xFFFFC000  }
0x1a9: {  	_ =	swait.ge [sflag:s18], $0x4000  }
0x1aa: {  	[sflag:s18] =	ssyncset.done $0x0  }
0x1ab: {  	s29 =	sor.u32 $0x1400, s24;
	[sflag:s18] =	ssyncadd.s32 $0xFFFFC000  }
0x1ac: {  	[spmem:s3] =	stream.indirect.scatter.add.f32 [tilespmem:s17], [sflag:$0x2], $0x80, s29, s16, $0xb8;
	[tilespmem:$0x1E000] =	vst v63  }
0x1ad: {  	s30 =	sor.u32 $0x480, s24  }
0x1ae: {  	[tilespmem:s19], [sflag:$0x1] =	stream.indirect.gather [hbm4b:s5+s16], $0x80, s30, s16, $0xb8;
	[tilespmem:$0x1E000] =	vst v63  }
0x1af: {  	_ =	swait.ge [sflag:s20], $0x4000  }
0x1b0: {  	[sflag:s20] =	ssyncset.done $0x0  }
0x1b1: {  	[sflag:s20] =	ssyncadd.s32 $0xFFFFC000  }
0x1b2: {  	_ =	swait.ge [sflag:s18], $0x4000  }
0x1b3: {  	[sflag:s18] =	ssyncset.done $0x0  }
0x1b4: {  	s31 =	sor.u32 $0x1480, s24;
	[sflag:s18] =	ssyncadd.s32 $0xFFFFC000  }
0x1b5: {  	[spmem:s3] =	stream.indirect.scatter.add.f32 [tilespmem:s19], [sflag:$0x2], $0x80, s31, s16, $0xb8;
	[tilespmem:$0x1E000] =	vst v63  }
0x1b6: {  	s25 =	sor.u32 $0x500, s24  }
0x1b7: {  	[tilespmem:s17], [sflag:$0x1] =	stream.indirect.gather [hbm4b:s5+s16], $0x80, s25, s16, $0xb8;
	[tilespmem:$0x1E000] =	vst v63  }
0x1b8: {  	_ =	swait.ge [sflag:s20], $0x4000  }
0x1b9: {  	[sflag:s20] =	ssyncset.done $0x0  }
0x1ba: {  	[sflag:s20] =	ssyncadd.s32 $0xFFFFC000  }
0x1bb: {  	_ =	swait.ge [sflag:s18], $0x4000  }
0x1bc: {  	[sflag:s18] =	ssyncset.done $0x0  }
0x1bd: {  	s26 =	sor.u32 $0x1500, s24;
	[sflag:s18] =	ssyncadd.s32 $0xFFFFC000  }
0x1be: {  	[spmem:s3] =	stream.indirect.scatter.add.f32 [tilespmem:s17], [sflag:$0x2], $0x80, s26, s16, $0xb8;
	[tilespmem:$0x1E000] =	vst v63  }
0x1bf: {  	s28 =	sor.u32 $0x580, s24  }
0x1c0: {  	[tilespmem:s19], [sflag:$0x1] =	stream.indirect.gather [hbm4b:s5+s16], $0x80, s28, s16, $0xb8;
	[tilespmem:$0x1E000] =	vst v63  }
0x1c1: {  	_ =	swait.ge [sflag:s20], $0x4000  }
0x1c2: {  	[sflag:s20] =	ssyncset.done $0x0  }
0x1c3: {  	[sflag:s20] =	ssyncadd.s32 $0xFFFFC000  }
0x1c4: {  	_ =	swait.ge [sflag:s18], $0x4000  }
0x1c5: {  	[sflag:s18] =	ssyncset.done $0x0  }
0x1c6: {  	s29 =	sor.u32 $0x1580, s24;
	[sflag:s18] =	ssyncadd.s32 $0xFFFFC000  }
0x1c7: {  	[spmem:s3] =	stream.indirect.scatter.add.f32 [tilespmem:s19], [sflag:$0x2], $0x80, s29, s16, $0xb8;
	[tilespmem:$0x1E000] =	vst v63  }
0x1c8: {  	s30 =	sor.u32 $0x600, s24  }
0x1c9: {  	[tilespmem:s17], [sflag:$0x1] =	stream.indirect.gather [hbm4b:s5+s16], $0x80, s30, s16, $0xb8;
	[tilespmem:$0x1E000] =	vst v63  }
0x1ca: {  	_ =	swait.ge [sflag:s20], $0x4000  }
0x1cb: {  	[sflag:s20] =	ssyncset.done $0x0  }
0x1cc: {  	[sflag:s20] =	ssyncadd.s32 $0xFFFFC000  }
0x1cd: {  	_ =	swait.ge [sflag:s18], $0x4000  }
0x1ce: {  	[sflag:s18] =	ssyncset.done $0x0  }
0x1cf: {  	s31 =	sor.u32 $0x1600, s24;
	[sflag:s18] =	ssyncadd.s32 $0xFFFFC000  }
0x1d0: {  	[spmem:s3] =	stream.indirect.scatter.add.f32 [tilespmem:s17], [sflag:$0x2], $0x80, s31, s16, $0xb8;
	[tilespmem:$0x1E000] =	vst v63  }
0x1d1: {  	s25 =	sor.u32 $0x680, s24  }
0x1d2: {  	[tilespmem:s19], [sflag:$0x1] =	stream.indirect.gather [hbm4b:s5+s16], $0x80, s25, s16, $0xb8;
	[tilespmem:$0x1E000] =	vst v63  }
0x1d3: {  	_ =	swait.ge [sflag:s20], $0x4000  }
0x1d4: {  	[sflag:s20] =	ssyncset.done $0x0  }
0x1d5: {  	[sflag:s20] =	ssyncadd.s32 $0xFFFFC000  }
0x1d6: {  	_ =	swait.ge [sflag:s18], $0x4000  }
0x1d7: {  	[sflag:s18] =	ssyncset.done $0x0  }
0x1d8: {  	s26 =	sor.u32 $0x1680, s24;
	[sflag:s18] =	ssyncadd.s32 $0xFFFFC000  }
0x1d9: {  	[spmem:s3] =	stream.indirect.scatter.add.f32 [tilespmem:s19], [sflag:$0x2], $0x80, s26, s16, $0xb8;
	[tilespmem:$0x1E000] =	vst v63  }
0x1da: {  	s28 =	sor.u32 $0x700, s24  }
0x1db: {  	[tilespmem:s17], [sflag:$0x1] =	stream.indirect.gather [hbm4b:s5+s16], $0x80, s28, s16, $0xb8;
	[tilespmem:$0x1E000] =	vst v63  }
0x1dc: {  	_ =	swait.ge [sflag:s20], $0x4000  }
0x1dd: {  	[sflag:s20] =	ssyncset.done $0x0  }
0x1de: {  	[sflag:s20] =	ssyncadd.s32 $0xFFFFC000  }
0x1df: {  	_ =	swait.ge [sflag:s18], $0x4000  }
0x1e0: {  	[sflag:s18] =	ssyncset.done $0x0  }
0x1e1: {  	s29 =	sor.u32 $0x1700, s24;
	[sflag:s18] =	ssyncadd.s32 $0xFFFFC000  }
0x1e2: {  	[spmem:s3] =	stream.indirect.scatter.add.f32 [tilespmem:s17], [sflag:$0x2], $0x80, s29, s16, $0xb8;
	[tilespmem:$0x1E000] =	vst v63  }
0x1e3: {  	s30 =	sor.u32 $0x780, s24  }
0x1e4: {  	[tilespmem:s19], [sflag:$0x1] =	stream.indirect.gather [hbm4b:s5+s16], $0x80, s30, s16, $0xb8;
	[tilespmem:$0x1E000] =	vst v63  }
0x1e5: {  	_ =	swait.ge [sflag:s20], $0x4000  }
0x1e6: {  	[sflag:s20] =	ssyncset.done $0x0  }
0x1e7: {  	[sflag:s20] =	ssyncadd.s32 $0xFFFFC000  }
0x1e8: {  	p0 =	sgt.u32 s22, $0x3;
	_ =	swait.ge [sflag:s18], $0x4000  }
0x1e9: {  	s22 =	sxor.u32 @!p0 $0xFFFFFFFF, s23;
	[sflag:s18] =	ssyncset.done $0x0  }
0x1ea: {  	s0 =	sand.u32 @!p0 $0x2000, s22;
	s31 =	sor.u32 $0x1780, s24;
	[sflag:s18] =	ssyncadd.s32 $0xFFFFC000  }
0x1eb: {  	[spmem:s3] =	stream.indirect.scatter.add.f32 [tilespmem:s19], [sflag:$0x2], $0x80, s31, s16, $0xb8;
	[tilespmem:$0x1E000] =	vst v63  }
0x1ec: {  	s23 =	simm.s32 @!p0 $0x2000;
	s22 =	simm.s32 @!p0 $0x80;
	s0 =	sshrl.u32 @!p0 s0, $0x2  }
0x1ed: {  	[tilespmem:s23], [sflag:$0x1] =	stream.indirect.gather @!p0 [hbm4b:s5+s22], $0x80, s0, s22, $0xb8;
	[tilespmem:$0x1E000] =	vst v63  }
0x1ee: {  	_ =	swait.ge [sflag:s20], $0x4000  }
0x1ef: {  	s21 =	sadd.s32 $0x1, s21;
	[sflag:s20] =	ssyncset.done $0x0  }
0x1f0: {  	p0 =	sne.s32 s21, s12;
	[sflag:s20] =	ssyncadd.s32 $0xFFFFC000  }
.Ltmp1:
0x1f1: {  	[bflag:$0x0] =	sbarrier.arrive $0xFFFF;
	(pc) =	sbr.rel @p0 .LBB2_1-.Ltmp1, $4  }
0x1f2: {  	[hbm:s11], [sflag:s8] =	dma.local [spmem:s13], $0x2800  }
0x1f3: {  	_ =	swait.ge [sflag:s14], $0x2800  }
0x1f4: {  	[sflag:s14] =	ssyncset.done $0x0  }
0x1f5: {  	[sflag:s14] =	ssyncadd.s32 $0xFFFFD800  }
0x1f6: {  	_ =	sfence.sel $0x180000  }
0x1f7: {  	[bflag:$0x0] =	sbarrier.arrive $0xFFFF  }
0x1f8: {  	_ =	strace $0x9000004A  }
0x1f9: {  	[bflag:$0x2] =	sbarrier.arrive $0xFFFF  }
0x1fa: {  	p0 =	sne.s32 s1, $0x0;
	s0 =	rddreg [dreg:$0x3]  }
0x1fb: {  	s0 =	sadd.s32 @!p0 $0x100000, s0  }
0x1fc: {  	[sflag:s0] =	ssyncadd.tile.s32 @!p0 $0x1;
	_ =	shalt  }
.Lfunc_end2:
_tile_overlayer_lowered:
.L_overlay_start_2:
0x1fd: {  	(tag) =	ssettag $0x2  }
0x1fe: {  	s0 =	rddreg [dreg:$0x0];
	s2 =	stileid.u32  }
0x1ff: {  	s1 =	rddreg [dreg:$0x1];
	p0 =	sne.s32 s2, $0x0  }
0x200: {  	s3 =	rddreg [dreg:$0x2];
	[bflag:$0x3] =	sbarrier.arrive $0xFFFF;
	s2 =	simm.s32 @!p0 $0x1C03  }
0x201: {  	[timem:s3], [sflag:s2] =	dma.local @!p0 [hbm:s0], s1  }
0x202: {  	s0 =	simm.s32 @!p0 $0x3  }
0x203: {  	_ =	swait.ge @!p0 [sflag:s0], s1  }
0x204: {  	s1 =	ssub.s32 @!p0 $0x0, s1;
	[sflag:s0] =	ssyncset.done @!p0 $0x0  }
0x205: {  	[sflag:s0] =	ssyncadd.s32 @!p0 s1  }
0x206: {  	[bflag:$0x3] =	sbarrier.arrive $0xFFFF  }
0x207: {  	_ =	shalt  }

// kernel: kernel.18.cloned.1.call-start
scs
__scs_entry_jumppad:
0x0: {  	(pc) =	sbr.rel $0x88, $3  }
0x1: {  	(tag) =	ssettag $0x0;
	lr =	simm.s32 $0x1  }
0x2: {  	[smem:$0x3F8D] =	sst lr;
	_ =	strace $0xD0000000  }
0x3: {  	_ = 	snop  }
0x4: {  	_ = 	snop  }
0x5: {  	_ = 	snop  }
0x6: {  	_ = 	snop  }
0x7: {  	_ = 	snop  }
__scs_overlays_trampoline_lowered:
0x8: {  	[smem:$0x3F9C] =	sst s0  }
0x9: {  	[smem:$0x3F9D] =	sst s1  }
0xa: {  	[smem:$0x3F9E] =	sst s2  }
0xb: {  	[smem:$0x3F9F] =	sst s3  }
0xc: {  	[smem:$0x3FA0] =	sst s4  }
0xd: {  	[smem:$0x3FA1] =	sst s5  }
0xe: {  	[smem:$0x3FA2] =	sst s6  }
0xf: {  	[smem:$0x3FA3] =	sst s7  }
0x10: {  	[smem:$0x3FA4] =	sst s8  }
0x11: {  	[smem:$0x3FA5] =	sst s9;
	s0 =	simm.s32 @!p0 $0x0  }
0x12: {  	s1 =	sld [smem:$0x3F8B];
	s0 =	simm.s32 @p0 $0x1  }
0x13: {  	[smem:$0x3FA6] =	sst s0;
	s0 =	simm.s32 @!p1 $0x0  }
0x14: {  	s2 =	sld [smem:$0x3F8A];
	s0 =	simm.s32 @p1 $0x1  }
0x15: {  	[smem:$0x3FA7] =	sst s0;
	s0 =	simm.s32 @!p2 $0x0  }
0x16: {  	s3 =	sld [smem:$0x3FDB];
	s0 =	simm.s32 @p2 $0x1  }
0x17: {  	s4 =	simm.s32 $0x1BF5;
	[smem:$0x3FA9] =	sst s0  }
0x18: {  	s0 =	sld [smem:$0x3F8C];
	_ =	swait.ge [sflag:s4], $0x0  }
0x19: {  	s7 =	sld [smem:$0x3F8D]  }
0x1a: {  	s8 =	sadd.s32 $0xFFFFE003, lr  }
0x1b: {  	s9 =	sadd.s32 $0xFFFFFEF7, lr;
	s5 =	simm.s32 $0xFFFFFFFF;
	p2 =	slt.u32 s8, $0xFFFFF086  }
0x1c: {  	p1 =	slt.u32 s9, $0xF7A;
	s5 =	simm.s32 @!p2 $0x0  }
0x1d: {  	s5 =	simm.s32 @p1 $0x1;
	p0 =	seq.s32 s7, s2  }
0x1e: {  	s7 =	smul.u32 @!p0 $0xF7A, s2;
	p2 =	seq.s32 @!p0 s5, $0x0  }
0x1f: {  	s9 =	smul.u32 $0xF7A, s1;
	s8 =	simm.s32 @!p0 $0x1BF5;
	p2 =	por !p2, p0  }
0x20: {  	[sflag:s8] =	ssyncset.s32 @!p0 $0xFFFFF086;
	s6 =	sadd.s32 @!p0 s3, s7;
	s7 =	simm.s32 @!p0 $0x108  }
0x21: {  	s3 =	sadd.s32 s3, s9;
	s6 =	sadd.s32 @!p0 $0x88, s6;
	s7 =	simm.s32 @p2 $0x1082  }
0x22: {  	[simem:s7], [sflag:s8] =	dma.local @!p0 [hbm:s6], $0xF7A  }
0x23: {  	s9 =	sor.u32 $0xD0000000, s2;
	s6 =	simm.s32 $0x108;
	_ =	swait.ge @!p0 [sflag:s8], $0x0  }
0x24: {  	s3 =	sadd.s32 $0x88, s3;
	s6 =	simm.s32 @!p1 $0x1082;
	[sflag:s4] =	ssyncset.s32 $0xFFFFF086  }
0x25: {  	[simem:s6], [sflag:s4] =	dma.local [hbm:s3], $0xF7A  }
0x26: {  	[smem:$0x3F8D] =	sst s1;
	(tag) =	ssettag s2;
	_ =	strace s9  }
0x27: {  	s1 =	sld [smem:$0x3F9D]  }
0x28: {  	s2 =	sld [smem:$0x3F9E]  }
0x29: {  	s4 =	sld [smem:$0x3FA0]  }
0x2a: {  	p0 =	seq.s32 s5, $0x0;
	s5 =	sld [smem:$0x3FA1]  }
0x2b: {  	s6 =	sld [smem:$0x3FA2]  }
0x2c: {  	s7 =	sld [smem:$0x3FA3]  }
0x2d: {  	s3 =	simm.s32 $0x108;
	s8 =	sld [smem:$0x3FA4]  }
0x2e: {  	s3 =	simm.s32 @!p0 $0x1082;
	s9 =	sld [smem:$0x3FA5]  }
0x2f: {  	lr =	sadd.s32 s0, s3;
	s0 =	sld [smem:$0x3F9C]  }
0x30: {  	s3 =	sld [smem:$0x3F9F]  }
0x31: {  	[smem:$0x3FA8] =	sst s10  }
0x32: {  	s10 =	sld [smem:$0x3FA6];
	_ =	sdelay $0x3  }
0x33: {  	p0 =	seq.s32 s10, $0x1;
	s10 =	sld [smem:$0x3FA8];
	_ =	sdelay $0x3  }
0x34: {  	[smem:$0x3FA8] =	sst s10  }
0x35: {  	s10 =	sld [smem:$0x3FA7];
	_ =	sdelay $0x3  }
0x36: {  	p1 =	seq.s32 s10, $0x1;
	s10 =	sld [smem:$0x3FA8];
	_ =	sdelay $0x3  }
0x37: {  	[smem:$0x3FA8] =	sst s10  }
0x38: {  	s10 =	sld [smem:$0x3FA9]  }
0x39: {  	_ = 	snop;
	(pc) =	sbr.ind lr, $3  }
0x3a: {  	_ = 	snop  }
0x3b: {  	_ = 	snop  }
0x3c: {  	p2 =	seq.s32 s10, $0x1;
	s10 =	sld [smem:$0x3FA8]  }
0x3d: {  	_ =	shalt  }
0x3e: {  	_ =	shalt  }
0x3f: {  	_ =	shalt  }
0x40: {  	_ =	shalt  }
0x41: {  	_ =	shalt  }
0x42: {  	_ =	shalt  }
0x43: {  	_ =	shalt  }
0x44: {  	_ =	shalt  }
0x45: {  	_ =	shalt  }
0x46: {  	_ =	shalt  }
0x47: {  	_ =	shalt  }
0x48: {  	_ =	shalt  }
0x49: {  	_ =	shalt  }
0x4a: {  	_ =	shalt  }
0x4b: {  	_ =	shalt  }
0x4c: {  	_ =	shalt  }
0x4d: {  	_ =	shalt  }
0x4e: {  	_ =	shalt  }
0x4f: {  	_ =	shalt  }
0x50: {  	_ =	shalt  }
0x51: {  	_ =	shalt  }
0x52: {  	_ =	shalt  }
0x53: {  	_ =	shalt  }
0x54: {  	_ =	shalt  }
0x55: {  	_ =	shalt  }
0x56: {  	_ =	shalt  }
0x57: {  	_ =	shalt  }
0x58: {  	_ =	shalt  }
0x59: {  	_ =	shalt  }
0x5a: {  	_ =	shalt  }
0x5b: {  	_ =	shalt  }
0x5c: {  	_ =	shalt  }
0x5d: {  	_ =	shalt  }
0x5e: {  	_ =	shalt  }
0x5f: {  	_ =	shalt  }
0x60: {  	_ =	shalt  }
0x61: {  	_ =	shalt  }
0x62: {  	_ =	shalt  }
0x63: {  	_ =	shalt  }
0x64: {  	_ =	shalt  }
0x65: {  	_ =	shalt  }
0x66: {  	_ =	shalt  }
0x67: {  	_ =	shalt  }
0x68: {  	_ =	shalt  }
0x69: {  	_ =	shalt  }
0x6a: {  	_ =	shalt  }
0x6b: {  	_ =	shalt  }
0x6c: {  	_ =	shalt  }
0x6d: {  	_ =	shalt  }
0x6e: {  	_ =	shalt  }
0x6f: {  	_ =	shalt  }
0x70: {  	_ =	shalt  }
0x71: {  	_ =	shalt  }
0x72: {  	_ =	shalt  }
0x73: {  	_ =	shalt  }
0x74: {  	_ =	shalt  }
0x75: {  	_ =	shalt  }
0x76: {  	_ =	shalt  }
0x77: {  	_ =	shalt  }
0x78: {  	_ =	shalt  }
0x79: {  	_ =	shalt  }
0x7a: {  	_ =	shalt  }
0x7b: {  	_ =	shalt  }
0x7c: {  	_ =	shalt  }
0x7d: {  	_ =	shalt  }
0x7e: {  	_ =	shalt  }
0x7f: {  	_ =	shalt  }
0x80: {  	_ =	shalt  }
0x81: {  	_ =	shalt  }
0x82: {  	_ =	shalt  }
0x83: {  	_ =	shalt  }
0x84: {  	_ =	shalt  }
0x85: {  	_ =	shalt  }
0x86: {  	_ =	shalt  }
0x87: {  	_ =	shalt  }
.Lfunc_end0:
.L_simem_size_0:
called_computation.2_lowered:
.L_overlay_start_0:
0x88: {  	s2 =	sld [smem:$0x3FD9]  }
0x89: {  	s3 =	sld [smem:$0x3FFE];
	_ =	sdelay $0x1  }
0x8a: {  	s1 =	srdreg.scid  }
0x8b: {  	s0 =	sand.u32 $0x1, s1  }
0x8c: {  	s14 =	sshll.u32 s0, $0xA;
	s2 =	sadd.s32 s3, s2  }
0x8d: {  	s2 =	sadd.s32 s2, s14  }
0x8e: {  	[smem:$0x3FB4] =	sst s2  }
0x8f: {  	_ = 	snop  }
0x90: {  	s2 =	sld [smem:$0x3FD0];
	_ =	sdelay $0x2  }
0x91: {  	s15 =	simm.s32 $0xA;
	s4 =	simm.s32 $0x10  }
0x92: {  	[smem:s4], [sflag:s15] =	dma.local [hbm:s2], $0x1  }
0x93: {  	_ =	swait.eq [sflag:s15], $0x1  }
0x94: {  	[sflag:s15] =	ssyncset.done $0x0  }
0x95: {  	[sflag:s15] =	ssyncadd.s32 $0xFFFFFFFF  }
0x96: {  	s16 =	sld [smem:$0x11];
	(tm) =	ssettm $0x1  }
0x97: {  	s17 =	sld [smem:$0x3FFB];
	_ =	sdelay $0x3  }
0x98: {  	_ =	strace s17  }
0x99: {  	s3 =	sld [smem:$0x3FFC];
	_ =	sdelay $0x3  }
0x9a: {  	_ =	strace s3  }
0x9b: {  	s3 =	sld [smem:$0x3FFD];
	_ =	sdelay $0x3  }
0x9c: {  	_ =	strace s3  }
0x9d: {  	_ =	strace $0x8FFFFFFF  }
0x9e: {  	s18 =	sld [smem:$0x3FDB];
	_ =	sdelay $0x1  }
0x9f: {  	s19 =	simm.s32 $_scs_section_size  }
0xa0: {  	s5 =	simm.s32 $_size__tile_overlayer_lowered;
	s6 =	simm.s32 $_tile_overlayer_lowered  }
0xa1: {  	s22 =	simm.s32 $0x1BFF;
	s21 =	sshll.u32 s6, $0x1;
	s3 =	sadd.s32 s19, s18  }
0xa2: {  	s7 =	simm.s32 $0x0;
	s20 =	sshll.u32 s5, $0x1;
	s5 =	sadd.s32 s21, s3  }
0xa3: {  	[timem:s7], [sflag:s22] =	dma.local [hbm:s5], s20  }
0xa4: {  	_ =	swait.ge [sflag:s22], s20  }
0xa5: {  	s4 =	ssub.s32 $0x0, s20;
	[sflag:s22] =	ssyncset.done $0x0  }
0xa6: {  	[sflag:s22] =	ssyncadd.s32 s4;
	_ =	sdelay $0x1  }
0xa7: {  	s23 =	simm.s32 $0x1B8B  }
0xa8: {  	_ =	swait.ge [sflag:s23], $0x1  }
0xa9: {  	[sflag:s23] =	ssyncset.done $0x0  }
0xaa: {  	s25 =	simm.s32 $0x1B8E;
	s24 =	sld [smem:$0x3FFE];
	[sflag:s23] =	ssyncadd.s32 $0xFFFFFFFF  }
0xab: {  	s26 =	simm.s32 $execute0_lowered;
	[smem:$0x3FD2] =	sst s25  }
0xac: {  	s5 =	sshll.u32 s26, $0x1;
	_ =	strace $0x8000004C;
	[dreg:$0x1] =	wrdreg $0xFFFFFFFF  }
0xad: {  	s28 =	simm.s32 $_size_execute0_lowered;
	s3 =	sadd.s32 s3, s5;
	[dreg:$0x0] =	wrdreg $0x0  }
0xae: {  	s5 =	sshll.u32 s28, $0x1;
	[dreg:$0x2] =	wrdreg s3  }
0xaf: {  	[dreg:$0x3] =	wrdreg s5  }
0xb0: {  	[dreg:$0x4] =	wrdreg $0xC0  }
0xb1: {  	_ =	task [dreg:s7], $0x5FFFF  }
0xb2: {  	[dreg:$0x1] =	wrdreg $0xFFFFFFFF  }
0xb3: {  	[dreg:$0x0] =	wrdreg $0x60  }
0xb4: {  	[dreg:$0x2] =	wrdreg s24  }
0xb5: {  	[dreg:$0x3] =	wrdreg s16  }
0xb6: {  	[dreg:$0x4] =	wrdreg $0xA0000  }
0xb7: {  	[dreg:$0x5] =	wrdreg $0x9  }
0xb8: {  	_ =	task.clear_ibuf [dreg:s7], $0x6FFFF;
	_ =	strace $0x9000004C  }
0xb9: {  	s29 =	simm.s32 $0x9;
	_ =	strace $0x8000004E  }
0xba: {  	_ =	swait.ge [sflag:s29], $0x1  }
0xbb: {  	[sflag:s29] =	ssyncadd.s32 $0xFFFFFFFF  }
0xbc: {  	_ =	strace $0x9000004E  }
0xbd: {  	_ =	sfence  }
0xbe: {  	s30 =	sld [smem:$0x0];
	_ =	sdelay $0x2  }
0xbf: {  	s31 =	sshll.u32 s1, $0xD;
	s1 =	sshrl.u32 s1, $0x2  }
0xc0: {  	s3 =	sand.u32 $0x4000, s31;
	s1 =	sadd.s32 s1, s30  }
0xc1: {  	s0 =	sor.u32 s3, s0;
	s1 =	sshll.u32 s1, $0x11  }
0xc2: {  	s0 =	sor.u32 s1, s0  }
0xc3: {  	s0 =	sadd.s32 $0x8F2B, s0  }
0xc4: {  	[sflag:s0] =	ssyncadd.remote.s32 $0x1  }
0xc5: {  	_ =	sfence.sel $0xFFFF  }
0xc6: {  	[dreg:$0x0] =	wrdreg $0xFFFFFFFF;
	(pc) =	sbr.abs _section_cstart, $3  }
0xc7: {  	[dreg:$0x1] =	wrdreg $0xFFFFFFFF  }
0xc8: {  	_ =	task.clear_ibuf [dreg:s7], $0x2FFFF;
	_ =	strace $0x9FFFFFFF  }
0xc9: {  	(tm) =	ssettm $0x7FFFFFFF  }
tec
execute0_lowered:
.L_overlay_start_1:
0x0: {  	(tag) =	ssettag $0x1  }
0x1: {  	s7 =	rddreg [dreg:$0x0]  }
0x2: {  	s2 =	rddreg [dreg:$0x1]  }
0x3: {  	s3 =	rddreg [dreg:$0x2]  }
0x4: {  	s1 =	stileid.u32;
	s5 =	srdreg.scid;
	s4 =	simm.s32 $0x0  }
0x5: {  	s17 =	simm.s32 $0x2000;
	s18 =	simm.s32 $0x1;
	s19 =	simm.s32 $0x6000  }
0x6: {  	s20 =	simm.s32 $0x2;
	s21 =	simm.s32 $0x0;
	s8 =	smul.u32 $0x14000, s1  }
0x7: {  	s9 =	sand.u32 $0x1, s5;
	[smem:$0x7FF] =	sst s4;
	s13 =	smul.u32 $0x50000, s1  }
0x8: {  	s5 =	sadd.s32 $0x2CA00, s7;
	s6 =	sadd.s32 $0x7D200, s7;
	s29 =	smul.u32 $0x5000, s1  }
0x9: {  	s25 =	sshll.u32 s1, $0x1;
	s30 =	sshll.u32 s1, $0x6;
	s10 =	smul.u32 $0x140000, s9  }
0xa: {  	_ =	strace $0x8000004D;
	s12 =	ssub.s32 $0x2, s9;
	s16 =	smul.u32 $0x2800, s9  }
0xb: {  	s11 =	sshrl.u32 s8, $0x3;
	s26 =	sshrl.u32 s12, $0x1;
	s28 =	sshrl.u32 s13, $0x2  }
0xc: {  	s8 =	sadd.s32 s8, s10;
	s24 =	sadd.s32 s11, s7;
	s11 =	sor.u32 s9, s25  }
0xd: {  	s12 =	ssub.s32 s12, s26;
	s15 =	sadd.s32 s28, s3;
	s13 =	sadd.s32 s16, s29  }
0xe: {  	s16 =	simm.s32 $0x80;
	s8 =	sshrl.u32 s8, $0x3;
	s11 =	smul.u32 $0x2800, s11  }
0xf: {  	s12 =	smax.u32 s12, $0x1;
	[dreg:$0x4] =	wrdreg s13;
	s13 =	sshrl.u32 s15, $0x3  }
0x10: {  	s15 =	simm.s32 $0x1000;
	s14 =	sadd.s32 s8, s7;
	s7 =	sadd.s32 $0x4A00, s24  }
0x11: {  	s8 =	sor.u32 $0x1C03, s30;
	s31 =	sshrl.u32 s11, $0x3;
	s11 =	sadd.s32 $0x87200, s14  }
0x12: {  	s14 =	simm.s32 $0x3;
	s9 =	sadd.s32 s6, s31;
	s10 =	sadd.s32 s2, s31  }
.LBB2_1:
0x13: {  	[spmem:s13], [sflag:s8] =	dma.local [hbm:s7], $0x2800  }
0x14: {  	_ =	swait.ge [sflag:s14], $0x2800  }
0x15: {  	[sflag:s14] =	ssyncset.done $0x0  }
0x16: {  	[sflag:s14] =	ssyncadd.s32 $0xFFFFD800  }
0x17: {  	[bflag:$0x0] =	sbarrier.arrive $0xFFFF  }
0x18: {  	[tilespmem:s4], [sflag:$0x3] =	stream.linear.gather [hbm4b:s9+s4], $0x800, $0x38;
	[tilespmem:$0x1E000] =	vst v63  }
0x19: {  	_ =	swait.ge [sflag:s14], $0x800  }
0x1a: {  	[sflag:s14] =	ssyncset.done $0x0  }
0x1b: {  	[sflag:s14] =	ssyncadd.s32 $0xFFFFF800  }
0x1c: {  	[tilespmem:s15], [sflag:$0x3] =	stream.linear.gather [hbm4b:s10+s4], $0x800, $0x38;
	[tilespmem:$0x1E000] =	vst v63  }
0x1d: {  	_ =	swait.ge [sflag:s14], $0x800  }
0x1e: {  	p0 =	por $0x0, $0x0;
	[sflag:s14] =	ssyncset.done $0x0;
	s22 =	rddreg [dreg:$0x4]  }
0x1f: {  	[sflag:s14] =	ssyncadd.s32 $0xFFFFF800;
	s22 =	sadd.s32 @!p0 $0x800, s22  }
0x20: {  	[tilespmem:s17], [sflag:$0x1] =	stream.indirect.gather [hbm4b:s5+s16], $0x80, s4, s16, $0xb8;
	[tilespmem:$0x1E000] =	vst v63  }
0x21: {  	s23 =	simm.s32 $0x800;
	s24 =	simm.s32 @!p0 $0x3;
	s22 =	sshrl.u32 @!p0 s22, $0x3  }
0x22: {  	s23 =	sand.u32 @!p0 $0x800, s23;
	s26 =	simm.s32 @!p0 $0x0;
	s25 =	sadd.s32 @!p0 s6, s22  }
0x23: {  	[tilespmem:s23], [sflag:$0x3] =	stream.linear.gather @!p0 [hbm4b:s25+s26], $0x800, $0x38;
	[tilespmem:$0x1E000] =	vst v63  }
0x24: {  	_ =	swait.ge @!p0 [sflag:s24], $0x800  }
0x25: {  	[sflag:s24] =	ssyncset.done @!p0 $0x0  }
0x26: {  	s22 =	sadd.s32 @!p0 s2, s22;
	s23 =	sor.u32 @!p0 $0x1000, s23;
	[sflag:s24] =	ssyncadd.s32 @!p0 $0xFFFFF800  }
0x27: {  	[tilespmem:s23], [sflag:$0x3] =	stream.linear.gather @!p0 [hbm4b:s22+s26], $0x800, $0x38;
	[tilespmem:$0x1E000] =	vst v63  }
0x28: {  	_ =	swait.ge @!p0 [sflag:s24], $0x800  }
0x29: {  	[sflag:s24] =	ssyncset.done @!p0 $0x0  }
0x2a: {  	[sflag:s24] =	ssyncadd.s32 @!p0 $0xFFFFF800  }
0x2b: {  	s24 =	simm.s32 $0x0;
	_ =	swait.ge [sflag:s18], $0x4000  }
0x2c: {  	s22 =	sand.u32 $0x800, s24;
	[sflag:s18] =	ssyncset.done $0x0  }
0x2d: {  	s25 =	sor.u32 $0x1000, s22;
	[sflag:s18] =	ssyncadd.s32 $0xFFFFC000  }
0x2e: {  	[spmem:s3] =	stream.indirect.scatter.add.f32 [tilespmem:s17], [sflag:$0x2], $0x80, s25, s16, $0xb8;
	[tilespmem:$0x1E000] =	vst v63  }
0x2f: {  	s26 =	sor.u32 $0x80, s22  }
0x30: {  	[tilespmem:s19], [sflag:$0x1] =	stream.indirect.gather [hbm4b:s5+s16], $0x80, s26, s16, $0xb8;
	[tilespmem:$0x1E000] =	vst v63  }
0x31: {  	_ =	swait.ge [sflag:s20], $0x4000  }
0x32: {  	[sflag:s20] =	ssyncset.done $0x0  }
0x33: {  	[sflag:s20] =	ssyncadd.s32 $0xFFFFC000  }
0x34: {  	_ =	swait.ge [sflag:s18], $0x4000  }
0x35: {  	[sflag:s18] =	ssyncset.done $0x0  }
0x36: {  	s28 =	sor.u32 $0x1080, s22;
	[sflag:s18] =	ssyncadd.s32 $0xFFFFC000  }
0x37: {  	[spmem:s3] =	stream.indirect.scatter.add.f32 [tilespmem:s19], [sflag:$0x2], $0x80, s28, s16, $0xb8;
	[tilespmem:$0x1E000] =	vst v63  }
0x38: {  	s29 =	sor.u32 $0x100, s22  }
0x39: {  	[tilespmem:s17], [sflag:$0x1] =	stream.indirect.gather [hbm4b:s5+s16], $0x80, s29, s16, $0xb8;
	[tilespmem:$0x1E000] =	vst v63  }
0x3a: {  	_ =	swait.ge [sflag:s20], $0x4000  }
0x3b: {  	[sflag:s20] =	ssyncset.done $0x0  }
0x3c: {  	[sflag:s20] =	ssyncadd.s32 $0xFFFFC000  }
0x3d: {  	_ =	swait.ge [sflag:s18], $0x4000  }
0x3e: {  	[sflag:s18] =	ssyncset.done $0x0  }
0x3f: {  	s30 =	sor.u32 $0x1100, s22;
	[sflag:s18] =	ssyncadd.s32 $0xFFFFC000  }
0x40: {  	[spmem:s3] =	stream.indirect.scatter.add.f32 [tilespmem:s17], [sflag:$0x2], $0x80, s30, s16, $0xb8;
	[tilespmem:$0x1E000] =	vst v63  }
0x41: {  	s31 =	sor.u32 $0x180, s22  }
0x42: {  	[tilespmem:s19], [sflag:$0x1] =	stream.indirect.gather [hbm4b:s5+s16], $0x80, s31, s16, $0xb8;
	[tilespmem:$0x1E000] =	vst v63  }
0x43: {  	_ =	swait.ge [sflag:s20], $0x4000  }
0x44: {  	[sflag:s20] =	ssyncset.done $0x0  }
0x45: {  	[sflag:s20] =	ssyncadd.s32 $0xFFFFC000  }
0x46: {  	_ =	swait.ge [sflag:s18], $0x4000  }
0x47: {  	[sflag:s18] =	ssyncset.done $0x0  }
0x48: {  	s0 =	sor.u32 $0x1180, s22;
	[sflag:s18] =	ssyncadd.s32 $0xFFFFC000  }
0x49: {  	[spmem:s3] =	stream.indirect.scatter.add.f32 [tilespmem:s19], [sflag:$0x2], $0x80, s0, s16, $0xb8;
	[tilespmem:$0x1E000] =	vst v63  }
0x4a: {  	s24 =	sor.u32 $0x200, s22  }
0x4b: {  	[tilespmem:s17], [sflag:$0x1] =	stream.indirect.gather [hbm4b:s5+s16], $0x80, s24, s16, $0xb8;
	[tilespmem:$0x1E000] =	vst v63  }
0x4c: {  	_ =	swait.ge [sflag:s20], $0x4000  }
0x4d: {  	[sflag:s20] =	ssyncset.done $0x0  }
0x4e: {  	[sflag:s20] =	ssyncadd.s32 $0xFFFFC000  }
0x4f: {  	_ =	swait.ge [sflag:s18], $0x4000  }
0x50: {  	[sflag:s18] =	ssyncset.done $0x0  }
0x51: {  	s25 =	sor.u32 $0x1200, s22;
	[sflag:s18] =	ssyncadd.s32 $0xFFFFC000  }
0x52: {  	[spmem:s3] =	stream.indirect.scatter.add.f32 [tilespmem:s17], [sflag:$0x2], $0x80, s25, s16, $0xb8;
	[tilespmem:$0x1E000] =	vst v63  }
0x53: {  	s26 =	sor.u32 $0x280, s22  }
0x54: {  	[tilespmem:s19], [sflag:$0x1] =	stream.indirect.gather [hbm4b:s5+s16], $0x80, s26, s16, $0xb8;
	[tilespmem:$0x1E000] =	vst v63  }
0x55: {  	_ =	swait.ge [sflag:s20], $0x4000  }
0x56: {  	[sflag:s20] =	ssyncset.done $0x0  }
0x57: {  	[sflag:s20] =	ssyncadd.s32 $0xFFFFC000  }
0x58: {  	_ =	swait.ge [sflag:s18], $0x4000  }
0x59: {  	[sflag:s18] =	ssyncset.done $0x0  }
0x5a: {  	s28 =	sor.u32 $0x1280, s22;
	[sflag:s18] =	ssyncadd.s32 $0xFFFFC000  }
0x5b: {  	[spmem:s3] =	stream.indirect.scatter.add.f32 [tilespmem:s19], [sflag:$0x2], $0x80, s28, s16, $0xb8;
	[tilespmem:$0x1E000] =	vst v63  }
0x5c: {  	s29 =	sor.u32 $0x300, s22  }
0x5d: {  	[tilespmem:s17], [sflag:$0x1] =	stream.indirect.gather [hbm4b:s5+s16], $0x80, s29, s16, $0xb8;
	[tilespmem:$0x1E000] =	vst v63  }
0x5e: {  	_ =	swait.ge [sflag:s20], $0x4000  }
0x5f: {  	[sflag:s20] =	ssyncset.done $0x0  }
0x60: {  	[sflag:s20] =	ssyncadd.s32 $0xFFFFC000  }
0x61: {  	_ =	swait.ge [sflag:s18], $0x4000  }
0x62: {  	[sflag:s18] =	ssyncset.done $0x0  }
0x63: {  	s30 =	sor.u32 $0x1300, s22;
	[sflag:s18] =	ssyncadd.s32 $0xFFFFC000  }
0x64: {  	[spmem:s3] =	stream.indirect.scatter.add.f32 [tilespmem:s17], [sflag:$0x2], $0x80, s30, s16, $0xb8;
	[tilespmem:$0x1E000] =	vst v63  }
0x65: {  	s31 =	sor.u32 $0x380, s22  }
0x66: {  	[tilespmem:s19], [sflag:$0x1] =	stream.indirect.gather [hbm4b:s5+s16], $0x80, s31, s16, $0xb8;
	[tilespmem:$0x1E000] =	vst v63  }
0x67: {  	_ =	swait.ge [sflag:s20], $0x4000  }
0x68: {  	[sflag:s20] =	ssyncset.done $0x0  }
0x69: {  	[sflag:s20] =	ssyncadd.s32 $0xFFFFC000  }
0x6a: {  	_ =	swait.ge [sflag:s18], $0x4000  }
0x6b: {  	[sflag:s18] =	ssyncset.done $0x0  }
0x6c: {  	s0 =	sor.u32 $0x1380, s22;
	[sflag:s18] =	ssyncadd.s32 $0xFFFFC000  }
0x6d: {  	[spmem:s3] =	stream.indirect.scatter.add.f32 [tilespmem:s19], [sflag:$0x2], $0x80, s0, s16, $0xb8;
	[tilespmem:$0x1E000] =	vst v63  }
0x6e: {  	s24 =	sor.u32 $0x400, s22  }
0x6f: {  	[tilespmem:s17], [sflag:$0x1] =	stream.indirect.gather [hbm4b:s5+s16], $0x80, s24, s16, $0xb8;
	[tilespmem:$0x1E000] =	vst v63  }
0x70: {  	_ =	swait.ge [sflag:s20], $0x4000  }
0x71: {  	[sflag:s20] =	ssyncset.done $0x0  }
0x72: {  	[sflag:s20] =	ssyncadd.s32 $0xFFFFC000  }
0x73: {  	_ =	swait.ge [sflag:s18], $0x4000  }
0x74: {  	[sflag:s18] =	ssyncset.done $0x0  }
0x75: {  	s25 =	sor.u32 $0x1400, s22;
	[sflag:s18] =	ssyncadd.s32 $0xFFFFC000  }
0x76: {  	[spmem:s3] =	stream.indirect.scatter.add.f32 [tilespmem:s17], [sflag:$0x2], $0x80, s25, s16, $0xb8;
	[tilespmem:$0x1E000] =	vst v63  }
0x77: {  	s26 =	sor.u32 $0x480, s22  }
0x78: {  	[tilespmem:s19], [sflag:$0x1] =	stream.indirect.gather [hbm4b:s5+s16], $0x80, s26, s16, $0xb8;
	[tilespmem:$0x1E000] =	vst v63  }
0x79: {  	_ =	swait.ge [sflag:s20], $0x4000  }
0x7a: {  	[sflag:s20] =	ssyncset.done $0x0  }
0x7b: {  	[sflag:s20] =	ssyncadd.s32 $0xFFFFC000  }
0x7c: {  	_ =	swait.ge [sflag:s18], $0x4000  }
0x7d: {  	[sflag:s18] =	ssyncset.done $0x0  }
0x7e: {  	s28 =	sor.u32 $0x1480, s22;
	[sflag:s18] =	ssyncadd.s32 $0xFFFFC000  }
0x7f: {  	[spmem:s3] =	stream.indirect.scatter.add.f32 [tilespmem:s19], [sflag:$0x2], $0x80, s28, s16, $0xb8;
	[tilespmem:$0x1E000] =	vst v63  }
0x80: {  	s29 =	sor.u32 $0x500, s22  }
0x81: {  	[tilespmem:s17], [sflag:$0x1] =	stream.indirect.gather [hbm4b:s5+s16], $0x80, s29, s16, $0xb8;
	[tilespmem:$0x1E000] =	vst v63  }
0x82: {  	_ =	swait.ge [sflag:s20], $0x4000  }
0x83: {  	[sflag:s20] =	ssyncset.done $0x0  }
0x84: {  	[sflag:s20] =	ssyncadd.s32 $0xFFFFC000  }
0x85: {  	_ =	swait.ge [sflag:s18], $0x4000  }
0x86: {  	[sflag:s18] =	ssyncset.done $0x0  }
0x87: {  	s30 =	sor.u32 $0x1500, s22;
	[sflag:s18] =	ssyncadd.s32 $0xFFFFC000  }
0x88: {  	[spmem:s3] =	stream.indirect.scatter.add.f32 [tilespmem:s17], [sflag:$0x2], $0x80, s30, s16, $0xb8;
	[tilespmem:$0x1E000] =	vst v63  }
0x89: {  	s31 =	sor.u32 $0x580, s22  }
0x8a: {  	[tilespmem:s19], [sflag:$0x1] =	stream.indirect.gather [hbm4b:s5+s16], $0x80, s31, s16, $0xb8;
	[tilespmem:$0x1E000] =	vst v63  }
0x8b: {  	_ =	swait.ge [sflag:s20], $0x4000  }
0x8c: {  	[sflag:s20] =	ssyncset.done $0x0  }
0x8d: {  	[sflag:s20] =	ssyncadd.s32 $0xFFFFC000  }
0x8e: {  	_ =	swait.ge [sflag:s18], $0x4000  }
0x8f: {  	[sflag:s18] =	ssyncset.done $0x0  }
0x90: {  	s0 =	sor.u32 $0x1580, s22;
	[sflag:s18] =	ssyncadd.s32 $0xFFFFC000  }
0x91: {  	[spmem:s3] =	stream.indirect.scatter.add.f32 [tilespmem:s19], [sflag:$0x2], $0x80, s0, s16, $0xb8;
	[tilespmem:$0x1E000] =	vst v63  }
0x92: {  	s24 =	sor.u32 $0x600, s22  }
0x93: {  	[tilespmem:s17], [sflag:$0x1] =	stream.indirect.gather [hbm4b:s5+s16], $0x80, s24, s16, $0xb8;
	[tilespmem:$0x1E000] =	vst v63  }
0x94: {  	_ =	swait.ge [sflag:s20], $0x4000  }
0x95: {  	[sflag:s20] =	ssyncset.done $0x0  }
0x96: {  	[sflag:s20] =	ssyncadd.s32 $0xFFFFC000  }
0x97: {  	_ =	swait.ge [sflag:s18], $0x4000  }
0x98: {  	[sflag:s18] =	ssyncset.done $0x0  }
0x99: {  	s25 =	sor.u32 $0x1600, s22;
	[sflag:s18] =	ssyncadd.s32 $0xFFFFC000  }
0x9a: {  	[spmem:s3] =	stream.indirect.scatter.add.f32 [tilespmem:s17], [sflag:$0x2], $0x80, s25, s16, $0xb8;
	[tilespmem:$0x1E000] =	vst v63  }
0x9b: {  	s26 =	sor.u32 $0x680, s22  }
0x9c: {  	[tilespmem:s19], [sflag:$0x1] =	stream.indirect.gather [hbm4b:s5+s16], $0x80, s26, s16, $0xb8;
	[tilespmem:$0x1E000] =	vst v63  }
0x9d: {  	_ =	swait.ge [sflag:s20], $0x4000  }
0x9e: {  	[sflag:s20] =	ssyncset.done $0x0  }
0x9f: {  	[sflag:s20] =	ssyncadd.s32 $0xFFFFC000  }
0xa0: {  	_ =	swait.ge [sflag:s18], $0x4000  }
0xa1: {  	[sflag:s18] =	ssyncset.done $0x0  }
0xa2: {  	s28 =	sor.u32 $0x1680, s22;
	[sflag:s18] =	ssyncadd.s32 $0xFFFFC000  }
0xa3: {  	[spmem:s3] =	stream.indirect.scatter.add.f32 [tilespmem:s19], [sflag:$0x2], $0x80, s28, s16, $0xb8;
	[tilespmem:$0x1E000] =	vst v63  }
0xa4: {  	s29 =	sor.u32 $0x700, s22  }
0xa5: {  	[tilespmem:s17], [sflag:$0x1] =	stream.indirect.gather [hbm4b:s5+s16], $0x80, s29, s16, $0xb8;
	[tilespmem:$0x1E000] =	vst v63  }
0xa6: {  	_ =	swait.ge [sflag:s20], $0x4000  }
0xa7: {  	[sflag:s20] =	ssyncset.done $0x0  }
0xa8: {  	[sflag:s20] =	ssyncadd.s32 $0xFFFFC000  }
0xa9: {  	_ =	swait.ge [sflag:s18], $0x4000  }
0xaa: {  	[sflag:s18] =	ssyncset.done $0x0  }
0xab: {  	s30 =	sor.u32 $0x1700, s22;
	[sflag:s18] =	ssyncadd.s32 $0xFFFFC000  }
0xac: {  	[spmem:s3] =	stream.indirect.scatter.add.f32 [tilespmem:s17], [sflag:$0x2], $0x80, s30, s16, $0xb8;
	[tilespmem:$0x1E000] =	vst v63  }
0xad: {  	s31 =	sor.u32 $0x780, s22  }
0xae: {  	[tilespmem:s19], [sflag:$0x1] =	stream.indirect.gather [hbm4b:s5+s16], $0x80, s31, s16, $0xb8;
	[tilespmem:$0x1E000] =	vst v63  }
0xaf: {  	_ =	swait.ge [sflag:s20], $0x4000  }
0xb0: {  	[sflag:s20] =	ssyncset.done $0x0  }
0xb1: {  	[sflag:s20] =	ssyncadd.s32 $0xFFFFC000  }
0xb2: {  	_ =	swait.ge [sflag:s18], $0x4000  }
0xb3: {  	p0 =	por $0x0, $0x0;
	[sflag:s18] =	ssyncset.done $0x0  }
0xb4: {  	s23 =	sxor.u32 @!p0 $0xFFFFFFFF, s4;
	s22 =	sor.u32 $0x1780, s22;
	[sflag:s18] =	ssyncadd.s32 $0xFFFFC000  }
0xb5: {  	[spmem:s3] =	stream.indirect.scatter.add.f32 [tilespmem:s19], [sflag:$0x2], $0x80, s22, s16, $0xb8;
	[tilespmem:$0x1E000] =	vst v63  }
0xb6: {  	s22 =	sand.u32 @!p0 $0x2000, s23  }
0xb7: {  	s24 =	simm.s32 @!p0 $0x2000;
	s23 =	simm.s32 @!p0 $0x80;
	s22 =	sshrl.u32 @!p0 s22, $0x2  }
0xb8: {  	[tilespmem:s24], [sflag:$0x1] =	stream.indirect.gather @!p0 [hbm4b:s5+s23], $0x80, s22, s23, $0xb8;
	[tilespmem:$0x1E000] =	vst v63  }
0xb9: {  	s25 =	simm.s32 $0x4000;
	s23 =	simm.s32 $0x2000  }
0xba: {  	s24 =	simm.s32 $0x1000;
	s22 =	simm.s32 $0x1;
	_ =	swait.ge [sflag:s20], $0x4000  }
.LBB2_2:
0xbb: {  	s28 =	rddreg [dreg:$0x4];
	p1 =	seq.s32 s23, $0x8000  }
0xbc: {  	[sflag:s20] =	ssyncset.done $0x0;
	s28 =	sadd.s32 @!p1 s24, s28  }
0xbd: {  	[sflag:s20] =	ssyncadd.s32 $0xFFFFC000;
	s29 =	simm.s32 @!p1 $0x3;
	s28 =	sshrl.u32 @!p1 s28, $0x3  }
0xbe: {  	s30 =	sand.u32 @!p1 $0x800, s24;
	s0 =	simm.s32 @!p1 $0x0;
	s31 =	sadd.s32 @!p1 s6, s28  }
0xbf: {  	[tilespmem:s30], [sflag:$0x3] =	stream.linear.gather @!p1 [hbm4b:s31+s0], $0x800, $0x38;
	[tilespmem:$0x1E000] =	vst v63  }
0xc0: {  	_ =	swait.ge @!p1 [sflag:s29], $0x800  }
0xc1: {  	[sflag:s29] =	ssyncset.done @!p1 $0x0  }
0xc2: {  	s28 =	sadd.s32 @!p1 s2, s28;
	s30 =	sor.u32 @!p1 $0x1000, s30;
	[sflag:s29] =	ssyncadd.s32 @!p1 $0xFFFFF800  }
0xc3: {  	[tilespmem:s30], [sflag:$0x3] =	stream.linear.gather @!p1 [hbm4b:s28+s0], $0x800, $0x38;
	[tilespmem:$0x1E000] =	vst v63  }
0xc4: {  	_ =	swait.ge @!p1 [sflag:s29], $0x800  }
0xc5: {  	[sflag:s29] =	ssyncset.done @!p1 $0x0  }
0xc6: {  	[sflag:s29] =	ssyncadd.s32 @!p1 $0xFFFFF800  }
0xc7: {  	s28 =	sshrl.u32 s23, $0x2;
	_ =	swait.ge [sflag:s18], $0x4000  }
0xc8: {  	s28 =	sand.u32 $0x800, s28;
	[sflag:s18] =	ssyncset.done $0x0  }
0xc9: {  	s0 =	sor.u32 $0x1000, s28;
	[sflag:s18] =	ssyncadd.s32 $0xFFFFC000  }
0xca: {  	[spmem:s3] =	stream.indirect.scatter.add.f32 [tilespmem:s17], [sflag:$0x2], $0x80, s0, s16, $0xb8;
	[tilespmem:$0x1E000] =	vst v63  }
0xcb: {  	s29 =	sor.u32 $0x80, s28  }
0xcc: {  	[tilespmem:s19], [sflag:$0x1] =	stream.indirect.gather [hbm4b:s5+s16], $0x80, s29, s16, $0xb8;
	[tilespmem:$0x1E000] =	vst v63  }
0xcd: {  	_ =	swait.ge [sflag:s20], $0x4000  }
0xce: {  	[sflag:s20] =	ssyncset.done $0x0  }
0xcf: {  	[sflag:s20] =	ssyncadd.s32 $0xFFFFC000  }
0xd0: {  	_ =	swait.ge [sflag:s18], $0x4000  }
0xd1: {  	[sflag:s18] =	ssyncset.done $0x0  }
0xd2: {  	s30 =	sor.u32 $0x1080, s28;
	[sflag:s18] =	ssyncadd.s32 $0xFFFFC000  }
0xd3: {  	[spmem:s3] =	stream.indirect.scatter.add.f32 [tilespmem:s19], [sflag:$0x2], $0x80, s30, s16, $0xb8;
	[tilespmem:$0x1E000] =	vst v63  }
0xd4: {  	s31 =	sor.u32 $0x100, s28  }
0xd5: {  	[tilespmem:s17], [sflag:$0x1] =	stream.indirect.gather [hbm4b:s5+s16], $0x80, s31, s16, $0xb8;
	[tilespmem:$0x1E000] =	vst v63  }
0xd6: {  	_ =	swait.ge [sflag:s20], $0x4000  }
0xd7: {  	[sflag:s20] =	ssyncset.done $0x0  }
0xd8: {  	[sflag:s20] =	ssyncadd.s32 $0xFFFFC000  }
0xd9: {  	_ =	swait.ge [sflag:s18], $0x4000  }
0xda: {  	[sflag:s18] =	ssyncset.done $0x0  }
0xdb: {  	s29 =	sor.u32 $0x1100, s28;
	[sflag:s18] =	ssyncadd.s32 $0xFFFFC000  }
0xdc: {  	[spmem:s3] =	stream.indirect.scatter.add.f32 [tilespmem:s17], [sflag:$0x2], $0x80, s29, s16, $0xb8;
	[tilespmem:$0x1E000] =	vst v63  }
0xdd: {  	s30 =	sor.u32 $0x180, s28  }
0xde: {  	[tilespmem:s19], [sflag:$0x1] =	stream.indirect.gather [hbm4b:s5+s16], $0x80, s30, s16, $0xb8;
	[tilespmem:$0x1E000] =	vst v63  }
0xdf: {  	_ =	swait.ge [sflag:s20], $0x4000  }
0xe0: {  	[sflag:s20] =	ssyncset.done $0x0  }
0xe1: {  	[sflag:s20] =	ssyncadd.s32 $0xFFFFC000  }
0xe2: {  	_ =	swait.ge [sflag:s18], $0x4000  }
0xe3: {  	[sflag:s18] =	ssyncset.done $0x0  }
0xe4: {  	s31 =	sor.u32 $0x1180, s28;
	[sflag:s18] =	ssyncadd.s32 $0xFFFFC000  }
0xe5: {  	[spmem:s3] =	stream.indirect.scatter.add.f32 [tilespmem:s19], [sflag:$0x2], $0x80, s31, s16, $0xb8;
	[tilespmem:$0x1E000] =	vst v63  }
0xe6: {  	s29 =	sor.u32 $0x200, s28  }
0xe7: {  	[tilespmem:s17], [sflag:$0x1] =	stream.indirect.gather [hbm4b:s5+s16], $0x80, s29, s16, $0xb8;
	[tilespmem:$0x1E000] =	vst v63  }
0xe8: {  	_ =	swait.ge [sflag:s20], $0x4000  }
0xe9: {  	[sflag:s20] =	ssyncset.done $0x0  }
0xea: {  	[sflag:s20] =	ssyncadd.s32 $0xFFFFC000  }
0xeb: {  	_ =	swait.ge [sflag:s18], $0x4000  }
0xec: {  	[sflag:s18] =	ssyncset.done $0x0  }
0xed: {  	s30 =	sor.u32 $0x1200, s28;
	[sflag:s18] =	ssyncadd.s32 $0xFFFFC000  }
0xee: {  	[spmem:s3] =	stream.indirect.scatter.add.f32 [tilespmem:s17], [sflag:$0x2], $0x80, s30, s16, $0xb8;
	[tilespmem:$0x1E000] =	vst v63  }
0xef: {  	s31 =	sor.u32 $0x280, s28  }
0xf0: {  	[tilespmem:s19], [sflag:$0x1] =	stream.indirect.gather [hbm4b:s5+s16], $0x80, s31, s16, $0xb8;
	[tilespmem:$0x1E000] =	vst v63  }
0xf1: {  	_ =	swait.ge [sflag:s20], $0x4000  }
0xf2: {  	[sflag:s20] =	ssyncset.done $0x0  }
0xf3: {  	[sflag:s20] =	ssyncadd.s32 $0xFFFFC000  }
0xf4: {  	_ =	swait.ge [sflag:s18], $0x4000  }
0xf5: {  	[sflag:s18] =	ssyncset.done $0x0  }
0xf6: {  	s29 =	sor.u32 $0x1280, s28;
	[sflag:s18] =	ssyncadd.s32 $0xFFFFC000  }
0xf7: {  	[spmem:s3] =	stream.indirect.scatter.add.f32 [tilespmem:s19], [sflag:$0x2], $0x80, s29, s16, $0xb8;
	[tilespmem:$0x1E000] =	vst v63  }
0xf8: {  	s30 =	sor.u32 $0x300, s28  }
0xf9: {  	[tilespmem:s17], [sflag:$0x1] =	stream.indirect.gather [hbm4b:s5+s16], $0x80, s30, s16, $0xb8;
	[tilespmem:$0x1E000] =	vst v63  }
0xfa: {  	_ =	swait.ge [sflag:s20], $0x4000  }
0xfb: {  	[sflag:s20] =	ssyncset.done $0x0  }
0xfc: {  	[sflag:s20] =	ssyncadd.s32 $0xFFFFC000  }
0xfd: {  	_ =	swait.ge [sflag:s18], $0x4000  }
0xfe: {  	[sflag:s18] =	ssyncset.done $0x0  }
0xff: {  	s31 =	sor.u32 $0x1300, s28;
	[sflag:s18] =	ssyncadd.s32 $0xFFFFC000  }
0x100: {  	[spmem:s3] =	stream.indirect.scatter.add.f32 [tilespmem:s17], [sflag:$0x2], $0x80, s31, s16, $0xb8;
	[tilespmem:$0x1E000] =	vst v63  }
0x101: {  	s29 =	sor.u32 $0x380, s28  }
0x102: {  	[tilespmem:s19], [sflag:$0x1] =	stream.indirect.gather [hbm4b:s5+s16], $0x80, s29, s16, $0xb8;
	[tilespmem:$0x1E000] =	vst v63  }
0x103: {  	_ =	swait.ge [sflag:s20], $0x4000  }
0x104: {  	[sflag:s20] =	ssyncset.done $0x0  }
0x105: {  	[sflag:s20] =	ssyncadd.s32 $0xFFFFC000  }
0x106: {  	_ =	swait.ge [sflag:s18], $0x4000  }
0x107: {  	[sflag:s18] =	ssyncset.done $0x0  }
0x108: {  	s30 =	sor.u32 $0x1380, s28;
	[sflag:s18] =	ssyncadd.s32 $0xFFFFC000  }
0x109: {  	[spmem:s3] =	stream.indirect.scatter.add.f32 [tilespmem:s19], [sflag:$0x2], $0x80, s30, s16, $0xb8;
	[tilespmem:$0x1E000] =	vst v63  }
0x10a: {  	s31 =	sor.u32 $0x400, s28  }
0x10b: {  	[tilespmem:s17], [sflag:$0x1] =	stream.indirect.gather [hbm4b:s5+s16], $0x80, s31, s16, $0xb8;
	[tilespmem:$0x1E000] =	vst v63  }
0x10c: {  	_ =	swait.ge [sflag:s20], $0x4000  }
0x10d: {  	[sflag:s20] =	ssyncset.done $0x0  }
0x10e: {  	[sflag:s20] =	ssyncadd.s32 $0xFFFFC000  }
0x10f: {  	_ =	swait.ge [sflag:s18], $0x4000  }
0x110: {  	[sflag:s18] =	ssyncset.done $0x0  }
0x111: {  	s29 =	sor.u32 $0x1400, s28;
	[sflag:s18] =	ssyncadd.s32 $0xFFFFC000  }
0x112: {  	[spmem:s3] =	stream.indirect.scatter.add.f32 [tilespmem:s17], [sflag:$0x2], $0x80, s29, s16, $0xb8;
	[tilespmem:$0x1E000] =	vst v63  }
0x113: {  	s30 =	sor.u32 $0x480, s28  }
0x114: {  	[tilespmem:s19], [sflag:$0x1] =	stream.indirect.gather [hbm4b:s5+s16], $0x80, s30, s16, $0xb8;
	[tilespmem:$0x1E000] =	vst v63  }
0x115: {  	_ =	swait.ge [sflag:s20], $0x4000  }
0x116: {  	[sflag:s20] =	ssyncset.done $0x0  }
0x117: {  	[sflag:s20] =	ssyncadd.s32 $0xFFFFC000  }
0x118: {  	_ =	swait.ge [sflag:s18], $0x4000  }
0x119: {  	[sflag:s18] =	ssyncset.done $0x0  }
0x11a: {  	s31 =	sor.u32 $0x1480, s28;
	[sflag:s18] =	ssyncadd.s32 $0xFFFFC000  }
0x11b: {  	[spmem:s3] =	stream.indirect.scatter.add.f32 [tilespmem:s19], [sflag:$0x2], $0x80, s31, s16, $0xb8;
	[tilespmem:$0x1E000] =	vst v63  }
0x11c: {  	s29 =	sor.u32 $0x500, s28  }
0x11d: {  	[tilespmem:s17], [sflag:$0x1] =	stream.indirect.gather [hbm4b:s5+s16], $0x80, s29, s16, $0xb8;
	[tilespmem:$0x1E000] =	vst v63  }
0x11e: {  	_ =	swait.ge [sflag:s20], $0x4000  }
0x11f: {  	[sflag:s20] =	ssyncset.done $0x0  }
0x120: {  	[sflag:s20] =	ssyncadd.s32 $0xFFFFC000  }
0x121: {  	_ =	swait.ge [sflag:s18], $0x4000  }
0x122: {  	[sflag:s18] =	ssyncset.done $0x0  }
0x123: {  	s30 =	sor.u32 $0x1500, s28;
	[sflag:s18] =	ssyncadd.s32 $0xFFFFC000  }
0x124: {  	[spmem:s3] =	stream.indirect.scatter.add.f32 [tilespmem:s17], [sflag:$0x2], $0x80, s30, s16, $0xb8;
	[tilespmem:$0x1E000] =	vst v63  }
0x125: {  	s31 =	sor.u32 $0x580, s28  }
0x126: {  	[tilespmem:s19], [sflag:$0x1] =	stream.indirect.gather [hbm4b:s5+s16], $0x80, s31, s16, $0xb8;
	[tilespmem:$0x1E000] =	vst v63  }
0x127: {  	_ =	swait.ge [sflag:s20], $0x4000  }
0x128: {  	[sflag:s20] =	ssyncset.done $0x0  }
0x129: {  	[sflag:s20] =	ssyncadd.s32 $0xFFFFC000  }
0x12a: {  	_ =	swait.ge [sflag:s18], $0x4000  }
0x12b: {  	[sflag:s18] =	ssyncset.done $0x0  }
0x12c: {  	s29 =	sor.u32 $0x1580, s28;
	[sflag:s18] =	ssyncadd.s32 $0xFFFFC000  }
0x12d: {  	[spmem:s3] =	stream.indirect.scatter.add.f32 [tilespmem:s19], [sflag:$0x2], $0x80, s29, s16, $0xb8;
	[tilespmem:$0x1E000] =	vst v63  }
0x12e: {  	s30 =	sor.u32 $0x600, s28  }
0x12f: {  	[tilespmem:s17], [sflag:$0x1] =	stream.indirect.gather [hbm4b:s5+s16], $0x80, s30, s16, $0xb8;
	[tilespmem:$0x1E000] =	vst v63  }
0x130: {  	_ =	swait.ge [sflag:s20], $0x4000  }
0x131: {  	[sflag:s20] =	ssyncset.done $0x0  }
0x132: {  	[sflag:s20] =	ssyncadd.s32 $0xFFFFC000  }
0x133: {  	_ =	swait.ge [sflag:s18], $0x4000  }
0x134: {  	[sflag:s18] =	ssyncset.done $0x0  }
0x135: {  	s31 =	sor.u32 $0x1600, s28;
	[sflag:s18] =	ssyncadd.s32 $0xFFFFC000  }
0x136: {  	[spmem:s3] =	stream.indirect.scatter.add.f32 [tilespmem:s17], [sflag:$0x2], $0x80, s31, s16, $0xb8;
	[tilespmem:$0x1E000] =	vst v63  }
0x137: {  	s29 =	sor.u32 $0x680, s28  }
0x138: {  	[tilespmem:s19], [sflag:$0x1] =	stream.indirect.gather [hbm4b:s5+s16], $0x80, s29, s16, $0xb8;
	[tilespmem:$0x1E000] =	vst v63  }
0x139: {  	_ =	swait.ge [sflag:s20], $0x4000  }
0x13a: {  	[sflag:s20] =	ssyncset.done $0x0  }
0x13b: {  	[sflag:s20] =	ssyncadd.s32 $0xFFFFC000  }
0x13c: {  	_ =	swait.ge [sflag:s18], $0x4000  }
0x13d: {  	[sflag:s18] =	ssyncset.done $0x0  }
0x13e: {  	s30 =	sor.u32 $0x1680, s28;
	[sflag:s18] =	ssyncadd.s32 $0xFFFFC000  }
0x13f: {  	[spmem:s3] =	stream.indirect.scatter.add.f32 [tilespmem:s19], [sflag:$0x2], $0x80, s30, s16, $0xb8;
	[tilespmem:$0x1E000] =	vst v63  }
0x140: {  	s31 =	sor.u32 $0x700, s28  }
0x141: {  	[tilespmem:s17], [sflag:$0x1] =	stream.indirect.gather [hbm4b:s5+s16], $0x80, s31, s16, $0xb8;
	[tilespmem:$0x1E000] =	vst v63  }
0x142: {  	_ =	swait.ge [sflag:s20], $0x4000  }
0x143: {  	[sflag:s20] =	ssyncset.done $0x0  }
0x144: {  	[sflag:s20] =	ssyncadd.s32 $0xFFFFC000  }
0x145: {  	_ =	swait.ge [sflag:s18], $0x4000  }
0x146: {  	[sflag:s18] =	ssyncset.done $0x0  }
0x147: {  	s29 =	sor.u32 $0x1700, s28;
	[sflag:s18] =	ssyncadd.s32 $0xFFFFC000  }
0x148: {  	[spmem:s3] =	stream.indirect.scatter.add.f32 [tilespmem:s17], [sflag:$0x2], $0x80, s29, s16, $0xb8;
	[tilespmem:$0x1E000] =	vst v63  }
0x149: {  	s30 =	sor.u32 $0x780, s28  }
0x14a: {  	[tilespmem:s19], [sflag:$0x1] =	stream.indirect.gather [hbm4b:s5+s16], $0x80, s30, s16, $0xb8;
	[tilespmem:$0x1E000] =	vst v63  }
0x14b: {  	_ =	swait.ge [sflag:s20], $0x4000  }
0x14c: {  	s26 =	smov.u32 s25;
	[sflag:s20] =	ssyncset.done $0x0  }
0x14d: {  	s25 =	sadd.s32 $0x2000, s25;
	p1 =	sgt.u32 s22, $0x3;
	[sflag:s20] =	ssyncadd.s32 $0xFFFFC000  }
0x14e: {  	p0 =	sne.s32 s25, $0xA000;
	s23 =	sxor.u32 @!p1 $0xFFFFFFFF, s23;
	_ =	swait.ge [sflag:s18], $0x4000  }
0x14f: {  	s24 =	sadd.s32 $0x800, s24;
	s0 =	sand.u32 @!p1 $0x2000, s23;
	[sflag:s18] =	ssyncset.done $0x0  }
.Ltmp0:
0x150: {  	s31 =	sor.u32 $0x1780, s28;
	[sflag:s18] =	ssyncadd.s32 $0xFFFFC000;
	(pc) =	sbr.rel @p0 .LBB2_2-.Ltmp0, $4  }
0x151: {  	[spmem:s3] =	stream.indirect.scatter.add.f32 [tilespmem:s19], [sflag:$0x2], $0x80, s31, s16, $0xb8;
	[tilespmem:$0x1E000] =	vst v63  }
0x152: {  	s0 =	sshrl.u32 @!p1 s0, $0x2;
	s28 =	simm.s32 @!p1 $0x80;
	s29 =	simm.s32 @!p1 $0x2000  }
0x153: {  	[tilespmem:s29], [sflag:$0x1] =	stream.indirect.gather @!p1 [hbm4b:s5+s28], $0x80, s0, s28, $0xb8;
	[tilespmem:$0x1E000] =	vst v63  }
0x154: {  	s22 =	sadd.s32 $0x1, s22;
	s23 =	smov.u32 s26;
	_ =	swait.ge [sflag:s20], $0x4000  }
0x155: {  	s0 =	rddreg [dreg:$0x4];
	p0 =	seq.s32 s23, $0x8000  }
0x156: {  	[sflag:s20] =	ssyncset.done $0x0;
	s0 =	sadd.s32 @!p0 s24, s0  }
0x157: {  	[sflag:s20] =	ssyncadd.s32 $0xFFFFC000;
	s25 =	simm.s32 @!p0 $0x3;
	s0 =	sshrl.u32 @!p0 s0, $0x3  }
0x158: {  	s24 =	sand.u32 @!p0 $0x800, s24;
	s28 =	simm.s32 @!p0 $0x0;
	s26 =	sadd.s32 @!p0 s6, s0  }
0x159: {  	[tilespmem:s24], [sflag:$0x3] =	stream.linear.gather @!p0 [hbm4b:s26+s28], $0x800, $0x38;
	[tilespmem:$0x1E000] =	vst v63  }
0x15a: {  	_ =	swait.ge @!p0 [sflag:s25], $0x800  }
0x15b: {  	[sflag:s25] =	ssyncset.done @!p0 $0x0  }
0x15c: {  	s0 =	sadd.s32 @!p0 s2, s0;
	s24 =	sor.u32 @!p0 $0x1000, s24;
	[sflag:s25] =	ssyncadd.s32 @!p0 $0xFFFFF800  }
0x15d: {  	[tilespmem:s24], [sflag:$0x3] =	stream.linear.gather @!p0 [hbm4b:s0+s28], $0x800, $0x38;
	[tilespmem:$0x1E000] =	vst v63  }
0x15e: {  	_ =	swait.ge @!p0 [sflag:s25], $0x800  }
0x15f: {  	[sflag:s25] =	ssyncset.done @!p0 $0x0  }
0x160: {  	[sflag:s25] =	ssyncadd.s32 @!p0 $0xFFFFF800  }
0x161: {  	s24 =	sshrl.u32 s23, $0x2;
	_ =	swait.ge [sflag:s18], $0x4000  }
0x162: {  	s24 =	sand.u32 $0x800, s24;
	[sflag:s18] =	ssyncset.done $0x0  }
0x163: {  	s0 =	sor.u32 $0x1000, s24;
	[sflag:s18] =	ssyncadd.s32 $0xFFFFC000  }
0x164: {  	[spmem:s3] =	stream.indirect.scatter.add.f32 [tilespmem:s17], [sflag:$0x2], $0x80, s0, s16, $0xb8;
	[tilespmem:$0x1E000] =	vst v63  }
0x165: {  	s25 =	sor.u32 $0x80, s24  }
0x166: {  	[tilespmem:s19], [sflag:$0x1] =	stream.indirect.gather [hbm4b:s5+s16], $0x80, s25, s16, $0xb8;
	[tilespmem:$0x1E000] =	vst v63  }
0x167: {  	_ =	swait.ge [sflag:s20], $0x4000  }
0x168: {  	[sflag:s20] =	ssyncset.done $0x0  }
0x169: {  	[sflag:s20] =	ssyncadd.s32 $0xFFFFC000  }
0x16a: {  	_ =	swait.ge [sflag:s18], $0x4000  }
0x16b: {  	[sflag:s18] =	ssyncset.done $0x0  }
0x16c: {  	s26 =	sor.u32 $0x1080, s24;
	[sflag:s18] =	ssyncadd.s32 $0xFFFFC000  }
0x16d: {  	[spmem:s3] =	stream.indirect.scatter.add.f32 [tilespmem:s19], [sflag:$0x2], $0x80, s26, s16, $0xb8;
	[tilespmem:$0x1E000] =	vst v63  }
0x16e: {  	s28 =	sor.u32 $0x100, s24  }
0x16f: {  	[tilespmem:s17], [sflag:$0x1] =	stream.indirect.gather [hbm4b:s5+s16], $0x80, s28, s16, $0xb8;
	[tilespmem:$0x1E000] =	vst v63  }
0x170: {  	_ =	swait.ge [sflag:s20], $0x4000  }
0x171: {  	[sflag:s20] =	ssyncset.done $0x0  }
0x172: {  	[sflag:s20] =	ssyncadd.s32 $0xFFFFC000  }
0x173: {  	_ =	swait.ge [sflag:s18], $0x4000  }
0x174: {  	[sflag:s18] =	ssyncset.done $0x0  }
0x175: {  	s29 =	sor.u32 $0x1100, s24;
	[sflag:s18] =	ssyncadd.s32 $0xFFFFC000  }
0x176: {  	[spmem:s3] =	stream.indirect.scatter.add.f32 [tilespmem:s17], [sflag:$0x2], $0x80, s29, s16, $0xb8;
	[tilespmem:$0x1E000] =	vst v63  }
0x177: {  	s30 =	sor.u32 $0x180, s24  }
0x178: {  	[tilespmem:s19], [sflag:$0x1] =	stream.indirect.gather [hbm4b:s5+s16], $0x80, s30, s16, $0xb8;
	[tilespmem:$0x1E000] =	vst v63  }
0x179: {  	_ =	swait.ge [sflag:s20], $0x4000  }
0x17a: {  	[sflag:s20] =	ssyncset.done $0x0  }
0x17b: {  	[sflag:s20] =	ssyncadd.s32 $0xFFFFC000  }
0x17c: {  	_ =	swait.ge [sflag:s18], $0x4000  }
0x17d: {  	[sflag:s18] =	ssyncset.done $0x0  }
0x17e: {  	s31 =	sor.u32 $0x1180, s24;
	[sflag:s18] =	ssyncadd.s32 $0xFFFFC000  }
0x17f: {  	[spmem:s3] =	stream.indirect.scatter.add.f32 [tilespmem:s19], [sflag:$0x2], $0x80, s31, s16, $0xb8;
	[tilespmem:$0x1E000] =	vst v63  }
0x180: {  	s25 =	sor.u32 $0x200, s24  }
0x181: {  	[tilespmem:s17], [sflag:$0x1] =	stream.indirect.gather [hbm4b:s5+s16], $0x80, s25, s16, $0xb8;
	[tilespmem:$0x1E000] =	vst v63  }
0x182: {  	_ =	swait.ge [sflag:s20], $0x4000  }
0x183: {  	[sflag:s20] =	ssyncset.done $0x0  }
0x184: {  	[sflag:s20] =	ssyncadd.s32 $0xFFFFC000  }
0x185: {  	_ =	swait.ge [sflag:s18], $0x4000  }
0x186: {  	[sflag:s18] =	ssyncset.done $0x0  }
0x187: {  	s26 =	sor.u32 $0x1200, s24;
	[sflag:s18] =	ssyncadd.s32 $0xFFFFC000  }
0x188: {  	[spmem:s3] =	stream.indirect.scatter.add.f32 [tilespmem:s17], [sflag:$0x2], $0x80, s26, s16, $0xb8;
	[tilespmem:$0x1E000] =	vst v63  }
0x189: {  	s28 =	sor.u32 $0x280, s24  }
0x18a: {  	[tilespmem:s19], [sflag:$0x1] =	stream.indirect.gather [hbm4b:s5+s16], $0x80, s28, s16, $0xb8;
	[tilespmem:$0x1E000] =	vst v63  }
0x18b: {  	_ =	swait.ge [sflag:s20], $0x4000  }
0x18c: {  	[sflag:s20] =	ssyncset.done $0x0  }
0x18d: {  	[sflag:s20] =	ssyncadd.s32 $0xFFFFC000  }
0x18e: {  	_ =	swait.ge [sflag:s18], $0x4000  }
0x18f: {  	[sflag:s18] =	ssyncset.done $0x0  }
0x190: {  	s29 =	sor.u32 $0x1280, s24;
	[sflag:s18] =	ssyncadd.s32 $0xFFFFC000  }
0x191: {  	[spmem:s3] =	stream.indirect.scatter.add.f32 [tilespmem:s19], [sflag:$0x2], $0x80, s29, s16, $0xb8;
	[tilespmem:$0x1E000] =	vst v63  }
0x192: {  	s30 =	sor.u32 $0x300, s24  }
0x193: {  	[tilespmem:s17], [sflag:$0x1] =	stream.indirect.gather [hbm4b:s5+s16], $0x80, s30, s16, $0xb8;
	[tilespmem:$0x1E000] =	vst v63  }
0x194: {  	_ =	swait.ge [sflag:s20], $0x4000  }
0x195: {  	[sflag:s20] =	ssyncset.done $0x0  }
0x196: {  	[sflag:s20] =	ssyncadd.s32 $0xFFFFC000  }
0x197: {  	_ =	swait.ge [sflag:s18], $0x4000  }
0x198: {  	[sflag:s18] =	ssyncset.done $0x0  }
0x199: {  	s31 =	sor.u32 $0x1300, s24;
	[sflag:s18] =	ssyncadd.s32 $0xFFFFC000  }
0x19a: {  	[spmem:s3] =	stream.indirect.scatter.add.f32 [tilespmem:s17], [sflag:$0x2], $0x80, s31, s16, $0xb8;
	[tilespmem:$0x1E000] =	vst v63  }
0x19b: {  	s25 =	sor.u32 $0x380, s24  }
0x19c: {  	[tilespmem:s19], [sflag:$0x1] =	stream.indirect.gather [hbm4b:s5+s16], $0x80, s25, s16, $0xb8;
	[tilespmem:$0x1E000] =	vst v63  }
0x19d: {  	_ =	swait.ge [sflag:s20], $0x4000  }
0x19e: {  	[sflag:s20] =	ssyncset.done $0x0  }
0x19f: {  	[sflag:s20] =	ssyncadd.s32 $0xFFFFC000  }
0x1a0: {  	_ =	swait.ge [sflag:s18], $0x4000  }
0x1a1: {  	[sflag:s18] =	ssyncset.done $0x0  }
0x1a2: {  	s26 =	sor.u32 $0x1380, s24;
	[sflag:s18] =	ssyncadd.s32 $0xFFFFC000  }
0x1a3: {  	[spmem:s3] =	stream.indirect.scatter.add.f32 [tilespmem:s19], [sflag:$0x2], $0x80, s26, s16, $0xb8;
	[tilespmem:$0x1E000] =	vst v63  }
0x1a4: {  	s28 =	sor.u32 $0x400, s24  }
0x1a5: {  	[tilespmem:s17], [sflag:$0x1] =	stream.indirect.gather [hbm4b:s5+s16], $0x80, s28, s16, $0xb8;
	[tilespmem:$0x1E000] =	vst v63  }
0x1a6: {  	_ =	swait.ge [sflag:s20], $0x4000  }
0x1a7: {  	[sflag:s20] =	ssyncset.done $0x0  }
0x1a8: {  	[sflag:s20] =	ssyncadd.s32 $0xFFFFC000  }
0x1a9: {  	_ =	swait.ge [sflag:s18], $0x4000  }
0x1aa: {  	[sflag:s18] =	ssyncset.done $0x0  }
0x1ab: {  	s29 =	sor.u32 $0x1400, s24;
	[sflag:s18] =	ssyncadd.s32 $0xFFFFC000  }
0x1ac: {  	[spmem:s3] =	stream.indirect.scatter.add.f32 [tilespmem:s17], [sflag:$0x2], $0x80, s29, s16, $0xb8;
	[tilespmem:$0x1E000] =	vst v63  }
0x1ad: {  	s30 =	sor.u32 $0x480, s24  }
0x1ae: {  	[tilespmem:s19], [sflag:$0x1] =	stream.indirect.gather [hbm4b:s5+s16], $0x80, s30, s16, $0xb8;
	[tilespmem:$0x1E000] =	vst v63  }
0x1af: {  	_ =	swait.ge [sflag:s20], $0x4000  }
0x1b0: {  	[sflag:s20] =	ssyncset.done $0x0  }
0x1b1: {  	[sflag:s20] =	ssyncadd.s32 $0xFFFFC000  }
0x1b2: {  	_ =	swait.ge [sflag:s18], $0x4000  }
0x1b3: {  	[sflag:s18] =	ssyncset.done $0x0  }
0x1b4: {  	s31 =	sor.u32 $0x1480, s24;
	[sflag:s18] =	ssyncadd.s32 $0xFFFFC000  }
0x1b5: {  	[spmem:s3] =	stream.indirect.scatter.add.f32 [tilespmem:s19], [sflag:$0x2], $0x80, s31, s16, $0xb8;
	[tilespmem:$0x1E000] =	vst v63  }
0x1b6: {  	s25 =	sor.u32 $0x500, s24  }
0x1b7: {  	[tilespmem:s17], [sflag:$0x1] =	stream.indirect.gather [hbm4b:s5+s16], $0x80, s25, s16, $0xb8;
	[tilespmem:$0x1E000] =	vst v63  }
0x1b8: {  	_ =	swait.ge [sflag:s20], $0x4000  }
0x1b9: {  	[sflag:s20] =	ssyncset.done $0x0  }
0x1ba: {  	[sflag:s20] =	ssyncadd.s32 $0xFFFFC000  }
0x1bb: {  	_ =	swait.ge [sflag:s18], $0x4000  }
0x1bc: {  	[sflag:s18] =	ssyncset.done $0x0  }
0x1bd: {  	s26 =	sor.u32 $0x1500, s24;
	[sflag:s18] =	ssyncadd.s32 $0xFFFFC000  }
0x1be: {  	[spmem:s3] =	stream.indirect.scatter.add.f32 [tilespmem:s17], [sflag:$0x2], $0x80, s26, s16, $0xb8;
	[tilespmem:$0x1E000] =	vst v63  }
0x1bf: {  	s28 =	sor.u32 $0x580, s24  }
0x1c0: {  	[tilespmem:s19], [sflag:$0x1] =	stream.indirect.gather [hbm4b:s5+s16], $0x80, s28, s16, $0xb8;
	[tilespmem:$0x1E000] =	vst v63  }
0x1c1: {  	_ =	swait.ge [sflag:s20], $0x4000  }
0x1c2: {  	[sflag:s20] =	ssyncset.done $0x0  }
0x1c3: {  	[sflag:s20] =	ssyncadd.s32 $0xFFFFC000  }
0x1c4: {  	_ =	swait.ge [sflag:s18], $0x4000  }
0x1c5: {  	[sflag:s18] =	ssyncset.done $0x0  }
0x1c6: {  	s29 =	sor.u32 $0x1580, s24;
	[sflag:s18] =	ssyncadd.s32 $0xFFFFC000  }
0x1c7: {  	[spmem:s3] =	stream.indirect.scatter.add.f32 [tilespmem:s19], [sflag:$0x2], $0x80, s29, s16, $0xb8;
	[tilespmem:$0x1E000] =	vst v63  }
0x1c8: {  	s30 =	sor.u32 $0x600, s24  }
0x1c9: {  	[tilespmem:s17], [sflag:$0x1] =	stream.indirect.gather [hbm4b:s5+s16], $0x80, s30, s16, $0xb8;
	[tilespmem:$0x1E000] =	vst v63  }
0x1ca: {  	_ =	swait.ge [sflag:s20], $0x4000  }
0x1cb: {  	[sflag:s20] =	ssyncset.done $0x0  }
0x1cc: {  	[sflag:s20] =	ssyncadd.s32 $0xFFFFC000  }
0x1cd: {  	_ =	swait.ge [sflag:s18], $0x4000  }
0x1ce: {  	[sflag:s18] =	ssyncset.done $0x0  }
0x1cf: {  	s31 =	sor.u32 $0x1600, s24;
	[sflag:s18] =	ssyncadd.s32 $0xFFFFC000  }
0x1d0: {  	[spmem:s3] =	stream.indirect.scatter.add.f32 [tilespmem:s17], [sflag:$0x2], $0x80, s31, s16, $0xb8;
	[tilespmem:$0x1E000] =	vst v63  }
0x1d1: {  	s25 =	sor.u32 $0x680, s24  }
0x1d2: {  	[tilespmem:s19], [sflag:$0x1] =	stream.indirect.gather [hbm4b:s5+s16], $0x80, s25, s16, $0xb8;
	[tilespmem:$0x1E000] =	vst v63  }
0x1d3: {  	_ =	swait.ge [sflag:s20], $0x4000  }
0x1d4: {  	[sflag:s20] =	ssyncset.done $0x0  }
0x1d5: {  	[sflag:s20] =	ssyncadd.s32 $0xFFFFC000  }
0x1d6: {  	_ =	swait.ge [sflag:s18], $0x4000  }
0x1d7: {  	[sflag:s18] =	ssyncset.done $0x0  }
0x1d8: {  	s26 =	sor.u32 $0x1680, s24;
	[sflag:s18] =	ssyncadd.s32 $0xFFFFC000  }
0x1d9: {  	[spmem:s3] =	stream.indirect.scatter.add.f32 [tilespmem:s19], [sflag:$0x2], $0x80, s26, s16, $0xb8;
	[tilespmem:$0x1E000] =	vst v63  }
0x1da: {  	s28 =	sor.u32 $0x700, s24  }
0x1db: {  	[tilespmem:s17], [sflag:$0x1] =	stream.indirect.gather [hbm4b:s5+s16], $0x80, s28, s16, $0xb8;
	[tilespmem:$0x1E000] =	vst v63  }
0x1dc: {  	_ =	swait.ge [sflag:s20], $0x4000  }
0x1dd: {  	[sflag:s20] =	ssyncset.done $0x0  }
0x1de: {  	[sflag:s20] =	ssyncadd.s32 $0xFFFFC000  }
0x1df: {  	_ =	swait.ge [sflag:s18], $0x4000  }
0x1e0: {  	[sflag:s18] =	ssyncset.done $0x0  }
0x1e1: {  	s29 =	sor.u32 $0x1700, s24;
	[sflag:s18] =	ssyncadd.s32 $0xFFFFC000  }
0x1e2: {  	[spmem:s3] =	stream.indirect.scatter.add.f32 [tilespmem:s17], [sflag:$0x2], $0x80, s29, s16, $0xb8;
	[tilespmem:$0x1E000] =	vst v63  }
0x1e3: {  	s30 =	sor.u32 $0x780, s24  }
0x1e4: {  	[tilespmem:s19], [sflag:$0x1] =	stream.indirect.gather [hbm4b:s5+s16], $0x80, s30, s16, $0xb8;
	[tilespmem:$0x1E000] =	vst v63  }
0x1e5: {  	_ =	swait.ge [sflag:s20], $0x4000  }
0x1e6: {  	[sflag:s20] =	ssyncset.done $0x0  }
0x1e7: {  	[sflag:s20] =	ssyncadd.s32 $0xFFFFC000  }
0x1e8: {  	p0 =	sgt.u32 s22, $0x3;
	_ =	swait.ge [sflag:s18], $0x4000  }
0x1e9: {  	s22 =	sxor.u32 @!p0 $0xFFFFFFFF, s23;
	[sflag:s18] =	ssyncset.done $0x0  }
0x1ea: {  	s0 =	sand.u32 @!p0 $0x2000, s22;
	s31 =	sor.u32 $0x1780, s24;
	[sflag:s18] =	ssyncadd.s32 $0xFFFFC000  }
0x1eb: {  	[spmem:s3] =	stream.indirect.scatter.add.f32 [tilespmem:s19], [sflag:$0x2], $0x80, s31, s16, $0xb8;
	[tilespmem:$0x1E000] =	vst v63  }
0x1ec: {  	s23 =	simm.s32 @!p0 $0x2000;
	s22 =	simm.s32 @!p0 $0x80;
	s0 =	sshrl.u32 @!p0 s0, $0x2  }
0x1ed: {  	[tilespmem:s23], [sflag:$0x1] =	stream.indirect.gather @!p0 [hbm4b:s5+s22], $0x80, s0, s22, $0xb8;
	[tilespmem:$0x1E000] =	vst v63  }
0x1ee: {  	_ =	swait.ge [sflag:s20], $0x4000  }
0x1ef: {  	s21 =	sadd.s32 $0x1, s21;
	[sflag:s20] =	ssyncset.done $0x0  }
0x1f0: {  	p0 =	sne.s32 s21, s12;
	[sflag:s20] =	ssyncadd.s32 $0xFFFFC000  }
.Ltmp1:
0x1f1: {  	[bflag:$0x0] =	sbarrier.arrive $0xFFFF;
	(pc) =	sbr.rel @p0 .LBB2_1-.Ltmp1, $4  }
0x1f2: {  	[hbm:s11], [sflag:s8] =	dma.local [spmem:s13], $0x2800  }
0x1f3: {  	_ =	swait.ge [sflag:s14], $0x2800  }
0x1f4: {  	[sflag:s14] =	ssyncset.done $0x0  }
0x1f5: {  	[sflag:s14] =	ssyncadd.s32 $0xFFFFD800  }
0x1f6: {  	_ =	sfence.sel $0x180000  }
0x1f7: {  	[bflag:$0x0] =	sbarrier.arrive $0xFFFF  }
0x1f8: {  	_ =	strace $0x9000004D  }
0x1f9: {  	[bflag:$0x2] =	sbarrier.arrive $0xFFFF  }
0x1fa: {  	p0 =	sne.s32 s1, $0x0;
	s0 =	rddreg [dreg:$0x3]  }
0x1fb: {  	s0 =	sadd.s32 @!p0 $0x100000, s0  }
0x1fc: {  	[sflag:s0] =	ssyncadd.tile.s32 @!p0 $0x1;
	_ =	shalt  }
.Lfunc_end2:
_tile_overlayer_lowered:
.L_overlay_start_2:
0x1fd: {  	(tag) =	ssettag $0x2  }
0x1fe: {  	s0 =	rddreg [dreg:$0x0];
	s2 =	stileid.u32  }
0x1ff: {  	s1 =	rddreg [dreg:$0x1];
	p0 =	sne.s32 s2, $0x0  }
0x200: {  	s3 =	rddreg [dreg:$0x2];
	[bflag:$0x3] =	sbarrier.arrive $0xFFFF;
	s2 =	simm.s32 @!p0 $0x1C03  }
0x201: {  	[timem:s3], [sflag:s2] =	dma.local @!p0 [hbm:s0], s1  }
0x202: {  	s0 =	simm.s32 @!p0 $0x3  }
0x203: {  	_ =	swait.ge @!p0 [sflag:s0], s1  }
0x204: {  	s1 =	ssub.s32 @!p0 $0x0, s1;
	[sflag:s0] =	ssyncset.done @!p0 $0x0  }
0x205: {  	[sflag:s0] =	ssyncadd.s32 @!p0 s1  }
0x206: {  	[bflag:$0x3] =	sbarrier.arrive $0xFFFF  }
0x207: {  	_ =	shalt  }

// kernel: kernel.21.cloned.1.call-start
scs
__scs_entry_jumppad:
0x0: {  	(pc) =	sbr.rel $0x88, $3  }
0x1: {  	(tag) =	ssettag $0x0;
	lr =	simm.s32 $0x1  }
0x2: {  	[smem:$0x3F8D] =	sst lr;
	_ =	strace $0xD0000000  }
0x3: {  	_ = 	snop  }
0x4: {  	_ = 	snop  }
0x5: {  	_ = 	snop  }
0x6: {  	_ = 	snop  }
0x7: {  	_ = 	snop  }
__scs_overlays_trampoline_lowered:
0x8: {  	[smem:$0x3F9C] =	sst s0  }
0x9: {  	[smem:$0x3F9D] =	sst s1  }
0xa: {  	[smem:$0x3F9E] =	sst s2  }
0xb: {  	[smem:$0x3F9F] =	sst s3  }
0xc: {  	[smem:$0x3FA0] =	sst s4  }
0xd: {  	[smem:$0x3FA1] =	sst s5  }
0xe: {  	[smem:$0x3FA2] =	sst s6  }
0xf: {  	[smem:$0x3FA3] =	sst s7  }
0x10: {  	[smem:$0x3FA4] =	sst s8  }
0x11: {  	[smem:$0x3FA5] =	sst s9;
	s0 =	simm.s32 @!p0 $0x0  }
0x12: {  	s1 =	sld [smem:$0x3F8B];
	s0 =	simm.s32 @p0 $0x1  }
0x13: {  	[smem:$0x3FA6] =	sst s0;
	s0 =	simm.s32 @!p1 $0x0  }
0x14: {  	s2 =	sld [smem:$0x3F8A];
	s0 =	simm.s32 @p1 $0x1  }
0x15: {  	[smem:$0x3FA7] =	sst s0;
	s0 =	simm.s32 @!p2 $0x0  }
0x16: {  	s3 =	sld [smem:$0x3FDB];
	s0 =	simm.s32 @p2 $0x1  }
0x17: {  	s4 =	simm.s32 $0x1BF5;
	[smem:$0x3FA9] =	sst s0  }
0x18: {  	s0 =	sld [smem:$0x3F8C];
	_ =	swait.ge [sflag:s4], $0x0  }
0x19: {  	s7 =	sld [smem:$0x3F8D]  }
0x1a: {  	s8 =	sadd.s32 $0xFFFFE003, lr  }
0x1b: {  	s9 =	sadd.s32 $0xFFFFFEF7, lr;
	s5 =	simm.s32 $0xFFFFFFFF;
	p2 =	slt.u32 s8, $0xFFFFF086  }
0x1c: {  	p1 =	slt.u32 s9, $0xF7A;
	s5 =	simm.s32 @!p2 $0x0  }
0x1d: {  	s5 =	simm.s32 @p1 $0x1;
	p0 =	seq.s32 s7, s2  }
0x1e: {  	s7 =	smul.u32 @!p0 $0xF7A, s2;
	p2 =	seq.s32 @!p0 s5, $0x0  }
0x1f: {  	s9 =	smul.u32 $0xF7A, s1;
	s8 =	simm.s32 @!p0 $0x1BF5;
	p2 =	por !p2, p0  }
0x20: {  	[sflag:s8] =	ssyncset.s32 @!p0 $0xFFFFF086;
	s6 =	sadd.s32 @!p0 s3, s7;
	s7 =	simm.s32 @!p0 $0x108  }
0x21: {  	s3 =	sadd.s32 s3, s9;
	s6 =	sadd.s32 @!p0 $0x88, s6;
	s7 =	simm.s32 @p2 $0x1082  }
0x22: {  	[simem:s7], [sflag:s8] =	dma.local @!p0 [hbm:s6], $0xF7A  }
0x23: {  	s9 =	sor.u32 $0xD0000000, s2;
	s6 =	simm.s32 $0x108;
	_ =	swait.ge @!p0 [sflag:s8], $0x0  }
0x24: {  	s3 =	sadd.s32 $0x88, s3;
	s6 =	simm.s32 @!p1 $0x1082;
	[sflag:s4] =	ssyncset.s32 $0xFFFFF086  }
0x25: {  	[simem:s6], [sflag:s4] =	dma.local [hbm:s3], $0xF7A  }
0x26: {  	[smem:$0x3F8D] =	sst s1;
	(tag) =	ssettag s2;
	_ =	strace s9  }
0x27: {  	s1 =	sld [smem:$0x3F9D]  }
0x28: {  	s2 =	sld [smem:$0x3F9E]  }
0x29: {  	s4 =	sld [smem:$0x3FA0]  }
0x2a: {  	p0 =	seq.s32 s5, $0x0;
	s5 =	sld [smem:$0x3FA1]  }
0x2b: {  	s6 =	sld [smem:$0x3FA2]  }
0x2c: {  	s7 =	sld [smem:$0x3FA3]  }
0x2d: {  	s3 =	simm.s32 $0x108;
	s8 =	sld [smem:$0x3FA4]  }
0x2e: {  	s3 =	simm.s32 @!p0 $0x1082;
	s9 =	sld [smem:$0x3FA5]  }
0x2f: {  	lr =	sadd.s32 s0, s3;
	s0 =	sld [smem:$0x3F9C]  }
0x30: {  	s3 =	sld [smem:$0x3F9F]  }
0x31: {  	[smem:$0x3FA8] =	sst s10  }
0x32: {  	s10 =	sld [smem:$0x3FA6];
	_ =	sdelay $0x3  }
0x33: {  	p0 =	seq.s32 s10, $0x1;
	s10 =	sld [smem:$0x3FA8];
	_ =	sdelay $0x3  }
0x34: {  	[smem:$0x3FA8] =	sst s10  }
0x35: {  	s10 =	sld [smem:$0x3FA7];
	_ =	sdelay $0x3  }
0x36: {  	p1 =	seq.s32 s10, $0x1;
	s10 =	sld [smem:$0x3FA8];
	_ =	sdelay $0x3  }
0x37: {  	[smem:$0x3FA8] =	sst s10  }
0x38: {  	s10 =	sld [smem:$0x3FA9]  }
0x39: {  	_ = 	snop;
	(pc) =	sbr.ind lr, $3  }
0x3a: {  	_ = 	snop  }
0x3b: {  	_ = 	snop  }
0x3c: {  	p2 =	seq.s32 s10, $0x1;
	s10 =	sld [smem:$0x3FA8]  }
0x3d: {  	_ =	shalt  }
0x3e: {  	_ =	shalt  }
0x3f: {  	_ =	shalt  }
0x40: {  	_ =	shalt  }
0x41: {  	_ =	shalt  }
0x42: {  	_ =	shalt  }
0x43: {  	_ =	shalt  }
0x44: {  	_ =	shalt  }
0x45: {  	_ =	shalt  }
0x46: {  	_ =	shalt  }
0x47: {  	_ =	shalt  }
0x48: {  	_ =	shalt  }
0x49: {  	_ =	shalt  }
0x4a: {  	_ =	shalt  }
0x4b: {  	_ =	shalt  }
0x4c: {  	_ =	shalt  }
0x4d: {  	_ =	shalt  }
0x4e: {  	_ =	shalt  }
0x4f: {  	_ =	shalt  }
0x50: {  	_ =	shalt  }
0x51: {  	_ =	shalt  }
0x52: {  	_ =	shalt  }
0x53: {  	_ =	shalt  }
0x54: {  	_ =	shalt  }
0x55: {  	_ =	shalt  }
0x56: {  	_ =	shalt  }
0x57: {  	_ =	shalt  }
0x58: {  	_ =	shalt  }
0x59: {  	_ =	shalt  }
0x5a: {  	_ =	shalt  }
0x5b: {  	_ =	shalt  }
0x5c: {  	_ =	shalt  }
0x5d: {  	_ =	shalt  }
0x5e: {  	_ =	shalt  }
0x5f: {  	_ =	shalt  }
0x60: {  	_ =	shalt  }
0x61: {  	_ =	shalt  }
0x62: {  	_ =	shalt  }
0x63: {  	_ =	shalt  }
0x64: {  	_ =	shalt  }
0x65: {  	_ =	shalt  }
0x66: {  	_ =	shalt  }
0x67: {  	_ =	shalt  }
0x68: {  	_ =	shalt  }
0x69: {  	_ =	shalt  }
0x6a: {  	_ =	shalt  }
0x6b: {  	_ =	shalt  }
0x6c: {  	_ =	shalt  }
0x6d: {  	_ =	shalt  }
0x6e: {  	_ =	shalt  }
0x6f: {  	_ =	shalt  }
0x70: {  	_ =	shalt  }
0x71: {  	_ =	shalt  }
0x72: {  	_ =	shalt  }
0x73: {  	_ =	shalt  }
0x74: {  	_ =	shalt  }
0x75: {  	_ =	shalt  }
0x76: {  	_ =	shalt  }
0x77: {  	_ =	shalt  }
0x78: {  	_ =	shalt  }
0x79: {  	_ =	shalt  }
0x7a: {  	_ =	shalt  }
0x7b: {  	_ =	shalt  }
0x7c: {  	_ =	shalt  }
0x7d: {  	_ =	shalt  }
0x7e: {  	_ =	shalt  }
0x7f: {  	_ =	shalt  }
0x80: {  	_ =	shalt  }
0x81: {  	_ =	shalt  }
0x82: {  	_ =	shalt  }
0x83: {  	_ =	shalt  }
0x84: {  	_ =	shalt  }
0x85: {  	_ =	shalt  }
0x86: {  	_ =	shalt  }
0x87: {  	_ =	shalt  }
.Lfunc_end0:
.L_simem_size_0:
called_computation.3_lowered:
.L_overlay_start_0:
0x88: {  	s2 =	sld [smem:$0x3FD9]  }
0x89: {  	s3 =	sld [smem:$0x3FFE];
	_ =	sdelay $0x1  }
0x8a: {  	s1 =	srdreg.scid  }
0x8b: {  	s0 =	sand.u32 $0x1, s1  }
0x8c: {  	s14 =	sshll.u32 s0, $0xA;
	s2 =	sadd.s32 s3, s2  }
0x8d: {  	s2 =	sadd.s32 s2, s14  }
0x8e: {  	[smem:$0x3FB4] =	sst s2  }
0x8f: {  	_ = 	snop  }
0x90: {  	s2 =	sld [smem:$0x3FD0];
	_ =	sdelay $0x2  }
0x91: {  	s15 =	simm.s32 $0xA;
	s4 =	simm.s32 $0x10  }
0x92: {  	[smem:s4], [sflag:s15] =	dma.local [hbm:s2], $0x1  }
0x93: {  	_ =	swait.eq [sflag:s15], $0x1  }
0x94: {  	[sflag:s15] =	ssyncset.done $0x0  }
0x95: {  	[sflag:s15] =	ssyncadd.s32 $0xFFFFFFFF  }
0x96: {  	s16 =	sld [smem:$0x11];
	(tm) =	ssettm $0x1  }
0x97: {  	s17 =	sld [smem:$0x3FFB];
	_ =	sdelay $0x3  }
0x98: {  	_ =	strace s17  }
0x99: {  	s3 =	sld [smem:$0x3FFC];
	_ =	sdelay $0x3  }
0x9a: {  	_ =	strace s3  }
0x9b: {  	s3 =	sld [smem:$0x3FFD];
	_ =	sdelay $0x3  }
0x9c: {  	_ =	strace s3  }
0x9d: {  	_ =	strace $0x8FFFFFFF  }
0x9e: {  	s18 =	sld [smem:$0x3FDB];
	_ =	sdelay $0x1  }
0x9f: {  	s19 =	simm.s32 $_scs_section_size  }
0xa0: {  	s5 =	simm.s32 $_size__tile_overlayer_lowered;
	s6 =	simm.s32 $_tile_overlayer_lowered  }
0xa1: {  	s22 =	simm.s32 $0x1BFF;
	s21 =	sshll.u32 s6, $0x1;
	s3 =	sadd.s32 s19, s18  }
0xa2: {  	s7 =	simm.s32 $0x0;
	s20 =	sshll.u32 s5, $0x1;
	s5 =	sadd.s32 s21, s3  }
0xa3: {  	[timem:s7], [sflag:s22] =	dma.local [hbm:s5], s20  }
0xa4: {  	_ =	swait.ge [sflag:s22], s20  }
0xa5: {  	s4 =	ssub.s32 $0x0, s20;
	[sflag:s22] =	ssyncset.done $0x0  }
0xa6: {  	[sflag:s22] =	ssyncadd.s32 s4;
	_ =	sdelay $0x1  }
0xa7: {  	s23 =	simm.s32 $0x1B8B  }
0xa8: {  	_ =	swait.ge [sflag:s23], $0x1  }
0xa9: {  	[sflag:s23] =	ssyncset.done $0x0  }
0xaa: {  	s25 =	simm.s32 $0x1B8E;
	s24 =	sld [smem:$0x3FFE];
	[sflag:s23] =	ssyncadd.s32 $0xFFFFFFFF  }
0xab: {  	s26 =	simm.s32 $execute0_lowered;
	[smem:$0x3FD2] =	sst s25  }
0xac: {  	s5 =	sshll.u32 s26, $0x1;
	_ =	strace $0x8000004F;
	[dreg:$0x1] =	wrdreg $0xFFFFFFFF  }
0xad: {  	s28 =	simm.s32 $_size_execute0_lowered;
	s3 =	sadd.s32 s3, s5;
	[dreg:$0x0] =	wrdreg $0x0  }
0xae: {  	s5 =	sshll.u32 s28, $0x1;
	[dreg:$0x2] =	wrdreg s3  }
0xaf: {  	[dreg:$0x3] =	wrdreg s5  }
0xb0: {  	[dreg:$0x4] =	wrdreg $0xC0  }
0xb1: {  	_ =	task [dreg:s7], $0x5FFFF  }
0xb2: {  	[dreg:$0x1] =	wrdreg $0xFFFFFFFF  }
0xb3: {  	[dreg:$0x0] =	wrdreg $0x60  }
0xb4: {  	[dreg:$0x2] =	wrdreg s24  }
0xb5: {  	[dreg:$0x3] =	wrdreg s16  }
0xb6: {  	[dreg:$0x4] =	wrdreg $0xA0000  }
0xb7: {  	[dreg:$0x5] =	wrdreg $0x9  }
0xb8: {  	_ =	task.clear_ibuf [dreg:s7], $0x6FFFF;
	_ =	strace $0x9000004F  }
0xb9: {  	s29 =	simm.s32 $0x9;
	_ =	strace $0x80000051  }
0xba: {  	_ =	swait.ge [sflag:s29], $0x1  }
0xbb: {  	[sflag:s29] =	ssyncadd.s32 $0xFFFFFFFF  }
0xbc: {  	_ =	strace $0x90000051  }
0xbd: {  	_ =	sfence  }
0xbe: {  	s30 =	sld [smem:$0x0];
	_ =	sdelay $0x2  }
0xbf: {  	s31 =	sshll.u32 s1, $0xD;
	s1 =	sshrl.u32 s1, $0x2  }
0xc0: {  	s3 =	sand.u32 $0x4000, s31;
	s1 =	sadd.s32 s1, s30  }
0xc1: {  	s0 =	sor.u32 s3, s0;
	s1 =	sshll.u32 s1, $0x11  }
0xc2: {  	s0 =	sor.u32 s1, s0  }
0xc3: {  	s0 =	sadd.s32 $0x8F2B, s0  }
0xc4: {  	[sflag:s0] =	ssyncadd.remote.s32 $0x1  }
0xc5: {  	_ =	sfence.sel $0xFFFF  }
0xc6: {  	[dreg:$0x0] =	wrdreg $0xFFFFFFFF;
	(pc) =	sbr.abs _section_cstart, $3  }
0xc7: {  	[dreg:$0x1] =	wrdreg $0xFFFFFFFF  }
0xc8: {  	_ =	task.clear_ibuf [dreg:s7], $0x2FFFF;
	_ =	strace $0x9FFFFFFF  }
0xc9: {  	(tm) =	ssettm $0x7FFFFFFF  }
tec
execute0_lowered:
.L_overlay_start_1:
0x0: {  	(tag) =	ssettag $0x1  }
0x1: {  	s7 =	rddreg [dreg:$0x0]  }
0x2: {  	s2 =	rddreg [dreg:$0x1]  }
0x3: {  	s3 =	rddreg [dreg:$0x2]  }
0x4: {  	s1 =	stileid.u32;
	s5 =	srdreg.scid;
	s4 =	simm.s32 $0x0  }
0x5: {  	s17 =	simm.s32 $0x2000;
	s18 =	simm.s32 $0x1;
	s19 =	simm.s32 $0x6000  }
0x6: {  	s20 =	simm.s32 $0x2;
	s21 =	simm.s32 $0x0;
	s8 =	smul.u32 $0x14000, s1  }
0x7: {  	s9 =	sand.u32 $0x1, s5;
	[smem:$0x7FF] =	sst s4;
	s13 =	smul.u32 $0x50000, s1  }
0x8: {  	s5 =	sadd.s32 $0x2CA00, s7;
	s6 =	sadd.s32 $0x7D200, s7;
	s29 =	smul.u32 $0x5000, s1  }
0x9: {  	s25 =	sshll.u32 s1, $0x1;
	s30 =	sshll.u32 s1, $0x6;
	s10 =	smul.u32 $0x140000, s9  }
0xa: {  	_ =	strace $0x80000050;
	s12 =	ssub.s32 $0x2, s9;
	s16 =	smul.u32 $0x2800, s9  }
0xb: {  	s11 =	sshrl.u32 s8, $0x3;
	s26 =	sshrl.u32 s12, $0x1;
	s28 =	sshrl.u32 s13, $0x2  }
0xc: {  	s8 =	sadd.s32 s8, s10;
	s24 =	sadd.s32 s11, s7;
	s11 =	sor.u32 s9, s25  }
0xd: {  	s12 =	ssub.s32 s12, s26;
	s15 =	sadd.s32 s28, s3;
	s13 =	sadd.s32 s16, s29  }
0xe: {  	s16 =	simm.s32 $0x80;
	s8 =	sshrl.u32 s8, $0x3;
	s11 =	smul.u32 $0x2800, s11  }
0xf: {  	s12 =	smax.u32 s12, $0x1;
	[dreg:$0x4] =	wrdreg s13;
	s13 =	sshrl.u32 s15, $0x3  }
0x10: {  	s15 =	simm.s32 $0x1000;
	s14 =	sadd.s32 s8, s7;
	s7 =	sadd.s32 $0x4A00, s24  }
0x11: {  	s8 =	sor.u32 $0x1C03, s30;
	s31 =	sshrl.u32 s11, $0x3;
	s11 =	sadd.s32 $0x87200, s14  }
0x12: {  	s14 =	simm.s32 $0x3;
	s9 =	sadd.s32 s6, s31;
	s10 =	sadd.s32 s2, s31  }
.LBB2_1:
0x13: {  	[spmem:s13], [sflag:s8] =	dma.local [hbm:s7], $0x2800  }
0x14: {  	_ =	swait.ge [sflag:s14], $0x2800  }
0x15: {  	[sflag:s14] =	ssyncset.done $0x0  }
0x16: {  	[sflag:s14] =	ssyncadd.s32 $0xFFFFD800  }
0x17: {  	[bflag:$0x0] =	sbarrier.arrive $0xFFFF  }
0x18: {  	[tilespmem:s4], [sflag:$0x3] =	stream.linear.gather [hbm4b:s9+s4], $0x800, $0x38;
	[tilespmem:$0x1E000] =	vst v63  }
0x19: {  	_ =	swait.ge [sflag:s14], $0x800  }
0x1a: {  	[sflag:s14] =	ssyncset.done $0x0  }
0x1b: {  	[sflag:s14] =	ssyncadd.s32 $0xFFFFF800  }
0x1c: {  	[tilespmem:s15], [sflag:$0x3] =	stream.linear.gather [hbm4b:s10+s4], $0x800, $0x38;
	[tilespmem:$0x1E000] =	vst v63  }
0x1d: {  	_ =	swait.ge [sflag:s14], $0x800  }
0x1e: {  	p0 =	por $0x0, $0x0;
	[sflag:s14] =	ssyncset.done $0x0;
	s22 =	rddreg [dreg:$0x4]  }
0x1f: {  	[sflag:s14] =	ssyncadd.s32 $0xFFFFF800;
	s22 =	sadd.s32 @!p0 $0x800, s22  }
0x20: {  	[tilespmem:s17], [sflag:$0x1] =	stream.indirect.gather [hbm4b:s5+s16], $0x80, s4, s16, $0xb8;
	[tilespmem:$0x1E000] =	vst v63  }
0x21: {  	s23 =	simm.s32 $0x800;
	s24 =	simm.s32 @!p0 $0x3;
	s22 =	sshrl.u32 @!p0 s22, $0x3  }
0x22: {  	s23 =	sand.u32 @!p0 $0x800, s23;
	s26 =	simm.s32 @!p0 $0x0;
	s25 =	sadd.s32 @!p0 s6, s22  }
0x23: {  	[tilespmem:s23], [sflag:$0x3] =	stream.linear.gather @!p0 [hbm4b:s25+s26], $0x800, $0x38;
	[tilespmem:$0x1E000] =	vst v63  }
0x24: {  	_ =	swait.ge @!p0 [sflag:s24], $0x800  }
0x25: {  	[sflag:s24] =	ssyncset.done @!p0 $0x0  }
0x26: {  	s22 =	sadd.s32 @!p0 s2, s22;
	s23 =	sor.u32 @!p0 $0x1000, s23;
	[sflag:s24] =	ssyncadd.s32 @!p0 $0xFFFFF800  }
0x27: {  	[tilespmem:s23], [sflag:$0x3] =	stream.linear.gather @!p0 [hbm4b:s22+s26], $0x800, $0x38;
	[tilespmem:$0x1E000] =	vst v63  }
0x28: {  	_ =	swait.ge @!p0 [sflag:s24], $0x800  }
0x29: {  	[sflag:s24] =	ssyncset.done @!p0 $0x0  }
0x2a: {  	[sflag:s24] =	ssyncadd.s32 @!p0 $0xFFFFF800  }
0x2b: {  	s24 =	simm.s32 $0x0;
	_ =	swait.ge [sflag:s18], $0x4000  }
0x2c: {  	s22 =	sand.u32 $0x800, s24;
	[sflag:s18] =	ssyncset.done $0x0  }
0x2d: {  	s25 =	sor.u32 $0x1000, s22;
	[sflag:s18] =	ssyncadd.s32 $0xFFFFC000  }
0x2e: {  	[spmem:s3] =	stream.indirect.scatter.add.f32 [tilespmem:s17], [sflag:$0x2], $0x80, s25, s16, $0xb8;
	[tilespmem:$0x1E000] =	vst v63  }
0x2f: {  	s26 =	sor.u32 $0x80, s22  }
0x30: {  	[tilespmem:s19], [sflag:$0x1] =	stream.indirect.gather [hbm4b:s5+s16], $0x80, s26, s16, $0xb8;
	[tilespmem:$0x1E000] =	vst v63  }
0x31: {  	_ =	swait.ge [sflag:s20], $0x4000  }
0x32: {  	[sflag:s20] =	ssyncset.done $0x0  }
0x33: {  	[sflag:s20] =	ssyncadd.s32 $0xFFFFC000  }
0x34: {  	_ =	swait.ge [sflag:s18], $0x4000  }
0x35: {  	[sflag:s18] =	ssyncset.done $0x0  }
0x36: {  	s28 =	sor.u32 $0x1080, s22;
	[sflag:s18] =	ssyncadd.s32 $0xFFFFC000  }
0x37: {  	[spmem:s3] =	stream.indirect.scatter.add.f32 [tilespmem:s19], [sflag:$0x2], $0x80, s28, s16, $0xb8;
	[tilespmem:$0x1E000] =	vst v63  }
0x38: {  	s29 =	sor.u32 $0x100, s22  }
0x39: {  	[tilespmem:s17], [sflag:$0x1] =	stream.indirect.gather [hbm4b:s5+s16], $0x80, s29, s16, $0xb8;
	[tilespmem:$0x1E000] =	vst v63  }
0x3a: {  	_ =	swait.ge [sflag:s20], $0x4000  }
0x3b: {  	[sflag:s20] =	ssyncset.done $0x0  }
0x3c: {  	[sflag:s20] =	ssyncadd.s32 $0xFFFFC000  }
0x3d: {  	_ =	swait.ge [sflag:s18], $0x4000  }
0x3e: {  	[sflag:s18] =	ssyncset.done $0x0  }
0x3f: {  	s30 =	sor.u32 $0x1100, s22;
	[sflag:s18] =	ssyncadd.s32 $0xFFFFC000  }
0x40: {  	[spmem:s3] =	stream.indirect.scatter.add.f32 [tilespmem:s17], [sflag:$0x2], $0x80, s30, s16, $0xb8;
	[tilespmem:$0x1E000] =	vst v63  }
0x41: {  	s31 =	sor.u32 $0x180, s22  }
0x42: {  	[tilespmem:s19], [sflag:$0x1] =	stream.indirect.gather [hbm4b:s5+s16], $0x80, s31, s16, $0xb8;
	[tilespmem:$0x1E000] =	vst v63  }
0x43: {  	_ =	swait.ge [sflag:s20], $0x4000  }
0x44: {  	[sflag:s20] =	ssyncset.done $0x0  }
0x45: {  	[sflag:s20] =	ssyncadd.s32 $0xFFFFC000  }
0x46: {  	_ =	swait.ge [sflag:s18], $0x4000  }
0x47: {  	[sflag:s18] =	ssyncset.done $0x0  }
0x48: {  	s0 =	sor.u32 $0x1180, s22;
	[sflag:s18] =	ssyncadd.s32 $0xFFFFC000  }
0x49: {  	[spmem:s3] =	stream.indirect.scatter.add.f32 [tilespmem:s19], [sflag:$0x2], $0x80, s0, s16, $0xb8;
	[tilespmem:$0x1E000] =	vst v63  }
0x4a: {  	s24 =	sor.u32 $0x200, s22  }
0x4b: {  	[tilespmem:s17], [sflag:$0x1] =	stream.indirect.gather [hbm4b:s5+s16], $0x80, s24, s16, $0xb8;
	[tilespmem:$0x1E000] =	vst v63  }
0x4c: {  	_ =	swait.ge [sflag:s20], $0x4000  }
0x4d: {  	[sflag:s20] =	ssyncset.done $0x0  }
0x4e: {  	[sflag:s20] =	ssyncadd.s32 $0xFFFFC000  }
0x4f: {  	_ =	swait.ge [sflag:s18], $0x4000  }
0x50: {  	[sflag:s18] =	ssyncset.done $0x0  }
0x51: {  	s25 =	sor.u32 $0x1200, s22;
	[sflag:s18] =	ssyncadd.s32 $0xFFFFC000  }
0x52: {  	[spmem:s3] =	stream.indirect.scatter.add.f32 [tilespmem:s17], [sflag:$0x2], $0x80, s25, s16, $0xb8;
	[tilespmem:$0x1E000] =	vst v63  }
0x53: {  	s26 =	sor.u32 $0x280, s22  }
0x54: {  	[tilespmem:s19], [sflag:$0x1] =	stream.indirect.gather [hbm4b:s5+s16], $0x80, s26, s16, $0xb8;
	[tilespmem:$0x1E000] =	vst v63  }
0x55: {  	_ =	swait.ge [sflag:s20], $0x4000  }
0x56: {  	[sflag:s20] =	ssyncset.done $0x0  }
0x57: {  	[sflag:s20] =	ssyncadd.s32 $0xFFFFC000  }
0x58: {  	_ =	swait.ge [sflag:s18], $0x4000  }
0x59: {  	[sflag:s18] =	ssyncset.done $0x0  }
0x5a: {  	s28 =	sor.u32 $0x1280, s22;
	[sflag:s18] =	ssyncadd.s32 $0xFFFFC000  }
0x5b: {  	[spmem:s3] =	stream.indirect.scatter.add.f32 [tilespmem:s19], [sflag:$0x2], $0x80, s28, s16, $0xb8;
	[tilespmem:$0x1E000] =	vst v63  }
0x5c: {  	s29 =	sor.u32 $0x300, s22  }
0x5d: {  	[tilespmem:s17], [sflag:$0x1] =	stream.indirect.gather [hbm4b:s5+s16], $0x80, s29, s16, $0xb8;
	[tilespmem:$0x1E000] =	vst v63  }
0x5e: {  	_ =	swait.ge [sflag:s20], $0x4000  }
0x5f: {  	[sflag:s20] =	ssyncset.done $0x0  }
0x60: {  	[sflag:s20] =	ssyncadd.s32 $0xFFFFC000  }
0x61: {  	_ =	swait.ge [sflag:s18], $0x4000  }
0x62: {  	[sflag:s18] =	ssyncset.done $0x0  }
0x63: {  	s30 =	sor.u32 $0x1300, s22;
	[sflag:s18] =	ssyncadd.s32 $0xFFFFC000  }
0x64: {  	[spmem:s3] =	stream.indirect.scatter.add.f32 [tilespmem:s17], [sflag:$0x2], $0x80, s30, s16, $0xb8;
	[tilespmem:$0x1E000] =	vst v63  }
0x65: {  	s31 =	sor.u32 $0x380, s22  }
0x66: {  	[tilespmem:s19], [sflag:$0x1] =	stream.indirect.gather [hbm4b:s5+s16], $0x80, s31, s16, $0xb8;
	[tilespmem:$0x1E000] =	vst v63  }
0x67: {  	_ =	swait.ge [sflag:s20], $0x4000  }
0x68: {  	[sflag:s20] =	ssyncset.done $0x0  }
0x69: {  	[sflag:s20] =	ssyncadd.s32 $0xFFFFC000  }
0x6a: {  	_ =	swait.ge [sflag:s18], $0x4000  }
0x6b: {  	[sflag:s18] =	ssyncset.done $0x0  }
0x6c: {  	s0 =	sor.u32 $0x1380, s22;
	[sflag:s18] =	ssyncadd.s32 $0xFFFFC000  }
0x6d: {  	[spmem:s3] =	stream.indirect.scatter.add.f32 [tilespmem:s19], [sflag:$0x2], $0x80, s0, s16, $0xb8;
	[tilespmem:$0x1E000] =	vst v63  }
0x6e: {  	s24 =	sor.u32 $0x400, s22  }
0x6f: {  	[tilespmem:s17], [sflag:$0x1] =	stream.indirect.gather [hbm4b:s5+s16], $0x80, s24, s16, $0xb8;
	[tilespmem:$0x1E000] =	vst v63  }
0x70: {  	_ =	swait.ge [sflag:s20], $0x4000  }
0x71: {  	[sflag:s20] =	ssyncset.done $0x0  }
0x72: {  	[sflag:s20] =	ssyncadd.s32 $0xFFFFC000  }
0x73: {  	_ =	swait.ge [sflag:s18], $0x4000  }
0x74: {  	[sflag:s18] =	ssyncset.done $0x0  }
0x75: {  	s25 =	sor.u32 $0x1400, s22;
	[sflag:s18] =	ssyncadd.s32 $0xFFFFC000  }
0x76: {  	[spmem:s3] =	stream.indirect.scatter.add.f32 [tilespmem:s17], [sflag:$0x2], $0x80, s25, s16, $0xb8;
	[tilespmem:$0x1E000] =	vst v63  }
0x77: {  	s26 =	sor.u32 $0x480, s22  }
0x78: {  	[tilespmem:s19], [sflag:$0x1] =	stream.indirect.gather [hbm4b:s5+s16], $0x80, s26, s16, $0xb8;
	[tilespmem:$0x1E000] =	vst v63  }
0x79: {  	_ =	swait.ge [sflag:s20], $0x4000  }
0x7a: {  	[sflag:s20] =	ssyncset.done $0x0  }
0x7b: {  	[sflag:s20] =	ssyncadd.s32 $0xFFFFC000  }
0x7c: {  	_ =	swait.ge [sflag:s18], $0x4000  }
0x7d: {  	[sflag:s18] =	ssyncset.done $0x0  }
0x7e: {  	s28 =	sor.u32 $0x1480, s22;
	[sflag:s18] =	ssyncadd.s32 $0xFFFFC000  }
0x7f: {  	[spmem:s3] =	stream.indirect.scatter.add.f32 [tilespmem:s19], [sflag:$0x2], $0x80, s28, s16, $0xb8;
	[tilespmem:$0x1E000] =	vst v63  }
0x80: {  	s29 =	sor.u32 $0x500, s22  }
0x81: {  	[tilespmem:s17], [sflag:$0x1] =	stream.indirect.gather [hbm4b:s5+s16], $0x80, s29, s16, $0xb8;
	[tilespmem:$0x1E000] =	vst v63  }
0x82: {  	_ =	swait.ge [sflag:s20], $0x4000  }
0x83: {  	[sflag:s20] =	ssyncset.done $0x0  }
0x84: {  	[sflag:s20] =	ssyncadd.s32 $0xFFFFC000  }
0x85: {  	_ =	swait.ge [sflag:s18], $0x4000  }
0x86: {  	[sflag:s18] =	ssyncset.done $0x0  }
0x87: {  	s30 =	sor.u32 $0x1500, s22;
	[sflag:s18] =	ssyncadd.s32 $0xFFFFC000  }
0x88: {  	[spmem:s3] =	stream.indirect.scatter.add.f32 [tilespmem:s17], [sflag:$0x2], $0x80, s30, s16, $0xb8;
	[tilespmem:$0x1E000] =	vst v63  }
0x89: {  	s31 =	sor.u32 $0x580, s22  }
0x8a: {  	[tilespmem:s19], [sflag:$0x1] =	stream.indirect.gather [hbm4b:s5+s16], $0x80, s31, s16, $0xb8;
	[tilespmem:$0x1E000] =	vst v63  }
0x8b: {  	_ =	swait.ge [sflag:s20], $0x4000  }
0x8c: {  	[sflag:s20] =	ssyncset.done $0x0  }
0x8d: {  	[sflag:s20] =	ssyncadd.s32 $0xFFFFC000  }
0x8e: {  	_ =	swait.ge [sflag:s18], $0x4000  }
0x8f: {  	[sflag:s18] =	ssyncset.done $0x0  }
0x90: {  	s0 =	sor.u32 $0x1580, s22;
	[sflag:s18] =	ssyncadd.s32 $0xFFFFC000  }
0x91: {  	[spmem:s3] =	stream.indirect.scatter.add.f32 [tilespmem:s19], [sflag:$0x2], $0x80, s0, s16, $0xb8;
	[tilespmem:$0x1E000] =	vst v63  }
0x92: {  	s24 =	sor.u32 $0x600, s22  }
0x93: {  	[tilespmem:s17], [sflag:$0x1] =	stream.indirect.gather [hbm4b:s5+s16], $0x80, s24, s16, $0xb8;
	[tilespmem:$0x1E000] =	vst v63  }
0x94: {  	_ =	swait.ge [sflag:s20], $0x4000  }
0x95: {  	[sflag:s20] =	ssyncset.done $0x0  }
0x96: {  	[sflag:s20] =	ssyncadd.s32 $0xFFFFC000  }
0x97: {  	_ =	swait.ge [sflag:s18], $0x4000  }
0x98: {  	[sflag:s18] =	ssyncset.done $0x0  }
0x99: {  	s25 =	sor.u32 $0x1600, s22;
	[sflag:s18] =	ssyncadd.s32 $0xFFFFC000  }
0x9a: {  	[spmem:s3] =	stream.indirect.scatter.add.f32 [tilespmem:s17], [sflag:$0x2], $0x80, s25, s16, $0xb8;
	[tilespmem:$0x1E000] =	vst v63  }
0x9b: {  	s26 =	sor.u32 $0x680, s22  }
0x9c: {  	[tilespmem:s19], [sflag:$0x1] =	stream.indirect.gather [hbm4b:s5+s16], $0x80, s26, s16, $0xb8;
	[tilespmem:$0x1E000] =	vst v63  }
0x9d: {  	_ =	swait.ge [sflag:s20], $0x4000  }
0x9e: {  	[sflag:s20] =	ssyncset.done $0x0  }
0x9f: {  	[sflag:s20] =	ssyncadd.s32 $0xFFFFC000  }
0xa0: {  	_ =	swait.ge [sflag:s18], $0x4000  }
0xa1: {  	[sflag:s18] =	ssyncset.done $0x0  }
0xa2: {  	s28 =	sor.u32 $0x1680, s22;
	[sflag:s18] =	ssyncadd.s32 $0xFFFFC000  }
0xa3: {  	[spmem:s3] =	stream.indirect.scatter.add.f32 [tilespmem:s19], [sflag:$0x2], $0x80, s28, s16, $0xb8;
	[tilespmem:$0x1E000] =	vst v63  }
0xa4: {  	s29 =	sor.u32 $0x700, s22  }
0xa5: {  	[tilespmem:s17], [sflag:$0x1] =	stream.indirect.gather [hbm4b:s5+s16], $0x80, s29, s16, $0xb8;
	[tilespmem:$0x1E000] =	vst v63  }
0xa6: {  	_ =	swait.ge [sflag:s20], $0x4000  }
0xa7: {  	[sflag:s20] =	ssyncset.done $0x0  }
0xa8: {  	[sflag:s20] =	ssyncadd.s32 $0xFFFFC000  }
0xa9: {  	_ =	swait.ge [sflag:s18], $0x4000  }
0xaa: {  	[sflag:s18] =	ssyncset.done $0x0  }
0xab: {  	s30 =	sor.u32 $0x1700, s22;
	[sflag:s18] =	ssyncadd.s32 $0xFFFFC000  }
0xac: {  	[spmem:s3] =	stream.indirect.scatter.add.f32 [tilespmem:s17], [sflag:$0x2], $0x80, s30, s16, $0xb8;
	[tilespmem:$0x1E000] =	vst v63  }
0xad: {  	s31 =	sor.u32 $0x780, s22  }
0xae: {  	[tilespmem:s19], [sflag:$0x1] =	stream.indirect.gather [hbm4b:s5+s16], $0x80, s31, s16, $0xb8;
	[tilespmem:$0x1E000] =	vst v63  }
0xaf: {  	_ =	swait.ge [sflag:s20], $0x4000  }
0xb0: {  	[sflag:s20] =	ssyncset.done $0x0  }
0xb1: {  	[sflag:s20] =	ssyncadd.s32 $0xFFFFC000  }
0xb2: {  	_ =	swait.ge [sflag:s18], $0x4000  }
0xb3: {  	p0 =	por $0x0, $0x0;
	[sflag:s18] =	ssyncset.done $0x0  }
0xb4: {  	s23 =	sxor.u32 @!p0 $0xFFFFFFFF, s4;
	s22 =	sor.u32 $0x1780, s22;
	[sflag:s18] =	ssyncadd.s32 $0xFFFFC000  }
0xb5: {  	[spmem:s3] =	stream.indirect.scatter.add.f32 [tilespmem:s19], [sflag:$0x2], $0x80, s22, s16, $0xb8;
	[tilespmem:$0x1E000] =	vst v63  }
0xb6: {  	s22 =	sand.u32 @!p0 $0x2000, s23  }
0xb7: {  	s24 =	simm.s32 @!p0 $0x2000;
	s23 =	simm.s32 @!p0 $0x80;
	s22 =	sshrl.u32 @!p0 s22, $0x2  }
0xb8: {  	[tilespmem:s24], [sflag:$0x1] =	stream.indirect.gather @!p0 [hbm4b:s5+s23], $0x80, s22, s23, $0xb8;
	[tilespmem:$0x1E000] =	vst v63  }
0xb9: {  	s25 =	simm.s32 $0x4000;
	s23 =	simm.s32 $0x2000  }
0xba: {  	s24 =	simm.s32 $0x1000;
	s22 =	simm.s32 $0x1;
	_ =	swait.ge [sflag:s20], $0x4000  }
.LBB2_2:
0xbb: {  	s28 =	rddreg [dreg:$0x4];
	p1 =	seq.s32 s23, $0x8000  }
0xbc: {  	[sflag:s20] =	ssyncset.done $0x0;
	s28 =	sadd.s32 @!p1 s24, s28  }
0xbd: {  	[sflag:s20] =	ssyncadd.s32 $0xFFFFC000;
	s29 =	simm.s32 @!p1 $0x3;
	s28 =	sshrl.u32 @!p1 s28, $0x3  }
0xbe: {  	s30 =	sand.u32 @!p1 $0x800, s24;
	s0 =	simm.s32 @!p1 $0x0;
	s31 =	sadd.s32 @!p1 s6, s28  }
0xbf: {  	[tilespmem:s30], [sflag:$0x3] =	stream.linear.gather @!p1 [hbm4b:s31+s0], $0x800, $0x38;
	[tilespmem:$0x1E000] =	vst v63  }
0xc0: {  	_ =	swait.ge @!p1 [sflag:s29], $0x800  }
0xc1: {  	[sflag:s29] =	ssyncset.done @!p1 $0x0  }
0xc2: {  	s28 =	sadd.s32 @!p1 s2, s28;
	s30 =	sor.u32 @!p1 $0x1000, s30;
	[sflag:s29] =	ssyncadd.s32 @!p1 $0xFFFFF800  }
0xc3: {  	[tilespmem:s30], [sflag:$0x3] =	stream.linear.gather @!p1 [hbm4b:s28+s0], $0x800, $0x38;
	[tilespmem:$0x1E000] =	vst v63  }
0xc4: {  	_ =	swait.ge @!p1 [sflag:s29], $0x800  }
0xc5: {  	[sflag:s29] =	ssyncset.done @!p1 $0x0  }
0xc6: {  	[sflag:s29] =	ssyncadd.s32 @!p1 $0xFFFFF800  }
0xc7: {  	s28 =	sshrl.u32 s23, $0x2;
	_ =	swait.ge [sflag:s18], $0x4000  }
0xc8: {  	s28 =	sand.u32 $0x800, s28;
	[sflag:s18] =	ssyncset.done $0x0  }
0xc9: {  	s0 =	sor.u32 $0x1000, s28;
	[sflag:s18] =	ssyncadd.s32 $0xFFFFC000  }
0xca: {  	[spmem:s3] =	stream.indirect.scatter.add.f32 [tilespmem:s17], [sflag:$0x2], $0x80, s0, s16, $0xb8;
	[tilespmem:$0x1E000] =	vst v63  }
0xcb: {  	s29 =	sor.u32 $0x80, s28  }
0xcc: {  	[tilespmem:s19], [sflag:$0x1] =	stream.indirect.gather [hbm4b:s5+s16], $0x80, s29, s16, $0xb8;
	[tilespmem:$0x1E000] =	vst v63  }
0xcd: {  	_ =	swait.ge [sflag:s20], $0x4000  }
0xce: {  	[sflag:s20] =	ssyncset.done $0x0  }
0xcf: {  	[sflag:s20] =	ssyncadd.s32 $0xFFFFC000  }
0xd0: {  	_ =	swait.ge [sflag:s18], $0x4000  }
0xd1: {  	[sflag:s18] =	ssyncset.done $0x0  }
0xd2: {  	s30 =	sor.u32 $0x1080, s28;
	[sflag:s18] =	ssyncadd.s32 $0xFFFFC000  }
0xd3: {  	[spmem:s3] =	stream.indirect.scatter.add.f32 [tilespmem:s19], [sflag:$0x2], $0x80, s30, s16, $0xb8;
	[tilespmem:$0x1E000] =	vst v63  }
0xd4: {  	s31 =	sor.u32 $0x100, s28  }
0xd5: {  	[tilespmem:s17], [sflag:$0x1] =	stream.indirect.gather [hbm4b:s5+s16], $0x80, s31, s16, $0xb8;
	[tilespmem:$0x1E000] =	vst v63  }
0xd6: {  	_ =	swait.ge [sflag:s20], $0x4000  }
0xd7: {  	[sflag:s20] =	ssyncset.done $0x0  }
0xd8: {  	[sflag:s20] =	ssyncadd.s32 $0xFFFFC000  }
0xd9: {  	_ =	swait.ge [sflag:s18], $0x4000  }
0xda: {  	[sflag:s18] =	ssyncset.done $0x0  }
0xdb: {  	s29 =	sor.u32 $0x1100, s28;
	[sflag:s18] =	ssyncadd.s32 $0xFFFFC000  }
0xdc: {  	[spmem:s3] =	stream.indirect.scatter.add.f32 [tilespmem:s17], [sflag:$0x2], $0x80, s29, s16, $0xb8;
	[tilespmem:$0x1E000] =	vst v63  }
0xdd: {  	s30 =	sor.u32 $0x180, s28  }
0xde: {  	[tilespmem:s19], [sflag:$0x1] =	stream.indirect.gather [hbm4b:s5+s16], $0x80, s30, s16, $0xb8;
	[tilespmem:$0x1E000] =	vst v63  }
0xdf: {  	_ =	swait.ge [sflag:s20], $0x4000  }
0xe0: {  	[sflag:s20] =	ssyncset.done $0x0  }
0xe1: {  	[sflag:s20] =	ssyncadd.s32 $0xFFFFC000  }
0xe2: {  	_ =	swait.ge [sflag:s18], $0x4000  }
0xe3: {  	[sflag:s18] =	ssyncset.done $0x0  }
0xe4: {  	s31 =	sor.u32 $0x1180, s28;
	[sflag:s18] =	ssyncadd.s32 $0xFFFFC000  }
0xe5: {  	[spmem:s3] =	stream.indirect.scatter.add.f32 [tilespmem:s19], [sflag:$0x2], $0x80, s31, s16, $0xb8;
	[tilespmem:$0x1E000] =	vst v63  }
0xe6: {  	s29 =	sor.u32 $0x200, s28  }
0xe7: {  	[tilespmem:s17], [sflag:$0x1] =	stream.indirect.gather [hbm4b:s5+s16], $0x80, s29, s16, $0xb8;
	[tilespmem:$0x1E000] =	vst v63  }
0xe8: {  	_ =	swait.ge [sflag:s20], $0x4000  }
0xe9: {  	[sflag:s20] =	ssyncset.done $0x0  }
0xea: {  	[sflag:s20] =	ssyncadd.s32 $0xFFFFC000  }
0xeb: {  	_ =	swait.ge [sflag:s18], $0x4000  }
0xec: {  	[sflag:s18] =	ssyncset.done $0x0  }
0xed: {  	s30 =	sor.u32 $0x1200, s28;
	[sflag:s18] =	ssyncadd.s32 $0xFFFFC000  }
0xee: {  	[spmem:s3] =	stream.indirect.scatter.add.f32 [tilespmem:s17], [sflag:$0x2], $0x80, s30, s16, $0xb8;
	[tilespmem:$0x1E000] =	vst v63  }
0xef: {  	s31 =	sor.u32 $0x280, s28  }
0xf0: {  	[tilespmem:s19], [sflag:$0x1] =	stream.indirect.gather [hbm4b:s5+s16], $0x80, s31, s16, $0xb8;
	[tilespmem:$0x1E000] =	vst v63  }
0xf1: {  	_ =	swait.ge [sflag:s20], $0x4000  }
0xf2: {  	[sflag:s20] =	ssyncset.done $0x0  }
0xf3: {  	[sflag:s20] =	ssyncadd.s32 $0xFFFFC000  }
0xf4: {  	_ =	swait.ge [sflag:s18], $0x4000  }
0xf5: {  	[sflag:s18] =	ssyncset.done $0x0  }
0xf6: {  	s29 =	sor.u32 $0x1280, s28;
	[sflag:s18] =	ssyncadd.s32 $0xFFFFC000  }
0xf7: {  	[spmem:s3] =	stream.indirect.scatter.add.f32 [tilespmem:s19], [sflag:$0x2], $0x80, s29, s16, $0xb8;
	[tilespmem:$0x1E000] =	vst v63  }
0xf8: {  	s30 =	sor.u32 $0x300, s28  }
0xf9: {  	[tilespmem:s17], [sflag:$0x1] =	stream.indirect.gather [hbm4b:s5+s16], $0x80, s30, s16, $0xb8;
	[tilespmem:$0x1E000] =	vst v63  }
0xfa: {  	_ =	swait.ge [sflag:s20], $0x4000  }
0xfb: {  	[sflag:s20] =	ssyncset.done $0x0  }
0xfc: {  	[sflag:s20] =	ssyncadd.s32 $0xFFFFC000  }
0xfd: {  	_ =	swait.ge [sflag:s18], $0x4000  }
0xfe: {  	[sflag:s18] =	ssyncset.done $0x0  }
0xff: {  	s31 =	sor.u32 $0x1300, s28;
	[sflag:s18] =	ssyncadd.s32 $0xFFFFC000  }
0x100: {  	[spmem:s3] =	stream.indirect.scatter.add.f32 [tilespmem:s17], [sflag:$0x2], $0x80, s31, s16, $0xb8;
	[tilespmem:$0x1E000] =	vst v63  }
0x101: {  	s29 =	sor.u32 $0x380, s28  }
0x102: {  	[tilespmem:s19], [sflag:$0x1] =	stream.indirect.gather [hbm4b:s5+s16], $0x80, s29, s16, $0xb8;
	[tilespmem:$0x1E000] =	vst v63  }
0x103: {  	_ =	swait.ge [sflag:s20], $0x4000  }
0x104: {  	[sflag:s20] =	ssyncset.done $0x0  }
0x105: {  	[sflag:s20] =	ssyncadd.s32 $0xFFFFC000  }
0x106: {  	_ =	swait.ge [sflag:s18], $0x4000  }
0x107: {  	[sflag:s18] =	ssyncset.done $0x0  }
0x108: {  	s30 =	sor.u32 $0x1380, s28;
	[sflag:s18] =	ssyncadd.s32 $0xFFFFC000  }
0x109: {  	[spmem:s3] =	stream.indirect.scatter.add.f32 [tilespmem:s19], [sflag:$0x2], $0x80, s30, s16, $0xb8;
	[tilespmem:$0x1E000] =	vst v63  }
0x10a: {  	s31 =	sor.u32 $0x400, s28  }
0x10b: {  	[tilespmem:s17], [sflag:$0x1] =	stream.indirect.gather [hbm4b:s5+s16], $0x80, s31, s16, $0xb8;
	[tilespmem:$0x1E000] =	vst v63  }
0x10c: {  	_ =	swait.ge [sflag:s20], $0x4000  }
0x10d: {  	[sflag:s20] =	ssyncset.done $0x0  }
0x10e: {  	[sflag:s20] =	ssyncadd.s32 $0xFFFFC000  }
0x10f: {  	_ =	swait.ge [sflag:s18], $0x4000  }
0x110: {  	[sflag:s18] =	ssyncset.done $0x0  }
0x111: {  	s29 =	sor.u32 $0x1400, s28;
	[sflag:s18] =	ssyncadd.s32 $0xFFFFC000  }
0x112: {  	[spmem:s3] =	stream.indirect.scatter.add.f32 [tilespmem:s17], [sflag:$0x2], $0x80, s29, s16, $0xb8;
	[tilespmem:$0x1E000] =	vst v63  }
0x113: {  	s30 =	sor.u32 $0x480, s28  }
0x114: {  	[tilespmem:s19], [sflag:$0x1] =	stream.indirect.gather [hbm4b:s5+s16], $0x80, s30, s16, $0xb8;
	[tilespmem:$0x1E000] =	vst v63  }
0x115: {  	_ =	swait.ge [sflag:s20], $0x4000  }
0x116: {  	[sflag:s20] =	ssyncset.done $0x0  }
0x117: {  	[sflag:s20] =	ssyncadd.s32 $0xFFFFC000  }
0x118: {  	_ =	swait.ge [sflag:s18], $0x4000  }
0x119: {  	[sflag:s18] =	ssyncset.done $0x0  }
0x11a: {  	s31 =	sor.u32 $0x1480, s28;
	[sflag:s18] =	ssyncadd.s32 $0xFFFFC000  }
0x11b: {  	[spmem:s3] =	stream.indirect.scatter.add.f32 [tilespmem:s19], [sflag:$0x2], $0x80, s31, s16, $0xb8;
	[tilespmem:$0x1E000] =	vst v63  }
0x11c: {  	s29 =	sor.u32 $0x500, s28  }
0x11d: {  	[tilespmem:s17], [sflag:$0x1] =	stream.indirect.gather [hbm4b:s5+s16], $0x80, s29, s16, $0xb8;
	[tilespmem:$0x1E000] =	vst v63  }
0x11e: {  	_ =	swait.ge [sflag:s20], $0x4000  }
0x11f: {  	[sflag:s20] =	ssyncset.done $0x0  }
0x120: {  	[sflag:s20] =	ssyncadd.s32 $0xFFFFC000  }
0x121: {  	_ =	swait.ge [sflag:s18], $0x4000  }
0x122: {  	[sflag:s18] =	ssyncset.done $0x0  }
0x123: {  	s30 =	sor.u32 $0x1500, s28;
	[sflag:s18] =	ssyncadd.s32 $0xFFFFC000  }
0x124: {  	[spmem:s3] =	stream.indirect.scatter.add.f32 [tilespmem:s17], [sflag:$0x2], $0x80, s30, s16, $0xb8;
	[tilespmem:$0x1E000] =	vst v63  }
0x125: {  	s31 =	sor.u32 $0x580, s28  }
0x126: {  	[tilespmem:s19], [sflag:$0x1] =	stream.indirect.gather [hbm4b:s5+s16], $0x80, s31, s16, $0xb8;
	[tilespmem:$0x1E000] =	vst v63  }
0x127: {  	_ =	swait.ge [sflag:s20], $0x4000  }
0x128: {  	[sflag:s20] =	ssyncset.done $0x0  }
0x129: {  	[sflag:s20] =	ssyncadd.s32 $0xFFFFC000  }
0x12a: {  	_ =	swait.ge [sflag:s18], $0x4000  }
0x12b: {  	[sflag:s18] =	ssyncset.done $0x0  }
0x12c: {  	s29 =	sor.u32 $0x1580, s28;
	[sflag:s18] =	ssyncadd.s32 $0xFFFFC000  }
0x12d: {  	[spmem:s3] =	stream.indirect.scatter.add.f32 [tilespmem:s19], [sflag:$0x2], $0x80, s29, s16, $0xb8;
	[tilespmem:$0x1E000] =	vst v63  }
0x12e: {  	s30 =	sor.u32 $0x600, s28  }
0x12f: {  	[tilespmem:s17], [sflag:$0x1] =	stream.indirect.gather [hbm4b:s5+s16], $0x80, s30, s16, $0xb8;
	[tilespmem:$0x1E000] =	vst v63  }
0x130: {  	_ =	swait.ge [sflag:s20], $0x4000  }
0x131: {  	[sflag:s20] =	ssyncset.done $0x0  }
0x132: {  	[sflag:s20] =	ssyncadd.s32 $0xFFFFC000  }
0x133: {  	_ =	swait.ge [sflag:s18], $0x4000  }
0x134: {  	[sflag:s18] =	ssyncset.done $0x0  }
0x135: {  	s31 =	sor.u32 $0x1600, s28;
	[sflag:s18] =	ssyncadd.s32 $0xFFFFC000  }
0x136: {  	[spmem:s3] =	stream.indirect.scatter.add.f32 [tilespmem:s17], [sflag:$0x2], $0x80, s31, s16, $0xb8;
	[tilespmem:$0x1E000] =	vst v63  }
0x137: {  	s29 =	sor.u32 $0x680, s28  }
0x138: {  	[tilespmem:s19], [sflag:$0x1] =	stream.indirect.gather [hbm4b:s5+s16], $0x80, s29, s16, $0xb8;
	[tilespmem:$0x1E000] =	vst v63  }
0x139: {  	_ =	swait.ge [sflag:s20], $0x4000  }
0x13a: {  	[sflag:s20] =	ssyncset.done $0x0  }
0x13b: {  	[sflag:s20] =	ssyncadd.s32 $0xFFFFC000  }
0x13c: {  	_ =	swait.ge [sflag:s18], $0x4000  }
0x13d: {  	[sflag:s18] =	ssyncset.done $0x0  }
0x13e: {  	s30 =	sor.u32 $0x1680, s28;
	[sflag:s18] =	ssyncadd.s32 $0xFFFFC000  }
0x13f: {  	[spmem:s3] =	stream.indirect.scatter.add.f32 [tilespmem:s19], [sflag:$0x2], $0x80, s30, s16, $0xb8;
	[tilespmem:$0x1E000] =	vst v63  }
0x140: {  	s31 =	sor.u32 $0x700, s28  }
0x141: {  	[tilespmem:s17], [sflag:$0x1] =	stream.indirect.gather [hbm4b:s5+s16], $0x80, s31, s16, $0xb8;
	[tilespmem:$0x1E000] =	vst v63  }
0x142: {  	_ =	swait.ge [sflag:s20], $0x4000  }
0x143: {  	[sflag:s20] =	ssyncset.done $0x0  }
0x144: {  	[sflag:s20] =	ssyncadd.s32 $0xFFFFC000  }
0x145: {  	_ =	swait.ge [sflag:s18], $0x4000  }
0x146: {  	[sflag:s18] =	ssyncset.done $0x0  }
0x147: {  	s29 =	sor.u32 $0x1700, s28;
	[sflag:s18] =	ssyncadd.s32 $0xFFFFC000  }
0x148: {  	[spmem:s3] =	stream.indirect.scatter.add.f32 [tilespmem:s17], [sflag:$0x2], $0x80, s29, s16, $0xb8;
	[tilespmem:$0x1E000] =	vst v63  }
0x149: {  	s30 =	sor.u32 $0x780, s28  }
0x14a: {  	[tilespmem:s19], [sflag:$0x1] =	stream.indirect.gather [hbm4b:s5+s16], $0x80, s30, s16, $0xb8;
	[tilespmem:$0x1E000] =	vst v63  }
0x14b: {  	_ =	swait.ge [sflag:s20], $0x4000  }
0x14c: {  	s26 =	smov.u32 s25;
	[sflag:s20] =	ssyncset.done $0x0  }
0x14d: {  	s25 =	sadd.s32 $0x2000, s25;
	p1 =	sgt.u32 s22, $0x3;
	[sflag:s20] =	ssyncadd.s32 $0xFFFFC000  }
0x14e: {  	p0 =	sne.s32 s25, $0xA000;
	s23 =	sxor.u32 @!p1 $0xFFFFFFFF, s23;
	_ =	swait.ge [sflag:s18], $0x4000  }
0x14f: {  	s24 =	sadd.s32 $0x800, s24;
	s0 =	sand.u32 @!p1 $0x2000, s23;
	[sflag:s18] =	ssyncset.done $0x0  }
.Ltmp0:
0x150: {  	s31 =	sor.u32 $0x1780, s28;
	[sflag:s18] =	ssyncadd.s32 $0xFFFFC000;
	(pc) =	sbr.rel @p0 .LBB2_2-.Ltmp0, $4  }
0x151: {  	[spmem:s3] =	stream.indirect.scatter.add.f32 [tilespmem:s19], [sflag:$0x2], $0x80, s31, s16, $0xb8;
	[tilespmem:$0x1E000] =	vst v63  }
0x152: {  	s0 =	sshrl.u32 @!p1 s0, $0x2;
	s28 =	simm.s32 @!p1 $0x80;
	s29 =	simm.s32 @!p1 $0x2000  }
0x153: {  	[tilespmem:s29], [sflag:$0x1] =	stream.indirect.gather @!p1 [hbm4b:s5+s28], $0x80, s0, s28, $0xb8;
	[tilespmem:$0x1E000] =	vst v63  }
0x154: {  	s22 =	sadd.s32 $0x1, s22;
	s23 =	smov.u32 s26;
	_ =	swait.ge [sflag:s20], $0x4000  }
0x155: {  	s0 =	rddreg [dreg:$0x4];
	p0 =	seq.s32 s23, $0x8000  }
0x156: {  	[sflag:s20] =	ssyncset.done $0x0;
	s0 =	sadd.s32 @!p0 s24, s0  }
0x157: {  	[sflag:s20] =	ssyncadd.s32 $0xFFFFC000;
	s25 =	simm.s32 @!p0 $0x3;
	s0 =	sshrl.u32 @!p0 s0, $0x3  }
0x158: {  	s24 =	sand.u32 @!p0 $0x800, s24;
	s28 =	simm.s32 @!p0 $0x0;
	s26 =	sadd.s32 @!p0 s6, s0  }
0x159: {  	[tilespmem:s24], [sflag:$0x3] =	stream.linear.gather @!p0 [hbm4b:s26+s28], $0x800, $0x38;
	[tilespmem:$0x1E000] =	vst v63  }
0x15a: {  	_ =	swait.ge @!p0 [sflag:s25], $0x800  }
0x15b: {  	[sflag:s25] =	ssyncset.done @!p0 $0x0  }
0x15c: {  	s0 =	sadd.s32 @!p0 s2, s0;
	s24 =	sor.u32 @!p0 $0x1000, s24;
	[sflag:s25] =	ssyncadd.s32 @!p0 $0xFFFFF800  }
0x15d: {  	[tilespmem:s24], [sflag:$0x3] =	stream.linear.gather @!p0 [hbm4b:s0+s28], $0x800, $0x38;
	[tilespmem:$0x1E000] =	vst v63  }
0x15e: {  	_ =	swait.ge @!p0 [sflag:s25], $0x800  }
0x15f: {  	[sflag:s25] =	ssyncset.done @!p0 $0x0  }
0x160: {  	[sflag:s25] =	ssyncadd.s32 @!p0 $0xFFFFF800  }
0x161: {  	s24 =	sshrl.u32 s23, $0x2;
	_ =	swait.ge [sflag:s18], $0x4000  }
0x162: {  	s24 =	sand.u32 $0x800, s24;
	[sflag:s18] =	ssyncset.done $0x0  }
0x163: {  	s0 =	sor.u32 $0x1000, s24;
	[sflag:s18] =	ssyncadd.s32 $0xFFFFC000  }
0x164: {  	[spmem:s3] =	stream.indirect.scatter.add.f32 [tilespmem:s17], [sflag:$0x2], $0x80, s0, s16, $0xb8;
	[tilespmem:$0x1E000] =	vst v63  }
0x165: {  	s25 =	sor.u32 $0x80, s24  }
0x166: {  	[tilespmem:s19], [sflag:$0x1] =	stream.indirect.gather [hbm4b:s5+s16], $0x80, s25, s16, $0xb8;
	[tilespmem:$0x1E000] =	vst v63  }
0x167: {  	_ =	swait.ge [sflag:s20], $0x4000  }
0x168: {  	[sflag:s20] =	ssyncset.done $0x0  }
0x169: {  	[sflag:s20] =	ssyncadd.s32 $0xFFFFC000  }
0x16a: {  	_ =	swait.ge [sflag:s18], $0x4000  }
0x16b: {  	[sflag:s18] =	ssyncset.done $0x0  }
0x16c: {  	s26 =	sor.u32 $0x1080, s24;
	[sflag:s18] =	ssyncadd.s32 $0xFFFFC000  }
0x16d: {  	[spmem:s3] =	stream.indirect.scatter.add.f32 [tilespmem:s19], [sflag:$0x2], $0x80, s26, s16, $0xb8;
	[tilespmem:$0x1E000] =	vst v63  }
0x16e: {  	s28 =	sor.u32 $0x100, s24  }
0x16f: {  	[tilespmem:s17], [sflag:$0x1] =	stream.indirect.gather [hbm4b:s5+s16], $0x80, s28, s16, $0xb8;
	[tilespmem:$0x1E000] =	vst v63  }
0x170: {  	_ =	swait.ge [sflag:s20], $0x4000  }
0x171: {  	[sflag:s20] =	ssyncset.done $0x0  }
0x172: {  	[sflag:s20] =	ssyncadd.s32 $0xFFFFC000  }
0x173: {  	_ =	swait.ge [sflag:s18], $0x4000  }
0x174: {  	[sflag:s18] =	ssyncset.done $0x0  }
0x175: {  	s29 =	sor.u32 $0x1100, s24;
	[sflag:s18] =	ssyncadd.s32 $0xFFFFC000  }
0x176: {  	[spmem:s3] =	stream.indirect.scatter.add.f32 [tilespmem:s17], [sflag:$0x2], $0x80, s29, s16, $0xb8;
	[tilespmem:$0x1E000] =	vst v63  }
0x177: {  	s30 =	sor.u32 $0x180, s24  }
0x178: {  	[tilespmem:s19], [sflag:$0x1] =	stream.indirect.gather [hbm4b:s5+s16], $0x80, s30, s16, $0xb8;
	[tilespmem:$0x1E000] =	vst v63  }
0x179: {  	_ =	swait.ge [sflag:s20], $0x4000  }
0x17a: {  	[sflag:s20] =	ssyncset.done $0x0  }
0x17b: {  	[sflag:s20] =	ssyncadd.s32 $0xFFFFC000  }
0x17c: {  	_ =	swait.ge [sflag:s18], $0x4000  }
0x17d: {  	[sflag:s18] =	ssyncset.done $0x0  }
0x17e: {  	s31 =	sor.u32 $0x1180, s24;
	[sflag:s18] =	ssyncadd.s32 $0xFFFFC000  }
0x17f: {  	[spmem:s3] =	stream.indirect.scatter.add.f32 [tilespmem:s19], [sflag:$0x2], $0x80, s31, s16, $0xb8;
	[tilespmem:$0x1E000] =	vst v63  }
0x180: {  	s25 =	sor.u32 $0x200, s24  }
0x181: {  	[tilespmem:s17], [sflag:$0x1] =	stream.indirect.gather [hbm4b:s5+s16], $0x80, s25, s16, $0xb8;
	[tilespmem:$0x1E000] =	vst v63  }
0x182: {  	_ =	swait.ge [sflag:s20], $0x4000  }
0x183: {  	[sflag:s20] =	ssyncset.done $0x0  }
0x184: {  	[sflag:s20] =	ssyncadd.s32 $0xFFFFC000  }
0x185: {  	_ =	swait.ge [sflag:s18], $0x4000  }
0x186: {  	[sflag:s18] =	ssyncset.done $0x0  }
0x187: {  	s26 =	sor.u32 $0x1200, s24;
	[sflag:s18] =	ssyncadd.s32 $0xFFFFC000  }
0x188: {  	[spmem:s3] =	stream.indirect.scatter.add.f32 [tilespmem:s17], [sflag:$0x2], $0x80, s26, s16, $0xb8;
	[tilespmem:$0x1E000] =	vst v63  }
0x189: {  	s28 =	sor.u32 $0x280, s24  }
0x18a: {  	[tilespmem:s19], [sflag:$0x1] =	stream.indirect.gather [hbm4b:s5+s16], $0x80, s28, s16, $0xb8;
	[tilespmem:$0x1E000] =	vst v63  }
0x18b: {  	_ =	swait.ge [sflag:s20], $0x4000  }
0x18c: {  	[sflag:s20] =	ssyncset.done $0x0  }
0x18d: {  	[sflag:s20] =	ssyncadd.s32 $0xFFFFC000  }
0x18e: {  	_ =	swait.ge [sflag:s18], $0x4000  }
0x18f: {  	[sflag:s18] =	ssyncset.done $0x0  }
0x190: {  	s29 =	sor.u32 $0x1280, s24;
	[sflag:s18] =	ssyncadd.s32 $0xFFFFC000  }
0x191: {  	[spmem:s3] =	stream.indirect.scatter.add.f32 [tilespmem:s19], [sflag:$0x2], $0x80, s29, s16, $0xb8;
	[tilespmem:$0x1E000] =	vst v63  }
0x192: {  	s30 =	sor.u32 $0x300, s24  }
0x193: {  	[tilespmem:s17], [sflag:$0x1] =	stream.indirect.gather [hbm4b:s5+s16], $0x80, s30, s16, $0xb8;
	[tilespmem:$0x1E000] =	vst v63  }
0x194: {  	_ =	swait.ge [sflag:s20], $0x4000  }
0x195: {  	[sflag:s20] =	ssyncset.done $0x0  }
0x196: {  	[sflag:s20] =	ssyncadd.s32 $0xFFFFC000  }
0x197: {  	_ =	swait.ge [sflag:s18], $0x4000  }
0x198: {  	[sflag:s18] =	ssyncset.done $0x0  }
0x199: {  	s31 =	sor.u32 $0x1300, s24;
	[sflag:s18] =	ssyncadd.s32 $0xFFFFC000  }
0x19a: {  	[spmem:s3] =	stream.indirect.scatter.add.f32 [tilespmem:s17], [sflag:$0x2], $0x80, s31, s16, $0xb8;
	[tilespmem:$0x1E000] =	vst v63  }
0x19b: {  	s25 =	sor.u32 $0x380, s24  }
0x19c: {  	[tilespmem:s19], [sflag:$0x1] =	stream.indirect.gather [hbm4b:s5+s16], $0x80, s25, s16, $0xb8;
	[tilespmem:$0x1E000] =	vst v63  }
0x19d: {  	_ =	swait.ge [sflag:s20], $0x4000  }
0x19e: {  	[sflag:s20] =	ssyncset.done $0x0  }
0x19f: {  	[sflag:s20] =	ssyncadd.s32 $0xFFFFC000  }
0x1a0: {  	_ =	swait.ge [sflag:s18], $0x4000  }
0x1a1: {  	[sflag:s18] =	ssyncset.done $0x0  }
0x1a2: {  	s26 =	sor.u32 $0x1380, s24;
	[sflag:s18] =	ssyncadd.s32 $0xFFFFC000  }
0x1a3: {  	[spmem:s3] =	stream.indirect.scatter.add.f32 [tilespmem:s19], [sflag:$0x2], $0x80, s26, s16, $0xb8;
	[tilespmem:$0x1E000] =	vst v63  }
0x1a4: {  	s28 =	sor.u32 $0x400, s24  }
0x1a5: {  	[tilespmem:s17], [sflag:$0x1] =	stream.indirect.gather [hbm4b:s5+s16], $0x80, s28, s16, $0xb8;
	[tilespmem:$0x1E000] =	vst v63  }
0x1a6: {  	_ =	swait.ge [sflag:s20], $0x4000  }
0x1a7: {  	[sflag:s20] =	ssyncset.done $0x0  }
0x1a8: {  	[sflag:s20] =	ssyncadd.s32 $0xFFFFC000  }
0x1a9: {  	_ =	swait.ge [sflag:s18], $0x4000  }
0x1aa: {  	[sflag:s18] =	ssyncset.done $0x0  }
0x1ab: {  	s29 =	sor.u32 $0x1400, s24;
	[sflag:s18] =	ssyncadd.s32 $0xFFFFC000  }
0x1ac: {  	[spmem:s3] =	stream.indirect.scatter.add.f32 [tilespmem:s17], [sflag:$0x2], $0x80, s29, s16, $0xb8;
	[tilespmem:$0x1E000] =	vst v63  }
0x1ad: {  	s30 =	sor.u32 $0x480, s24  }
0x1ae: {  	[tilespmem:s19], [sflag:$0x1] =	stream.indirect.gather [hbm4b:s5+s16], $0x80, s30, s16, $0xb8;
	[tilespmem:$0x1E000] =	vst v63  }
0x1af: {  	_ =	swait.ge [sflag:s20], $0x4000  }
0x1b0: {  	[sflag:s20] =	ssyncset.done $0x0  }
0x1b1: {  	[sflag:s20] =	ssyncadd.s32 $0xFFFFC000  }
0x1b2: {  	_ =	swait.ge [sflag:s18], $0x4000  }
0x1b3: {  	[sflag:s18] =	ssyncset.done $0x0  }
0x1b4: {  	s31 =	sor.u32 $0x1480, s24;
	[sflag:s18] =	ssyncadd.s32 $0xFFFFC000  }
0x1b5: {  	[spmem:s3] =	stream.indirect.scatter.add.f32 [tilespmem:s19], [sflag:$0x2], $0x80, s31, s16, $0xb8;
	[tilespmem:$0x1E000] =	vst v63  }
0x1b6: {  	s25 =	sor.u32 $0x500, s24  }
0x1b7: {  	[tilespmem:s17], [sflag:$0x1] =	stream.indirect.gather [hbm4b:s5+s16], $0x80, s25, s16, $0xb8;
	[tilespmem:$0x1E000] =	vst v63  }
0x1b8: {  	_ =	swait.ge [sflag:s20], $0x4000  }
0x1b9: {  	[sflag:s20] =	ssyncset.done $0x0  }
0x1ba: {  	[sflag:s20] =	ssyncadd.s32 $0xFFFFC000  }
0x1bb: {  	_ =	swait.ge [sflag:s18], $0x4000  }
0x1bc: {  	[sflag:s18] =	ssyncset.done $0x0  }
0x1bd: {  	s26 =	sor.u32 $0x1500, s24;
	[sflag:s18] =	ssyncadd.s32 $0xFFFFC000  }
0x1be: {  	[spmem:s3] =	stream.indirect.scatter.add.f32 [tilespmem:s17], [sflag:$0x2], $0x80, s26, s16, $0xb8;
	[tilespmem:$0x1E000] =	vst v63  }
0x1bf: {  	s28 =	sor.u32 $0x580, s24  }
0x1c0: {  	[tilespmem:s19], [sflag:$0x1] =	stream.indirect.gather [hbm4b:s5+s16], $0x80, s28, s16, $0xb8;
	[tilespmem:$0x1E000] =	vst v63  }
0x1c1: {  	_ =	swait.ge [sflag:s20], $0x4000  }
0x1c2: {  	[sflag:s20] =	ssyncset.done $0x0  }
0x1c3: {  	[sflag:s20] =	ssyncadd.s32 $0xFFFFC000  }
0x1c4: {  	_ =	swait.ge [sflag:s18], $0x4000  }
0x1c5: {  	[sflag:s18] =	ssyncset.done $0x0  }
0x1c6: {  	s29 =	sor.u32 $0x1580, s24;
	[sflag:s18] =	ssyncadd.s32 $0xFFFFC000  }
0x1c7: {  	[spmem:s3] =	stream.indirect.scatter.add.f32 [tilespmem:s19], [sflag:$0x2], $0x80, s29, s16, $0xb8;
	[tilespmem:$0x1E000] =	vst v63  }
0x1c8: {  	s30 =	sor.u32 $0x600, s24  }
0x1c9: {  	[tilespmem:s17], [sflag:$0x1] =	stream.indirect.gather [hbm4b:s5+s16], $0x80, s30, s16, $0xb8;
	[tilespmem:$0x1E000] =	vst v63  }
0x1ca: {  	_ =	swait.ge [sflag:s20], $0x4000  }
0x1cb: {  	[sflag:s20] =	ssyncset.done $0x0  }
0x1cc: {  	[sflag:s20] =	ssyncadd.s32 $0xFFFFC000  }
0x1cd: {  	_ =	swait.ge [sflag:s18], $0x4000  }
0x1ce: {  	[sflag:s18] =	ssyncset.done $0x0  }
0x1cf: {  	s31 =	sor.u32 $0x1600, s24;
	[sflag:s18] =	ssyncadd.s32 $0xFFFFC000  }
0x1d0: {  	[spmem:s3] =	stream.indirect.scatter.add.f32 [tilespmem:s17], [sflag:$0x2], $0x80, s31, s16, $0xb8;
	[tilespmem:$0x1E000] =	vst v63  }
0x1d1: {  	s25 =	sor.u32 $0x680, s24  }
0x1d2: {  	[tilespmem:s19], [sflag:$0x1] =	stream.indirect.gather [hbm4b:s5+s16], $0x80, s25, s16, $0xb8;
	[tilespmem:$0x1E000] =	vst v63  }
0x1d3: {  	_ =	swait.ge [sflag:s20], $0x4000  }
0x1d4: {  	[sflag:s20] =	ssyncset.done $0x0  }
0x1d5: {  	[sflag:s20] =	ssyncadd.s32 $0xFFFFC000  }
0x1d6: {  	_ =	swait.ge [sflag:s18], $0x4000  }
0x1d7: {  	[sflag:s18] =	ssyncset.done $0x0  }
0x1d8: {  	s26 =	sor.u32 $0x1680, s24;
	[sflag:s18] =	ssyncadd.s32 $0xFFFFC000  }
0x1d9: {  	[spmem:s3] =	stream.indirect.scatter.add.f32 [tilespmem:s19], [sflag:$0x2], $0x80, s26, s16, $0xb8;
	[tilespmem:$0x1E000] =	vst v63  }
0x1da: {  	s28 =	sor.u32 $0x700, s24  }
0x1db: {  	[tilespmem:s17], [sflag:$0x1] =	stream.indirect.gather [hbm4b:s5+s16], $0x80, s28, s16, $0xb8;
	[tilespmem:$0x1E000] =	vst v63  }
0x1dc: {  	_ =	swait.ge [sflag:s20], $0x4000  }
0x1dd: {  	[sflag:s20] =	ssyncset.done $0x0  }
0x1de: {  	[sflag:s20] =	ssyncadd.s32 $0xFFFFC000  }
0x1df: {  	_ =	swait.ge [sflag:s18], $0x4000  }
0x1e0: {  	[sflag:s18] =	ssyncset.done $0x0  }
0x1e1: {  	s29 =	sor.u32 $0x1700, s24;
	[sflag:s18] =	ssyncadd.s32 $0xFFFFC000  }
0x1e2: {  	[spmem:s3] =	stream.indirect.scatter.add.f32 [tilespmem:s17], [sflag:$0x2], $0x80, s29, s16, $0xb8;
	[tilespmem:$0x1E000] =	vst v63  }
0x1e3: {  	s30 =	sor.u32 $0x780, s24  }
0x1e4: {  	[tilespmem:s19], [sflag:$0x1] =	stream.indirect.gather [hbm4b:s5+s16], $0x80, s30, s16, $0xb8;
	[tilespmem:$0x1E000] =	vst v63  }
0x1e5: {  	_ =	swait.ge [sflag:s20], $0x4000  }
0x1e6: {  	[sflag:s20] =	ssyncset.done $0x0  }
0x1e7: {  	[sflag:s20] =	ssyncadd.s32 $0xFFFFC000  }
0x1e8: {  	p0 =	sgt.u32 s22, $0x3;
	_ =	swait.ge [sflag:s18], $0x4000  }
0x1e9: {  	s22 =	sxor.u32 @!p0 $0xFFFFFFFF, s23;
	[sflag:s18] =	ssyncset.done $0x0  }
0x1ea: {  	s0 =	sand.u32 @!p0 $0x2000, s22;
	s31 =	sor.u32 $0x1780, s24;
	[sflag:s18] =	ssyncadd.s32 $0xFFFFC000  }
0x1eb: {  	[spmem:s3] =	stream.indirect.scatter.add.f32 [tilespmem:s19], [sflag:$0x2], $0x80, s31, s16, $0xb8;
	[tilespmem:$0x1E000] =	vst v63  }
0x1ec: {  	s23 =	simm.s32 @!p0 $0x2000;
	s22 =	simm.s32 @!p0 $0x80;
	s0 =	sshrl.u32 @!p0 s0, $0x2  }
0x1ed: {  	[tilespmem:s23], [sflag:$0x1] =	stream.indirect.gather @!p0 [hbm4b:s5+s22], $0x80, s0, s22, $0xb8;
	[tilespmem:$0x1E000] =	vst v63  }
0x1ee: {  	_ =	swait.ge [sflag:s20], $0x4000  }
0x1ef: {  	s21 =	sadd.s32 $0x1, s21;
	[sflag:s20] =	ssyncset.done $0x0  }
0x1f0: {  	p0 =	sne.s32 s21, s12;
	[sflag:s20] =	ssyncadd.s32 $0xFFFFC000  }
.Ltmp1:
0x1f1: {  	[bflag:$0x0] =	sbarrier.arrive $0xFFFF;
	(pc) =	sbr.rel @p0 .LBB2_1-.Ltmp1, $4  }
0x1f2: {  	[hbm:s11], [sflag:s8] =	dma.local [spmem:s13], $0x2800  }
0x1f3: {  	_ =	swait.ge [sflag:s14], $0x2800  }
0x1f4: {  	[sflag:s14] =	ssyncset.done $0x0  }
0x1f5: {  	[sflag:s14] =	ssyncadd.s32 $0xFFFFD800  }
0x1f6: {  	_ =	sfence.sel $0x180000  }
0x1f7: {  	[bflag:$0x0] =	sbarrier.arrive $0xFFFF  }
0x1f8: {  	_ =	strace $0x90000050  }
0x1f9: {  	[bflag:$0x2] =	sbarrier.arrive $0xFFFF  }
0x1fa: {  	p0 =	sne.s32 s1, $0x0;
	s0 =	rddreg [dreg:$0x3]  }
0x1fb: {  	s0 =	sadd.s32 @!p0 $0x100000, s0  }
0x1fc: {  	[sflag:s0] =	ssyncadd.tile.s32 @!p0 $0x1;
	_ =	shalt  }
.Lfunc_end2:
_tile_overlayer_lowered:
.L_overlay_start_2:
0x1fd: {  	(tag) =	ssettag $0x2  }
0x1fe: {  	s0 =	rddreg [dreg:$0x0];
	s2 =	stileid.u32  }
0x1ff: {  	s1 =	rddreg [dreg:$0x1];
	p0 =	sne.s32 s2, $0x0  }
0x200: {  	s3 =	rddreg [dreg:$0x2];
	[bflag:$0x3] =	sbarrier.arrive $0xFFFF;
	s2 =	simm.s32 @!p0 $0x1C03  }
0x201: {  	[timem:s3], [sflag:s2] =	dma.local @!p0 [hbm:s0], s1  }
0x202: {  	s0 =	simm.s32 @!p0 $0x3  }
0x203: {  	_ =	swait.ge @!p0 [sflag:s0], s1  }
0x204: {  	s1 =	ssub.s32 @!p0 $0x0, s1;
	[sflag:s0] =	ssyncset.done @!p0 $0x0  }
0x205: {  	[sflag:s0] =	ssyncadd.s32 @!p0 s1  }
0x206: {  	[bflag:$0x3] =	sbarrier.arrive $0xFFFF  }
0x207: {  	_ =	shalt  }

// kernel: kernel.24.cloned.1.call-start
scs
__scs_entry_jumppad:
0x0: {  	(pc) =	sbr.rel $0x88, $3  }
0x1: {  	(tag) =	ssettag $0x0;
	lr =	simm.s32 $0x1  }
0x2: {  	[smem:$0x3F8D] =	sst lr;
	_ =	strace $0xD0000000  }
0x3: {  	_ = 	snop  }
0x4: {  	_ = 	snop  }
0x5: {  	_ = 	snop  }
0x6: {  	_ = 	snop  }
0x7: {  	_ = 	snop  }
__scs_overlays_trampoline_lowered:
0x8: {  	[smem:$0x3F9C] =	sst s0  }
0x9: {  	[smem:$0x3F9D] =	sst s1  }
0xa: {  	[smem:$0x3F9E] =	sst s2  }
0xb: {  	[smem:$0x3F9F] =	sst s3  }
0xc: {  	[smem:$0x3FA0] =	sst s4  }
0xd: {  	[smem:$0x3FA1] =	sst s5  }
0xe: {  	[smem:$0x3FA2] =	sst s6  }
0xf: {  	[smem:$0x3FA3] =	sst s7  }
0x10: {  	[smem:$0x3FA4] =	sst s8  }
0x11: {  	[smem:$0x3FA5] =	sst s9;
	s0 =	simm.s32 @!p0 $0x0  }
0x12: {  	s1 =	sld [smem:$0x3F8B];
	s0 =	simm.s32 @p0 $0x1  }
0x13: {  	[smem:$0x3FA6] =	sst s0;
	s0 =	simm.s32 @!p1 $0x0  }
0x14: {  	s2 =	sld [smem:$0x3F8A];
	s0 =	simm.s32 @p1 $0x1  }
0x15: {  	[smem:$0x3FA7] =	sst s0;
	s0 =	simm.s32 @!p2 $0x0  }
0x16: {  	s3 =	sld [smem:$0x3FDB];
	s0 =	simm.s32 @p2 $0x1  }
0x17: {  	s4 =	simm.s32 $0x1BF5;
	[smem:$0x3FA9] =	sst s0  }
0x18: {  	s0 =	sld [smem:$0x3F8C];
	_ =	swait.ge [sflag:s4], $0x0  }
0x19: {  	s7 =	sld [smem:$0x3F8D]  }
0x1a: {  	s8 =	sadd.s32 $0xFFFFE003, lr  }
0x1b: {  	s9 =	sadd.s32 $0xFFFFFEF7, lr;
	s5 =	simm.s32 $0xFFFFFFFF;
	p2 =	slt.u32 s8, $0xFFFFF086  }
0x1c: {  	p1 =	slt.u32 s9, $0xF7A;
	s5 =	simm.s32 @!p2 $0x0  }
0x1d: {  	s5 =	simm.s32 @p1 $0x1;
	p0 =	seq.s32 s7, s2  }
0x1e: {  	s7 =	smul.u32 @!p0 $0xF7A, s2;
	p2 =	seq.s32 @!p0 s5, $0x0  }
0x1f: {  	s9 =	smul.u32 $0xF7A, s1;
	s8 =	simm.s32 @!p0 $0x1BF5;
	p2 =	por !p2, p0  }
0x20: {  	[sflag:s8] =	ssyncset.s32 @!p0 $0xFFFFF086;
	s6 =	sadd.s32 @!p0 s3, s7;
	s7 =	simm.s32 @!p0 $0x108  }
0x21: {  	s3 =	sadd.s32 s3, s9;
	s6 =	sadd.s32 @!p0 $0x88, s6;
	s7 =	simm.s32 @p2 $0x1082  }
0x22: {  	[simem:s7], [sflag:s8] =	dma.local @!p0 [hbm:s6], $0xF7A  }
0x23: {  	s9 =	sor.u32 $0xD0000000, s2;
	s6 =	simm.s32 $0x108;
	_ =	swait.ge @!p0 [sflag:s8], $0x0  }
0x24: {  	s3 =	sadd.s32 $0x88, s3;
	s6 =	simm.s32 @!p1 $0x1082;
	[sflag:s4] =	ssyncset.s32 $0xFFFFF086  }
0x25: {  	[simem:s6], [sflag:s4] =	dma.local [hbm:s3], $0xF7A  }
0x26: {  	[smem:$0x3F8D] =	sst s1;
	(tag) =	ssettag s2;
	_ =	strace s9  }
0x27: {  	s1 =	sld [smem:$0x3F9D]  }
0x28: {  	s2 =	sld [smem:$0x3F9E]  }
0x29: {  	s4 =	sld [smem:$0x3FA0]  }
0x2a: {  	p0 =	seq.s32 s5, $0x0;
	s5 =	sld [smem:$0x3FA1]  }
0x2b: {  	s6 =	sld [smem:$0x3FA2]  }
0x2c: {  	s7 =	sld [smem:$0x3FA3]  }
0x2d: {  	s3 =	simm.s32 $0x108;
	s8 =	sld [smem:$0x3FA4]  }
0x2e: {  	s3 =	simm.s32 @!p0 $0x1082;
	s9 =	sld [smem:$0x3FA5]  }
0x2f: {  	lr =	sadd.s32 s0, s3;
	s0 =	sld [smem:$0x3F9C]  }
0x30: {  	s3 =	sld [smem:$0x3F9F]  }
0x31: {  	[smem:$0x3FA8] =	sst s10  }
0x32: {  	s10 =	sld [smem:$0x3FA6];
	_ =	sdelay $0x3  }
0x33: {  	p0 =	seq.s32 s10, $0x1;
	s10 =	sld [smem:$0x3FA8];
	_ =	sdelay $0x3  }
0x34: {  	[smem:$0x3FA8] =	sst s10  }
0x35: {  	s10 =	sld [smem:$0x3FA7];
	_ =	sdelay $0x3  }
0x36: {  	p1 =	seq.s32 s10, $0x1;
	s10 =	sld [smem:$0x3FA8];
	_ =	sdelay $0x3  }
0x37: {  	[smem:$0x3FA8] =	sst s10  }
0x38: {  	s10 =	sld [smem:$0x3FA9]  }
0x39: {  	_ = 	snop;
	(pc) =	sbr.ind lr, $3  }
0x3a: {  	_ = 	snop  }
0x3b: {  	_ = 	snop  }
0x3c: {  	p2 =	seq.s32 s10, $0x1;
	s10 =	sld [smem:$0x3FA8]  }
0x3d: {  	_ =	shalt  }
0x3e: {  	_ =	shalt  }
0x3f: {  	_ =	shalt  }
0x40: {  	_ =	shalt  }
0x41: {  	_ =	shalt  }
0x42: {  	_ =	shalt  }
0x43: {  	_ =	shalt  }
0x44: {  	_ =	shalt  }
0x45: {  	_ =	shalt  }
0x46: {  	_ =	shalt  }
0x47: {  	_ =	shalt  }
0x48: {  	_ =	shalt  }
0x49: {  	_ =	shalt  }
0x4a: {  	_ =	shalt  }
0x4b: {  	_ =	shalt  }
0x4c: {  	_ =	shalt  }
0x4d: {  	_ =	shalt  }
0x4e: {  	_ =	shalt  }
0x4f: {  	_ =	shalt  }
0x50: {  	_ =	shalt  }
0x51: {  	_ =	shalt  }
0x52: {  	_ =	shalt  }
0x53: {  	_ =	shalt  }
0x54: {  	_ =	shalt  }
0x55: {  	_ =	shalt  }
0x56: {  	_ =	shalt  }
0x57: {  	_ =	shalt  }
0x58: {  	_ =	shalt  }
0x59: {  	_ =	shalt  }
0x5a: {  	_ =	shalt  }
0x5b: {  	_ =	shalt  }
0x5c: {  	_ =	shalt  }
0x5d: {  	_ =	shalt  }
0x5e: {  	_ =	shalt  }
0x5f: {  	_ =	shalt  }
0x60: {  	_ =	shalt  }
0x61: {  	_ =	shalt  }
0x62: {  	_ =	shalt  }
0x63: {  	_ =	shalt  }
0x64: {  	_ =	shalt  }
0x65: {  	_ =	shalt  }
0x66: {  	_ =	shalt  }
0x67: {  	_ =	shalt  }
0x68: {  	_ =	shalt  }
0x69: {  	_ =	shalt  }
0x6a: {  	_ =	shalt  }
0x6b: {  	_ =	shalt  }
0x6c: {  	_ =	shalt  }
0x6d: {  	_ =	shalt  }
0x6e: {  	_ =	shalt  }
0x6f: {  	_ =	shalt  }
0x70: {  	_ =	shalt  }
0x71: {  	_ =	shalt  }
0x72: {  	_ =	shalt  }
0x73: {  	_ =	shalt  }
0x74: {  	_ =	shalt  }
0x75: {  	_ =	shalt  }
0x76: {  	_ =	shalt  }
0x77: {  	_ =	shalt  }
0x78: {  	_ =	shalt  }
0x79: {  	_ =	shalt  }
0x7a: {  	_ =	shalt  }
0x7b: {  	_ =	shalt  }
0x7c: {  	_ =	shalt  }
0x7d: {  	_ =	shalt  }
0x7e: {  	_ =	shalt  }
0x7f: {  	_ =	shalt  }
0x80: {  	_ =	shalt  }
0x81: {  	_ =	shalt  }
0x82: {  	_ =	shalt  }
0x83: {  	_ =	shalt  }
0x84: {  	_ =	shalt  }
0x85: {  	_ =	shalt  }
0x86: {  	_ =	shalt  }
0x87: {  	_ =	shalt  }
.Lfunc_end0:
.L_simem_size_0:
called_computation.4_lowered:
.L_overlay_start_0:
0x88: {  	s2 =	sld [smem:$0x3FD9]  }
0x89: {  	s3 =	sld [smem:$0x3FFE];
	_ =	sdelay $0x1  }
0x8a: {  	s1 =	srdreg.scid  }
0x8b: {  	s0 =	sand.u32 $0x1, s1  }
0x8c: {  	s14 =	sshll.u32 s0, $0xA;
	s2 =	sadd.s32 s3, s2  }
0x8d: {  	s2 =	sadd.s32 s2, s14  }
0x8e: {  	[smem:$0x3FB4] =	sst s2  }
0x8f: {  	_ = 	snop  }
0x90: {  	s2 =	sld [smem:$0x3FD0];
	_ =	sdelay $0x2  }
0x91: {  	s15 =	simm.s32 $0xA;
	s4 =	simm.s32 $0x10  }
0x92: {  	[smem:s4], [sflag:s15] =	dma.local [hbm:s2], $0x1  }
0x93: {  	_ =	swait.eq [sflag:s15], $0x1  }
0x94: {  	[sflag:s15] =	ssyncset.done $0x0  }
0x95: {  	[sflag:s15] =	ssyncadd.s32 $0xFFFFFFFF  }
0x96: {  	s16 =	sld [smem:$0x11];
	(tm) =	ssettm $0x1  }
0x97: {  	s17 =	sld [smem:$0x3FFB];
	_ =	sdelay $0x3  }
0x98: {  	_ =	strace s17  }
0x99: {  	s3 =	sld [smem:$0x3FFC];
	_ =	sdelay $0x3  }
0x9a: {  	_ =	strace s3  }
0x9b: {  	s3 =	sld [smem:$0x3FFD];
	_ =	sdelay $0x3  }
0x9c: {  	_ =	strace s3  }
0x9d: {  	_ =	strace $0x8FFFFFFF  }
0x9e: {  	s18 =	sld [smem:$0x3FDB];
	_ =	sdelay $0x1  }
0x9f: {  	s19 =	simm.s32 $_scs_section_size  }
0xa0: {  	s5 =	simm.s32 $_size__tile_overlayer_lowered;
	s6 =	simm.s32 $_tile_overlayer_lowered  }
0xa1: {  	s22 =	simm.s32 $0x1BFF;
	s21 =	sshll.u32 s6, $0x1;
	s3 =	sadd.s32 s19, s18  }
0xa2: {  	s7 =	simm.s32 $0x0;
	s20 =	sshll.u32 s5, $0x1;
	s5 =	sadd.s32 s21, s3  }
0xa3: {  	[timem:s7], [sflag:s22] =	dma.local [hbm:s5], s20  }
0xa4: {  	_ =	swait.ge [sflag:s22], s20  }
0xa5: {  	s4 =	ssub.s32 $0x0, s20;
	[sflag:s22] =	ssyncset.done $0x0  }
0xa6: {  	[sflag:s22] =	ssyncadd.s32 s4;
	_ =	sdelay $0x1  }
0xa7: {  	s23 =	simm.s32 $0x1B8B  }
0xa8: {  	_ =	swait.ge [sflag:s23], $0x1  }
0xa9: {  	[sflag:s23] =	ssyncset.done $0x0  }
0xaa: {  	s25 =	simm.s32 $0x1B8E;
	s24 =	sld [smem:$0x3FFE];
	[sflag:s23] =	ssyncadd.s32 $0xFFFFFFFF  }
0xab: {  	s26 =	simm.s32 $execute0_lowered;
	[smem:$0x3FD2] =	sst s25  }
0xac: {  	s5 =	sshll.u32 s26, $0x1;
	_ =	strace $0x80000052;
	[dreg:$0x1] =	wrdreg $0xFFFFFFFF  }
0xad: {  	s28 =	simm.s32 $_size_execute0_lowered;
	s3 =	sadd.s32 s3, s5;
	[dreg:$0x0] =	wrdreg $0x0  }
0xae: {  	s5 =	sshll.u32 s28, $0x1;
	[dreg:$0x2] =	wrdreg s3  }
0xaf: {  	[dreg:$0x3] =	wrdreg s5  }
0xb0: {  	[dreg:$0x4] =	wrdreg $0xC0  }
0xb1: {  	_ =	task [dreg:s7], $0x5FFFF  }
0xb2: {  	[dreg:$0x1] =	wrdreg $0xFFFFFFFF  }
0xb3: {  	[dreg:$0x0] =	wrdreg $0x60  }
0xb4: {  	[dreg:$0x2] =	wrdreg s24  }
0xb5: {  	[dreg:$0x3] =	wrdreg s16  }
0xb6: {  	[dreg:$0x4] =	wrdreg $0xA0000  }
0xb7: {  	[dreg:$0x5] =	wrdreg $0x9  }
0xb8: {  	_ =	task.clear_ibuf [dreg:s7], $0x6FFFF;
	_ =	strace $0x90000052  }
0xb9: {  	s29 =	simm.s32 $0x9;
	_ =	strace $0x80000054  }
0xba: {  	_ =	swait.ge [sflag:s29], $0x1  }
0xbb: {  	[sflag:s29] =	ssyncadd.s32 $0xFFFFFFFF  }
0xbc: {  	_ =	strace $0x90000054  }
0xbd: {  	_ =	sfence  }
0xbe: {  	s30 =	sld [smem:$0x0];
	_ =	sdelay $0x2  }
0xbf: {  	s31 =	sshll.u32 s1, $0xD;
	s1 =	sshrl.u32 s1, $0x2  }
0xc0: {  	s3 =	sand.u32 $0x4000, s31;
	s1 =	sadd.s32 s1, s30  }
0xc1: {  	s0 =	sor.u32 s3, s0;
	s1 =	sshll.u32 s1, $0x11  }
0xc2: {  	s0 =	sor.u32 s1, s0  }
0xc3: {  	s0 =	sadd.s32 $0x8F2B, s0  }
0xc4: {  	[sflag:s0] =	ssyncadd.remote.s32 $0x1  }
0xc5: {  	_ =	sfence.sel $0xFFFF  }
0xc6: {  	[dreg:$0x0] =	wrdreg $0xFFFFFFFF;
	(pc) =	sbr.abs _section_cstart, $3  }
0xc7: {  	[dreg:$0x1] =	wrdreg $0xFFFFFFFF  }
0xc8: {  	_ =	task.clear_ibuf [dreg:s7], $0x2FFFF;
	_ =	strace $0x9FFFFFFF  }
0xc9: {  	(tm) =	ssettm $0x7FFFFFFF  }
tec
execute0_lowered:
.L_overlay_start_1:
0x0: {  	(tag) =	ssettag $0x1  }
0x1: {  	s7 =	rddreg [dreg:$0x0]  }
0x2: {  	s2 =	rddreg [dreg:$0x1]  }
0x3: {  	s3 =	rddreg [dreg:$0x2]  }
0x4: {  	s1 =	stileid.u32;
	s5 =	srdreg.scid;
	s4 =	simm.s32 $0x0  }
0x5: {  	s17 =	simm.s32 $0x2000;
	s18 =	simm.s32 $0x1;
	s19 =	simm.s32 $0x6000  }
0x6: {  	s20 =	simm.s32 $0x2;
	s21 =	simm.s32 $0x0;
	s8 =	smul.u32 $0x14000, s1  }
0x7: {  	s9 =	sand.u32 $0x1, s5;
	[smem:$0x7FF] =	sst s4;
	s13 =	smul.u32 $0x50000, s1  }
0x8: {  	s5 =	sadd.s32 $0x2CA00, s7;
	s6 =	sadd.s32 $0x7D200, s7;
	s29 =	smul.u32 $0x5000, s1  }
0x9: {  	s25 =	sshll.u32 s1, $0x1;
	s30 =	sshll.u32 s1, $0x6;
	s10 =	smul.u32 $0x140000, s9  }
0xa: {  	_ =	strace $0x80000053;
	s12 =	ssub.s32 $0x2, s9;
	s16 =	smul.u32 $0x2800, s9  }
0xb: {  	s11 =	sshrl.u32 s8, $0x3;
	s26 =	sshrl.u32 s12, $0x1;
	s28 =	sshrl.u32 s13, $0x2  }
0xc: {  	s8 =	sadd.s32 s8, s10;
	s24 =	sadd.s32 s11, s7;
	s11 =	sor.u32 s9, s25  }
0xd: {  	s12 =	ssub.s32 s12, s26;
	s15 =	sadd.s32 s28, s3;
	s13 =	sadd.s32 s16, s29  }
0xe: {  	s16 =	simm.s32 $0x80;
	s8 =	sshrl.u32 s8, $0x3;
	s11 =	smul.u32 $0x2800, s11  }
0xf: {  	s12 =	smax.u32 s12, $0x1;
	[dreg:$0x4] =	wrdreg s13;
	s13 =	sshrl.u32 s15, $0x3  }
0x10: {  	s15 =	simm.s32 $0x1000;
	s14 =	sadd.s32 s8, s7;
	s7 =	sadd.s32 $0x4A00, s24  }
0x11: {  	s8 =	sor.u32 $0x1C03, s30;
	s31 =	sshrl.u32 s11, $0x3;
	s11 =	sadd.s32 $0x87200, s14  }
0x12: {  	s14 =	simm.s32 $0x3;
	s9 =	sadd.s32 s6, s31;
	s10 =	sadd.s32 s2, s31  }
.LBB2_1:
0x13: {  	[spmem:s13], [sflag:s8] =	dma.local [hbm:s7], $0x2800  }
0x14: {  	_ =	swait.ge [sflag:s14], $0x2800  }
0x15: {  	[sflag:s14] =	ssyncset.done $0x0  }
0x16: {  	[sflag:s14] =	ssyncadd.s32 $0xFFFFD800  }
0x17: {  	[bflag:$0x0] =	sbarrier.arrive $0xFFFF  }
0x18: {  	[tilespmem:s4], [sflag:$0x3] =	stream.linear.gather [hbm4b:s9+s4], $0x800, $0x38;
	[tilespmem:$0x1E000] =	vst v63  }
0x19: {  	_ =	swait.ge [sflag:s14], $0x800  }
0x1a: {  	[sflag:s14] =	ssyncset.done $0x0  }
0x1b: {  	[sflag:s14] =	ssyncadd.s32 $0xFFFFF800  }
0x1c: {  	[tilespmem:s15], [sflag:$0x3] =	stream.linear.gather [hbm4b:s10+s4], $0x800, $0x38;
	[tilespmem:$0x1E000] =	vst v63  }
0x1d: {  	_ =	swait.ge [sflag:s14], $0x800  }
0x1e: {  	p0 =	por $0x0, $0x0;
	[sflag:s14] =	ssyncset.done $0x0;
	s22 =	rddreg [dreg:$0x4]  }
0x1f: {  	[sflag:s14] =	ssyncadd.s32 $0xFFFFF800;
	s22 =	sadd.s32 @!p0 $0x800, s22  }
0x20: {  	[tilespmem:s17], [sflag:$0x1] =	stream.indirect.gather [hbm4b:s5+s16], $0x80, s4, s16, $0xb8;
	[tilespmem:$0x1E000] =	vst v63  }
0x21: {  	s23 =	simm.s32 $0x800;
	s24 =	simm.s32 @!p0 $0x3;
	s22 =	sshrl.u32 @!p0 s22, $0x3  }
0x22: {  	s23 =	sand.u32 @!p0 $0x800, s23;
	s26 =	simm.s32 @!p0 $0x0;
	s25 =	sadd.s32 @!p0 s6, s22  }
0x23: {  	[tilespmem:s23], [sflag:$0x3] =	stream.linear.gather @!p0 [hbm4b:s25+s26], $0x800, $0x38;
	[tilespmem:$0x1E000] =	vst v63  }
0x24: {  	_ =	swait.ge @!p0 [sflag:s24], $0x800  }
0x25: {  	[sflag:s24] =	ssyncset.done @!p0 $0x0  }
0x26: {  	s22 =	sadd.s32 @!p0 s2, s22;
	s23 =	sor.u32 @!p0 $0x1000, s23;
	[sflag:s24] =	ssyncadd.s32 @!p0 $0xFFFFF800  }
0x27: {  	[tilespmem:s23], [sflag:$0x3] =	stream.linear.gather @!p0 [hbm4b:s22+s26], $0x800, $0x38;
	[tilespmem:$0x1E000] =	vst v63  }
0x28: {  	_ =	swait.ge @!p0 [sflag:s24], $0x800  }
0x29: {  	[sflag:s24] =	ssyncset.done @!p0 $0x0  }
0x2a: {  	[sflag:s24] =	ssyncadd.s32 @!p0 $0xFFFFF800  }
0x2b: {  	s24 =	simm.s32 $0x0;
	_ =	swait.ge [sflag:s18], $0x4000  }
0x2c: {  	s22 =	sand.u32 $0x800, s24;
	[sflag:s18] =	ssyncset.done $0x0  }
0x2d: {  	s25 =	sor.u32 $0x1000, s22;
	[sflag:s18] =	ssyncadd.s32 $0xFFFFC000  }
0x2e: {  	[spmem:s3] =	stream.indirect.scatter.add.f32 [tilespmem:s17], [sflag:$0x2], $0x80, s25, s16, $0xb8;
	[tilespmem:$0x1E000] =	vst v63  }
0x2f: {  	s26 =	sor.u32 $0x80, s22  }
0x30: {  	[tilespmem:s19], [sflag:$0x1] =	stream.indirect.gather [hbm4b:s5+s16], $0x80, s26, s16, $0xb8;
	[tilespmem:$0x1E000] =	vst v63  }
0x31: {  	_ =	swait.ge [sflag:s20], $0x4000  }
0x32: {  	[sflag:s20] =	ssyncset.done $0x0  }
0x33: {  	[sflag:s20] =	ssyncadd.s32 $0xFFFFC000  }
0x34: {  	_ =	swait.ge [sflag:s18], $0x4000  }
0x35: {  	[sflag:s18] =	ssyncset.done $0x0  }
0x36: {  	s28 =	sor.u32 $0x1080, s22;
	[sflag:s18] =	ssyncadd.s32 $0xFFFFC000  }
0x37: {  	[spmem:s3] =	stream.indirect.scatter.add.f32 [tilespmem:s19], [sflag:$0x2], $0x80, s28, s16, $0xb8;
	[tilespmem:$0x1E000] =	vst v63  }
0x38: {  	s29 =	sor.u32 $0x100, s22  }
0x39: {  	[tilespmem:s17], [sflag:$0x1] =	stream.indirect.gather [hbm4b:s5+s16], $0x80, s29, s16, $0xb8;
	[tilespmem:$0x1E000] =	vst v63  }
0x3a: {  	_ =	swait.ge [sflag:s20], $0x4000  }
0x3b: {  	[sflag:s20] =	ssyncset.done $0x0  }
0x3c: {  	[sflag:s20] =	ssyncadd.s32 $0xFFFFC000  }
0x3d: {  	_ =	swait.ge [sflag:s18], $0x4000  }
0x3e: {  	[sflag:s18] =	ssyncset.done $0x0  }
0x3f: {  	s30 =	sor.u32 $0x1100, s22;
	[sflag:s18] =	ssyncadd.s32 $0xFFFFC000  }
0x40: {  	[spmem:s3] =	stream.indirect.scatter.add.f32 [tilespmem:s17], [sflag:$0x2], $0x80, s30, s16, $0xb8;
	[tilespmem:$0x1E000] =	vst v63  }
0x41: {  	s31 =	sor.u32 $0x180, s22  }
0x42: {  	[tilespmem:s19], [sflag:$0x1] =	stream.indirect.gather [hbm4b:s5+s16], $0x80, s31, s16, $0xb8;
	[tilespmem:$0x1E000] =	vst v63  }
0x43: {  	_ =	swait.ge [sflag:s20], $0x4000  }
0x44: {  	[sflag:s20] =	ssyncset.done $0x0  }
0x45: {  	[sflag:s20] =	ssyncadd.s32 $0xFFFFC000  }
0x46: {  	_ =	swait.ge [sflag:s18], $0x4000  }
0x47: {  	[sflag:s18] =	ssyncset.done $0x0  }
0x48: {  	s0 =	sor.u32 $0x1180, s22;
	[sflag:s18] =	ssyncadd.s32 $0xFFFFC000  }
0x49: {  	[spmem:s3] =	stream.indirect.scatter.add.f32 [tilespmem:s19], [sflag:$0x2], $0x80, s0, s16, $0xb8;
	[tilespmem:$0x1E000] =	vst v63  }
0x4a: {  	s24 =	sor.u32 $0x200, s22  }
0x4b: {  	[tilespmem:s17], [sflag:$0x1] =	stream.indirect.gather [hbm4b:s5+s16], $0x80, s24, s16, $0xb8;
	[tilespmem:$0x1E000] =	vst v63  }
0x4c: {  	_ =	swait.ge [sflag:s20], $0x4000  }
0x4d: {  	[sflag:s20] =	ssyncset.done $0x0  }
0x4e: {  	[sflag:s20] =	ssyncadd.s32 $0xFFFFC000  }
0x4f: {  	_ =	swait.ge [sflag:s18], $0x4000  }
0x50: {  	[sflag:s18] =	ssyncset.done $0x0  }
0x51: {  	s25 =	sor.u32 $0x1200, s22;
	[sflag:s18] =	ssyncadd.s32 $0xFFFFC000  }
0x52: {  	[spmem:s3] =	stream.indirect.scatter.add.f32 [tilespmem:s17], [sflag:$0x2], $0x80, s25, s16, $0xb8;
	[tilespmem:$0x1E000] =	vst v63  }
0x53: {  	s26 =	sor.u32 $0x280, s22  }
0x54: {  	[tilespmem:s19], [sflag:$0x1] =	stream.indirect.gather [hbm4b:s5+s16], $0x80, s26, s16, $0xb8;
	[tilespmem:$0x1E000] =	vst v63  }
0x55: {  	_ =	swait.ge [sflag:s20], $0x4000  }
0x56: {  	[sflag:s20] =	ssyncset.done $0x0  }
0x57: {  	[sflag:s20] =	ssyncadd.s32 $0xFFFFC000  }
0x58: {  	_ =	swait.ge [sflag:s18], $0x4000  }
0x59: {  	[sflag:s18] =	ssyncset.done $0x0  }
0x5a: {  	s28 =	sor.u32 $0x1280, s22;
	[sflag:s18] =	ssyncadd.s32 $0xFFFFC000  }
0x5b: {  	[spmem:s3] =	stream.indirect.scatter.add.f32 [tilespmem:s19], [sflag:$0x2], $0x80, s28, s16, $0xb8;
	[tilespmem:$0x1E000] =	vst v63  }
0x5c: {  	s29 =	sor.u32 $0x300, s22  }
0x5d: {  	[tilespmem:s17], [sflag:$0x1] =	stream.indirect.gather [hbm4b:s5+s16], $0x80, s29, s16, $0xb8;
	[tilespmem:$0x1E000] =	vst v63  }
0x5e: {  	_ =	swait.ge [sflag:s20], $0x4000  }
0x5f: {  	[sflag:s20] =	ssyncset.done $0x0  }
0x60: {  	[sflag:s20] =	ssyncadd.s32 $0xFFFFC000  }
0x61: {  	_ =	swait.ge [sflag:s18], $0x4000  }
0x62: {  	[sflag:s18] =	ssyncset.done $0x0  }
0x63: {  	s30 =	sor.u32 $0x1300, s22;
	[sflag:s18] =	ssyncadd.s32 $0xFFFFC000  }
0x64: {  	[spmem:s3] =	stream.indirect.scatter.add.f32 [tilespmem:s17], [sflag:$0x2], $0x80, s30, s16, $0xb8;
	[tilespmem:$0x1E000] =	vst v63  }
0x65: {  	s31 =	sor.u32 $0x380, s22  }
0x66: {  	[tilespmem:s19], [sflag:$0x1] =	stream.indirect.gather [hbm4b:s5+s16], $0x80, s31, s16, $0xb8;
	[tilespmem:$0x1E000] =	vst v63  }
0x67: {  	_ =	swait.ge [sflag:s20], $0x4000  }
0x68: {  	[sflag:s20] =	ssyncset.done $0x0  }
0x69: {  	[sflag:s20] =	ssyncadd.s32 $0xFFFFC000  }
0x6a: {  	_ =	swait.ge [sflag:s18], $0x4000  }
0x6b: {  	[sflag:s18] =	ssyncset.done $0x0  }
0x6c: {  	s0 =	sor.u32 $0x1380, s22;
	[sflag:s18] =	ssyncadd.s32 $0xFFFFC000  }
0x6d: {  	[spmem:s3] =	stream.indirect.scatter.add.f32 [tilespmem:s19], [sflag:$0x2], $0x80, s0, s16, $0xb8;
	[tilespmem:$0x1E000] =	vst v63  }
0x6e: {  	s24 =	sor.u32 $0x400, s22  }
0x6f: {  	[tilespmem:s17], [sflag:$0x1] =	stream.indirect.gather [hbm4b:s5+s16], $0x80, s24, s16, $0xb8;
	[tilespmem:$0x1E000] =	vst v63  }
0x70: {  	_ =	swait.ge [sflag:s20], $0x4000  }
0x71: {  	[sflag:s20] =	ssyncset.done $0x0  }
0x72: {  	[sflag:s20] =	ssyncadd.s32 $0xFFFFC000  }
0x73: {  	_ =	swait.ge [sflag:s18], $0x4000  }
0x74: {  	[sflag:s18] =	ssyncset.done $0x0  }
0x75: {  	s25 =	sor.u32 $0x1400, s22;
	[sflag:s18] =	ssyncadd.s32 $0xFFFFC000  }
0x76: {  	[spmem:s3] =	stream.indirect.scatter.add.f32 [tilespmem:s17], [sflag:$0x2], $0x80, s25, s16, $0xb8;
	[tilespmem:$0x1E000] =	vst v63  }
0x77: {  	s26 =	sor.u32 $0x480, s22  }
0x78: {  	[tilespmem:s19], [sflag:$0x1] =	stream.indirect.gather [hbm4b:s5+s16], $0x80, s26, s16, $0xb8;
	[tilespmem:$0x1E000] =	vst v63  }
0x79: {  	_ =	swait.ge [sflag:s20], $0x4000  }
0x7a: {  	[sflag:s20] =	ssyncset.done $0x0  }
0x7b: {  	[sflag:s20] =	ssyncadd.s32 $0xFFFFC000  }
0x7c: {  	_ =	swait.ge [sflag:s18], $0x4000  }
0x7d: {  	[sflag:s18] =	ssyncset.done $0x0  }
0x7e: {  	s28 =	sor.u32 $0x1480, s22;
	[sflag:s18] =	ssyncadd.s32 $0xFFFFC000  }
0x7f: {  	[spmem:s3] =	stream.indirect.scatter.add.f32 [tilespmem:s19], [sflag:$0x2], $0x80, s28, s16, $0xb8;
	[tilespmem:$0x1E000] =	vst v63  }
0x80: {  	s29 =	sor.u32 $0x500, s22  }
0x81: {  	[tilespmem:s17], [sflag:$0x1] =	stream.indirect.gather [hbm4b:s5+s16], $0x80, s29, s16, $0xb8;
	[tilespmem:$0x1E000] =	vst v63  }
0x82: {  	_ =	swait.ge [sflag:s20], $0x4000  }
0x83: {  	[sflag:s20] =	ssyncset.done $0x0  }
0x84: {  	[sflag:s20] =	ssyncadd.s32 $0xFFFFC000  }
0x85: {  	_ =	swait.ge [sflag:s18], $0x4000  }
0x86: {  	[sflag:s18] =	ssyncset.done $0x0  }
0x87: {  	s30 =	sor.u32 $0x1500, s22;
	[sflag:s18] =	ssyncadd.s32 $0xFFFFC000  }
0x88: {  	[spmem:s3] =	stream.indirect.scatter.add.f32 [tilespmem:s17], [sflag:$0x2], $0x80, s30, s16, $0xb8;
	[tilespmem:$0x1E000] =	vst v63  }
0x89: {  	s31 =	sor.u32 $0x580, s22  }
0x8a: {  	[tilespmem:s19], [sflag:$0x1] =	stream.indirect.gather [hbm4b:s5+s16], $0x80, s31, s16, $0xb8;
	[tilespmem:$0x1E000] =	vst v63  }
0x8b: {  	_ =	swait.ge [sflag:s20], $0x4000  }
0x8c: {  	[sflag:s20] =	ssyncset.done $0x0  }
0x8d: {  	[sflag:s20] =	ssyncadd.s32 $0xFFFFC000  }
0x8e: {  	_ =	swait.ge [sflag:s18], $0x4000  }
0x8f: {  	[sflag:s18] =	ssyncset.done $0x0  }
0x90: {  	s0 =	sor.u32 $0x1580, s22;
	[sflag:s18] =	ssyncadd.s32 $0xFFFFC000  }
0x91: {  	[spmem:s3] =	stream.indirect.scatter.add.f32 [tilespmem:s19], [sflag:$0x2], $0x80, s0, s16, $0xb8;
	[tilespmem:$0x1E000] =	vst v63  }
0x92: {  	s24 =	sor.u32 $0x600, s22  }
0x93: {  	[tilespmem:s17], [sflag:$0x1] =	stream.indirect.gather [hbm4b:s5+s16], $0x80, s24, s16, $0xb8;
	[tilespmem:$0x1E000] =	vst v63  }
0x94: {  	_ =	swait.ge [sflag:s20], $0x4000  }
0x95: {  	[sflag:s20] =	ssyncset.done $0x0  }
0x96: {  	[sflag:s20] =	ssyncadd.s32 $0xFFFFC000  }
0x97: {  	_ =	swait.ge [sflag:s18], $0x4000  }
0x98: {  	[sflag:s18] =	ssyncset.done $0x0  }
0x99: {  	s25 =	sor.u32 $0x1600, s22;
	[sflag:s18] =	ssyncadd.s32 $0xFFFFC000  }
0x9a: {  	[spmem:s3] =	stream.indirect.scatter.add.f32 [tilespmem:s17], [sflag:$0x2], $0x80, s25, s16, $0xb8;
	[tilespmem:$0x1E000] =	vst v63  }
0x9b: {  	s26 =	sor.u32 $0x680, s22  }
0x9c: {  	[tilespmem:s19], [sflag:$0x1] =	stream.indirect.gather [hbm4b:s5+s16], $0x80, s26, s16, $0xb8;
	[tilespmem:$0x1E000] =	vst v63  }
0x9d: {  	_ =	swait.ge [sflag:s20], $0x4000  }
0x9e: {  	[sflag:s20] =	ssyncset.done $0x0  }
0x9f: {  	[sflag:s20] =	ssyncadd.s32 $0xFFFFC000  }
0xa0: {  	_ =	swait.ge [sflag:s18], $0x4000  }
0xa1: {  	[sflag:s18] =	ssyncset.done $0x0  }
0xa2: {  	s28 =	sor.u32 $0x1680, s22;
	[sflag:s18] =	ssyncadd.s32 $0xFFFFC000  }
0xa3: {  	[spmem:s3] =	stream.indirect.scatter.add.f32 [tilespmem:s19], [sflag:$0x2], $0x80, s28, s16, $0xb8;
	[tilespmem:$0x1E000] =	vst v63  }
0xa4: {  	s29 =	sor.u32 $0x700, s22  }
0xa5: {  	[tilespmem:s17], [sflag:$0x1] =	stream.indirect.gather [hbm4b:s5+s16], $0x80, s29, s16, $0xb8;
	[tilespmem:$0x1E000] =	vst v63  }
0xa6: {  	_ =	swait.ge [sflag:s20], $0x4000  }
0xa7: {  	[sflag:s20] =	ssyncset.done $0x0  }
0xa8: {  	[sflag:s20] =	ssyncadd.s32 $0xFFFFC000  }
0xa9: {  	_ =	swait.ge [sflag:s18], $0x4000  }
0xaa: {  	[sflag:s18] =	ssyncset.done $0x0  }
0xab: {  	s30 =	sor.u32 $0x1700, s22;
	[sflag:s18] =	ssyncadd.s32 $0xFFFFC000  }
0xac: {  	[spmem:s3] =	stream.indirect.scatter.add.f32 [tilespmem:s17], [sflag:$0x2], $0x80, s30, s16, $0xb8;
	[tilespmem:$0x1E000] =	vst v63  }
0xad: {  	s31 =	sor.u32 $0x780, s22  }
0xae: {  	[tilespmem:s19], [sflag:$0x1] =	stream.indirect.gather [hbm4b:s5+s16], $0x80, s31, s16, $0xb8;
	[tilespmem:$0x1E000] =	vst v63  }
0xaf: {  	_ =	swait.ge [sflag:s20], $0x4000  }
0xb0: {  	[sflag:s20] =	ssyncset.done $0x0  }
0xb1: {  	[sflag:s20] =	ssyncadd.s32 $0xFFFFC000  }
0xb2: {  	_ =	swait.ge [sflag:s18], $0x4000  }
0xb3: {  	p0 =	por $0x0, $0x0;
	[sflag:s18] =	ssyncset.done $0x0  }
0xb4: {  	s23 =	sxor.u32 @!p0 $0xFFFFFFFF, s4;
	s22 =	sor.u32 $0x1780, s22;
	[sflag:s18] =	ssyncadd.s32 $0xFFFFC000  }
0xb5: {  	[spmem:s3] =	stream.indirect.scatter.add.f32 [tilespmem:s19], [sflag:$0x2], $0x80, s22, s16, $0xb8;
	[tilespmem:$0x1E000] =	vst v63  }
0xb6: {  	s22 =	sand.u32 @!p0 $0x2000, s23  }
0xb7: {  	s24 =	simm.s32 @!p0 $0x2000;
	s23 =	simm.s32 @!p0 $0x80;
	s22 =	sshrl.u32 @!p0 s22, $0x2  }
0xb8: {  	[tilespmem:s24], [sflag:$0x1] =	stream.indirect.gather @!p0 [hbm4b:s5+s23], $0x80, s22, s23, $0xb8;
	[tilespmem:$0x1E000] =	vst v63  }
0xb9: {  	s25 =	simm.s32 $0x4000;
	s23 =	simm.s32 $0x2000  }
0xba: {  	s24 =	simm.s32 $0x1000;
	s22 =	simm.s32 $0x1;
	_ =	swait.ge [sflag:s20], $0x4000  }
.LBB2_2:
0xbb: {  	s28 =	rddreg [dreg:$0x4];
	p1 =	seq.s32 s23, $0x8000  }
0xbc: {  	[sflag:s20] =	ssyncset.done $0x0;
	s28 =	sadd.s32 @!p1 s24, s28  }
0xbd: {  	[sflag:s20] =	ssyncadd.s32 $0xFFFFC000;
	s29 =	simm.s32 @!p1 $0x3;
	s28 =	sshrl.u32 @!p1 s28, $0x3  }
0xbe: {  	s30 =	sand.u32 @!p1 $0x800, s24;
	s0 =	simm.s32 @!p1 $0x0;
	s31 =	sadd.s32 @!p1 s6, s28  }
0xbf: {  	[tilespmem:s30], [sflag:$0x3] =	stream.linear.gather @!p1 [hbm4b:s31+s0], $0x800, $0x38;
	[tilespmem:$0x1E000] =	vst v63  }
0xc0: {  	_ =	swait.ge @!p1 [sflag:s29], $0x800  }
0xc1: {  	[sflag:s29] =	ssyncset.done @!p1 $0x0  }
0xc2: {  	s28 =	sadd.s32 @!p1 s2, s28;
	s30 =	sor.u32 @!p1 $0x1000, s30;
	[sflag:s29] =	ssyncadd.s32 @!p1 $0xFFFFF800  }
0xc3: {  	[tilespmem:s30], [sflag:$0x3] =	stream.linear.gather @!p1 [hbm4b:s28+s0], $0x800, $0x38;
	[tilespmem:$0x1E000] =	vst v63  }
0xc4: {  	_ =	swait.ge @!p1 [sflag:s29], $0x800  }
0xc5: {  	[sflag:s29] =	ssyncset.done @!p1 $0x0  }
0xc6: {  	[sflag:s29] =	ssyncadd.s32 @!p1 $0xFFFFF800  }
0xc7: {  	s28 =	sshrl.u32 s23, $0x2;
	_ =	swait.ge [sflag:s18], $0x4000  }
0xc8: {  	s28 =	sand.u32 $0x800, s28;
	[sflag:s18] =	ssyncset.done $0x0  }
0xc9: {  	s0 =	sor.u32 $0x1000, s28;
	[sflag:s18] =	ssyncadd.s32 $0xFFFFC000  }
0xca: {  	[spmem:s3] =	stream.indirect.scatter.add.f32 [tilespmem:s17], [sflag:$0x2], $0x80, s0, s16, $0xb8;
	[tilespmem:$0x1E000] =	vst v63  }
0xcb: {  	s29 =	sor.u32 $0x80, s28  }
0xcc: {  	[tilespmem:s19], [sflag:$0x1] =	stream.indirect.gather [hbm4b:s5+s16], $0x80, s29, s16, $0xb8;
	[tilespmem:$0x1E000] =	vst v63  }
0xcd: {  	_ =	swait.ge [sflag:s20], $0x4000  }
0xce: {  	[sflag:s20] =	ssyncset.done $0x0  }
0xcf: {  	[sflag:s20] =	ssyncadd.s32 $0xFFFFC000  }
0xd0: {  	_ =	swait.ge [sflag:s18], $0x4000  }
0xd1: {  	[sflag:s18] =	ssyncset.done $0x0  }
0xd2: {  	s30 =	sor.u32 $0x1080, s28;
	[sflag:s18] =	ssyncadd.s32 $0xFFFFC000  }
0xd3: {  	[spmem:s3] =	stream.indirect.scatter.add.f32 [tilespmem:s19], [sflag:$0x2], $0x80, s30, s16, $0xb8;
	[tilespmem:$0x1E000] =	vst v63  }
0xd4: {  	s31 =	sor.u32 $0x100, s28  }
0xd5: {  	[tilespmem:s17], [sflag:$0x1] =	stream.indirect.gather [hbm4b:s5+s16], $0x80, s31, s16, $0xb8;
	[tilespmem:$0x1E000] =	vst v63  }
0xd6: {  	_ =	swait.ge [sflag:s20], $0x4000  }
0xd7: {  	[sflag:s20] =	ssyncset.done $0x0  }
0xd8: {  	[sflag:s20] =	ssyncadd.s32 $0xFFFFC000  }
0xd9: {  	_ =	swait.ge [sflag:s18], $0x4000  }
0xda: {  	[sflag:s18] =	ssyncset.done $0x0  }
0xdb: {  	s29 =	sor.u32 $0x1100, s28;
	[sflag:s18] =	ssyncadd.s32 $0xFFFFC000  }
0xdc: {  	[spmem:s3] =	stream.indirect.scatter.add.f32 [tilespmem:s17], [sflag:$0x2], $0x80, s29, s16, $0xb8;
	[tilespmem:$0x1E000] =	vst v63  }
0xdd: {  	s30 =	sor.u32 $0x180, s28  }
0xde: {  	[tilespmem:s19], [sflag:$0x1] =	stream.indirect.gather [hbm4b:s5+s16], $0x80, s30, s16, $0xb8;
	[tilespmem:$0x1E000] =	vst v63  }
0xdf: {  	_ =	swait.ge [sflag:s20], $0x4000  }
0xe0: {  	[sflag:s20] =	ssyncset.done $0x0  }
0xe1: {  	[sflag:s20] =	ssyncadd.s32 $0xFFFFC000  }
0xe2: {  	_ =	swait.ge [sflag:s18], $0x4000  }
0xe3: {  	[sflag:s18] =	ssyncset.done $0x0  }
0xe4: {  	s31 =	sor.u32 $0x1180, s28;
	[sflag:s18] =	ssyncadd.s32 $0xFFFFC000  }
0xe5: {  	[spmem:s3] =	stream.indirect.scatter.add.f32 [tilespmem:s19], [sflag:$0x2], $0x80, s31, s16, $0xb8;
	[tilespmem:$0x1E000] =	vst v63  }
0xe6: {  	s29 =	sor.u32 $0x200, s28  }
0xe7: {  	[tilespmem:s17], [sflag:$0x1] =	stream.indirect.gather [hbm4b:s5+s16], $0x80, s29, s16, $0xb8;
	[tilespmem:$0x1E000] =	vst v63  }
0xe8: {  	_ =	swait.ge [sflag:s20], $0x4000  }
0xe9: {  	[sflag:s20] =	ssyncset.done $0x0  }
0xea: {  	[sflag:s20] =	ssyncadd.s32 $0xFFFFC000  }
0xeb: {  	_ =	swait.ge [sflag:s18], $0x4000  }
0xec: {  	[sflag:s18] =	ssyncset.done $0x0  }
0xed: {  	s30 =	sor.u32 $0x1200, s28;
	[sflag:s18] =	ssyncadd.s32 $0xFFFFC000  }
0xee: {  	[spmem:s3] =	stream.indirect.scatter.add.f32 [tilespmem:s17], [sflag:$0x2], $0x80, s30, s16, $0xb8;
	[tilespmem:$0x1E000] =	vst v63  }
0xef: {  	s31 =	sor.u32 $0x280, s28  }
0xf0: {  	[tilespmem:s19], [sflag:$0x1] =	stream.indirect.gather [hbm4b:s5+s16], $0x80, s31, s16, $0xb8;
	[tilespmem:$0x1E000] =	vst v63  }
0xf1: {  	_ =	swait.ge [sflag:s20], $0x4000  }
0xf2: {  	[sflag:s20] =	ssyncset.done $0x0  }
0xf3: {  	[sflag:s20] =	ssyncadd.s32 $0xFFFFC000  }
0xf4: {  	_ =	swait.ge [sflag:s18], $0x4000  }
0xf5: {  	[sflag:s18] =	ssyncset.done $0x0  }
0xf6: {  	s29 =	sor.u32 $0x1280, s28;
	[sflag:s18] =	ssyncadd.s32 $0xFFFFC000  }
0xf7: {  	[spmem:s3] =	stream.indirect.scatter.add.f32 [tilespmem:s19], [sflag:$0x2], $0x80, s29, s16, $0xb8;
	[tilespmem:$0x1E000] =	vst v63  }
0xf8: {  	s30 =	sor.u32 $0x300, s28  }
0xf9: {  	[tilespmem:s17], [sflag:$0x1] =	stream.indirect.gather [hbm4b:s5+s16], $0x80, s30, s16, $0xb8;
	[tilespmem:$0x1E000] =	vst v63  }
0xfa: {  	_ =	swait.ge [sflag:s20], $0x4000  }
0xfb: {  	[sflag:s20] =	ssyncset.done $0x0  }
0xfc: {  	[sflag:s20] =	ssyncadd.s32 $0xFFFFC000  }
0xfd: {  	_ =	swait.ge [sflag:s18], $0x4000  }
0xfe: {  	[sflag:s18] =	ssyncset.done $0x0  }
0xff: {  	s31 =	sor.u32 $0x1300, s28;
	[sflag:s18] =	ssyncadd.s32 $0xFFFFC000  }
0x100: {  	[spmem:s3] =	stream.indirect.scatter.add.f32 [tilespmem:s17], [sflag:$0x2], $0x80, s31, s16, $0xb8;
	[tilespmem:$0x1E000] =	vst v63  }
0x101: {  	s29 =	sor.u32 $0x380, s28  }
0x102: {  	[tilespmem:s19], [sflag:$0x1] =	stream.indirect.gather [hbm4b:s5+s16], $0x80, s29, s16, $0xb8;
	[tilespmem:$0x1E000] =	vst v63  }
0x103: {  	_ =	swait.ge [sflag:s20], $0x4000  }
0x104: {  	[sflag:s20] =	ssyncset.done $0x0  }
0x105: {  	[sflag:s20] =	ssyncadd.s32 $0xFFFFC000  }
0x106: {  	_ =	swait.ge [sflag:s18], $0x4000  }
0x107: {  	[sflag:s18] =	ssyncset.done $0x0  }
0x108: {  	s30 =	sor.u32 $0x1380, s28;
	[sflag:s18] =	ssyncadd.s32 $0xFFFFC000  }
0x109: {  	[spmem:s3] =	stream.indirect.scatter.add.f32 [tilespmem:s19], [sflag:$0x2], $0x80, s30, s16, $0xb8;
	[tilespmem:$0x1E000] =	vst v63  }
0x10a: {  	s31 =	sor.u32 $0x400, s28  }
0x10b: {  	[tilespmem:s17], [sflag:$0x1] =	stream.indirect.gather [hbm4b:s5+s16], $0x80, s31, s16, $0xb8;
	[tilespmem:$0x1E000] =	vst v63  }
0x10c: {  	_ =	swait.ge [sflag:s20], $0x4000  }
0x10d: {  	[sflag:s20] =	ssyncset.done $0x0  }
0x10e: {  	[sflag:s20] =	ssyncadd.s32 $0xFFFFC000  }
0x10f: {  	_ =	swait.ge [sflag:s18], $0x4000  }
0x110: {  	[sflag:s18] =	ssyncset.done $0x0  }
0x111: {  	s29 =	sor.u32 $0x1400, s28;
	[sflag:s18] =	ssyncadd.s32 $0xFFFFC000  }
0x112: {  	[spmem:s3] =	stream.indirect.scatter.add.f32 [tilespmem:s17], [sflag:$0x2], $0x80, s29, s16, $0xb8;
	[tilespmem:$0x1E000] =	vst v63  }
0x113: {  	s30 =	sor.u32 $0x480, s28  }
0x114: {  	[tilespmem:s19], [sflag:$0x1] =	stream.indirect.gather [hbm4b:s5+s16], $0x80, s30, s16, $0xb8;
	[tilespmem:$0x1E000] =	vst v63  }
0x115: {  	_ =	swait.ge [sflag:s20], $0x4000  }
0x116: {  	[sflag:s20] =	ssyncset.done $0x0  }
0x117: {  	[sflag:s20] =	ssyncadd.s32 $0xFFFFC000  }
0x118: {  	_ =	swait.ge [sflag:s18], $0x4000  }
0x119: {  	[sflag:s18] =	ssyncset.done $0x0  }
0x11a: {  	s31 =	sor.u32 $0x1480, s28;
	[sflag:s18] =	ssyncadd.s32 $0xFFFFC000  }
0x11b: {  	[spmem:s3] =	stream.indirect.scatter.add.f32 [tilespmem:s19], [sflag:$0x2], $0x80, s31, s16, $0xb8;
	[tilespmem:$0x1E000] =	vst v63  }
0x11c: {  	s29 =	sor.u32 $0x500, s28  }
0x11d: {  	[tilespmem:s17], [sflag:$0x1] =	stream.indirect.gather [hbm4b:s5+s16], $0x80, s29, s16, $0xb8;
	[tilespmem:$0x1E000] =	vst v63  }
0x11e: {  	_ =	swait.ge [sflag:s20], $0x4000  }
0x11f: {  	[sflag:s20] =	ssyncset.done $0x0  }
0x120: {  	[sflag:s20] =	ssyncadd.s32 $0xFFFFC000  }
0x121: {  	_ =	swait.ge [sflag:s18], $0x4000  }
0x122: {  	[sflag:s18] =	ssyncset.done $0x0  }
0x123: {  	s30 =	sor.u32 $0x1500, s28;
	[sflag:s18] =	ssyncadd.s32 $0xFFFFC000  }
0x124: {  	[spmem:s3] =	stream.indirect.scatter.add.f32 [tilespmem:s17], [sflag:$0x2], $0x80, s30, s16, $0xb8;
	[tilespmem:$0x1E000] =	vst v63  }
0x125: {  	s31 =	sor.u32 $0x580, s28  }
0x126: {  	[tilespmem:s19], [sflag:$0x1] =	stream.indirect.gather [hbm4b:s5+s16], $0x80, s31, s16, $0xb8;
	[tilespmem:$0x1E000] =	vst v63  }
0x127: {  	_ =	swait.ge [sflag:s20], $0x4000  }
0x128: {  	[sflag:s20] =	ssyncset.done $0x0  }
0x129: {  	[sflag:s20] =	ssyncadd.s32 $0xFFFFC000  }
0x12a: {  	_ =	swait.ge [sflag:s18], $0x4000  }
0x12b: {  	[sflag:s18] =	ssyncset.done $0x0  }
0x12c: {  	s29 =	sor.u32 $0x1580, s28;
	[sflag:s18] =	ssyncadd.s32 $0xFFFFC000  }
0x12d: {  	[spmem:s3] =	stream.indirect.scatter.add.f32 [tilespmem:s19], [sflag:$0x2], $0x80, s29, s16, $0xb8;
	[tilespmem:$0x1E000] =	vst v63  }
0x12e: {  	s30 =	sor.u32 $0x600, s28  }
0x12f: {  	[tilespmem:s17], [sflag:$0x1] =	stream.indirect.gather [hbm4b:s5+s16], $0x80, s30, s16, $0xb8;
	[tilespmem:$0x1E000] =	vst v63  }
0x130: {  	_ =	swait.ge [sflag:s20], $0x4000  }
0x131: {  	[sflag:s20] =	ssyncset.done $0x0  }
0x132: {  	[sflag:s20] =	ssyncadd.s32 $0xFFFFC000  }
0x133: {  	_ =	swait.ge [sflag:s18], $0x4000  }
0x134: {  	[sflag:s18] =	ssyncset.done $0x0  }
0x135: {  	s31 =	sor.u32 $0x1600, s28;
	[sflag:s18] =	ssyncadd.s32 $0xFFFFC000  }
0x136: {  	[spmem:s3] =	stream.indirect.scatter.add.f32 [tilespmem:s17], [sflag:$0x2], $0x80, s31, s16, $0xb8;
	[tilespmem:$0x1E000] =	vst v63  }
0x137: {  	s29 =	sor.u32 $0x680, s28  }
0x138: {  	[tilespmem:s19], [sflag:$0x1] =	stream.indirect.gather [hbm4b:s5+s16], $0x80, s29, s16, $0xb8;
	[tilespmem:$0x1E000] =	vst v63  }
0x139: {  	_ =	swait.ge [sflag:s20], $0x4000  }
0x13a: {  	[sflag:s20] =	ssyncset.done $0x0  }
0x13b: {  	[sflag:s20] =	ssyncadd.s32 $0xFFFFC000  }
0x13c: {  	_ =	swait.ge [sflag:s18], $0x4000  }
0x13d: {  	[sflag:s18] =	ssyncset.done $0x0  }
0x13e: {  	s30 =	sor.u32 $0x1680, s28;
	[sflag:s18] =	ssyncadd.s32 $0xFFFFC000  }
0x13f: {  	[spmem:s3] =	stream.indirect.scatter.add.f32 [tilespmem:s19], [sflag:$0x2], $0x80, s30, s16, $0xb8;
	[tilespmem:$0x1E000] =	vst v63  }
0x140: {  	s31 =	sor.u32 $0x700, s28  }
0x141: {  	[tilespmem:s17], [sflag:$0x1] =	stream.indirect.gather [hbm4b:s5+s16], $0x80, s31, s16, $0xb8;
	[tilespmem:$0x1E000] =	vst v63  }
0x142: {  	_ =	swait.ge [sflag:s20], $0x4000  }
0x143: {  	[sflag:s20] =	ssyncset.done $0x0  }
0x144: {  	[sflag:s20] =	ssyncadd.s32 $0xFFFFC000  }
0x145: {  	_ =	swait.ge [sflag:s18], $0x4000  }
0x146: {  	[sflag:s18] =	ssyncset.done $0x0  }
0x147: {  	s29 =	sor.u32 $0x1700, s28;
	[sflag:s18] =	ssyncadd.s32 $0xFFFFC000  }
0x148: {  	[spmem:s3] =	stream.indirect.scatter.add.f32 [tilespmem:s17], [sflag:$0x2], $0x80, s29, s16, $0xb8;
	[tilespmem:$0x1E000] =	vst v63  }
0x149: {  	s30 =	sor.u32 $0x780, s28  }
0x14a: {  	[tilespmem:s19], [sflag:$0x1] =	stream.indirect.gather [hbm4b:s5+s16], $0x80, s30, s16, $0xb8;
	[tilespmem:$0x1E000] =	vst v63  }
0x14b: {  	_ =	swait.ge [sflag:s20], $0x4000  }
0x14c: {  	s26 =	smov.u32 s25;
	[sflag:s20] =	ssyncset.done $0x0  }
0x14d: {  	s25 =	sadd.s32 $0x2000, s25;
	p1 =	sgt.u32 s22, $0x3;
	[sflag:s20] =	ssyncadd.s32 $0xFFFFC000  }
0x14e: {  	p0 =	sne.s32 s25, $0xA000;
	s23 =	sxor.u32 @!p1 $0xFFFFFFFF, s23;
	_ =	swait.ge [sflag:s18], $0x4000  }
0x14f: {  	s24 =	sadd.s32 $0x800, s24;
	s0 =	sand.u32 @!p1 $0x2000, s23;
	[sflag:s18] =	ssyncset.done $0x0  }
.Ltmp0:
0x150: {  	s31 =	sor.u32 $0x1780, s28;
	[sflag:s18] =	ssyncadd.s32 $0xFFFFC000;
	(pc) =	sbr.rel @p0 .LBB2_2-.Ltmp0, $4  }
0x151: {  	[spmem:s3] =	stream.indirect.scatter.add.f32 [tilespmem:s19], [sflag:$0x2], $0x80, s31, s16, $0xb8;
	[tilespmem:$0x1E000] =	vst v63  }
0x152: {  	s0 =	sshrl.u32 @!p1 s0, $0x2;
	s28 =	simm.s32 @!p1 $0x80;
	s29 =	simm.s32 @!p1 $0x2000  }
0x153: {  	[tilespmem:s29], [sflag:$0x1] =	stream.indirect.gather @!p1 [hbm4b:s5+s28], $0x80, s0, s28, $0xb8;
	[tilespmem:$0x1E000] =	vst v63  }
0x154: {  	s22 =	sadd.s32 $0x1, s22;
	s23 =	smov.u32 s26;
	_ =	swait.ge [sflag:s20], $0x4000  }
0x155: {  	s0 =	rddreg [dreg:$0x4];
	p0 =	seq.s32 s23, $0x8000  }
0x156: {  	[sflag:s20] =	ssyncset.done $0x0;
	s0 =	sadd.s32 @!p0 s24, s0  }
0x157: {  	[sflag:s20] =	ssyncadd.s32 $0xFFFFC000;
	s25 =	simm.s32 @!p0 $0x3;
	s0 =	sshrl.u32 @!p0 s0, $0x3  }
0x158: {  	s24 =	sand.u32 @!p0 $0x800, s24;
	s28 =	simm.s32 @!p0 $0x0;
	s26 =	sadd.s32 @!p0 s6, s0  }
0x159: {  	[tilespmem:s24], [sflag:$0x3] =	stream.linear.gather @!p0 [hbm4b:s26+s28], $0x800, $0x38;
	[tilespmem:$0x1E000] =	vst v63  }
0x15a: {  	_ =	swait.ge @!p0 [sflag:s25], $0x800  }
0x15b: {  	[sflag:s25] =	ssyncset.done @!p0 $0x0  }
0x15c: {  	s0 =	sadd.s32 @!p0 s2, s0;
	s24 =	sor.u32 @!p0 $0x1000, s24;
	[sflag:s25] =	ssyncadd.s32 @!p0 $0xFFFFF800  }
0x15d: {  	[tilespmem:s24], [sflag:$0x3] =	stream.linear.gather @!p0 [hbm4b:s0+s28], $0x800, $0x38;
	[tilespmem:$0x1E000] =	vst v63  }
0x15e: {  	_ =	swait.ge @!p0 [sflag:s25], $0x800  }
0x15f: {  	[sflag:s25] =	ssyncset.done @!p0 $0x0  }
0x160: {  	[sflag:s25] =	ssyncadd.s32 @!p0 $0xFFFFF800  }
0x161: {  	s24 =	sshrl.u32 s23, $0x2;
	_ =	swait.ge [sflag:s18], $0x4000  }
0x162: {  	s24 =	sand.u32 $0x800, s24;
	[sflag:s18] =	ssyncset.done $0x0  }
0x163: {  	s0 =	sor.u32 $0x1000, s24;
	[sflag:s18] =	ssyncadd.s32 $0xFFFFC000  }
0x164: {  	[spmem:s3] =	stream.indirect.scatter.add.f32 [tilespmem:s17], [sflag:$0x2], $0x80, s0, s16, $0xb8;
	[tilespmem:$0x1E000] =	vst v63  }
0x165: {  	s25 =	sor.u32 $0x80, s24  }
0x166: {  	[tilespmem:s19], [sflag:$0x1] =	stream.indirect.gather [hbm4b:s5+s16], $0x80, s25, s16, $0xb8;
	[tilespmem:$0x1E000] =	vst v63  }
0x167: {  	_ =	swait.ge [sflag:s20], $0x4000  }
0x168: {  	[sflag:s20] =	ssyncset.done $0x0  }
0x169: {  	[sflag:s20] =	ssyncadd.s32 $0xFFFFC000  }
0x16a: {  	_ =	swait.ge [sflag:s18], $0x4000  }
0x16b: {  	[sflag:s18] =	ssyncset.done $0x0  }
0x16c: {  	s26 =	sor.u32 $0x1080, s24;
	[sflag:s18] =	ssyncadd.s32 $0xFFFFC000  }
0x16d: {  	[spmem:s3] =	stream.indirect.scatter.add.f32 [tilespmem:s19], [sflag:$0x2], $0x80, s26, s16, $0xb8;
	[tilespmem:$0x1E000] =	vst v63  }
0x16e: {  	s28 =	sor.u32 $0x100, s24  }
0x16f: {  	[tilespmem:s17], [sflag:$0x1] =	stream.indirect.gather [hbm4b:s5+s16], $0x80, s28, s16, $0xb8;
	[tilespmem:$0x1E000] =	vst v63  }
0x170: {  	_ =	swait.ge [sflag:s20], $0x4000  }
0x171: {  	[sflag:s20] =	ssyncset.done $0x0  }
0x172: {  	[sflag:s20] =	ssyncadd.s32 $0xFFFFC000  }
0x173: {  	_ =	swait.ge [sflag:s18], $0x4000  }
0x174: {  	[sflag:s18] =	ssyncset.done $0x0  }
0x175: {  	s29 =	sor.u32 $0x1100, s24;
	[sflag:s18] =	ssyncadd.s32 $0xFFFFC000  }
0x176: {  	[spmem:s3] =	stream.indirect.scatter.add.f32 [tilespmem:s17], [sflag:$0x2], $0x80, s29, s16, $0xb8;
	[tilespmem:$0x1E000] =	vst v63  }
0x177: {  	s30 =	sor.u32 $0x180, s24  }
0x178: {  	[tilespmem:s19], [sflag:$0x1] =	stream.indirect.gather [hbm4b:s5+s16], $0x80, s30, s16, $0xb8;
	[tilespmem:$0x1E000] =	vst v63  }
0x179: {  	_ =	swait.ge [sflag:s20], $0x4000  }
0x17a: {  	[sflag:s20] =	ssyncset.done $0x0  }
0x17b: {  	[sflag:s20] =	ssyncadd.s32 $0xFFFFC000  }
0x17c: {  	_ =	swait.ge [sflag:s18], $0x4000  }
0x17d: {  	[sflag:s18] =	ssyncset.done $0x0  }
0x17e: {  	s31 =	sor.u32 $0x1180, s24;
	[sflag:s18] =	ssyncadd.s32 $0xFFFFC000  }
0x17f: {  	[spmem:s3] =	stream.indirect.scatter.add.f32 [tilespmem:s19], [sflag:$0x2], $0x80, s31, s16, $0xb8;
	[tilespmem:$0x1E000] =	vst v63  }
0x180: {  	s25 =	sor.u32 $0x200, s24  }
0x181: {  	[tilespmem:s17], [sflag:$0x1] =	stream.indirect.gather [hbm4b:s5+s16], $0x80, s25, s16, $0xb8;
	[tilespmem:$0x1E000] =	vst v63  }
0x182: {  	_ =	swait.ge [sflag:s20], $0x4000  }
0x183: {  	[sflag:s20] =	ssyncset.done $0x0  }
0x184: {  	[sflag:s20] =	ssyncadd.s32 $0xFFFFC000  }
0x185: {  	_ =	swait.ge [sflag:s18], $0x4000  }
0x186: {  	[sflag:s18] =	ssyncset.done $0x0  }
0x187: {  	s26 =	sor.u32 $0x1200, s24;
	[sflag:s18] =	ssyncadd.s32 $0xFFFFC000  }
0x188: {  	[spmem:s3] =	stream.indirect.scatter.add.f32 [tilespmem:s17], [sflag:$0x2], $0x80, s26, s16, $0xb8;
	[tilespmem:$0x1E000] =	vst v63  }
0x189: {  	s28 =	sor.u32 $0x280, s24  }
0x18a: {  	[tilespmem:s19], [sflag:$0x1] =	stream.indirect.gather [hbm4b:s5+s16], $0x80, s28, s16, $0xb8;
	[tilespmem:$0x1E000] =	vst v63  }
0x18b: {  	_ =	swait.ge [sflag:s20], $0x4000  }
0x18c: {  	[sflag:s20] =	ssyncset.done $0x0  }
0x18d: {  	[sflag:s20] =	ssyncadd.s32 $0xFFFFC000  }
0x18e: {  	_ =	swait.ge [sflag:s18], $0x4000  }
0x18f: {  	[sflag:s18] =	ssyncset.done $0x0  }
0x190: {  	s29 =	sor.u32 $0x1280, s24;
	[sflag:s18] =	ssyncadd.s32 $0xFFFFC000  }
0x191: {  	[spmem:s3] =	stream.indirect.scatter.add.f32 [tilespmem:s19], [sflag:$0x2], $0x80, s29, s16, $0xb8;
	[tilespmem:$0x1E000] =	vst v63  }
0x192: {  	s30 =	sor.u32 $0x300, s24  }
0x193: {  	[tilespmem:s17], [sflag:$0x1] =	stream.indirect.gather [hbm4b:s5+s16], $0x80, s30, s16, $0xb8;
	[tilespmem:$0x1E000] =	vst v63  }
0x194: {  	_ =	swait.ge [sflag:s20], $0x4000  }
0x195: {  	[sflag:s20] =	ssyncset.done $0x0  }
0x196: {  	[sflag:s20] =	ssyncadd.s32 $0xFFFFC000  }
0x197: {  	_ =	swait.ge [sflag:s18], $0x4000  }
0x198: {  	[sflag:s18] =	ssyncset.done $0x0  }
0x199: {  	s31 =	sor.u32 $0x1300, s24;
	[sflag:s18] =	ssyncadd.s32 $0xFFFFC000  }
0x19a: {  	[spmem:s3] =	stream.indirect.scatter.add.f32 [tilespmem:s17], [sflag:$0x2], $0x80, s31, s16, $0xb8;
	[tilespmem:$0x1E000] =	vst v63  }
0x19b: {  	s25 =	sor.u32 $0x380, s24  }
0x19c: {  	[tilespmem:s19], [sflag:$0x1] =	stream.indirect.gather [hbm4b:s5+s16], $0x80, s25, s16, $0xb8;
	[tilespmem:$0x1E000] =	vst v63  }
0x19d: {  	_ =	swait.ge [sflag:s20], $0x4000  }
0x19e: {  	[sflag:s20] =	ssyncset.done $0x0  }
0x19f: {  	[sflag:s20] =	ssyncadd.s32 $0xFFFFC000  }
0x1a0: {  	_ =	swait.ge [sflag:s18], $0x4000  }
0x1a1: {  	[sflag:s18] =	ssyncset.done $0x0  }
0x1a2: {  	s26 =	sor.u32 $0x1380, s24;
	[sflag:s18] =	ssyncadd.s32 $0xFFFFC000  }
0x1a3: {  	[spmem:s3] =	stream.indirect.scatter.add.f32 [tilespmem:s19], [sflag:$0x2], $0x80, s26, s16, $0xb8;
	[tilespmem:$0x1E000] =	vst v63  }
0x1a4: {  	s28 =	sor.u32 $0x400, s24  }
0x1a5: {  	[tilespmem:s17], [sflag:$0x1] =	stream.indirect.gather [hbm4b:s5+s16], $0x80, s28, s16, $0xb8;
	[tilespmem:$0x1E000] =	vst v63  }
0x1a6: {  	_ =	swait.ge [sflag:s20], $0x4000  }
0x1a7: {  	[sflag:s20] =	ssyncset.done $0x0  }
0x1a8: {  	[sflag:s20] =	ssyncadd.s32 $0xFFFFC000  }
0x1a9: {  	_ =	swait.ge [sflag:s18], $0x4000  }
0x1aa: {  	[sflag:s18] =	ssyncset.done $0x0  }
0x1ab: {  	s29 =	sor.u32 $0x1400, s24;
	[sflag:s18] =	ssyncadd.s32 $0xFFFFC000  }
0x1ac: {  	[spmem:s3] =	stream.indirect.scatter.add.f32 [tilespmem:s17], [sflag:$0x2], $0x80, s29, s16, $0xb8;
	[tilespmem:$0x1E000] =	vst v63  }
0x1ad: {  	s30 =	sor.u32 $0x480, s24  }
0x1ae: {  	[tilespmem:s19], [sflag:$0x1] =	stream.indirect.gather [hbm4b:s5+s16], $0x80, s30, s16, $0xb8;
	[tilespmem:$0x1E000] =	vst v63  }
0x1af: {  	_ =	swait.ge [sflag:s20], $0x4000  }
0x1b0: {  	[sflag:s20] =	ssyncset.done $0x0  }
0x1b1: {  	[sflag:s20] =	ssyncadd.s32 $0xFFFFC000  }
0x1b2: {  	_ =	swait.ge [sflag:s18], $0x4000  }
0x1b3: {  	[sflag:s18] =	ssyncset.done $0x0  }
0x1b4: {  	s31 =	sor.u32 $0x1480, s24;
	[sflag:s18] =	ssyncadd.s32 $0xFFFFC000  }
0x1b5: {  	[spmem:s3] =	stream.indirect.scatter.add.f32 [tilespmem:s19], [sflag:$0x2], $0x80, s31, s16, $0xb8;
	[tilespmem:$0x1E000] =	vst v63  }
0x1b6: {  	s25 =	sor.u32 $0x500, s24  }
0x1b7: {  	[tilespmem:s17], [sflag:$0x1] =	stream.indirect.gather [hbm4b:s5+s16], $0x80, s25, s16, $0xb8;
	[tilespmem:$0x1E000] =	vst v63  }
0x1b8: {  	_ =	swait.ge [sflag:s20], $0x4000  }
0x1b9: {  	[sflag:s20] =	ssyncset.done $0x0  }
0x1ba: {  	[sflag:s20] =	ssyncadd.s32 $0xFFFFC000  }
0x1bb: {  	_ =	swait.ge [sflag:s18], $0x4000  }
0x1bc: {  	[sflag:s18] =	ssyncset.done $0x0  }
0x1bd: {  	s26 =	sor.u32 $0x1500, s24;
	[sflag:s18] =	ssyncadd.s32 $0xFFFFC000  }
0x1be: {  	[spmem:s3] =	stream.indirect.scatter.add.f32 [tilespmem:s17], [sflag:$0x2], $0x80, s26, s16, $0xb8;
	[tilespmem:$0x1E000] =	vst v63  }
0x1bf: {  	s28 =	sor.u32 $0x580, s24  }
0x1c0: {  	[tilespmem:s19], [sflag:$0x1] =	stream.indirect.gather [hbm4b:s5+s16], $0x80, s28, s16, $0xb8;
	[tilespmem:$0x1E000] =	vst v63  }
0x1c1: {  	_ =	swait.ge [sflag:s20], $0x4000  }
0x1c2: {  	[sflag:s20] =	ssyncset.done $0x0  }
0x1c3: {  	[sflag:s20] =	ssyncadd.s32 $0xFFFFC000  }
0x1c4: {  	_ =	swait.ge [sflag:s18], $0x4000  }
0x1c5: {  	[sflag:s18] =	ssyncset.done $0x0  }
0x1c6: {  	s29 =	sor.u32 $0x1580, s24;
	[sflag:s18] =	ssyncadd.s32 $0xFFFFC000  }
0x1c7: {  	[spmem:s3] =	stream.indirect.scatter.add.f32 [tilespmem:s19], [sflag:$0x2], $0x80, s29, s16, $0xb8;
	[tilespmem:$0x1E000] =	vst v63  }
0x1c8: {  	s30 =	sor.u32 $0x600, s24  }
0x1c9: {  	[tilespmem:s17], [sflag:$0x1] =	stream.indirect.gather [hbm4b:s5+s16], $0x80, s30, s16, $0xb8;
	[tilespmem:$0x1E000] =	vst v63  }
0x1ca: {  	_ =	swait.ge [sflag:s20], $0x4000  }
0x1cb: {  	[sflag:s20] =	ssyncset.done $0x0  }
0x1cc: {  	[sflag:s20] =	ssyncadd.s32 $0xFFFFC000  }
0x1cd: {  	_ =	swait.ge [sflag:s18], $0x4000  }
0x1ce: {  	[sflag:s18] =	ssyncset.done $0x0  }
0x1cf: {  	s31 =	sor.u32 $0x1600, s24;
	[sflag:s18] =	ssyncadd.s32 $0xFFFFC000  }
0x1d0: {  	[spmem:s3] =	stream.indirect.scatter.add.f32 [tilespmem:s17], [sflag:$0x2], $0x80, s31, s16, $0xb8;
	[tilespmem:$0x1E000] =	vst v63  }
0x1d1: {  	s25 =	sor.u32 $0x680, s24  }
0x1d2: {  	[tilespmem:s19], [sflag:$0x1] =	stream.indirect.gather [hbm4b:s5+s16], $0x80, s25, s16, $0xb8;
	[tilespmem:$0x1E000] =	vst v63  }
0x1d3: {  	_ =	swait.ge [sflag:s20], $0x4000  }
0x1d4: {  	[sflag:s20] =	ssyncset.done $0x0  }
0x1d5: {  	[sflag:s20] =	ssyncadd.s32 $0xFFFFC000  }
0x1d6: {  	_ =	swait.ge [sflag:s18], $0x4000  }
0x1d7: {  	[sflag:s18] =	ssyncset.done $0x0  }
0x1d8: {  	s26 =	sor.u32 $0x1680, s24;
	[sflag:s18] =	ssyncadd.s32 $0xFFFFC000  }
0x1d9: {  	[spmem:s3] =	stream.indirect.scatter.add.f32 [tilespmem:s19], [sflag:$0x2], $0x80, s26, s16, $0xb8;
	[tilespmem:$0x1E000] =	vst v63  }
0x1da: {  	s28 =	sor.u32 $0x700, s24  }
0x1db: {  	[tilespmem:s17], [sflag:$0x1] =	stream.indirect.gather [hbm4b:s5+s16], $0x80, s28, s16, $0xb8;
	[tilespmem:$0x1E000] =	vst v63  }
0x1dc: {  	_ =	swait.ge [sflag:s20], $0x4000  }
0x1dd: {  	[sflag:s20] =	ssyncset.done $0x0  }
0x1de: {  	[sflag:s20] =	ssyncadd.s32 $0xFFFFC000  }
0x1df: {  	_ =	swait.ge [sflag:s18], $0x4000  }
0x1e0: {  	[sflag:s18] =	ssyncset.done $0x0  }
0x1e1: {  	s29 =	sor.u32 $0x1700, s24;
	[sflag:s18] =	ssyncadd.s32 $0xFFFFC000  }
0x1e2: {  	[spmem:s3] =	stream.indirect.scatter.add.f32 [tilespmem:s17], [sflag:$0x2], $0x80, s29, s16, $0xb8;
	[tilespmem:$0x1E000] =	vst v63  }
0x1e3: {  	s30 =	sor.u32 $0x780, s24  }
0x1e4: {  	[tilespmem:s19], [sflag:$0x1] =	stream.indirect.gather [hbm4b:s5+s16], $0x80, s30, s16, $0xb8;
	[tilespmem:$0x1E000] =	vst v63  }
0x1e5: {  	_ =	swait.ge [sflag:s20], $0x4000  }
0x1e6: {  	[sflag:s20] =	ssyncset.done $0x0  }
0x1e7: {  	[sflag:s20] =	ssyncadd.s32 $0xFFFFC000  }
0x1e8: {  	p0 =	sgt.u32 s22, $0x3;
	_ =	swait.ge [sflag:s18], $0x4000  }
0x1e9: {  	s22 =	sxor.u32 @!p0 $0xFFFFFFFF, s23;
	[sflag:s18] =	ssyncset.done $0x0  }
0x1ea: {  	s0 =	sand.u32 @!p0 $0x2000, s22;
	s31 =	sor.u32 $0x1780, s24;
	[sflag:s18] =	ssyncadd.s32 $0xFFFFC000  }
0x1eb: {  	[spmem:s3] =	stream.indirect.scatter.add.f32 [tilespmem:s19], [sflag:$0x2], $0x80, s31, s16, $0xb8;
	[tilespmem:$0x1E000] =	vst v63  }
0x1ec: {  	s23 =	simm.s32 @!p0 $0x2000;
	s22 =	simm.s32 @!p0 $0x80;
	s0 =	sshrl.u32 @!p0 s0, $0x2  }
0x1ed: {  	[tilespmem:s23], [sflag:$0x1] =	stream.indirect.gather @!p0 [hbm4b:s5+s22], $0x80, s0, s22, $0xb8;
	[tilespmem:$0x1E000] =	vst v63  }
0x1ee: {  	_ =	swait.ge [sflag:s20], $0x4000  }
0x1ef: {  	s21 =	sadd.s32 $0x1, s21;
	[sflag:s20] =	ssyncset.done $0x0  }
0x1f0: {  	p0 =	sne.s32 s21, s12;
	[sflag:s20] =	ssyncadd.s32 $0xFFFFC000  }
.Ltmp1:
0x1f1: {  	[bflag:$0x0] =	sbarrier.arrive $0xFFFF;
	(pc) =	sbr.rel @p0 .LBB2_1-.Ltmp1, $4  }
0x1f2: {  	[hbm:s11], [sflag:s8] =	dma.local [spmem:s13], $0x2800  }
0x1f3: {  	_ =	swait.ge [sflag:s14], $0x2800  }
0x1f4: {  	[sflag:s14] =	ssyncset.done $0x0  }
0x1f5: {  	[sflag:s14] =	ssyncadd.s32 $0xFFFFD800  }
0x1f6: {  	_ =	sfence.sel $0x180000  }
0x1f7: {  	[bflag:$0x0] =	sbarrier.arrive $0xFFFF  }
0x1f8: {  	_ =	strace $0x90000053  }
0x1f9: {  	[bflag:$0x2] =	sbarrier.arrive $0xFFFF  }
0x1fa: {  	p0 =	sne.s32 s1, $0x0;
	s0 =	rddreg [dreg:$0x3]  }
0x1fb: {  	s0 =	sadd.s32 @!p0 $0x100000, s0  }
0x1fc: {  	[sflag:s0] =	ssyncadd.tile.s32 @!p0 $0x1;
	_ =	shalt  }
.Lfunc_end2:
_tile_overlayer_lowered:
.L_overlay_start_2:
0x1fd: {  	(tag) =	ssettag $0x2  }
0x1fe: {  	s0 =	rddreg [dreg:$0x0];
	s2 =	stileid.u32  }
0x1ff: {  	s1 =	rddreg [dreg:$0x1];
	p0 =	sne.s32 s2, $0x0  }
0x200: {  	s3 =	rddreg [dreg:$0x2];
	[bflag:$0x3] =	sbarrier.arrive $0xFFFF;
	s2 =	simm.s32 @!p0 $0x1C03  }
0x201: {  	[timem:s3], [sflag:s2] =	dma.local @!p0 [hbm:s0], s1  }
0x202: {  	s0 =	simm.s32 @!p0 $0x3  }
0x203: {  	_ =	swait.ge @!p0 [sflag:s0], s1  }
0x204: {  	s1 =	ssub.s32 @!p0 $0x0, s1;
	[sflag:s0] =	ssyncset.done @!p0 $0x0  }
0x205: {  	[sflag:s0] =	ssyncadd.s32 @!p0 s1  }
0x206: {  	[bflag:$0x3] =	sbarrier.arrive $0xFFFF  }
0x207: {  	_ =	shalt  }

</sc_bundles>
